<compile_context>
chip_gen: v7x
topology: tpu7x:2x2x1
jax: 0.10.2.dev20260603
libtpu: 0.0.44.dev20260713+nightly
codegen_flags: <defaults>
</compile_context>

<pallas_src>
import functools

import jax
import jax.numpy as jnp
from jax import lax
from jax.experimental import pallas as pl
from jax.experimental.pallas import tpu as pltpu
from jax.experimental.pallas import tpu_sc as plsc

N = 10000
E = 160000
EMB = 256
HF = 128
RB = 1000
K = 80
EPT = E // 16

CW = 128
EC = 163840
EPT_C = EC // 32
NC_PAD = 10112
N_PAD = 10240
RPT = N_PAD // 16
RPT_C = NC_PAD // 16


NCH = EPT // K


@functools.cache
def _make_segsum():
  mesh = plsc.VectorSubcoreMesh(core_axis_name="c", subcore_axis_name="s")

  @functools.partial(
      pl.kernel,
      out_type=(jax.ShapeDtypeStruct((N_PAD, HF), jnp.float32),
                jax.ShapeDtypeStruct((N_PAD, HF), jnp.float32)),
      mesh=mesh,
      scratch_types=[
          pltpu.VMEM((K,), jnp.int32),
          pltpu.VMEM((K,), jnp.int32),
          pltpu.VMEM((K,), jnp.int32),
          pltpu.VMEM((K,), jnp.int32),
          pltpu.VMEM((K, HF), jnp.float32),
          pltpu.VMEM((K, HF), jnp.float32),
          pltpu.VMEM_SHARED((N_PAD, HF), jnp.float32),
          pltpu.SemaphoreType.DMA,
          pltpu.SemaphoreType.DMA,
          pltpu.SemaphoreType.DMA,
          pltpu.SemaphoreType.DMA,
      ],
  )
  def segsum(h0_hbm, h1_hbm, src_hbm, dst_hbm, zro_hbm,
             out0_hbm, out1_hbm, isa, ida, isb, idb, rows_a, rows_b, acc,
             sem_a, sem_b, sem_ia, sem_ib):
    cid = lax.axis_index("c")
    sid = lax.axis_index("s")
    pltpu.sync_copy(zro_hbm, acc.at[pl.ds(sid * RPT, RPT)])
    plsc.subcore_barrier()

    def run(h_hbm):
      base0 = sid * EPT
      pltpu.sync_copy(src_hbm.at[pl.ds(base0, K)], isa)
      pltpu.sync_copy(dst_hbm.at[pl.ds(base0, K)], ida)
      pltpu.sync_copy(src_hbm.at[pl.ds(base0 + K, K)], isb)
      pltpu.sync_copy(dst_hbm.at[pl.ds(base0 + K, K)], idb)
      pltpu.async_copy(h_hbm.at[isa], rows_a, sem_a)
      pltpu.async_copy(h_hbm.at[isb], rows_b, sem_b)

      def step2(j, carry):
        a = 2 * j
        b = a + 1
        base_a = sid * EPT + (a + 2) * K
        pltpu.make_async_copy(h_hbm.at[isa], rows_a, sem_a).wait()
        pltpu.async_copy(src_hbm.at[pl.ds(base_a, K)], isa, sem_ia)
        pltpu.sync_copy(rows_a, acc.at[ida], add=True)
        pltpu.async_copy(dst_hbm.at[pl.ds(base_a, K)], ida, sem_ia)
        pltpu.make_async_copy(src_hbm.at[pl.ds(base_a, K)], isa, sem_ia).wait()
        pltpu.make_async_copy(dst_hbm.at[pl.ds(base_a, K)], ida, sem_ia).wait()
        pltpu.async_copy(h_hbm.at[isa], rows_a, sem_a)
        pltpu.make_async_copy(h_hbm.at[isb], rows_b, sem_b).wait()

        @pl.when(b + 2 < NCH)
        def _():
          base_b = sid * EPT + (b + 2) * K
          pltpu.async_copy(src_hbm.at[pl.ds(base_b, K)], isb, sem_ib)

        pltpu.sync_copy(rows_b, acc.at[idb], add=True)

        @pl.when(b + 2 < NCH)
        def _():
          base_b = sid * EPT + (b + 2) * K
          pltpu.async_copy(dst_hbm.at[pl.ds(base_b, K)], idb, sem_ib)
          pltpu.make_async_copy(src_hbm.at[pl.ds(base_b, K)], isb, sem_ib).wait()
          pltpu.make_async_copy(dst_hbm.at[pl.ds(base_b, K)], idb, sem_ib).wait()
          pltpu.async_copy(h_hbm.at[isb], rows_b, sem_b)
        return carry
      lax.fori_loop(0, (NCH - 1) // 2, step2, 0)
      pltpu.make_async_copy(h_hbm.at[isa], rows_a, sem_a).wait()
      pltpu.sync_copy(rows_a, acc.at[ida], add=True)

    @pl.when(cid == 0)
    def _():
      run(h0_hbm)

    @pl.when(cid == 1)
    def _():
      run(h1_hbm)

    plsc.subcore_barrier()
    sl = pl.ds(sid * RPT, RPT)

    @pl.when(cid == 0)
    def _():
      pltpu.sync_copy(acc.at[sl], out0_hbm.at[sl])

    @pl.when(cid == 1)
    def _():
      pltpu.sync_copy(acc.at[sl], out1_hbm.at[sl])

  return segsum


@functools.cache
def _make_cbuild():
  mesh = plsc.VectorSubcoreMesh(core_axis_name="c", subcore_axis_name="s")

  @functools.partial(
      pl.kernel,
      out_type=jax.ShapeDtypeStruct((2 * NC_PAD, CW), jnp.float32),
      mesh=mesh,
      scratch_types=[
          pltpu.VMEM((K,), jnp.int32),
          pltpu.VMEM((K,), jnp.int32),
          pltpu.VMEM((K,), jnp.int32),
          pltpu.VMEM((K,), jnp.int32),
          pltpu.VMEM((K,), jnp.int32),
          pltpu.VMEM((K,), jnp.int32),
          pltpu.VMEM((K,), jnp.int32),
          pltpu.VMEM((K, CW), jnp.float32),
          pltpu.VMEM((K, CW), jnp.float32),
          pltpu.VMEM_SHARED((NC_PAD, CW), jnp.float32),
          pltpu.SemaphoreType.DMA,
          pltpu.SemaphoreType.DMA,
          pltpu.SemaphoreType.DMA,
          pltpu.SemaphoreType.DMA,
      ],
  )
  def cbuild(ea0_hbm, ea1_hbm, dstp_hbm, id_hbm, off_hbm, zc_hbm,
             out_hbm, ea_a, eb_a, ea_b, eb_b, cat_a, cat_b, boff,
             rows_a, rows_b, acc, sem_a, sem_b, sem_ia, sem_ib):
    cid = lax.axis_index("c")
    sid = lax.axis_index("s")
    pltpu.sync_copy(zc_hbm, acc.at[pl.ds(sid * RPT_C, RPT_C)])
    pltpu.sync_copy(off_hbm, boff)
    plsc.subcore_barrier()
    wid = sid * 2 + cid
    base0 = wid * EPT_C

    def compute_cat(ea, eb, cat):
      for j in range(K // 16):
        s = pl.ds(j * 16, 16)
        cat[s] = ea[s] * 3 + eb[s] + boff[s]

    pltpu.sync_copy(ea0_hbm.at[pl.ds(base0, K)], ea_a)
    pltpu.sync_copy(ea1_hbm.at[pl.ds(base0, K)], eb_a)
    compute_cat(ea_a, eb_a, cat_a)
    pltpu.sync_copy(dstp_hbm.at[pl.ds(base0, K)], ea_a)
    pltpu.async_copy(id_hbm.at[cat_a], rows_a, sem_a)
    pltpu.sync_copy(ea0_hbm.at[pl.ds(base0 + K, K)], ea_b)
    pltpu.sync_copy(ea1_hbm.at[pl.ds(base0 + K, K)], eb_b)
    compute_cat(ea_b, eb_b, cat_b)
    pltpu.sync_copy(dstp_hbm.at[pl.ds(base0 + K, K)], ea_b)
    pltpu.async_copy(id_hbm.at[cat_b], rows_b, sem_b)

    nchc = EPT_C // K

    def step2(m, carry):
      a2 = base0 + (2 * m + 2) * K
      b2 = base0 + (2 * m + 3) * K
      pltpu.make_async_copy(id_hbm.at[cat_a], rows_a, sem_a).wait()
      pltpu.sync_copy(rows_a, acc.at[ea_a], add=True)

      @pl.when(2 * m + 2 < nchc)
      def _():
        pltpu.async_copy(ea0_hbm.at[pl.ds(a2, K)], ea_a, sem_ia)
        pltpu.async_copy(ea1_hbm.at[pl.ds(a2, K)], eb_a, sem_ia)
        pltpu.make_async_copy(ea0_hbm.at[pl.ds(a2, K)], ea_a, sem_ia).wait()
        pltpu.make_async_copy(ea1_hbm.at[pl.ds(a2, K)], eb_a, sem_ia).wait()
        compute_cat(ea_a, eb_a, cat_a)
        pltpu.async_copy(dstp_hbm.at[pl.ds(a2, K)], ea_a, sem_ia)
        pltpu.make_async_copy(dstp_hbm.at[pl.ds(a2, K)], ea_a, sem_ia).wait()
        pltpu.async_copy(id_hbm.at[cat_a], rows_a, sem_a)

      pltpu.make_async_copy(id_hbm.at[cat_b], rows_b, sem_b).wait()
      pltpu.sync_copy(rows_b, acc.at[ea_b], add=True)

      @pl.when(2 * m + 3 < nchc)
      def _():
        pltpu.async_copy(ea0_hbm.at[pl.ds(b2, K)], ea_b, sem_ib)
        pltpu.async_copy(ea1_hbm.at[pl.ds(b2, K)], eb_b, sem_ib)
        pltpu.make_async_copy(ea0_hbm.at[pl.ds(b2, K)], ea_b, sem_ib).wait()
        pltpu.make_async_copy(ea1_hbm.at[pl.ds(b2, K)], eb_b, sem_ib).wait()
        compute_cat(ea_b, eb_b, cat_b)
        pltpu.async_copy(dstp_hbm.at[pl.ds(b2, K)], ea_b, sem_ib)
        pltpu.make_async_copy(dstp_hbm.at[pl.ds(b2, K)], ea_b, sem_ib).wait()
        pltpu.async_copy(id_hbm.at[cat_b], rows_b, sem_b)
      return carry
    lax.fori_loop(0, nchc // 2, step2, 0)

    plsc.subcore_barrier()
    sl = pl.ds(sid * RPT_C, RPT_C)
    pltpu.sync_copy(acc.at[sl],
                    out_hbm.at[pl.ds(cid * NC_PAD + sid * RPT_C, RPT_C)])

  return cbuild


def _segsum(p0, p1, src, dst, zro):
  return _make_segsum()(p0, p1, src, dst, zro)


def _cbuild(ea0p, ea1p, dstp, idtbl, off, zc):
  cf = _make_cbuild()(ea0p, ea1p, dstp, idtbl, off, zc)
  return cf[:N], cf[NC_PAD:NC_PAD + N]


def _embed_body(x_ref, t1_ref, t2_ref, o0_ref, o1_ref):
  xb = x_ref[...]
  x0 = xb[:, 0:1]
  x1 = xb[:, 1:2]
  t1 = t1_ref[...]
  t2 = t2_ref[...]
  h = jnp.where(x0 == 0, t1[0:1], jnp.where(x0 == 1, t1[1:2], t1[2:3]))
  h = h + jnp.where(x1 == 0, t2[0:1], jnp.where(x1 == 1, t2[1:2], t2[2:3]))
  o0_ref[...] = h[:, :HF]
  o1_ref[...] = h[:, HF:]


def _embed(x, t1, t2):
  return pl.pallas_call(
      _embed_body,
      grid=(N // RB,),
      in_specs=[pl.BlockSpec((RB, 2), lambda i: (i, 0)),
                pl.BlockSpec((3, EMB), lambda i: (0, 0)),
                pl.BlockSpec((3, EMB), lambda i: (0, 0))],
      out_specs=[pl.BlockSpec((RB, HF), lambda i: (i, 0)),
                 pl.BlockSpec((RB, HF), lambda i: (i, 0))],
      out_shape=[jax.ShapeDtypeStruct((N, HF), jnp.float32)] * 2,
  )(x, t1, t2)


def _make_mlp_body(last):
  def body(a0r, a1r, p0r, p1r, car, cbr, tr, w1r, b1r, w2r, b2r, gr, br,
           *refs):
    out_refs = refs[:-3]
    o_scr, s1_scr, s2_scr = refs[-3:]
    p = pl.program_id(0)
    i = pl.program_id(1)

    @pl.when(p == 0)
    def _():
      cmat = car[...] + cbr[...]
      tv = tr[...]
      ct = jnp.dot(cmat, tv, preferred_element_type=jnp.float32,
                   precision=lax.Precision.HIGHEST)
      in0 = a0r[...] + p0r[...] + ct[:, :HF] + tv[12:13, :HF]
      in1 = a1r[...] + p1r[...] + ct[:, HF:] + tv[12:13, HF:]
      agg = jnp.concatenate([in0, in1], axis=1)
      z = jnp.dot(agg, w1r[...], preferred_element_type=jnp.float32) \
          + b1r[...]
      z = jnp.maximum(z, 0.0)
      o = jnp.dot(z, w2r[...], preferred_element_type=jnp.float32) \
          + b2r[...]
      o_scr[pl.ds(i * RB, RB), :] = o

      @pl.when(i == 0)
      def _():
        s1_scr[...] = jnp.zeros_like(s1_scr)
        s2_scr[...] = jnp.zeros_like(s2_scr)

      s1_scr[...] += jnp.sum(o, axis=0, keepdims=True)
      s2_scr[...] += jnp.sum(o * o, axis=0, keepdims=True)

    @pl.when(p == 1)
    def _():
      m = s1_scr[...] * (1.0 / N)
      v = s2_scr[...] * (1.0 / N) - m * m
      scale = lax.rsqrt(v + 1e-5) * gr[...]
      y = (o_scr[pl.ds(i * RB, RB), :] - m) * scale + br[...]
      if last:
        out_refs[0][...] = y
      else:
        y = jnp.maximum(y, 0.0)
        out_refs[0][...] = y[:, :HF]
        out_refs[1][...] = y[:, HF:]
  return body


def _mlp(a0, a1, p0, p1, ca, cb, t, w1, b1, w2, b2, g, bt, last):
  row = lambda p, i: (i * (1 - p), 0)
  whole = lambda p, i: (0, 0)
  in_specs = [pl.BlockSpec((RB, HF), row),
              pl.BlockSpec((RB, HF), row),
              pl.BlockSpec((RB, HF), row),
              pl.BlockSpec((RB, HF), row),
              pl.BlockSpec((RB, CW), row),
              pl.BlockSpec((RB, CW), row),
              pl.BlockSpec((CW, EMB), whole),
              pl.BlockSpec((EMB, 2 * EMB), whole),
              pl.BlockSpec((1, 2 * EMB), whole),
              pl.BlockSpec((2 * EMB, EMB), whole),
              pl.BlockSpec((1, EMB), whole),
              pl.BlockSpec((1, EMB), whole),
              pl.BlockSpec((1, EMB), whole)]
  out_row = lambda p, i: (i, 0)
  if last:
    out_specs = [pl.BlockSpec((RB, EMB), out_row)]
    out_shape = [jax.ShapeDtypeStruct((N, EMB), jnp.float32)]
  else:
    out_specs = [pl.BlockSpec((RB, HF), out_row),
                 pl.BlockSpec((RB, HF), out_row)]
    out_shape = [jax.ShapeDtypeStruct((N, HF), jnp.float32)] * 2
  res = pl.pallas_call(
      _make_mlp_body(last),
      grid=(2, N // RB),
      in_specs=in_specs,
      out_specs=out_specs,
      out_shape=out_shape,
      scratch_shapes=[pltpu.VMEM((N, EMB), jnp.float32),
                      pltpu.VMEM((1, EMB), jnp.float32),
                      pltpu.VMEM((1, EMB), jnp.float32)],
  )(a0, a1, p0, p1, ca, cb, t, w1, b1, w2, b2, g, bt)
  return res[0] if last else res


def kernel(x, edge_index, edge_attr, xe1, xe2, ee1, ee2, W1, b1, W2, b2,
           gamma, beta):
  x = x.astype(jnp.int32)
  src = edge_index[0].astype(jnp.int32)
  dst = edge_index[1].astype(jnp.int32)
  ea0 = edge_attr[:, 0].astype(jnp.int32)
  ea1 = edge_attr[:, 1].astype(jnp.int32)

  npad = EC - E
  ea0p = jnp.concatenate([ea0, jnp.zeros((npad,), jnp.int32)])
  ea1p = jnp.concatenate([ea1, jnp.zeros((npad,), jnp.int32)])
  dstp = jnp.concatenate(
      [dst, N + (jnp.arange(npad, dtype=jnp.int32) % 112)])

  idtbl = jnp.tile(jnp.eye(18, CW, dtype=jnp.float32), (K, 1))
  katoff = 18 * jnp.arange(K, dtype=jnp.int32)
  zero_seg = jnp.zeros((RPT, HF), jnp.float32)
  zero_cnt = jnp.zeros((RPT_C, CW), jnp.float32)

  tfull = (ee1[:, :, None, :] + ee2[:, None, :, :]).reshape(3, 18, EMB)
  tpad = jnp.concatenate(
      [tfull, jnp.zeros((3, CW - 18, EMB), jnp.float32)], axis=1)

  p0, p1 = _embed(x, xe1[:3], xe2)
  ca, cb = _cbuild(ea0p, ea1p, dstp, idtbl, katoff, zero_cnt)

  out = None
  for l in range(3):
    a0, a1 = _segsum(p0, p1, src, dst, zero_seg)
    res = _mlp(a0, a1, p0, p1, ca, cb, tpad[l],
               W1[l], b1[l][None], W2[l], b2[l][None],
               gamma[l][None], beta[l][None], l == 2)
    if l < 2:
      p0, p1 = res
    else:
      out = res
  return out

# --- scband reference (transcript-rebuilt; emitter-appended) ---
"""Pipeline reference for scband-gnn-54202487275602 (READ-ONLY COPY).

The authoritative reference and input builder live on the scoring server;
editing this copy changes nothing except your own understanding.
"""

import jax, jax.numpy as jnp
import numpy as np

N = 10000
E = 160000
EMB = 256
L = 3


def _xavier(k, shape):
    fan_in, fan_out = shape[-2], shape[-1]
    a = float(np.sqrt(6.0 / (fan_in + fan_out)))
    return jax.random.uniform(k, shape, jnp.float32, -a, a)


def setup_inputs(seed: int = 0):
    key = jax.random.key(seed)
    ks = jax.random.split(key, 10)
    x = jax.random.randint(ks[0], (N, 2), 0, 3)
    edge_index = jax.random.randint(ks[1], (2, E), 0, N)
    edge_attr = jax.random.randint(ks[2], (E, 2), 0, 3)
    xe1 = _xavier(ks[3], (120, EMB))
    xe2 = _xavier(ks[4], (3, EMB))
    ee1 = _xavier(ks[5], (L, 6, EMB))
    ee2 = _xavier(ks[6], (L, 3, EMB))
    W1 = _xavier(ks[7], (L, EMB, 2 * EMB))
    b1 = jnp.zeros((L, 2 * EMB), jnp.float32)
    W2 = _xavier(ks[8], (L, 2 * EMB, EMB))
    b2 = jnp.zeros((L, EMB), jnp.float32)
    gamma = jnp.ones((L, EMB), jnp.float32)
    beta = jnp.zeros((L, EMB), jnp.float32)
    return {"x": x, "edge_index": edge_index, "edge_attr": edge_attr,
            "xe1": xe1, "xe2": xe2, "ee1": ee1, "ee2": ee2,
            "W1": W1, "b1": b1, "W2": W2, "b2": b2,
            "gamma": gamma, "beta": beta}


def reference(x, edge_index, edge_attr, xe1, xe2, ee1, ee2, W1, b1, W2, b2, gamma, beta):
    # atom embedding: emb1(x[:,0]) + emb2(x[:,1])
    h = jnp.take(xe1, x[:, 0], axis=0) + jnp.take(xe2, x[:, 1], axis=0)
    n = h.shape[0]
    loop = jnp.arange(n, dtype=edge_index.dtype)
    src = jnp.concatenate([edge_index[0], loop])
    dst = jnp.concatenate([edge_index[1], loop])
    # self-loop edge_attr = [4, 0]
    ea0 = jnp.concatenate([edge_attr[:, 0], jnp.full((n,), 4, edge_attr.dtype)])
    ea1 = jnp.concatenate([edge_attr[:, 1], jnp.zeros((n,), edge_attr.dtype)])
    for l in range(L):
        e_emb = jnp.take(ee1[l], ea0, axis=0) + jnp.take(ee2[l], ea1, axis=0)
        msg = jnp.take(h, src, axis=0) + e_emb
        agg = jax.ops.segment_sum(msg, dst, num_segments=n)
        out = jnp.maximum(agg @ W1[l] + b1[l], 0.0) @ W2[l] + b2[l]
        # BatchNorm1d in training mode (biased batch stats)
        mean = out.mean(axis=0)
        var = out.var(axis=0)
        out = (out - mean) / jnp.sqrt(var + 1e-5) * gamma[l] + beta[l]
        if l < L - 1:
            out = jnp.maximum(out, 0.0)  # relu; dropout ratio 0.0 -> no-op
        h = out
    return h  # JK == 'last'

if __name__ == "__main__":
    import jax
    _d = setup_inputs()
    print(jax.jit(kernel)(*tuple(_d.values())))

</pallas_src>

<mosaic_0001>
#map = affine_map<(d0, d1) -> (0)>
#map1 = affine_map<(d0, d1) -> (0, 0)>
module attributes {stable_mosaic.version = 14 : i64} {
  func.func @cbuild(%arg0: i32, %arg1: i32, %arg2: memref<163840xi32, #tpu.memory_space<hbm>>, %arg3: memref<163840xi32, #tpu.memory_space<hbm>>, %arg4: memref<163840xi32, #tpu.memory_space<hbm>>, %arg5: memref<1440x128xf32, #tpu.memory_space<hbm>>, %arg6: memref<80xi32, #tpu.memory_space<hbm>>, %arg7: memref<632x128xf32, #tpu.memory_space<hbm>>, %arg8: memref<20224x128xf32, #tpu.memory_space<hbm>>, %arg9: memref<80xi32, #tpu.memory_space<vmem>>, %arg10: memref<80xi32, #tpu.memory_space<vmem>>, %arg11: memref<80xi32, #tpu.memory_space<vmem>>, %arg12: memref<80xi32, #tpu.memory_space<vmem>>, %arg13: memref<80xi32, #tpu.memory_space<vmem>>, %arg14: memref<80xi32, #tpu.memory_space<vmem>>, %arg15: memref<80xi32, #tpu.memory_space<vmem>>, %arg16: memref<80x128xf32, #tpu.memory_space<vmem>>, %arg17: memref<80x128xf32, #tpu.memory_space<vmem>>, %arg18: memref<10112x128xf32, #tpu.memory_space<vmem_shared>>, %arg19: memref<!tpu.dma_semaphore, #tpu.memory_space<semaphore_mem>>, %arg20: memref<!tpu.dma_semaphore, #tpu.memory_space<semaphore_mem>>, %arg21: memref<!tpu.dma_semaphore, #tpu.memory_space<semaphore_mem>>, %arg22: memref<!tpu.dma_semaphore, #tpu.memory_space<semaphore_mem>>) attributes {dimension_semantics = [#tpu.dimension_semantics<core_parallel>, #tpu.dimension_semantics<subcore_parallel>], iteration_bounds = array<i64: 2, 16>, scalar_prefetch = 0 : i64, scratch_operands = 14 : i64, tpu.core_type = #tpu.core_type<sc_vector_subcore>, window_params = [{transform_indices = #map}, {transform_indices = #map}, {transform_indices = #map}, {transform_indices = #map1}, {transform_indices = #map}, {transform_indices = #map1}, {transform_indices = #map1}]} {
    %mul3A = arith.constant 632 : i32
    %mul3A_0 = arith.muli %arg1, %mul3A : i32
    "tpu.region"() ({
      %run_scoped3A = tpu.sem_alloc : memref<!tpu.dma_semaphore, #tpu.memory_space<semaphore_mem>>
      %dma_start3A_207 = arith.constant 0 : i32
      %dma_start3A_208 = tpu.memref_slice %arg18[%mul3A_0, %dma_start3A_207] : memref<10112x128xf32, #tpu.memory_space<vmem_shared>> -> memref<632x128xf32, #tpu.memory_space<vmem_shared>>
      tpu.enqueue_dma source(%arg7 : memref<632x128xf32, #tpu.memory_space<hbm>>) target(%dma_start3A_208 : memref<632x128xf32, #tpu.memory_space<vmem_shared>>) target_semaphore(%run_scoped3A : memref<!tpu.dma_semaphore, #tpu.memory_space<semaphore_mem>>)
      %dma_wait3A = arith.constant 0 : i32
      %dma_wait3A_209 = tpu.memref_slice %arg18[%mul3A_0, %dma_wait3A] : memref<10112x128xf32, #tpu.memory_space<vmem_shared>> -> memref<632x128xf32, #tpu.memory_space<vmem_shared>>
      tpu.wait_dma2 semaphore(%run_scoped3A : memref<!tpu.dma_semaphore, #tpu.memory_space<semaphore_mem>>) src(%arg7 : memref<632x128xf32, #tpu.memory_space<hbm>>) dst(%dma_wait3A_209 : memref<632x128xf32, #tpu.memory_space<vmem_shared>>)
      tpu.yield
    }) : () -> ()
    "tpu.region"() ({
      %run_scoped3A = tpu.sem_alloc : memref<!tpu.dma_semaphore, #tpu.memory_space<semaphore_mem>>
      tpu.enqueue_dma source(%arg6 : memref<80xi32, #tpu.memory_space<hbm>>) target(%arg15 : memref<80xi32, #tpu.memory_space<vmem>>) target_semaphore(%run_scoped3A : memref<!tpu.dma_semaphore, #tpu.memory_space<semaphore_mem>>)
      tpu.wait_dma2 semaphore(%run_scoped3A : memref<!tpu.dma_semaphore, #tpu.memory_space<semaphore_mem>>) src(%arg6 : memref<80xi32, #tpu.memory_space<hbm>>) dst(%arg15 : memref<80xi32, #tpu.memory_space<vmem>>)
      tpu.yield
    }) : () -> ()
    %barrier3A = arith.constant 0 : index
    tpu.barrier barrier_id(%barrier3A)
    %mul3A_1 = arith.constant 2 : i32
    %mul3A_2 = arith.muli %arg1, %mul3A_1 : i32
    %add3A = arith.addi %mul3A_2, %arg0 : i32
    %mul3A_3 = arith.constant 5120 : i32
    %mul3A_4 = arith.muli %add3A, %mul3A_3 : i32
    "tpu.region"() ({
      %run_scoped3A = tpu.sem_alloc : memref<!tpu.dma_semaphore, #tpu.memory_space<semaphore_mem>>
      %dma_start3A_207 = tpu.memref_slice %arg2[%mul3A_4] : memref<163840xi32, #tpu.memory_space<hbm>> -> memref<80xi32, #tpu.memory_space<hbm>>
      %dma_start3A_208 = tpu.memref_slice %arg2[%mul3A_4] : memref<163840xi32, #tpu.memory_space<hbm>> -> memref<80xi32, #tpu.memory_space<hbm>>
      tpu.enqueue_dma source(%dma_start3A_208 : memref<80xi32, #tpu.memory_space<hbm>>) target(%arg9 : memref<80xi32, #tpu.memory_space<vmem>>) target_semaphore(%run_scoped3A : memref<!tpu.dma_semaphore, #tpu.memory_space<semaphore_mem>>)
      %dma_wait3A = tpu.memref_slice %arg2[%mul3A_4] : memref<163840xi32, #tpu.memory_space<hbm>> -> memref<80xi32, #tpu.memory_space<hbm>>
      %dma_wait3A_209 = tpu.memref_slice %arg2[%mul3A_4] : memref<163840xi32, #tpu.memory_space<hbm>> -> memref<80xi32, #tpu.memory_space<hbm>>
      tpu.wait_dma2 semaphore(%run_scoped3A : memref<!tpu.dma_semaphore, #tpu.memory_space<semaphore_mem>>) src(%dma_wait3A_209 : memref<80xi32, #tpu.memory_space<hbm>>) dst(%arg9 : memref<80xi32, #tpu.memory_space<vmem>>)
      tpu.yield
    }) : () -> ()
    "tpu.region"() ({
      %run_scoped3A = tpu.sem_alloc : memref<!tpu.dma_semaphore, #tpu.memory_space<semaphore_mem>>
      %dma_start3A_207 = tpu.memref_slice %arg3[%mul3A_4] : memref<163840xi32, #tpu.memory_space<hbm>> -> memref<80xi32, #tpu.memory_space<hbm>>
      %dma_start3A_208 = tpu.memref_slice %arg3[%mul3A_4] : memref<163840xi32, #tpu.memory_space<hbm>> -> memref<80xi32, #tpu.memory_space<hbm>>
      tpu.enqueue_dma source(%dma_start3A_208 : memref<80xi32, #tpu.memory_space<hbm>>) target(%arg10 : memref<80xi32, #tpu.memory_space<vmem>>) target_semaphore(%run_scoped3A : memref<!tpu.dma_semaphore, #tpu.memory_space<semaphore_mem>>)
      %dma_wait3A = tpu.memref_slice %arg3[%mul3A_4] : memref<163840xi32, #tpu.memory_space<hbm>> -> memref<80xi32, #tpu.memory_space<hbm>>
      %dma_wait3A_209 = tpu.memref_slice %arg3[%mul3A_4] : memref<163840xi32, #tpu.memory_space<hbm>> -> memref<80xi32, #tpu.memory_space<hbm>>
      tpu.wait_dma2 semaphore(%run_scoped3A : memref<!tpu.dma_semaphore, #tpu.memory_space<semaphore_mem>>) src(%dma_wait3A_209 : memref<80xi32, #tpu.memory_space<hbm>>) dst(%arg10 : memref<80xi32, #tpu.memory_space<vmem>>)
      tpu.yield
    }) : () -> ()
    %get3A = arith.constant 0 : index
    %get3A_5 = tpu.vector_load %arg9[%get3A] {strides = array<i32>} : memref<80xi32, #tpu.memory_space<vmem>>, vector<16xi32>,
    %get3A_6 = vector.shape_cast %get3A_5 : vector<16xi32> to vector<16xi32>
    %mul3A_7 = arith.constant 3 : i32
    %mul3A_8 = vector.broadcast %mul3A_7 : i32 to vector<16xi32>
    %mul3A_9 = arith.muli %get3A_6, %mul3A_8 : vector<16xi32>
    %get3A_10 = arith.constant 0 : index
    %get3A_11 = tpu.vector_load %arg10[%get3A_10] {strides = array<i32>} : memref<80xi32, #tpu.memory_space<vmem>>, vector<16xi32>,
    %get3A_12 = vector.shape_cast %get3A_11 : vector<16xi32> to vector<16xi32>
    %add3A_13 = arith.addi %mul3A_9, %get3A_12 : vector<16xi32>
    %get3A_14 = arith.constant 0 : index
    %get3A_15 = tpu.vector_load %arg15[%get3A_14] {strides = array<i32>} : memref<80xi32, #tpu.memory_space<vmem>>, vector<16xi32>,
    %get3A_16 = vector.shape_cast %get3A_15 : vector<16xi32> to vector<16xi32>
    %add3A_17 = arith.addi %add3A_13, %get3A_16 : vector<16xi32>
    %swap3A = arith.constant 0 : index
    %swap3A_18 = tpu.vector_load %arg13[%swap3A] {strides = array<i32>} : memref<80xi32, #tpu.memory_space<vmem>>, vector<16xi32>,
    %swap3A_19 = vector.shape_cast %swap3A_18 : vector<16xi32> to vector<16xi32>
    %swap3A_20 = vector.shape_cast %add3A_17 : vector<16xi32> to vector<16xi32>
    tpu.vector_store %arg13[%swap3A], %swap3A_20 {strides = array<i32>} : memref<80xi32, #tpu.memory_space<vmem>>, vector<16xi32>,
    %get3A_21 = arith.constant 16 : index
    %get3A_22 = tpu.vector_load %arg9[%get3A_21] {strides = array<i32>} : memref<80xi32, #tpu.memory_space<vmem>>, vector<16xi32>,
    %get3A_23 = vector.shape_cast %get3A_22 : vector<16xi32> to vector<16xi32>
    %mul3A_24 = arith.constant 3 : i32
    %mul3A_25 = vector.broadcast %mul3A_24 : i32 to vector<16xi32>
    %mul3A_26 = arith.muli %get3A_23, %mul3A_25 : vector<16xi32>
    %get3A_27 = arith.constant 16 : index
    %get3A_28 = tpu.vector_load %arg10[%get3A_27] {strides = array<i32>} : memref<80xi32, #tpu.memory_space<vmem>>, vector<16xi32>,
    %get3A_29 = vector.shape_cast %get3A_28 : vector<16xi32> to vector<16xi32>
    %add3A_30 = arith.addi %mul3A_26, %get3A_29 : vector<16xi32>
    %get3A_31 = arith.constant 16 : index
    %get3A_32 = tpu.vector_load %arg15[%get3A_31] {strides = array<i32>} : memref<80xi32, #tpu.memory_space<vmem>>, vector<16xi32>,
    %get3A_33 = vector.shape_cast %get3A_32 : vector<16xi32> to vector<16xi32>
    %add3A_34 = arith.addi %add3A_30, %get3A_33 : vector<16xi32>
    %swap3A_35 = arith.constant 16 : index
    %swap3A_36 = tpu.vector_load %arg13[%swap3A_35] {strides = array<i32>} : memref<80xi32, #tpu.memory_space<vmem>>, vector<16xi32>,
    %swap3A_37 = vector.shape_cast %swap3A_36 : vector<16xi32> to vector<16xi32>
    %swap3A_38 = vector.shape_cast %add3A_34 : vector<16xi32> to vector<16xi32>
    tpu.vector_store %arg13[%swap3A_35], %swap3A_38 {strides = array<i32>} : memref<80xi32, #tpu.memory_space<vmem>>, vector<16xi32>,
    %get3A_39 = arith.constant 32 : index
    %get3A_40 = tpu.vector_load %arg9[%get3A_39] {strides = array<i32>} : memref<80xi32, #tpu.memory_space<vmem>>, vector<16xi32>,
    %get3A_41 = vector.shape_cast %get3A_40 : vector<16xi32> to vector<16xi32>
    %mul3A_42 = arith.constant 3 : i32
    %mul3A_43 = vector.broadcast %mul3A_42 : i32 to vector<16xi32>
    %mul3A_44 = arith.muli %get3A_41, %mul3A_43 : vector<16xi32>
    %get3A_45 = arith.constant 32 : index
    %get3A_46 = tpu.vector_load %arg10[%get3A_45] {strides = array<i32>} : memref<80xi32, #tpu.memory_space<vmem>>, vector<16xi32>,
    %get3A_47 = vector.shape_cast %get3A_46 : vector<16xi32> to vector<16xi32>
    %add3A_48 = arith.addi %mul3A_44, %get3A_47 : vector<16xi32>
    %get3A_49 = arith.constant 32 : index
    %get3A_50 = tpu.vector_load %arg15[%get3A_49] {strides = array<i32>} : memref<80xi32, #tpu.memory_space<vmem>>, vector<16xi32>,
    %get3A_51 = vector.shape_cast %get3A_50 : vector<16xi32> to vector<16xi32>
    %add3A_52 = arith.addi %add3A_48, %get3A_51 : vector<16xi32>
    %swap3A_53 = arith.constant 32 : index
    %swap3A_54 = tpu.vector_load %arg13[%swap3A_53] {strides = array<i32>} : memref<80xi32, #tpu.memory_space<vmem>>, vector<16xi32>,
    %swap3A_55 = vector.shape_cast %swap3A_54 : vector<16xi32> to vector<16xi32>
    %swap3A_56 = vector.shape_cast %add3A_52 : vector<16xi32> to vector<16xi32>
    tpu.vector_store %arg13[%swap3A_53], %swap3A_56 {strides = array<i32>} : memref<80xi32, #tpu.memory_space<vmem>>, vector<16xi32>,
    %get3A_57 = arith.constant 48 : index
    %get3A_58 = tpu.vector_load %arg9[%get3A_57] {strides = array<i32>} : memref<80xi32, #tpu.memory_space<vmem>>, vector<16xi32>,
    %get3A_59 = vector.shape_cast %get3A_58 : vector<16xi32> to vector<16xi32>
    %mul3A_60 = arith.constant 3 : i32
    %mul3A_61 = vector.broadcast %mul3A_60 : i32 to vector<16xi32>
    %mul3A_62 = arith.muli %get3A_59, %mul3A_61 : vector<16xi32>
    %get3A_63 = arith.constant 48 : index
    %get3A_64 = tpu.vector_load %arg10[%get3A_63] {strides = array<i32>} : memref<80xi32, #tpu.memory_space<vmem>>, vector<16xi32>,
    %get3A_65 = vector.shape_cast %get3A_64 : vector<16xi32> to vector<16xi32>
    %add3A_66 = arith.addi %mul3A_62, %get3A_65 : vector<16xi32>
    %get3A_67 = arith.constant 48 : index
    %get3A_68 = tpu.vector_load %arg15[%get3A_67] {strides = array<i32>} : memref<80xi32, #tpu.memory_space<vmem>>, vector<16xi32>,
    %get3A_69 = vector.shape_cast %get3A_68 : vector<16xi32> to vector<16xi32>
    %add3A_70 = arith.addi %add3A_66, %get3A_69 : vector<16xi32>
    %swap3A_71 = arith.constant 48 : index
    %swap3A_72 = tpu.vector_load %arg13[%swap3A_71] {strides = array<i32>} : memref<80xi32, #tpu.memory_space<vmem>>, vector<16xi32>,
    %swap3A_73 = vector.shape_cast %swap3A_72 : vector<16xi32> to vector<16xi32>
    %swap3A_74 = vector.shape_cast %add3A_70 : vector<16xi32> to vector<16xi32>
    tpu.vector_store %arg13[%swap3A_71], %swap3A_74 {strides = array<i32>} : memref<80xi32, #tpu.memory_space<vmem>>, vector<16xi32>,
    %get3A_75 = arith.constant 64 : index
    %get3A_76 = tpu.vector_load %arg9[%get3A_75] {strides = array<i32>} : memref<80xi32, #tpu.memory_space<vmem>>, vector<16xi32>,
    %get3A_77 = vector.shape_cast %get3A_76 : vector<16xi32> to vector<16xi32>
    %mul3A_78 = arith.constant 3 : i32
    %mul3A_79 = vector.broadcast %mul3A_78 : i32 to vector<16xi32>
    %mul3A_80 = arith.muli %get3A_77, %mul3A_79 : vector<16xi32>
    %get3A_81 = arith.constant 64 : index
    %get3A_82 = tpu.vector_load %arg10[%get3A_81] {strides = array<i32>} : memref<80xi32, #tpu.memory_space<vmem>>, vector<16xi32>,
    %get3A_83 = vector.shape_cast %get3A_82 : vector<16xi32> to vector<16xi32>
    %add3A_84 = arith.addi %mul3A_80, %get3A_83 : vector<16xi32>
    %get3A_85 = arith.constant 64 : index
    %get3A_86 = tpu.vector_load %arg15[%get3A_85] {strides = array<i32>} : memref<80xi32, #tpu.memory_space<vmem>>, vector<16xi32>,
    %get3A_87 = vector.shape_cast %get3A_86 : vector<16xi32> to vector<16xi32>
    %add3A_88 = arith.addi %add3A_84, %get3A_87 : vector<16xi32>
    %swap3A_89 = arith.constant 64 : index
    %swap3A_90 = tpu.vector_load %arg13[%swap3A_89] {strides = array<i32>} : memref<80xi32, #tpu.memory_space<vmem>>, vector<16xi32>,
    %swap3A_91 = vector.shape_cast %swap3A_90 : vector<16xi32> to vector<16xi32>
    %swap3A_92 = vector.shape_cast %add3A_88 : vector<16xi32> to vector<16xi32>
    tpu.vector_store %arg13[%swap3A_89], %swap3A_92 {strides = array<i32>} : memref<80xi32, #tpu.memory_space<vmem>>, vector<16xi32>,
    "tpu.region"() ({
      %run_scoped3A = tpu.sem_alloc : memref<!tpu.dma_semaphore, #tpu.memory_space<semaphore_mem>>
      %dma_start3A_207 = tpu.memref_slice %arg4[%mul3A_4] : memref<163840xi32, #tpu.memory_space<hbm>> -> memref<80xi32, #tpu.memory_space<hbm>>
      %dma_start3A_208 = tpu.memref_slice %arg4[%mul3A_4] : memref<163840xi32, #tpu.memory_space<hbm>> -> memref<80xi32, #tpu.memory_space<hbm>>
      tpu.enqueue_dma source(%dma_start3A_208 : memref<80xi32, #tpu.memory_space<hbm>>) target(%arg9 : memref<80xi32, #tpu.memory_space<vmem>>) target_semaphore(%run_scoped3A : memref<!tpu.dma_semaphore, #tpu.memory_space<semaphore_mem>>)
      %dma_wait3A = tpu.memref_slice %arg4[%mul3A_4] : memref<163840xi32, #tpu.memory_space<hbm>> -> memref<80xi32, #tpu.memory_space<hbm>>
      %dma_wait3A_209 = tpu.memref_slice %arg4[%mul3A_4] : memref<163840xi32, #tpu.memory_space<hbm>> -> memref<80xi32, #tpu.memory_space<hbm>>
      tpu.wait_dma2 semaphore(%run_scoped3A : memref<!tpu.dma_semaphore, #tpu.memory_space<semaphore_mem>>) src(%dma_wait3A_209 : memref<80xi32, #tpu.memory_space<hbm>>) dst(%arg9 : memref<80xi32, #tpu.memory_space<vmem>>)
      tpu.yield
    }) : () -> ()
    %dma_start3A = arith.constant 0 : i32
    %dma_start3A_93 = arith.constant 0 : i32
    %dma_start3A_94 = tpu.memref_slice %arg5[%dma_start3A, %dma_start3A_93] : memref<1440x128xf32, #tpu.memory_space<hbm>> -> memref<1440x128xf32, #tpu.memory_space<hbm>>
    tpu.enqueue_indirect_dma source(%dma_start3A_94 : memref<1440x128xf32, #tpu.memory_space<hbm>>) target(%arg16 : memref<80x128xf32, #tpu.memory_space<vmem>>) offsets(%arg13 : memref<80xi32, #tpu.memory_space<vmem>>) semaphore(%arg19 : memref<!tpu.dma_semaphore, #tpu.memory_space<semaphore_mem>>)
    %add3A_95 = arith.constant 80 : i32
    %add3A_96 = arith.addi %mul3A_4, %add3A_95 : i32
    "tpu.region"() ({
      %run_scoped3A = tpu.sem_alloc : memref<!tpu.dma_semaphore, #tpu.memory_space<semaphore_mem>>
      %dma_start3A_207 = tpu.memref_slice %arg2[%add3A_96] : memref<163840xi32, #tpu.memory_space<hbm>> -> memref<80xi32, #tpu.memory_space<hbm>>
      %dma_start3A_208 = tpu.memref_slice %arg2[%add3A_96] : memref<163840xi32, #tpu.memory_space<hbm>> -> memref<80xi32, #tpu.memory_space<hbm>>
      tpu.enqueue_dma source(%dma_start3A_208 : memref<80xi32, #tpu.memory_space<hbm>>) target(%arg11 : memref<80xi32, #tpu.memory_space<vmem>>) target_semaphore(%run_scoped3A : memref<!tpu.dma_semaphore, #tpu.memory_space<semaphore_mem>>)
      %dma_wait3A = tpu.memref_slice %arg2[%add3A_96] : memref<163840xi32, #tpu.memory_space<hbm>> -> memref<80xi32, #tpu.memory_space<hbm>>
      %dma_wait3A_209 = tpu.memref_slice %arg2[%add3A_96] : memref<163840xi32, #tpu.memory_space<hbm>> -> memref<80xi32, #tpu.memory_space<hbm>>
      tpu.wait_dma2 semaphore(%run_scoped3A : memref<!tpu.dma_semaphore, #tpu.memory_space<semaphore_mem>>) src(%dma_wait3A_209 : memref<80xi32, #tpu.memory_space<hbm>>) dst(%arg11 : memref<80xi32, #tpu.memory_space<vmem>>)
      tpu.yield
    }) : () -> ()
    %add3A_97 = arith.constant 80 : i32
    %add3A_98 = arith.addi %mul3A_4, %add3A_97 : i32
    "tpu.region"() ({
      %run_scoped3A = tpu.sem_alloc : memref<!tpu.dma_semaphore, #tpu.memory_space<semaphore_mem>>
      %dma_start3A_207 = tpu.memref_slice %arg3[%add3A_98] : memref<163840xi32, #tpu.memory_space<hbm>> -> memref<80xi32, #tpu.memory_space<hbm>>
      %dma_start3A_208 = tpu.memref_slice %arg3[%add3A_98] : memref<163840xi32, #tpu.memory_space<hbm>> -> memref<80xi32, #tpu.memory_space<hbm>>
      tpu.enqueue_dma source(%dma_start3A_208 : memref<80xi32, #tpu.memory_space<hbm>>) target(%arg12 : memref<80xi32, #tpu.memory_space<vmem>>) target_semaphore(%run_scoped3A : memref<!tpu.dma_semaphore, #tpu.memory_space<semaphore_mem>>)
      %dma_wait3A = tpu.memref_slice %arg3[%add3A_98] : memref<163840xi32, #tpu.memory_space<hbm>> -> memref<80xi32, #tpu.memory_space<hbm>>
      %dma_wait3A_209 = tpu.memref_slice %arg3[%add3A_98] : memref<163840xi32, #tpu.memory_space<hbm>> -> memref<80xi32, #tpu.memory_space<hbm>>
      tpu.wait_dma2 semaphore(%run_scoped3A : memref<!tpu.dma_semaphore, #tpu.memory_space<semaphore_mem>>) src(%dma_wait3A_209 : memref<80xi32, #tpu.memory_space<hbm>>) dst(%arg12 : memref<80xi32, #tpu.memory_space<vmem>>)
      tpu.yield
    }) : () -> ()
    %get3A_99 = arith.constant 0 : index
    %get3A_100 = tpu.vector_load %arg11[%get3A_99] {strides = array<i32>} : memref<80xi32, #tpu.memory_space<vmem>>, vector<16xi32>,
    %get3A_101 = vector.shape_cast %get3A_100 : vector<16xi32> to vector<16xi32>
    %mul3A_102 = arith.constant 3 : i32
    %mul3A_103 = vector.broadcast %mul3A_102 : i32 to vector<16xi32>
    %mul3A_104 = arith.muli %get3A_101, %mul3A_103 : vector<16xi32>
    %get3A_105 = arith.constant 0 : index
    %get3A_106 = tpu.vector_load %arg12[%get3A_105] {strides = array<i32>} : memref<80xi32, #tpu.memory_space<vmem>>, vector<16xi32>,
    %get3A_107 = vector.shape_cast %get3A_106 : vector<16xi32> to vector<16xi32>
    %add3A_108 = arith.addi %mul3A_104, %get3A_107 : vector<16xi32>
    %get3A_109 = arith.constant 0 : index
    %get3A_110 = tpu.vector_load %arg15[%get3A_109] {strides = array<i32>} : memref<80xi32, #tpu.memory_space<vmem>>, vector<16xi32>,
    %get3A_111 = vector.shape_cast %get3A_110 : vector<16xi32> to vector<16xi32>
    %add3A_112 = arith.addi %add3A_108, %get3A_111 : vector<16xi32>
    %swap3A_113 = arith.constant 0 : index
    %swap3A_114 = tpu.vector_load %arg14[%swap3A_113] {strides = array<i32>} : memref<80xi32, #tpu.memory_space<vmem>>, vector<16xi32>,
    %swap3A_115 = vector.shape_cast %swap3A_114 : vector<16xi32> to vector<16xi32>
    %swap3A_116 = vector.shape_cast %add3A_112 : vector<16xi32> to vector<16xi32>
    tpu.vector_store %arg14[%swap3A_113], %swap3A_116 {strides = array<i32>} : memref<80xi32, #tpu.memory_space<vmem>>, vector<16xi32>,
    %get3A_117 = arith.constant 16 : index
    %get3A_118 = tpu.vector_load %arg11[%get3A_117] {strides = array<i32>} : memref<80xi32, #tpu.memory_space<vmem>>, vector<16xi32>,
    %get3A_119 = vector.shape_cast %get3A_118 : vector<16xi32> to vector<16xi32>
    %mul3A_120 = arith.constant 3 : i32
    %mul3A_121 = vector.broadcast %mul3A_120 : i32 to vector<16xi32>
    %mul3A_122 = arith.muli %get3A_119, %mul3A_121 : vector<16xi32>
    %get3A_123 = arith.constant 16 : index
    %get3A_124 = tpu.vector_load %arg12[%get3A_123] {strides = array<i32>} : memref<80xi32, #tpu.memory_space<vmem>>, vector<16xi32>,
    %get3A_125 = vector.shape_cast %get3A_124 : vector<16xi32> to vector<16xi32>
    %add3A_126 = arith.addi %mul3A_122, %get3A_125 : vector<16xi32>
    %get3A_127 = arith.constant 16 : index
    %get3A_128 = tpu.vector_load %arg15[%get3A_127] {strides = array<i32>} : memref<80xi32, #tpu.memory_space<vmem>>, vector<16xi32>,
    %get3A_129 = vector.shape_cast %get3A_128 : vector<16xi32> to vector<16xi32>
    %add3A_130 = arith.addi %add3A_126, %get3A_129 : vector<16xi32>
    %swap3A_131 = arith.constant 16 : index
    %swap3A_132 = tpu.vector_load %arg14[%swap3A_131] {strides = array<i32>} : memref<80xi32, #tpu.memory_space<vmem>>, vector<16xi32>,
    %swap3A_133 = vector.shape_cast %swap3A_132 : vector<16xi32> to vector<16xi32>
    %swap3A_134 = vector.shape_cast %add3A_130 : vector<16xi32> to vector<16xi32>
    tpu.vector_store %arg14[%swap3A_131], %swap3A_134 {strides = array<i32>} : memref<80xi32, #tpu.memory_space<vmem>>, vector<16xi32>,
    %get3A_135 = arith.constant 32 : index
    %get3A_136 = tpu.vector_load %arg11[%get3A_135] {strides = array<i32>} : memref<80xi32, #tpu.memory_space<vmem>>, vector<16xi32>,
    %get3A_137 = vector.shape_cast %get3A_136 : vector<16xi32> to vector<16xi32>
    %mul3A_138 = arith.constant 3 : i32
    %mul3A_139 = vector.broadcast %mul3A_138 : i32 to vector<16xi32>
    %mul3A_140 = arith.muli %get3A_137, %mul3A_139 : vector<16xi32>
    %get3A_141 = arith.constant 32 : index
    %get3A_142 = tpu.vector_load %arg12[%get3A_141] {strides = array<i32>} : memref<80xi32, #tpu.memory_space<vmem>>, vector<16xi32>,
    %get3A_143 = vector.shape_cast %get3A_142 : vector<16xi32> to vector<16xi32>
    %add3A_144 = arith.addi %mul3A_140, %get3A_143 : vector<16xi32>
    %get3A_145 = arith.constant 32 : index
    %get3A_146 = tpu.vector_load %arg15[%get3A_145] {strides = array<i32>} : memref<80xi32, #tpu.memory_space<vmem>>, vector<16xi32>,
    %get3A_147 = vector.shape_cast %get3A_146 : vector<16xi32> to vector<16xi32>
    %add3A_148 = arith.addi %add3A_144, %get3A_147 : vector<16xi32>
    %swap3A_149 = arith.constant 32 : index
    %swap3A_150 = tpu.vector_load %arg14[%swap3A_149] {strides = array<i32>} : memref<80xi32, #tpu.memory_space<vmem>>, vector<16xi32>,
    %swap3A_151 = vector.shape_cast %swap3A_150 : vector<16xi32> to vector<16xi32>
    %swap3A_152 = vector.shape_cast %add3A_148 : vector<16xi32> to vector<16xi32>
    tpu.vector_store %arg14[%swap3A_149], %swap3A_152 {strides = array<i32>} : memref<80xi32, #tpu.memory_space<vmem>>, vector<16xi32>,
    %get3A_153 = arith.constant 48 : index
    %get3A_154 = tpu.vector_load %arg11[%get3A_153] {strides = array<i32>} : memref<80xi32, #tpu.memory_space<vmem>>, vector<16xi32>,
    %get3A_155 = vector.shape_cast %get3A_154 : vector<16xi32> to vector<16xi32>
    %mul3A_156 = arith.constant 3 : i32
    %mul3A_157 = vector.broadcast %mul3A_156 : i32 to vector<16xi32>
    %mul3A_158 = arith.muli %get3A_155, %mul3A_157 : vector<16xi32>
    %get3A_159 = arith.constant 48 : index
    %get3A_160 = tpu.vector_load %arg12[%get3A_159] {strides = array<i32>} : memref<80xi32, #tpu.memory_space<vmem>>, vector<16xi32>,
    %get3A_161 = vector.shape_cast %get3A_160 : vector<16xi32> to vector<16xi32>
    %add3A_162 = arith.addi %mul3A_158, %get3A_161 : vector<16xi32>
    %get3A_163 = arith.constant 48 : index
    %get3A_164 = tpu.vector_load %arg15[%get3A_163] {strides = array<i32>} : memref<80xi32, #tpu.memory_space<vmem>>, vector<16xi32>,
    %get3A_165 = vector.shape_cast %get3A_164 : vector<16xi32> to vector<16xi32>
    %add3A_166 = arith.addi %add3A_162, %get3A_165 : vector<16xi32>
    %swap3A_167 = arith.constant 48 : index
    %swap3A_168 = tpu.vector_load %arg14[%swap3A_167] {strides = array<i32>} : memref<80xi32, #tpu.memory_space<vmem>>, vector<16xi32>,
    %swap3A_169 = vector.shape_cast %swap3A_168 : vector<16xi32> to vector<16xi32>
    %swap3A_170 = vector.shape_cast %add3A_166 : vector<16xi32> to vector<16xi32>
    tpu.vector_store %arg14[%swap3A_167], %swap3A_170 {strides = array<i32>} : memref<80xi32, #tpu.memory_space<vmem>>, vector<16xi32>,
    %get3A_171 = arith.constant 64 : index
    %get3A_172 = tpu.vector_load %arg11[%get3A_171] {strides = array<i32>} : memref<80xi32, #tpu.memory_space<vmem>>, vector<16xi32>,
    %get3A_173 = vector.shape_cast %get3A_172 : vector<16xi32> to vector<16xi32>
    %mul3A_174 = arith.constant 3 : i32
    %mul3A_175 = vector.broadcast %mul3A_174 : i32 to vector<16xi32>
    %mul3A_176 = arith.muli %get3A_173, %mul3A_175 : vector<16xi32>
    %get3A_177 = arith.constant 64 : index
    %get3A_178 = tpu.vector_load %arg12[%get3A_177] {strides = array<i32>} : memref<80xi32, #tpu.memory_space<vmem>>, vector<16xi32>,
    %get3A_179 = vector.shape_cast %get3A_178 : vector<16xi32> to vector<16xi32>
    %add3A_180 = arith.addi %mul3A_176, %get3A_179 : vector<16xi32>
    %get3A_181 = arith.constant 64 : index
    %get3A_182 = tpu.vector_load %arg15[%get3A_181] {strides = array<i32>} : memref<80xi32, #tpu.memory_space<vmem>>, vector<16xi32>,
    %get3A_183 = vector.shape_cast %get3A_182 : vector<16xi32> to vector<16xi32>
    %add3A_184 = arith.addi %add3A_180, %get3A_183 : vector<16xi32>
    %swap3A_185 = arith.constant 64 : index
    %swap3A_186 = tpu.vector_load %arg14[%swap3A_185] {strides = array<i32>} : memref<80xi32, #tpu.memory_space<vmem>>, vector<16xi32>,
    %swap3A_187 = vector.shape_cast %swap3A_186 : vector<16xi32> to vector<16xi32>
    %swap3A_188 = vector.shape_cast %add3A_184 : vector<16xi32> to vector<16xi32>
    tpu.vector_store %arg14[%swap3A_185], %swap3A_188 {strides = array<i32>} : memref<80xi32, #tpu.memory_space<vmem>>, vector<16xi32>,
    %add3A_189 = arith.constant 80 : i32
    %add3A_190 = arith.addi %mul3A_4, %add3A_189 : i32
    "tpu.region"() ({
      %run_scoped3A = tpu.sem_alloc : memref<!tpu.dma_semaphore, #tpu.memory_space<semaphore_mem>>
      %dma_start3A_207 = tpu.memref_slice %arg4[%add3A_190] : memref<163840xi32, #tpu.memory_space<hbm>> -> memref<80xi32, #tpu.memory_space<hbm>>
      %dma_start3A_208 = tpu.memref_slice %arg4[%add3A_190] : memref<163840xi32, #tpu.memory_space<hbm>> -> memref<80xi32, #tpu.memory_space<hbm>>
      tpu.enqueue_dma source(%dma_start3A_208 : memref<80xi32, #tpu.memory_space<hbm>>) target(%arg11 : memref<80xi32, #tpu.memory_space<vmem>>) target_semaphore(%run_scoped3A : memref<!tpu.dma_semaphore, #tpu.memory_space<semaphore_mem>>)
      %dma_wait3A = tpu.memref_slice %arg4[%add3A_190] : memref<163840xi32, #tpu.memory_space<hbm>> -> memref<80xi32, #tpu.memory_space<hbm>>
      %dma_wait3A_209 = tpu.memref_slice %arg4[%add3A_190] : memref<163840xi32, #tpu.memory_space<hbm>> -> memref<80xi32, #tpu.memory_space<hbm>>
      tpu.wait_dma2 semaphore(%run_scoped3A : memref<!tpu.dma_semaphore, #tpu.memory_space<semaphore_mem>>) src(%dma_wait3A_209 : memref<80xi32, #tpu.memory_space<hbm>>) dst(%arg11 : memref<80xi32, #tpu.memory_space<vmem>>)
      tpu.yield
    }) : () -> ()
    %dma_start3A_191 = arith.constant 0 : i32
    %dma_start3A_192 = arith.constant 0 : i32
    %dma_start3A_193 = tpu.memref_slice %arg5[%dma_start3A_191, %dma_start3A_192] : memref<1440x128xf32, #tpu.memory_space<hbm>> -> memref<1440x128xf32, #tpu.memory_space<hbm>>
    tpu.enqueue_indirect_dma source(%dma_start3A_193 : memref<1440x128xf32, #tpu.memory_space<hbm>>) target(%arg17 : memref<80x128xf32, #tpu.memory_space<vmem>>) offsets(%arg14 : memref<80xi32, #tpu.memory_space<vmem>>) semaphore(%arg20 : memref<!tpu.dma_semaphore, #tpu.memory_space<semaphore_mem>>)
    %scan3A = arith.constant 0 : i32
    %scan3A_194 = arith.constant 0 : i32
    %scan3A_195 = arith.constant 32 : i32
    %scan3A_196 = arith.addi %scan3A_194, %scan3A_195 : i32
    %scan3A_197 = arith.constant 1 : i32
    scf.for %scan3A_207 = %scan3A_194 to %scan3A_196 step %scan3A_197  : i32 {
      %mul3A_208 = arith.constant 2 : i32
      %mul3A_209 = arith.muli %mul3A_208, %scan3A_207 : i32
      %add3A_210 = arith.constant 2 : i32
      %add3A_211 = arith.addi %mul3A_209, %add3A_210 : i32
      %mul3A_212 = arith.constant 80 : i32
      %mul3A_213 = arith.muli %add3A_211, %mul3A_212 : i32
      %add3A_214 = arith.addi %mul3A_4, %mul3A_213 : i32
      %mul3A_215 = arith.constant 2 : i32
      %mul3A_216 = arith.muli %mul3A_215, %scan3A_207 : i32
      %add3A_217 = arith.constant 3 : i32
      %add3A_218 = arith.addi %mul3A_216, %add3A_217 : i32
      %mul3A_219 = arith.constant 80 : i32
      %mul3A_220 = arith.muli %add3A_218, %mul3A_219 : i32
      %add3A_221 = arith.addi %mul3A_4, %mul3A_220 : i32
      %dma_wait3A = arith.constant 0 : i32
      %dma_wait3A_222 = arith.constant 0 : i32
      %dma_wait3A_223 = tpu.memref_slice %arg5[%dma_wait3A, %dma_wait3A_222] : memref<1440x128xf32, #tpu.memory_space<hbm>> -> memref<1440x128xf32, #tpu.memory_space<hbm>>
      tpu.wait_indirect_dma semaphore(%arg19 : memref<!tpu.dma_semaphore, #tpu.memory_space<semaphore_mem>>) src(%dma_wait3A_223 : memref<1440x128xf32, #tpu.memory_space<hbm>>) dst(%arg16 : memref<80x128xf32, #tpu.memory_space<vmem>>)
      "tpu.region"() ({
        %run_scoped3A = tpu.sem_alloc : memref<!tpu.dma_semaphore, #tpu.memory_space<semaphore_mem>>
        %dma_start3A_242 = arith.constant 0 : i32
        %dma_start3A_243 = arith.constant 0 : i32
        %dma_start3A_244 = tpu.memref_slice %arg18[%dma_start3A_242, %dma_start3A_243] : memref<10112x128xf32, #tpu.memory_space<vmem_shared>> -> memref<10112x128xf32, #tpu.memory_space<vmem_shared>>
        tpu.enqueue_indirect_dma source(%arg16 : memref<80x128xf32, #tpu.memory_space<vmem>>) target(%dma_start3A_244 : memref<10112x128xf32, #tpu.memory_space<vmem_shared>>) offsets(%arg9 : memref<80xi32, #tpu.memory_space<vmem>>) semaphore(%run_scoped3A : memref<!tpu.dma_semaphore, #tpu.memory_space<semaphore_mem>>) {add = true}
        %dma_wait3A_245 = arith.constant 0 : i32
        %dma_wait3A_246 = arith.constant 0 : i32
        %dma_wait3A_247 = tpu.memref_slice %arg18[%dma_wait3A_245, %dma_wait3A_246] : memref<10112x128xf32, #tpu.memory_space<vmem_shared>> -> memref<10112x128xf32, #tpu.memory_space<vmem_shared>>
        tpu.wait_indirect_dma semaphore(%run_scoped3A : memref<!tpu.dma_semaphore, #tpu.memory_space<semaphore_mem>>) src(%arg16 : memref<80x128xf32, #tpu.memory_space<vmem>>) dst(%dma_wait3A_247 : memref<10112x128xf32, #tpu.memory_space<vmem_shared>>)
        tpu.yield
      }) : () -> ()
      %mul3A_224 = arith.constant 2 : i32
      %mul3A_225 = arith.muli %mul3A_224, %scan3A_207 : i32
      %add3A_226 = arith.constant 2 : i32
      %add3A_227 = arith.addi %mul3A_225, %add3A_226 : i32
      %lt3A = arith.constant 64 : i32
      %lt3A_228 = arith.cmpi slt, %add3A_227, %lt3A : i32
      %convert_element_type3A = arith.extui %lt3A_228 : i1 to i32
      %cond3A = arith.constant 0 : i32
      %cond3A_229 = arith.cmpi ne, %convert_element_type3A, %cond3A : i32
      scf.if %cond3A_229 {
        %dma_start3A_242 = tpu.memref_slice %arg2[%add3A_214] : memref<163840xi32, #tpu.memory_space<hbm>> -> memref<80xi32, #tpu.memory_space<hbm>>
        %dma_start3A_243 = tpu.memref_slice %arg2[%add3A_214] : memref<163840xi32, #tpu.memory_space<hbm>> -> memref<80xi32, #tpu.memory_space<hbm>>
        tpu.enqueue_dma source(%dma_start3A_243 : memref<80xi32, #tpu.memory_space<hbm>>) target(%arg9 : memref<80xi32, #tpu.memory_space<vmem>>) target_semaphore(%arg21 : memref<!tpu.dma_semaphore, #tpu.memory_space<semaphore_mem>>)
        %dma_start3A_244 = tpu.memref_slice %arg3[%add3A_214] : memref<163840xi32, #tpu.memory_space<hbm>> -> memref<80xi32, #tpu.memory_space<hbm>>
        %dma_start3A_245 = tpu.memref_slice %arg3[%add3A_214] : memref<163840xi32, #tpu.memory_space<hbm>> -> memref<80xi32, #tpu.memory_space<hbm>>
        tpu.enqueue_dma source(%dma_start3A_245 : memref<80xi32, #tpu.memory_space<hbm>>) target(%arg10 : memref<80xi32, #tpu.memory_space<vmem>>) target_semaphore(%arg21 : memref<!tpu.dma_semaphore, #tpu.memory_space<semaphore_mem>>)
        %dma_wait3A_246 = tpu.memref_slice %arg2[%add3A_214] : memref<163840xi32, #tpu.memory_space<hbm>> -> memref<80xi32, #tpu.memory_space<hbm>>
        %dma_wait3A_247 = tpu.memref_slice %arg2[%add3A_214] : memref<163840xi32, #tpu.memory_space<hbm>> -> memref<80xi32, #tpu.memory_space<hbm>>
        tpu.wait_dma2 semaphore(%arg21 : memref<!tpu.dma_semaphore, #tpu.memory_space<semaphore_mem>>) src(%dma_wait3A_247 : memref<80xi32, #tpu.memory_space<hbm>>) dst(%arg9 : memref<80xi32, #tpu.memory_space<vmem>>)
        %dma_wait3A_248 = tpu.memref_slice %arg3[%add3A_214] : memref<163840xi32, #tpu.memory_space<hbm>> -> memref<80xi32, #tpu.memory_space<hbm>>
        %dma_wait3A_249 = tpu.memref_slice %arg3[%add3A_214] : memref<163840xi32, #tpu.memory_space<hbm>> -> memref<80xi32, #tpu.memory_space<hbm>>
        tpu.wait_dma2 semaphore(%arg21 : memref<!tpu.dma_semaphore, #tpu.memory_space<semaphore_mem>>) src(%dma_wait3A_249 : memref<80xi32, #tpu.memory_space<hbm>>) dst(%arg10 : memref<80xi32, #tpu.memory_space<vmem>>)
        %get3A_250 = arith.constant 0 : index
        %get3A_251 = tpu.vector_load %arg9[%get3A_250] {strides = array<i32>} : memref<80xi32, #tpu.memory_space<vmem>>, vector<16xi32>,
        %get3A_252 = vector.shape_cast %get3A_251 : vector<16xi32> to vector<16xi32>
        %mul3A_253 = arith.constant 3 : i32
        %mul3A_254 = vector.broadcast %mul3A_253 : i32 to vector<16xi32>
        %mul3A_255 = arith.muli %get3A_252, %mul3A_254 : vector<16xi32>
        %get3A_256 = arith.constant 0 : index
        %get3A_257 = tpu.vector_load %arg10[%get3A_256] {strides = array<i32>} : memref<80xi32, #tpu.memory_space<vmem>>, vector<16xi32>,
        %get3A_258 = vector.shape_cast %get3A_257 : vector<16xi32> to vector<16xi32>
        %add3A_259 = arith.addi %mul3A_255, %get3A_258 : vector<16xi32>
        %get3A_260 = arith.constant 0 : index
        %get3A_261 = tpu.vector_load %arg15[%get3A_260] {strides = array<i32>} : memref<80xi32, #tpu.memory_space<vmem>>, vector<16xi32>,
        %get3A_262 = vector.shape_cast %get3A_261 : vector<16xi32> to vector<16xi32>
        %add3A_263 = arith.addi %add3A_259, %get3A_262 : vector<16xi32>
        %swap3A_264 = arith.constant 0 : index
        %swap3A_265 = tpu.vector_load %arg13[%swap3A_264] {strides = array<i32>} : memref<80xi32, #tpu.memory_space<vmem>>, vector<16xi32>,
        %swap3A_266 = vector.shape_cast %swap3A_265 : vector<16xi32> to vector<16xi32>
        %swap3A_267 = vector.shape_cast %add3A_263 : vector<16xi32> to vector<16xi32>
        tpu.vector_store %arg13[%swap3A_264], %swap3A_267 {strides = array<i32>} : memref<80xi32, #tpu.memory_space<vmem>>, vector<16xi32>,
        %get3A_268 = arith.constant 16 : index
        %get3A_269 = tpu.vector_load %arg9[%get3A_268] {strides = array<i32>} : memref<80xi32, #tpu.memory_space<vmem>>, vector<16xi32>,
        %get3A_270 = vector.shape_cast %get3A_269 : vector<16xi32> to vector<16xi32>
        %mul3A_271 = arith.constant 3 : i32
        %mul3A_272 = vector.broadcast %mul3A_271 : i32 to vector<16xi32>
        %mul3A_273 = arith.muli %get3A_270, %mul3A_272 : vector<16xi32>
        %get3A_274 = arith.constant 16 : index
        %get3A_275 = tpu.vector_load %arg10[%get3A_274] {strides = array<i32>} : memref<80xi32, #tpu.memory_space<vmem>>, vector<16xi32>,
        %get3A_276 = vector.shape_cast %get3A_275 : vector<16xi32> to vector<16xi32>
        %add3A_277 = arith.addi %mul3A_273, %get3A_276 : vector<16xi32>
        %get3A_278 = arith.constant 16 : index
        %get3A_279 = tpu.vector_load %arg15[%get3A_278] {strides = array<i32>} : memref<80xi32, #tpu.memory_space<vmem>>, vector<16xi32>,
        %get3A_280 = vector.shape_cast %get3A_279 : vector<16xi32> to vector<16xi32>
        %add3A_281 = arith.addi %add3A_277, %get3A_280 : vector<16xi32>
        %swap3A_282 = arith.constant 16 : index
        %swap3A_283 = tpu.vector_load %arg13[%swap3A_282] {strides = array<i32>} : memref<80xi32, #tpu.memory_space<vmem>>, vector<16xi32>,
        %swap3A_284 = vector.shape_cast %swap3A_283 : vector<16xi32> to vector<16xi32>
        %swap3A_285 = vector.shape_cast %add3A_281 : vector<16xi32> to vector<16xi32>
        tpu.vector_store %arg13[%swap3A_282], %swap3A_285 {strides = array<i32>} : memref<80xi32, #tpu.memory_space<vmem>>, vector<16xi32>,
        %get3A_286 = arith.constant 32 : index
        %get3A_287 = tpu.vector_load %arg9[%get3A_286] {strides = array<i32>} : memref<80xi32, #tpu.memory_space<vmem>>, vector<16xi32>,
        %get3A_288 = vector.shape_cast %get3A_287 : vector<16xi32> to vector<16xi32>
        %mul3A_289 = arith.constant 3 : i32
        %mul3A_290 = vector.broadcast %mul3A_289 : i32 to vector<16xi32>
        %mul3A_291 = arith.muli %get3A_288, %mul3A_290 : vector<16xi32>
        %get3A_292 = arith.constant 32 : index
        %get3A_293 = tpu.vector_load %arg10[%get3A_292] {strides = array<i32>} : memref<80xi32, #tpu.memory_space<vmem>>, vector<16xi32>,
        %get3A_294 = vector.shape_cast %get3A_293 : vector<16xi32> to vector<16xi32>
        %add3A_295 = arith.addi %mul3A_291, %get3A_294 : vector<16xi32>
        %get3A_296 = arith.constant 32 : index
        %get3A_297 = tpu.vector_load %arg15[%get3A_296] {strides = array<i32>} : memref<80xi32, #tpu.memory_space<vmem>>, vector<16xi32>,
        %get3A_298 = vector.shape_cast %get3A_297 : vector<16xi32> to vector<16xi32>
        %add3A_299 = arith.addi %add3A_295, %get3A_298 : vector<16xi32>
        %swap3A_300 = arith.constant 32 : index
        %swap3A_301 = tpu.vector_load %arg13[%swap3A_300] {strides = array<i32>} : memref<80xi32, #tpu.memory_space<vmem>>, vector<16xi32>,
        %swap3A_302 = vector.shape_cast %swap3A_301 : vector<16xi32> to vector<16xi32>
        %swap3A_303 = vector.shape_cast %add3A_299 : vector<16xi32> to vector<16xi32>
        tpu.vector_store %arg13[%swap3A_300], %swap3A_303 {strides = array<i32>} : memref<80xi32, #tpu.memory_space<vmem>>, vector<16xi32>,
        %get3A_304 = arith.constant 48 : index
        %get3A_305 = tpu.vector_load %arg9[%get3A_304] {strides = array<i32>} : memref<80xi32, #tpu.memory_space<vmem>>, vector<16xi32>,
        %get3A_306 = vector.shape_cast %get3A_305 : vector<16xi32> to vector<16xi32>
        %mul3A_307 = arith.constant 3 : i32
        %mul3A_308 = vector.broadcast %mul3A_307 : i32 to vector<16xi32>
        %mul3A_309 = arith.muli %get3A_306, %mul3A_308 : vector<16xi32>
        %get3A_310 = arith.constant 48 : index
        %get3A_311 = tpu.vector_load %arg10[%get3A_310] {strides = array<i32>} : memref<80xi32, #tpu.memory_space<vmem>>, vector<16xi32>,
        %get3A_312 = vector.shape_cast %get3A_311 : vector<16xi32> to vector<16xi32>
        %add3A_313 = arith.addi %mul3A_309, %get3A_312 : vector<16xi32>
        %get3A_314 = arith.constant 48 : index
        %get3A_315 = tpu.vector_load %arg15[%get3A_314] {strides = array<i32>} : memref<80xi32, #tpu.memory_space<vmem>>, vector<16xi32>,
        %get3A_316 = vector.shape_cast %get3A_315 : vector<16xi32> to vector<16xi32>
        %add3A_317 = arith.addi %add3A_313, %get3A_316 : vector<16xi32>
        %swap3A_318 = arith.constant 48 : index
        %swap3A_319 = tpu.vector_load %arg13[%swap3A_318] {strides = array<i32>} : memref<80xi32, #tpu.memory_space<vmem>>, vector<16xi32>,
        %swap3A_320 = vector.shape_cast %swap3A_319 : vector<16xi32> to vector<16xi32>
        %swap3A_321 = vector.shape_cast %add3A_317 : vector<16xi32> to vector<16xi32>
        tpu.vector_store %arg13[%swap3A_318], %swap3A_321 {strides = array<i32>} : memref<80xi32, #tpu.memory_space<vmem>>, vector<16xi32>,
        %get3A_322 = arith.constant 64 : index
        %get3A_323 = tpu.vector_load %arg9[%get3A_322] {strides = array<i32>} : memref<80xi32, #tpu.memory_space<vmem>>, vector<16xi32>,
        %get3A_324 = vector.shape_cast %get3A_323 : vector<16xi32> to vector<16xi32>
        %mul3A_325 = arith.constant 3 : i32
        %mul3A_326 = vector.broadcast %mul3A_325 : i32 to vector<16xi32>
        %mul3A_327 = arith.muli %get3A_324, %mul3A_326 : vector<16xi32>
        %get3A_328 = arith.constant 64 : index
        %get3A_329 = tpu.vector_load %arg10[%get3A_328] {strides = array<i32>} : memref<80xi32, #tpu.memory_space<vmem>>, vector<16xi32>,
        %get3A_330 = vector.shape_cast %get3A_329 : vector<16xi32> to vector<16xi32>
        %add3A_331 = arith.addi %mul3A_327, %get3A_330 : vector<16xi32>
        %get3A_332 = arith.constant 64 : index
        %get3A_333 = tpu.vector_load %arg15[%get3A_332] {strides = array<i32>} : memref<80xi32, #tpu.memory_space<vmem>>, vector<16xi32>,
        %get3A_334 = vector.shape_cast %get3A_333 : vector<16xi32> to vector<16xi32>
        %add3A_335 = arith.addi %add3A_331, %get3A_334 : vector<16xi32>
        %swap3A_336 = arith.constant 64 : index
        %swap3A_337 = tpu.vector_load %arg13[%swap3A_336] {strides = array<i32>} : memref<80xi32, #tpu.memory_space<vmem>>, vector<16xi32>,
        %swap3A_338 = vector.shape_cast %swap3A_337 : vector<16xi32> to vector<16xi32>
        %swap3A_339 = vector.shape_cast %add3A_335 : vector<16xi32> to vector<16xi32>
        tpu.vector_store %arg13[%swap3A_336], %swap3A_339 {strides = array<i32>} : memref<80xi32, #tpu.memory_space<vmem>>, vector<16xi32>,
        %dma_start3A_340 = tpu.memref_slice %arg4[%add3A_214] : memref<163840xi32, #tpu.memory_space<hbm>> -> memref<80xi32, #tpu.memory_space<hbm>>
        %dma_start3A_341 = tpu.memref_slice %arg4[%add3A_214] : memref<163840xi32, #tpu.memory_space<hbm>> -> memref<80xi32, #tpu.memory_space<hbm>>
        tpu.enqueue_dma source(%dma_start3A_341 : memref<80xi32, #tpu.memory_space<hbm>>) target(%arg9 : memref<80xi32, #tpu.memory_space<vmem>>) target_semaphore(%arg21 : memref<!tpu.dma_semaphore, #tpu.memory_space<semaphore_mem>>)
        %dma_wait3A_342 = tpu.memref_slice %arg4[%add3A_214] : memref<163840xi32, #tpu.memory_space<hbm>> -> memref<80xi32, #tpu.memory_space<hbm>>
        %dma_wait3A_343 = tpu.memref_slice %arg4[%add3A_214] : memref<163840xi32, #tpu.memory_space<hbm>> -> memref<80xi32, #tpu.memory_space<hbm>>
        tpu.wait_dma2 semaphore(%arg21 : memref<!tpu.dma_semaphore, #tpu.memory_space<semaphore_mem>>) src(%dma_wait3A_343 : memref<80xi32, #tpu.memory_space<hbm>>) dst(%arg9 : memref<80xi32, #tpu.memory_space<vmem>>)
        %dma_start3A_344 = arith.constant 0 : i32
        %dma_start3A_345 = arith.constant 0 : i32
        %dma_start3A_346 = tpu.memref_slice %arg5[%dma_start3A_344, %dma_start3A_345] : memref<1440x128xf32, #tpu.memory_space<hbm>> -> memref<1440x128xf32, #tpu.memory_space<hbm>>
        tpu.enqueue_indirect_dma source(%dma_start3A_346 : memref<1440x128xf32, #tpu.memory_space<hbm>>) target(%arg16 : memref<80x128xf32, #tpu.memory_space<vmem>>) offsets(%arg13 : memref<80xi32, #tpu.memory_space<vmem>>) semaphore(%arg19 : memref<!tpu.dma_semaphore, #tpu.memory_space<semaphore_mem>>)
      } else {
      }
      %dma_wait3A_230 = arith.constant 0 : i32
      %dma_wait3A_231 = arith.constant 0 : i32
      %dma_wait3A_232 = tpu.memref_slice %arg5[%dma_wait3A_230, %dma_wait3A_231] : memref<1440x128xf32, #tpu.memory_space<hbm>> -> memref<1440x128xf32, #tpu.memory_space<hbm>>
      tpu.wait_indirect_dma semaphore(%arg20 : memref<!tpu.dma_semaphore, #tpu.memory_space<semaphore_mem>>) src(%dma_wait3A_232 : memref<1440x128xf32, #tpu.memory_space<hbm>>) dst(%arg17 : memref<80x128xf32, #tpu.memory_space<vmem>>)
      "tpu.region"() ({
        %run_scoped3A = tpu.sem_alloc : memref<!tpu.dma_semaphore, #tpu.memory_space<semaphore_mem>>
        %dma_start3A_242 = arith.constant 0 : i32
        %dma_start3A_243 = arith.constant 0 : i32
        %dma_start3A_244 = tpu.memref_slice %arg18[%dma_start3A_242, %dma_start3A_243] : memref<10112x128xf32, #tpu.memory_space<vmem_shared>> -> memref<10112x128xf32, #tpu.memory_space<vmem_shared>>
        tpu.enqueue_indirect_dma source(%arg17 : memref<80x128xf32, #tpu.memory_space<vmem>>) target(%dma_start3A_244 : memref<10112x128xf32, #tpu.memory_space<vmem_shared>>) offsets(%arg11 : memref<80xi32, #tpu.memory_space<vmem>>) semaphore(%run_scoped3A : memref<!tpu.dma_semaphore, #tpu.memory_space<semaphore_mem>>) {add = true}
        %dma_wait3A_245 = arith.constant 0 : i32
        %dma_wait3A_246 = arith.constant 0 : i32
        %dma_wait3A_247 = tpu.memref_slice %arg18[%dma_wait3A_245, %dma_wait3A_246] : memref<10112x128xf32, #tpu.memory_space<vmem_shared>> -> memref<10112x128xf32, #tpu.memory_space<vmem_shared>>
        tpu.wait_indirect_dma semaphore(%run_scoped3A : memref<!tpu.dma_semaphore, #tpu.memory_space<semaphore_mem>>) src(%arg17 : memref<80x128xf32, #tpu.memory_space<vmem>>) dst(%dma_wait3A_247 : memref<10112x128xf32, #tpu.memory_space<vmem_shared>>)
        tpu.yield
      }) : () -> ()
      %mul3A_233 = arith.constant 2 : i32
      %mul3A_234 = arith.muli %mul3A_233, %scan3A_207 : i32
      %add3A_235 = arith.constant 3 : i32
      %add3A_236 = arith.addi %mul3A_234, %add3A_235 : i32
      %lt3A_237 = arith.constant 64 : i32
      %lt3A_238 = arith.cmpi slt, %add3A_236, %lt3A_237 : i32
      %convert_element_type3A_239 = arith.extui %lt3A_238 : i1 to i32
      %cond3A_240 = arith.constant 0 : i32
      %cond3A_241 = arith.cmpi ne, %convert_element_type3A_239, %cond3A_240 : i32
      scf.if %cond3A_241 {
        %dma_start3A_242 = tpu.memref_slice %arg2[%add3A_221] : memref<163840xi32, #tpu.memory_space<hbm>> -> memref<80xi32, #tpu.memory_space<hbm>>
        %dma_start3A_243 = tpu.memref_slice %arg2[%add3A_221] : memref<163840xi32, #tpu.memory_space<hbm>> -> memref<80xi32, #tpu.memory_space<hbm>>
        tpu.enqueue_dma source(%dma_start3A_243 : memref<80xi32, #tpu.memory_space<hbm>>) target(%arg11 : memref<80xi32, #tpu.memory_space<vmem>>) target_semaphore(%arg22 : memref<!tpu.dma_semaphore, #tpu.memory_space<semaphore_mem>>)
        %dma_start3A_244 = tpu.memref_slice %arg3[%add3A_221] : memref<163840xi32, #tpu.memory_space<hbm>> -> memref<80xi32, #tpu.memory_space<hbm>>
        %dma_start3A_245 = tpu.memref_slice %arg3[%add3A_221] : memref<163840xi32, #tpu.memory_space<hbm>> -> memref<80xi32, #tpu.memory_space<hbm>>
        tpu.enqueue_dma source(%dma_start3A_245 : memref<80xi32, #tpu.memory_space<hbm>>) target(%arg12 : memref<80xi32, #tpu.memory_space<vmem>>) target_semaphore(%arg22 : memref<!tpu.dma_semaphore, #tpu.memory_space<semaphore_mem>>)
        %dma_wait3A_246 = tpu.memref_slice %arg2[%add3A_221] : memref<163840xi32, #tpu.memory_space<hbm>> -> memref<80xi32, #tpu.memory_space<hbm>>
        %dma_wait3A_247 = tpu.memref_slice %arg2[%add3A_221] : memref<163840xi32, #tpu.memory_space<hbm>> -> memref<80xi32, #tpu.memory_space<hbm>>
        tpu.wait_dma2 semaphore(%arg22 : memref<!tpu.dma_semaphore, #tpu.memory_space<semaphore_mem>>) src(%dma_wait3A_247 : memref<80xi32, #tpu.memory_space<hbm>>) dst(%arg11 : memref<80xi32, #tpu.memory_space<vmem>>)
        %dma_wait3A_248 = tpu.memref_slice %arg3[%add3A_221] : memref<163840xi32, #tpu.memory_space<hbm>> -> memref<80xi32, #tpu.memory_space<hbm>>
        %dma_wait3A_249 = tpu.memref_slice %arg3[%add3A_221] : memref<163840xi32, #tpu.memory_space<hbm>> -> memref<80xi32, #tpu.memory_space<hbm>>
        tpu.wait_dma2 semaphore(%arg22 : memref<!tpu.dma_semaphore, #tpu.memory_space<semaphore_mem>>) src(%dma_wait3A_249 : memref<80xi32, #tpu.memory_space<hbm>>) dst(%arg12 : memref<80xi32, #tpu.memory_space<vmem>>)
        %get3A_250 = arith.constant 0 : index
        %get3A_251 = tpu.vector_load %arg11[%get3A_250] {strides = array<i32>} : memref<80xi32, #tpu.memory_space<vmem>>, vector<16xi32>,
        %get3A_252 = vector.shape_cast %get3A_251 : vector<16xi32> to vector<16xi32>
        %mul3A_253 = arith.constant 3 : i32
        %mul3A_254 = vector.broadcast %mul3A_253 : i32 to vector<16xi32>
        %mul3A_255 = arith.muli %get3A_252, %mul3A_254 : vector<16xi32>
        %get3A_256 = arith.constant 0 : index
        %get3A_257 = tpu.vector_load %arg12[%get3A_256] {strides = array<i32>} : memref<80xi32, #tpu.memory_space<vmem>>, vector<16xi32>,
        %get3A_258 = vector.shape_cast %get3A_257 : vector<16xi32> to vector<16xi32>
        %add3A_259 = arith.addi %mul3A_255, %get3A_258 : vector<16xi32>
        %get3A_260 = arith.constant 0 : index
        %get3A_261 = tpu.vector_load %arg15[%get3A_260] {strides = array<i32>} : memref<80xi32, #tpu.memory_space<vmem>>, vector<16xi32>,
        %get3A_262 = vector.shape_cast %get3A_261 : vector<16xi32> to vector<16xi32>
        %add3A_263 = arith.addi %add3A_259, %get3A_262 : vector<16xi32>
        %swap3A_264 = arith.constant 0 : index
        %swap3A_265 = tpu.vector_load %arg14[%swap3A_264] {strides = array<i32>} : memref<80xi32, #tpu.memory_space<vmem>>, vector<16xi32>,
        %swap3A_266 = vector.shape_cast %swap3A_265 : vector<16xi32> to vector<16xi32>
        %swap3A_267 = vector.shape_cast %add3A_263 : vector<16xi32> to vector<16xi32>
        tpu.vector_store %arg14[%swap3A_264], %swap3A_267 {strides = array<i32>} : memref<80xi32, #tpu.memory_space<vmem>>, vector<16xi32>,
        %get3A_268 = arith.constant 16 : index
        %get3A_269 = tpu.vector_load %arg11[%get3A_268] {strides = array<i32>} : memref<80xi32, #tpu.memory_space<vmem>>, vector<16xi32>,
        %get3A_270 = vector.shape_cast %get3A_269 : vector<16xi32> to vector<16xi32>
        %mul3A_271 = arith.constant 3 : i32
        %mul3A_272 = vector.broadcast %mul3A_271 : i32 to vector<16xi32>
        %mul3A_273 = arith.muli %get3A_270, %mul3A_272 : vector<16xi32>
        %get3A_274 = arith.constant 16 : index
        %get3A_275 = tpu.vector_load %arg12[%get3A_274] {strides = array<i32>} : memref<80xi32, #tpu.memory_space<vmem>>, vector<16xi32>,
        %get3A_276 = vector.shape_cast %get3A_275 : vector<16xi32> to vector<16xi32>
        %add3A_277 = arith.addi %mul3A_273, %get3A_276 : vector<16xi32>
        %get3A_278 = arith.constant 16 : index
        %get3A_279 = tpu.vector_load %arg15[%get3A_278] {strides = array<i32>} : memref<80xi32, #tpu.memory_space<vmem>>, vector<16xi32>,
        %get3A_280 = vector.shape_cast %get3A_279 : vector<16xi32> to vector<16xi32>
        %add3A_281 = arith.addi %add3A_277, %get3A_280 : vector<16xi32>
        %swap3A_282 = arith.constant 16 : index
        %swap3A_283 = tpu.vector_load %arg14[%swap3A_282] {strides = array<i32>} : memref<80xi32, #tpu.memory_space<vmem>>, vector<16xi32>,
        %swap3A_284 = vector.shape_cast %swap3A_283 : vector<16xi32> to vector<16xi32>
        %swap3A_285 = vector.shape_cast %add3A_281 : vector<16xi32> to vector<16xi32>
        tpu.vector_store %arg14[%swap3A_282], %swap3A_285 {strides = array<i32>} : memref<80xi32, #tpu.memory_space<vmem>>, vector<16xi32>,
        %get3A_286 = arith.constant 32 : index
        %get3A_287 = tpu.vector_load %arg11[%get3A_286] {strides = array<i32>} : memref<80xi32, #tpu.memory_space<vmem>>, vector<16xi32>,
        %get3A_288 = vector.shape_cast %get3A_287 : vector<16xi32> to vector<16xi32>
        %mul3A_289 = arith.constant 3 : i32
        %mul3A_290 = vector.broadcast %mul3A_289 : i32 to vector<16xi32>
        %mul3A_291 = arith.muli %get3A_288, %mul3A_290 : vector<16xi32>
        %get3A_292 = arith.constant 32 : index
        %get3A_293 = tpu.vector_load %arg12[%get3A_292] {strides = array<i32>} : memref<80xi32, #tpu.memory_space<vmem>>, vector<16xi32>,
        %get3A_294 = vector.shape_cast %get3A_293 : vector<16xi32> to vector<16xi32>
        %add3A_295 = arith.addi %mul3A_291, %get3A_294 : vector<16xi32>
        %get3A_296 = arith.constant 32 : index
        %get3A_297 = tpu.vector_load %arg15[%get3A_296] {strides = array<i32>} : memref<80xi32, #tpu.memory_space<vmem>>, vector<16xi32>,
        %get3A_298 = vector.shape_cast %get3A_297 : vector<16xi32> to vector<16xi32>
        %add3A_299 = arith.addi %add3A_295, %get3A_298 : vector<16xi32>
        %swap3A_300 = arith.constant 32 : index
        %swap3A_301 = tpu.vector_load %arg14[%swap3A_300] {strides = array<i32>} : memref<80xi32, #tpu.memory_space<vmem>>, vector<16xi32>,
        %swap3A_302 = vector.shape_cast %swap3A_301 : vector<16xi32> to vector<16xi32>
        %swap3A_303 = vector.shape_cast %add3A_299 : vector<16xi32> to vector<16xi32>
        tpu.vector_store %arg14[%swap3A_300], %swap3A_303 {strides = array<i32>} : memref<80xi32, #tpu.memory_space<vmem>>, vector<16xi32>,
        %get3A_304 = arith.constant 48 : index
        %get3A_305 = tpu.vector_load %arg11[%get3A_304] {strides = array<i32>} : memref<80xi32, #tpu.memory_space<vmem>>, vector<16xi32>,
        %get3A_306 = vector.shape_cast %get3A_305 : vector<16xi32> to vector<16xi32>
        %mul3A_307 = arith.constant 3 : i32
        %mul3A_308 = vector.broadcast %mul3A_307 : i32 to vector<16xi32>
        %mul3A_309 = arith.muli %get3A_306, %mul3A_308 : vector<16xi32>
        %get3A_310 = arith.constant 48 : index
        %get3A_311 = tpu.vector_load %arg12[%get3A_310] {strides = array<i32>} : memref<80xi32, #tpu.memory_space<vmem>>, vector<16xi32>,
        %get3A_312 = vector.shape_cast %get3A_311 : vector<16xi32> to vector<16xi32>
        %add3A_313 = arith.addi %mul3A_309, %get3A_312 : vector<16xi32>
        %get3A_314 = arith.constant 48 : index
        %get3A_315 = tpu.vector_load %arg15[%get3A_314] {strides = array<i32>} : memref<80xi32, #tpu.memory_space<vmem>>, vector<16xi32>,
        %get3A_316 = vector.shape_cast %get3A_315 : vector<16xi32> to vector<16xi32>
        %add3A_317 = arith.addi %add3A_313, %get3A_316 : vector<16xi32>
        %swap3A_318 = arith.constant 48 : index
        %swap3A_319 = tpu.vector_load %arg14[%swap3A_318] {strides = array<i32>} : memref<80xi32, #tpu.memory_space<vmem>>, vector<16xi32>,
        %swap3A_320 = vector.shape_cast %swap3A_319 : vector<16xi32> to vector<16xi32>
        %swap3A_321 = vector.shape_cast %add3A_317 : vector<16xi32> to vector<16xi32>
        tpu.vector_store %arg14[%swap3A_318], %swap3A_321 {strides = array<i32>} : memref<80xi32, #tpu.memory_space<vmem>>, vector<16xi32>,
        %get3A_322 = arith.constant 64 : index
        %get3A_323 = tpu.vector_load %arg11[%get3A_322] {strides = array<i32>} : memref<80xi32, #tpu.memory_space<vmem>>, vector<16xi32>,
        %get3A_324 = vector.shape_cast %get3A_323 : vector<16xi32> to vector<16xi32>
        %mul3A_325 = arith.constant 3 : i32
        %mul3A_326 = vector.broadcast %mul3A_325 : i32 to vector<16xi32>
        %mul3A_327 = arith.muli %get3A_324, %mul3A_326 : vector<16xi32>
        %get3A_328 = arith.constant 64 : index
        %get3A_329 = tpu.vector_load %arg12[%get3A_328] {strides = array<i32>} : memref<80xi32, #tpu.memory_space<vmem>>, vector<16xi32>,
        %get3A_330 = vector.shape_cast %get3A_329 : vector<16xi32> to vector<16xi32>
        %add3A_331 = arith.addi %mul3A_327, %get3A_330 : vector<16xi32>
        %get3A_332 = arith.constant 64 : index
        %get3A_333 = tpu.vector_load %arg15[%get3A_332] {strides = array<i32>} : memref<80xi32, #tpu.memory_space<vmem>>, vector<16xi32>,
        %get3A_334 = vector.shape_cast %get3A_333 : vector<16xi32> to vector<16xi32>
        %add3A_335 = arith.addi %add3A_331, %get3A_334 : vector<16xi32>
        %swap3A_336 = arith.constant 64 : index
        %swap3A_337 = tpu.vector_load %arg14[%swap3A_336] {strides = array<i32>} : memref<80xi32, #tpu.memory_space<vmem>>, vector<16xi32>,
        %swap3A_338 = vector.shape_cast %swap3A_337 : vector<16xi32> to vector<16xi32>
        %swap3A_339 = vector.shape_cast %add3A_335 : vector<16xi32> to vector<16xi32>
        tpu.vector_store %arg14[%swap3A_336], %swap3A_339 {strides = array<i32>} : memref<80xi32, #tpu.memory_space<vmem>>, vector<16xi32>,
        %dma_start3A_340 = tpu.memref_slice %arg4[%add3A_221] : memref<163840xi32, #tpu.memory_space<hbm>> -> memref<80xi32, #tpu.memory_space<hbm>>
        %dma_start3A_341 = tpu.memref_slice %arg4[%add3A_221] : memref<163840xi32, #tpu.memory_space<hbm>> -> memref<80xi32, #tpu.memory_space<hbm>>
        tpu.enqueue_dma source(%dma_start3A_341 : memref<80xi32, #tpu.memory_space<hbm>>) target(%arg11 : memref<80xi32, #tpu.memory_space<vmem>>) target_semaphore(%arg22 : memref<!tpu.dma_semaphore, #tpu.memory_space<semaphore_mem>>)
        %dma_wait3A_342 = tpu.memref_slice %arg4[%add3A_221] : memref<163840xi32, #tpu.memory_space<hbm>> -> memref<80xi32, #tpu.memory_space<hbm>>
        %dma_wait3A_343 = tpu.memref_slice %arg4[%add3A_221] : memref<163840xi32, #tpu.memory_space<hbm>> -> memref<80xi32, #tpu.memory_space<hbm>>
        tpu.wait_dma2 semaphore(%arg22 : memref<!tpu.dma_semaphore, #tpu.memory_space<semaphore_mem>>) src(%dma_wait3A_343 : memref<80xi32, #tpu.memory_space<hbm>>) dst(%arg11 : memref<80xi32, #tpu.memory_space<vmem>>)
        %dma_start3A_344 = arith.constant 0 : i32
        %dma_start3A_345 = arith.constant 0 : i32
        %dma_start3A_346 = tpu.memref_slice %arg5[%dma_start3A_344, %dma_start3A_345] : memref<1440x128xf32, #tpu.memory_space<hbm>> -> memref<1440x128xf32, #tpu.memory_space<hbm>>
        tpu.enqueue_indirect_dma source(%dma_start3A_346 : memref<1440x128xf32, #tpu.memory_space<hbm>>) target(%arg17 : memref<80x128xf32, #tpu.memory_space<vmem>>) offsets(%arg14 : memref<80xi32, #tpu.memory_space<vmem>>) semaphore(%arg20 : memref<!tpu.dma_semaphore, #tpu.memory_space<semaphore_mem>>)
      } else {
      }
    }
    %scan3A_198 = arith.constant 32 : i32
    %barrier3A_199 = arith.constant 0 : index
    tpu.barrier barrier_id(%barrier3A_199)
    %mul3A_200 = arith.constant 632 : i32
    %mul3A_201 = arith.muli %arg1, %mul3A_200 : i32
    %mul3A_202 = arith.constant 10112 : i32
    %mul3A_203 = arith.muli %arg0, %mul3A_202 : i32
    %mul3A_204 = arith.constant 632 : i32
    %mul3A_205 = arith.muli %arg1, %mul3A_204 : i32
    %add3A_206 = arith.addi %mul3A_203, %mul3A_205 : i32
    "tpu.region"() ({
      %run_scoped3A = tpu.sem_alloc : memref<!tpu.dma_semaphore, #tpu.memory_space<semaphore_mem>>
      %dma_start3A_207 = arith.constant 0 : i32
      %dma_start3A_208 = tpu.memref_slice %arg8[%add3A_206, %dma_start3A_207] : memref<20224x128xf32, #tpu.memory_space<hbm>> -> memref<632x128xf32, #tpu.memory_space<hbm>>
      %dma_start3A_209 = arith.constant 0 : i32
      %dma_start3A_210 = tpu.memref_slice %arg18[%mul3A_201, %dma_start3A_209] : memref<10112x128xf32, #tpu.memory_space<vmem_shared>> -> memref<632x128xf32, #tpu.memory_space<vmem_shared>>
      tpu.enqueue_dma source(%dma_start3A_210 : memref<632x128xf32, #tpu.memory_space<vmem_shared>>) target(%dma_start3A_208 : memref<632x128xf32, #tpu.memory_space<hbm>>) target_semaphore(%run_scoped3A : memref<!tpu.dma_semaphore, #tpu.memory_space<semaphore_mem>>)
      %dma_wait3A = arith.constant 0 : i32
      %dma_wait3A_211 = tpu.memref_slice %arg8[%add3A_206, %dma_wait3A] : memref<20224x128xf32, #tpu.memory_space<hbm>> -> memref<632x128xf32, #tpu.memory_space<hbm>>
      %dma_wait3A_212 = arith.constant 0 : i32
      %dma_wait3A_213 = tpu.memref_slice %arg18[%mul3A_201, %dma_wait3A_212] : memref<10112x128xf32, #tpu.memory_space<vmem_shared>> -> memref<632x128xf32, #tpu.memory_space<vmem_shared>>
      tpu.wait_dma2 semaphore(%run_scoped3A : memref<!tpu.dma_semaphore, #tpu.memory_space<semaphore_mem>>) src(%dma_wait3A_213 : memref<632x128xf32, #tpu.memory_space<vmem_shared>>) dst(%dma_wait3A_211 : memref<632x128xf32, #tpu.memory_space<hbm>>)
      tpu.yield
    }) : () -> ()
    return
  }
}

#map = affine_map<(d0, d1) -> (0, 0)>
#map1 = affine_map<(d0, d1) -> (0)>
module attributes {stable_mosaic.version = 14 : i64} {
  func.func @segsum(%arg0: i32, %arg1: i32, %arg2: memref<10000x128xf32, #tpu.memory_space<hbm>>, %arg3: memref<10000x128xf32, #tpu.memory_space<hbm>>, %arg4: memref<160000xi32, #tpu.memory_space<hbm>>, %arg5: memref<160000xi32, #tpu.memory_space<hbm>>, %arg6: memref<640x128xf32, #tpu.memory_space<hbm>>, %arg7: memref<10240x128xf32, #tpu.memory_space<hbm>>, %arg8: memref<10240x128xf32, #tpu.memory_space<hbm>>, %arg9: memref<80xi32, #tpu.memory_space<vmem>>, %arg10: memref<80xi32, #tpu.memory_space<vmem>>, %arg11: memref<80xi32, #tpu.memory_space<vmem>>, %arg12: memref<80xi32, #tpu.memory_space<vmem>>, %arg13: memref<80x128xf32, #tpu.memory_space<vmem>>, %arg14: memref<80x128xf32, #tpu.memory_space<vmem>>, %arg15: memref<10240x128xf32, #tpu.memory_space<vmem_shared>>, %arg16: memref<!tpu.dma_semaphore, #tpu.memory_space<semaphore_mem>>, %arg17: memref<!tpu.dma_semaphore, #tpu.memory_space<semaphore_mem>>, %arg18: memref<!tpu.dma_semaphore, #tpu.memory_space<semaphore_mem>>, %arg19: memref<!tpu.dma_semaphore, #tpu.memory_space<semaphore_mem>>) attributes {dimension_semantics = [#tpu.dimension_semantics<core_parallel>, #tpu.dimension_semantics<subcore_parallel>], iteration_bounds = array<i64: 2, 16>, scalar_prefetch = 0 : i64, scratch_operands = 11 : i64, tpu.core_type = #tpu.core_type<sc_vector_subcore>, window_params = [{transform_indices = #map}, {transform_indices = #map}, {transform_indices = #map1}, {transform_indices = #map1}, {transform_indices = #map}, {transform_indices = #map}, {transform_indices = #map}]} {
    %mul3A = arith.constant 640 : i32
    %mul3A_0 = arith.muli %arg1, %mul3A : i32
    "tpu.region"() ({
      %run_scoped3A = tpu.sem_alloc : memref<!tpu.dma_semaphore, #tpu.memory_space<semaphore_mem>>
      %dma_start3A = arith.constant 0 : i32
      %dma_start3A_21 = tpu.memref_slice %arg15[%mul3A_0, %dma_start3A] : memref<10240x128xf32, #tpu.memory_space<vmem_shared>> -> memref<640x128xf32, #tpu.memory_space<vmem_shared>>
      tpu.enqueue_dma source(%arg6 : memref<640x128xf32, #tpu.memory_space<hbm>>) target(%dma_start3A_21 : memref<640x128xf32, #tpu.memory_space<vmem_shared>>) target_semaphore(%run_scoped3A : memref<!tpu.dma_semaphore, #tpu.memory_space<semaphore_mem>>)
      %dma_wait3A = arith.constant 0 : i32
      %dma_wait3A_22 = tpu.memref_slice %arg15[%mul3A_0, %dma_wait3A] : memref<10240x128xf32, #tpu.memory_space<vmem_shared>> -> memref<640x128xf32, #tpu.memory_space<vmem_shared>>
      tpu.wait_dma2 semaphore(%run_scoped3A : memref<!tpu.dma_semaphore, #tpu.memory_space<semaphore_mem>>) src(%arg6 : memref<640x128xf32, #tpu.memory_space<hbm>>) dst(%dma_wait3A_22 : memref<640x128xf32, #tpu.memory_space<vmem_shared>>)
      tpu.yield
    }) : () -> ()
    %barrier3A = arith.constant 0 : index
    tpu.barrier barrier_id(%barrier3A)
    %eq3A = arith.constant 0 : i32
    %eq3A_1 = arith.cmpi eq, %arg0, %eq3A : i32
    %convert_element_type3A = arith.extui %eq3A_1 : i1 to i32
    %cond3A = arith.constant 0 : i32
    %cond3A_2 = arith.cmpi ne, %convert_element_type3A, %cond3A : i32
    scf.if %cond3A_2 {
      %mul3A_21 = arith.constant 10000 : i32
      %mul3A_22 = arith.muli %arg1, %mul3A_21 : i32
      "tpu.region"() ({
        %run_scoped3A = tpu.sem_alloc : memref<!tpu.dma_semaphore, #tpu.memory_space<semaphore_mem>>
        %dma_start3A_38 = tpu.memref_slice %arg4[%mul3A_22] : memref<160000xi32, #tpu.memory_space<hbm>> -> memref<80xi32, #tpu.memory_space<hbm>>
        %dma_start3A_39 = tpu.memref_slice %arg4[%mul3A_22] : memref<160000xi32, #tpu.memory_space<hbm>> -> memref<80xi32, #tpu.memory_space<hbm>>
        tpu.enqueue_dma source(%dma_start3A_39 : memref<80xi32, #tpu.memory_space<hbm>>) target(%arg9 : memref<80xi32, #tpu.memory_space<vmem>>) target_semaphore(%run_scoped3A : memref<!tpu.dma_semaphore, #tpu.memory_space<semaphore_mem>>)
        %dma_wait3A_40 = tpu.memref_slice %arg4[%mul3A_22] : memref<160000xi32, #tpu.memory_space<hbm>> -> memref<80xi32, #tpu.memory_space<hbm>>
        %dma_wait3A_41 = tpu.memref_slice %arg4[%mul3A_22] : memref<160000xi32, #tpu.memory_space<hbm>> -> memref<80xi32, #tpu.memory_space<hbm>>
        tpu.wait_dma2 semaphore(%run_scoped3A : memref<!tpu.dma_semaphore, #tpu.memory_space<semaphore_mem>>) src(%dma_wait3A_41 : memref<80xi32, #tpu.memory_space<hbm>>) dst(%arg9 : memref<80xi32, #tpu.memory_space<vmem>>)
        tpu.yield
      }) : () -> ()
      "tpu.region"() ({
        %run_scoped3A = tpu.sem_alloc : memref<!tpu.dma_semaphore, #tpu.memory_space<semaphore_mem>>
        %dma_start3A_38 = tpu.memref_slice %arg5[%mul3A_22] : memref<160000xi32, #tpu.memory_space<hbm>> -> memref<80xi32, #tpu.memory_space<hbm>>
        %dma_start3A_39 = tpu.memref_slice %arg5[%mul3A_22] : memref<160000xi32, #tpu.memory_space<hbm>> -> memref<80xi32, #tpu.memory_space<hbm>>
        tpu.enqueue_dma source(%dma_start3A_39 : memref<80xi32, #tpu.memory_space<hbm>>) target(%arg10 : memref<80xi32, #tpu.memory_space<vmem>>) target_semaphore(%run_scoped3A : memref<!tpu.dma_semaphore, #tpu.memory_space<semaphore_mem>>)
        %dma_wait3A_40 = tpu.memref_slice %arg5[%mul3A_22] : memref<160000xi32, #tpu.memory_space<hbm>> -> memref<80xi32, #tpu.memory_space<hbm>>
        %dma_wait3A_41 = tpu.memref_slice %arg5[%mul3A_22] : memref<160000xi32, #tpu.memory_space<hbm>> -> memref<80xi32, #tpu.memory_space<hbm>>
        tpu.wait_dma2 semaphore(%run_scoped3A : memref<!tpu.dma_semaphore, #tpu.memory_space<semaphore_mem>>) src(%dma_wait3A_41 : memref<80xi32, #tpu.memory_space<hbm>>) dst(%arg10 : memref<80xi32, #tpu.memory_space<vmem>>)
        tpu.yield
      }) : () -> ()
      %add3A = arith.constant 80 : i32
      %add3A_23 = arith.addi %mul3A_22, %add3A : i32
      "tpu.region"() ({
        %run_scoped3A = tpu.sem_alloc : memref<!tpu.dma_semaphore, #tpu.memory_space<semaphore_mem>>
        %dma_start3A_38 = tpu.memref_slice %arg4[%add3A_23] : memref<160000xi32, #tpu.memory_space<hbm>> -> memref<80xi32, #tpu.memory_space<hbm>>
        %dma_start3A_39 = tpu.memref_slice %arg4[%add3A_23] : memref<160000xi32, #tpu.memory_space<hbm>> -> memref<80xi32, #tpu.memory_space<hbm>>
        tpu.enqueue_dma source(%dma_start3A_39 : memref<80xi32, #tpu.memory_space<hbm>>) target(%arg11 : memref<80xi32, #tpu.memory_space<vmem>>) target_semaphore(%run_scoped3A : memref<!tpu.dma_semaphore, #tpu.memory_space<semaphore_mem>>)
        %dma_wait3A_40 = tpu.memref_slice %arg4[%add3A_23] : memref<160000xi32, #tpu.memory_space<hbm>> -> memref<80xi32, #tpu.memory_space<hbm>>
        %dma_wait3A_41 = tpu.memref_slice %arg4[%add3A_23] : memref<160000xi32, #tpu.memory_space<hbm>> -> memref<80xi32, #tpu.memory_space<hbm>>
        tpu.wait_dma2 semaphore(%run_scoped3A : memref<!tpu.dma_semaphore, #tpu.memory_space<semaphore_mem>>) src(%dma_wait3A_41 : memref<80xi32, #tpu.memory_space<hbm>>) dst(%arg11 : memref<80xi32, #tpu.memory_space<vmem>>)
        tpu.yield
      }) : () -> ()
      %add3A_24 = arith.constant 80 : i32
      %add3A_25 = arith.addi %mul3A_22, %add3A_24 : i32
      "tpu.region"() ({
        %run_scoped3A = tpu.sem_alloc : memref<!tpu.dma_semaphore, #tpu.memory_space<semaphore_mem>>
        %dma_start3A_38 = tpu.memref_slice %arg5[%add3A_25] : memref<160000xi32, #tpu.memory_space<hbm>> -> memref<80xi32, #tpu.memory_space<hbm>>
        %dma_start3A_39 = tpu.memref_slice %arg5[%add3A_25] : memref<160000xi32, #tpu.memory_space<hbm>> -> memref<80xi32, #tpu.memory_space<hbm>>
        tpu.enqueue_dma source(%dma_start3A_39 : memref<80xi32, #tpu.memory_space<hbm>>) target(%arg12 : memref<80xi32, #tpu.memory_space<vmem>>) target_semaphore(%run_scoped3A : memref<!tpu.dma_semaphore, #tpu.memory_space<semaphore_mem>>)
        %dma_wait3A_40 = tpu.memref_slice %arg5[%add3A_25] : memref<160000xi32, #tpu.memory_space<hbm>> -> memref<80xi32, #tpu.memory_space<hbm>>
        %dma_wait3A_41 = tpu.memref_slice %arg5[%add3A_25] : memref<160000xi32, #tpu.memory_space<hbm>> -> memref<80xi32, #tpu.memory_space<hbm>>
        tpu.wait_dma2 semaphore(%run_scoped3A : memref<!tpu.dma_semaphore, #tpu.memory_space<semaphore_mem>>) src(%dma_wait3A_41 : memref<80xi32, #tpu.memory_space<hbm>>) dst(%arg12 : memref<80xi32, #tpu.memory_space<vmem>>)
        tpu.yield
      }) : () -> ()
      %dma_start3A = arith.constant 0 : i32
      %dma_start3A_26 = arith.constant 0 : i32
      %dma_start3A_27 = tpu.memref_slice %arg2[%dma_start3A, %dma_start3A_26] : memref<10000x128xf32, #tpu.memory_space<hbm>> -> memref<10000x128xf32, #tpu.memory_space<hbm>>
      tpu.enqueue_indirect_dma source(%dma_start3A_27 : memref<10000x128xf32, #tpu.memory_space<hbm>>) target(%arg13 : memref<80x128xf32, #tpu.memory_space<vmem>>) offsets(%arg9 : memref<80xi32, #tpu.memory_space<vmem>>) semaphore(%arg16 : memref<!tpu.dma_semaphore, #tpu.memory_space<semaphore_mem>>)
      %dma_start3A_28 = arith.constant 0 : i32
      %dma_start3A_29 = arith.constant 0 : i32
      %dma_start3A_30 = tpu.memref_slice %arg2[%dma_start3A_28, %dma_start3A_29] : memref<10000x128xf32, #tpu.memory_space<hbm>> -> memref<10000x128xf32, #tpu.memory_space<hbm>>
      tpu.enqueue_indirect_dma source(%dma_start3A_30 : memref<10000x128xf32, #tpu.memory_space<hbm>>) target(%arg14 : memref<80x128xf32, #tpu.memory_space<vmem>>) offsets(%arg11 : memref<80xi32, #tpu.memory_space<vmem>>) semaphore(%arg17 : memref<!tpu.dma_semaphore, #tpu.memory_space<semaphore_mem>>)
      %scan3A = arith.constant 0 : i32
      %scan3A_31 = arith.constant 0 : i32
      %scan3A_32 = arith.constant 62 : i32
      %scan3A_33 = arith.addi %scan3A_31, %scan3A_32 : i32
      %scan3A_34 = arith.constant 1 : i32
      scf.for %scan3A_38 = %scan3A_31 to %scan3A_33 step %scan3A_34  : i32 {
        %mul3A_39 = arith.constant 2 : i32
        %mul3A_40 = arith.muli %mul3A_39, %scan3A_38 : i32
        %add3A_41 = arith.constant 1 : i32
        %add3A_42 = arith.addi %mul3A_40, %add3A_41 : i32
        %mul3A_43 = arith.constant 10000 : i32
        %mul3A_44 = arith.muli %arg1, %mul3A_43 : i32
        %add3A_45 = arith.constant 2 : i32
        %add3A_46 = arith.addi %mul3A_40, %add3A_45 : i32
        %mul3A_47 = arith.constant 80 : i32
        %mul3A_48 = arith.muli %add3A_46, %mul3A_47 : i32
        %add3A_49 = arith.addi %mul3A_44, %mul3A_48 : i32
        %dma_wait3A_50 = arith.constant 0 : i32
        %dma_wait3A_51 = arith.constant 0 : i32
        %dma_wait3A_52 = tpu.memref_slice %arg2[%dma_wait3A_50, %dma_wait3A_51] : memref<10000x128xf32, #tpu.memory_space<hbm>> -> memref<10000x128xf32, #tpu.memory_space<hbm>>
        tpu.wait_indirect_dma semaphore(%arg16 : memref<!tpu.dma_semaphore, #tpu.memory_space<semaphore_mem>>) src(%dma_wait3A_52 : memref<10000x128xf32, #tpu.memory_space<hbm>>) dst(%arg13 : memref<80x128xf32, #tpu.memory_space<vmem>>)
        %dma_start3A_53 = tpu.memref_slice %arg4[%add3A_49] : memref<160000xi32, #tpu.memory_space<hbm>> -> memref<80xi32, #tpu.memory_space<hbm>>
        %dma_start3A_54 = tpu.memref_slice %arg4[%add3A_49] : memref<160000xi32, #tpu.memory_space<hbm>> -> memref<80xi32, #tpu.memory_space<hbm>>
        tpu.enqueue_dma source(%dma_start3A_54 : memref<80xi32, #tpu.memory_space<hbm>>) target(%arg9 : memref<80xi32, #tpu.memory_space<vmem>>) target_semaphore(%arg18 : memref<!tpu.dma_semaphore, #tpu.memory_space<semaphore_mem>>)
        "tpu.region"() ({
          %run_scoped3A = tpu.sem_alloc : memref<!tpu.dma_semaphore, #tpu.memory_space<semaphore_mem>>
          %dma_start3A_80 = arith.constant 0 : i32
          %dma_start3A_81 = arith.constant 0 : i32
          %dma_start3A_82 = tpu.memref_slice %arg15[%dma_start3A_80, %dma_start3A_81] : memref<10240x128xf32, #tpu.memory_space<vmem_shared>> -> memref<10240x128xf32, #tpu.memory_space<vmem_shared>>
          tpu.enqueue_indirect_dma source(%arg13 : memref<80x128xf32, #tpu.memory_space<vmem>>) target(%dma_start3A_82 : memref<10240x128xf32, #tpu.memory_space<vmem_shared>>) offsets(%arg10 : memref<80xi32, #tpu.memory_space<vmem>>) semaphore(%run_scoped3A : memref<!tpu.dma_semaphore, #tpu.memory_space<semaphore_mem>>) {add = true}
          %dma_wait3A_83 = arith.constant 0 : i32
          %dma_wait3A_84 = arith.constant 0 : i32
          %dma_wait3A_85 = tpu.memref_slice %arg15[%dma_wait3A_83, %dma_wait3A_84] : memref<10240x128xf32, #tpu.memory_space<vmem_shared>> -> memref<10240x128xf32, #tpu.memory_space<vmem_shared>>
          tpu.wait_indirect_dma semaphore(%run_scoped3A : memref<!tpu.dma_semaphore, #tpu.memory_space<semaphore_mem>>) src(%arg13 : memref<80x128xf32, #tpu.memory_space<vmem>>) dst(%dma_wait3A_85 : memref<10240x128xf32, #tpu.memory_space<vmem_shared>>)
          tpu.yield
        }) : () -> ()
        %dma_start3A_55 = tpu.memref_slice %arg5[%add3A_49] : memref<160000xi32, #tpu.memory_space<hbm>> -> memref<80xi32, #tpu.memory_space<hbm>>
        %dma_start3A_56 = tpu.memref_slice %arg5[%add3A_49] : memref<160000xi32, #tpu.memory_space<hbm>> -> memref<80xi32, #tpu.memory_space<hbm>>
        tpu.enqueue_dma source(%dma_start3A_56 : memref<80xi32, #tpu.memory_space<hbm>>) target(%arg10 : memref<80xi32, #tpu.memory_space<vmem>>) target_semaphore(%arg18 : memref<!tpu.dma_semaphore, #tpu.memory_space<semaphore_mem>>)
        %dma_wait3A_57 = tpu.memref_slice %arg4[%add3A_49] : memref<160000xi32, #tpu.memory_space<hbm>> -> memref<80xi32, #tpu.memory_space<hbm>>
        %dma_wait3A_58 = tpu.memref_slice %arg4[%add3A_49] : memref<160000xi32, #tpu.memory_space<hbm>> -> memref<80xi32, #tpu.memory_space<hbm>>
        tpu.wait_dma2 semaphore(%arg18 : memref<!tpu.dma_semaphore, #tpu.memory_space<semaphore_mem>>) src(%dma_wait3A_58 : memref<80xi32, #tpu.memory_space<hbm>>) dst(%arg9 : memref<80xi32, #tpu.memory_space<vmem>>)
        %dma_wait3A_59 = tpu.memref_slice %arg5[%add3A_49] : memref<160000xi32, #tpu.memory_space<hbm>> -> memref<80xi32, #tpu.memory_space<hbm>>
        %dma_wait3A_60 = tpu.memref_slice %arg5[%add3A_49] : memref<160000xi32, #tpu.memory_space<hbm>> -> memref<80xi32, #tpu.memory_space<hbm>>
        tpu.wait_dma2 semaphore(%arg18 : memref<!tpu.dma_semaphore, #tpu.memory_space<semaphore_mem>>) src(%dma_wait3A_60 : memref<80xi32, #tpu.memory_space<hbm>>) dst(%arg10 : memref<80xi32, #tpu.memory_space<vmem>>)
        %dma_start3A_61 = arith.constant 0 : i32
        %dma_start3A_62 = arith.constant 0 : i32
        %dma_start3A_63 = tpu.memref_slice %arg2[%dma_start3A_61, %dma_start3A_62] : memref<10000x128xf32, #tpu.memory_space<hbm>> -> memref<10000x128xf32, #tpu.memory_space<hbm>>
        tpu.enqueue_indirect_dma source(%dma_start3A_63 : memref<10000x128xf32, #tpu.memory_space<hbm>>) target(%arg13 : memref<80x128xf32, #tpu.memory_space<vmem>>) offsets(%arg9 : memref<80xi32, #tpu.memory_space<vmem>>) semaphore(%arg16 : memref<!tpu.dma_semaphore, #tpu.memory_space<semaphore_mem>>)
        %dma_wait3A_64 = arith.constant 0 : i32
        %dma_wait3A_65 = arith.constant 0 : i32
        %dma_wait3A_66 = tpu.memref_slice %arg2[%dma_wait3A_64, %dma_wait3A_65] : memref<10000x128xf32, #tpu.memory_space<hbm>> -> memref<10000x128xf32, #tpu.memory_space<hbm>>
        tpu.wait_indirect_dma semaphore(%arg17 : memref<!tpu.dma_semaphore, #tpu.memory_space<semaphore_mem>>) src(%dma_wait3A_66 : memref<10000x128xf32, #tpu.memory_space<hbm>>) dst(%arg14 : memref<80x128xf32, #tpu.memory_space<vmem>>)
        %add3A_67 = arith.constant 2 : i32
        %add3A_68 = arith.addi %add3A_42, %add3A_67 : i32
        %lt3A = arith.constant 125 : i32
        %lt3A_69 = arith.cmpi slt, %add3A_68, %lt3A : i32
        %convert_element_type3A_70 = arith.extui %lt3A_69 : i1 to i32
        %cond3A_71 = arith.constant 0 : i32
        %cond3A_72 = arith.cmpi ne, %convert_element_type3A_70, %cond3A_71 : i32
        scf.if %cond3A_72 {
          %mul3A_80 = arith.constant 10000 : i32
          %mul3A_81 = arith.muli %arg1, %mul3A_80 : i32
          %add3A_82 = arith.constant 2 : i32
          %add3A_83 = arith.addi %add3A_42, %add3A_82 : i32
          %mul3A_84 = arith.constant 80 : i32
          %mul3A_85 = arith.muli %add3A_83, %mul3A_84 : i32
          %add3A_86 = arith.addi %mul3A_81, %mul3A_85 : i32
          %dma_start3A_87 = tpu.memref_slice %arg4[%add3A_86] : memref<160000xi32, #tpu.memory_space<hbm>> -> memref<80xi32, #tpu.memory_space<hbm>>
          %dma_start3A_88 = tpu.memref_slice %arg4[%add3A_86] : memref<160000xi32, #tpu.memory_space<hbm>> -> memref<80xi32, #tpu.memory_space<hbm>>
          tpu.enqueue_dma source(%dma_start3A_88 : memref<80xi32, #tpu.memory_space<hbm>>) target(%arg11 : memref<80xi32, #tpu.memory_space<vmem>>) target_semaphore(%arg19 : memref<!tpu.dma_semaphore, #tpu.memory_space<semaphore_mem>>)
        } else {
        }
        "tpu.region"() ({
          %run_scoped3A = tpu.sem_alloc : memref<!tpu.dma_semaphore, #tpu.memory_space<semaphore_mem>>
          %dma_start3A_80 = arith.constant 0 : i32
          %dma_start3A_81 = arith.constant 0 : i32
          %dma_start3A_82 = tpu.memref_slice %arg15[%dma_start3A_80, %dma_start3A_81] : memref<10240x128xf32, #tpu.memory_space<vmem_shared>> -> memref<10240x128xf32, #tpu.memory_space<vmem_shared>>
          tpu.enqueue_indirect_dma source(%arg14 : memref<80x128xf32, #tpu.memory_space<vmem>>) target(%dma_start3A_82 : memref<10240x128xf32, #tpu.memory_space<vmem_shared>>) offsets(%arg12 : memref<80xi32, #tpu.memory_space<vmem>>) semaphore(%run_scoped3A : memref<!tpu.dma_semaphore, #tpu.memory_space<semaphore_mem>>) {add = true}
          %dma_wait3A_83 = arith.constant 0 : i32
          %dma_wait3A_84 = arith.constant 0 : i32
          %dma_wait3A_85 = tpu.memref_slice %arg15[%dma_wait3A_83, %dma_wait3A_84] : memref<10240x128xf32, #tpu.memory_space<vmem_shared>> -> memref<10240x128xf32, #tpu.memory_space<vmem_shared>>
          tpu.wait_indirect_dma semaphore(%run_scoped3A : memref<!tpu.dma_semaphore, #tpu.memory_space<semaphore_mem>>) src(%arg14 : memref<80x128xf32, #tpu.memory_space<vmem>>) dst(%dma_wait3A_85 : memref<10240x128xf32, #tpu.memory_space<vmem_shared>>)
          tpu.yield
        }) : () -> ()
        %add3A_73 = arith.constant 2 : i32
        %add3A_74 = arith.addi %add3A_42, %add3A_73 : i32
        %lt3A_75 = arith.constant 125 : i32
        %lt3A_76 = arith.cmpi slt, %add3A_74, %lt3A_75 : i32
        %convert_element_type3A_77 = arith.extui %lt3A_76 : i1 to i32
        %cond3A_78 = arith.constant 0 : i32
        %cond3A_79 = arith.cmpi ne, %convert_element_type3A_77, %cond3A_78 : i32
        scf.if %cond3A_79 {
          %mul3A_80 = arith.constant 10000 : i32
          %mul3A_81 = arith.muli %arg1, %mul3A_80 : i32
          %add3A_82 = arith.constant 2 : i32
          %add3A_83 = arith.addi %add3A_42, %add3A_82 : i32
          %mul3A_84 = arith.constant 80 : i32
          %mul3A_85 = arith.muli %add3A_83, %mul3A_84 : i32
          %add3A_86 = arith.addi %mul3A_81, %mul3A_85 : i32
          %dma_start3A_87 = tpu.memref_slice %arg5[%add3A_86] : memref<160000xi32, #tpu.memory_space<hbm>> -> memref<80xi32, #tpu.memory_space<hbm>>
          %dma_start3A_88 = tpu.memref_slice %arg5[%add3A_86] : memref<160000xi32, #tpu.memory_space<hbm>> -> memref<80xi32, #tpu.memory_space<hbm>>
          tpu.enqueue_dma source(%dma_start3A_88 : memref<80xi32, #tpu.memory_space<hbm>>) target(%arg12 : memref<80xi32, #tpu.memory_space<vmem>>) target_semaphore(%arg19 : memref<!tpu.dma_semaphore, #tpu.memory_space<semaphore_mem>>)
          %dma_wait3A_89 = tpu.memref_slice %arg4[%add3A_86] : memref<160000xi32, #tpu.memory_space<hbm>> -> memref<80xi32, #tpu.memory_space<hbm>>
          %dma_wait3A_90 = tpu.memref_slice %arg4[%add3A_86] : memref<160000xi32, #tpu.memory_space<hbm>> -> memref<80xi32, #tpu.memory_space<hbm>>
          tpu.wait_dma2 semaphore(%arg19 : memref<!tpu.dma_semaphore, #tpu.memory_space<semaphore_mem>>) src(%dma_wait3A_90 : memref<80xi32, #tpu.memory_space<hbm>>) dst(%arg11 : memref<80xi32, #tpu.memory_space<vmem>>)
          %dma_wait3A_91 = tpu.memref_slice %arg5[%add3A_86] : memref<160000xi32, #tpu.memory_space<hbm>> -> memref<80xi32, #tpu.memory_space<hbm>>
          %dma_wait3A_92 = tpu.memref_slice %arg5[%add3A_86] : memref<160000xi32, #tpu.memory_space<hbm>> -> memref<80xi32, #tpu.memory_space<hbm>>
          tpu.wait_dma2 semaphore(%arg19 : memref<!tpu.dma_semaphore, #tpu.memory_space<semaphore_mem>>) src(%dma_wait3A_92 : memref<80xi32, #tpu.memory_space<hbm>>) dst(%arg12 : memref<80xi32, #tpu.memory_space<vmem>>)
          %dma_start3A_93 = arith.constant 0 : i32
          %dma_start3A_94 = arith.constant 0 : i32
          %dma_start3A_95 = tpu.memref_slice %arg2[%dma_start3A_93, %dma_start3A_94] : memref<10000x128xf32, #tpu.memory_space<hbm>> -> memref<10000x128xf32, #tpu.memory_space<hbm>>
          tpu.enqueue_indirect_dma source(%dma_start3A_95 : memref<10000x128xf32, #tpu.memory_space<hbm>>) target(%arg14 : memref<80x128xf32, #tpu.memory_space<vmem>>) offsets(%arg11 : memref<80xi32, #tpu.memory_space<vmem>>) semaphore(%arg17 : memref<!tpu.dma_semaphore, #tpu.memory_space<semaphore_mem>>)
        } else {
        }
      }
      %scan3A_35 = arith.constant 62 : i32
      %dma_wait3A = arith.constant 0 : i32
      %dma_wait3A_36 = arith.constant 0 : i32
      %dma_wait3A_37 = tpu.memref_slice %arg2[%dma_wait3A, %dma_wait3A_36] : memref<10000x128xf32, #tpu.memory_space<hbm>> -> memref<10000x128xf32, #tpu.memory_space<hbm>>
      tpu.wait_indirect_dma semaphore(%arg16 : memref<!tpu.dma_semaphore, #tpu.memory_space<semaphore_mem>>) src(%dma_wait3A_37 : memref<10000x128xf32, #tpu.memory_space<hbm>>) dst(%arg13 : memref<80x128xf32, #tpu.memory_space<vmem>>)
      "tpu.region"() ({
        %run_scoped3A = tpu.sem_alloc : memref<!tpu.dma_semaphore, #tpu.memory_space<semaphore_mem>>
        %dma_start3A_38 = arith.constant 0 : i32
        %dma_start3A_39 = arith.constant 0 : i32
        %dma_start3A_40 = tpu.memref_slice %arg15[%dma_start3A_38, %dma_start3A_39] : memref<10240x128xf32, #tpu.memory_space<vmem_shared>> -> memref<10240x128xf32, #tpu.memory_space<vmem_shared>>
        tpu.enqueue_indirect_dma source(%arg13 : memref<80x128xf32, #tpu.memory_space<vmem>>) target(%dma_start3A_40 : memref<10240x128xf32, #tpu.memory_space<vmem_shared>>) offsets(%arg10 : memref<80xi32, #tpu.memory_space<vmem>>) semaphore(%run_scoped3A : memref<!tpu.dma_semaphore, #tpu.memory_space<semaphore_mem>>) {add = true}
        %dma_wait3A_41 = arith.constant 0 : i32
        %dma_wait3A_42 = arith.constant 0 : i32
        %dma_wait3A_43 = tpu.memref_slice %arg15[%dma_wait3A_41, %dma_wait3A_42] : memref<10240x128xf32, #tpu.memory_space<vmem_shared>> -> memref<10240x128xf32, #tpu.memory_space<vmem_shared>>
        tpu.wait_indirect_dma semaphore(%run_scoped3A : memref<!tpu.dma_semaphore, #tpu.memory_space<semaphore_mem>>) src(%arg13 : memref<80x128xf32, #tpu.memory_space<vmem>>) dst(%dma_wait3A_43 : memref<10240x128xf32, #tpu.memory_space<vmem_shared>>)
        tpu.yield
      }) : () -> ()
    } else {
    }
    %eq3A_3 = arith.constant 1 : i32
    %eq3A_4 = arith.cmpi eq, %arg0, %eq3A_3 : i32
    %convert_element_type3A_5 = arith.extui %eq3A_4 : i1 to i32
    %cond3A_6 = arith.constant 0 : i32
    %cond3A_7 = arith.cmpi ne, %convert_element_type3A_5, %cond3A_6 : i32
    scf.if %cond3A_7 {
      %mul3A_21 = arith.constant 10000 : i32
      %mul3A_22 = arith.muli %arg1, %mul3A_21 : i32
      "tpu.region"() ({
        %run_scoped3A = tpu.sem_alloc : memref<!tpu.dma_semaphore, #tpu.memory_space<semaphore_mem>>
        %dma_start3A_38 = tpu.memref_slice %arg4[%mul3A_22] : memref<160000xi32, #tpu.memory_space<hbm>> -> memref<80xi32, #tpu.memory_space<hbm>>
        %dma_start3A_39 = tpu.memref_slice %arg4[%mul3A_22] : memref<160000xi32, #tpu.memory_space<hbm>> -> memref<80xi32, #tpu.memory_space<hbm>>
        tpu.enqueue_dma source(%dma_start3A_39 : memref<80xi32, #tpu.memory_space<hbm>>) target(%arg9 : memref<80xi32, #tpu.memory_space<vmem>>) target_semaphore(%run_scoped3A : memref<!tpu.dma_semaphore, #tpu.memory_space<semaphore_mem>>)
        %dma_wait3A_40 = tpu.memref_slice %arg4[%mul3A_22] : memref<160000xi32, #tpu.memory_space<hbm>> -> memref<80xi32, #tpu.memory_space<hbm>>
        %dma_wait3A_41 = tpu.memref_slice %arg4[%mul3A_22] : memref<160000xi32, #tpu.memory_space<hbm>> -> memref<80xi32, #tpu.memory_space<hbm>>
        tpu.wait_dma2 semaphore(%run_scoped3A : memref<!tpu.dma_semaphore, #tpu.memory_space<semaphore_mem>>) src(%dma_wait3A_41 : memref<80xi32, #tpu.memory_space<hbm>>) dst(%arg9 : memref<80xi32, #tpu.memory_space<vmem>>)
        tpu.yield
      }) : () -> ()
      "tpu.region"() ({
        %run_scoped3A = tpu.sem_alloc : memref<!tpu.dma_semaphore, #tpu.memory_space<semaphore_mem>>
        %dma_start3A_38 = tpu.memref_slice %arg5[%mul3A_22] : memref<160000xi32, #tpu.memory_space<hbm>> -> memref<80xi32, #tpu.memory_space<hbm>>
        %dma_start3A_39 = tpu.memref_slice %arg5[%mul3A_22] : memref<160000xi32, #tpu.memory_space<hbm>> -> memref<80xi32, #tpu.memory_space<hbm>>
        tpu.enqueue_dma source(%dma_start3A_39 : memref<80xi32, #tpu.memory_space<hbm>>) target(%arg10 : memref<80xi32, #tpu.memory_space<vmem>>) target_semaphore(%run_scoped3A : memref<!tpu.dma_semaphore, #tpu.memory_space<semaphore_mem>>)
        %dma_wait3A_40 = tpu.memref_slice %arg5[%mul3A_22] : memref<160000xi32, #tpu.memory_space<hbm>> -> memref<80xi32, #tpu.memory_space<hbm>>
        %dma_wait3A_41 = tpu.memref_slice %arg5[%mul3A_22] : memref<160000xi32, #tpu.memory_space<hbm>> -> memref<80xi32, #tpu.memory_space<hbm>>
        tpu.wait_dma2 semaphore(%run_scoped3A : memref<!tpu.dma_semaphore, #tpu.memory_space<semaphore_mem>>) src(%dma_wait3A_41 : memref<80xi32, #tpu.memory_space<hbm>>) dst(%arg10 : memref<80xi32, #tpu.memory_space<vmem>>)
        tpu.yield
      }) : () -> ()
      %add3A = arith.constant 80 : i32
      %add3A_23 = arith.addi %mul3A_22, %add3A : i32
      "tpu.region"() ({
        %run_scoped3A = tpu.sem_alloc : memref<!tpu.dma_semaphore, #tpu.memory_space<semaphore_mem>>
        %dma_start3A_38 = tpu.memref_slice %arg4[%add3A_23] : memref<160000xi32, #tpu.memory_space<hbm>> -> memref<80xi32, #tpu.memory_space<hbm>>
        %dma_start3A_39 = tpu.memref_slice %arg4[%add3A_23] : memref<160000xi32, #tpu.memory_space<hbm>> -> memref<80xi32, #tpu.memory_space<hbm>>
        tpu.enqueue_dma source(%dma_start3A_39 : memref<80xi32, #tpu.memory_space<hbm>>) target(%arg11 : memref<80xi32, #tpu.memory_space<vmem>>) target_semaphore(%run_scoped3A : memref<!tpu.dma_semaphore, #tpu.memory_space<semaphore_mem>>)
        %dma_wait3A_40 = tpu.memref_slice %arg4[%add3A_23] : memref<160000xi32, #tpu.memory_space<hbm>> -> memref<80xi32, #tpu.memory_space<hbm>>
        %dma_wait3A_41 = tpu.memref_slice %arg4[%add3A_23] : memref<160000xi32, #tpu.memory_space<hbm>> -> memref<80xi32, #tpu.memory_space<hbm>>
        tpu.wait_dma2 semaphore(%run_scoped3A : memref<!tpu.dma_semaphore, #tpu.memory_space<semaphore_mem>>) src(%dma_wait3A_41 : memref<80xi32, #tpu.memory_space<hbm>>) dst(%arg11 : memref<80xi32, #tpu.memory_space<vmem>>)
        tpu.yield
      }) : () -> ()
      %add3A_24 = arith.constant 80 : i32
      %add3A_25 = arith.addi %mul3A_22, %add3A_24 : i32
      "tpu.region"() ({
        %run_scoped3A = tpu.sem_alloc : memref<!tpu.dma_semaphore, #tpu.memory_space<semaphore_mem>>
        %dma_start3A_38 = tpu.memref_slice %arg5[%add3A_25] : memref<160000xi32, #tpu.memory_space<hbm>> -> memref<80xi32, #tpu.memory_space<hbm>>
        %dma_start3A_39 = tpu.memref_slice %arg5[%add3A_25] : memref<160000xi32, #tpu.memory_space<hbm>> -> memref<80xi32, #tpu.memory_space<hbm>>
        tpu.enqueue_dma source(%dma_start3A_39 : memref<80xi32, #tpu.memory_space<hbm>>) target(%arg12 : memref<80xi32, #tpu.memory_space<vmem>>) target_semaphore(%run_scoped3A : memref<!tpu.dma_semaphore, #tpu.memory_space<semaphore_mem>>)
        %dma_wait3A_40 = tpu.memref_slice %arg5[%add3A_25] : memref<160000xi32, #tpu.memory_space<hbm>> -> memref<80xi32, #tpu.memory_space<hbm>>
        %dma_wait3A_41 = tpu.memref_slice %arg5[%add3A_25] : memref<160000xi32, #tpu.memory_space<hbm>> -> memref<80xi32, #tpu.memory_space<hbm>>
        tpu.wait_dma2 semaphore(%run_scoped3A : memref<!tpu.dma_semaphore, #tpu.memory_space<semaphore_mem>>) src(%dma_wait3A_41 : memref<80xi32, #tpu.memory_space<hbm>>) dst(%arg12 : memref<80xi32, #tpu.memory_space<vmem>>)
        tpu.yield
      }) : () -> ()
      %dma_start3A = arith.constant 0 : i32
      %dma_start3A_26 = arith.constant 0 : i32
      %dma_start3A_27 = tpu.memref_slice %arg3[%dma_start3A, %dma_start3A_26] : memref<10000x128xf32, #tpu.memory_space<hbm>> -> memref<10000x128xf32, #tpu.memory_space<hbm>>
      tpu.enqueue_indirect_dma source(%dma_start3A_27 : memref<10000x128xf32, #tpu.memory_space<hbm>>) target(%arg13 : memref<80x128xf32, #tpu.memory_space<vmem>>) offsets(%arg9 : memref<80xi32, #tpu.memory_space<vmem>>) semaphore(%arg16 : memref<!tpu.dma_semaphore, #tpu.memory_space<semaphore_mem>>)
      %dma_start3A_28 = arith.constant 0 : i32
      %dma_start3A_29 = arith.constant 0 : i32
      %dma_start3A_30 = tpu.memref_slice %arg3[%dma_start3A_28, %dma_start3A_29] : memref<10000x128xf32, #tpu.memory_space<hbm>> -> memref<10000x128xf32, #tpu.memory_space<hbm>>
      tpu.enqueue_indirect_dma source(%dma_start3A_30 : memref<10000x128xf32, #tpu.memory_space<hbm>>) target(%arg14 : memref<80x128xf32, #tpu.memory_space<vmem>>) offsets(%arg11 : memref<80xi32, #tpu.memory_space<vmem>>) semaphore(%arg17 : memref<!tpu.dma_semaphore, #tpu.memory_space<semaphore_mem>>)
      %scan3A = arith.constant 0 : i32
      %scan3A_31 = arith.constant 0 : i32
      %scan3A_32 = arith.constant 62 : i32
      %scan3A_33 = arith.addi %scan3A_31, %scan3A_32 : i32
      %scan3A_34 = arith.constant 1 : i32
      scf.for %scan3A_38 = %scan3A_31 to %scan3A_33 step %scan3A_34  : i32 {
        %mul3A_39 = arith.constant 2 : i32
        %mul3A_40 = arith.muli %mul3A_39, %scan3A_38 : i32
        %add3A_41 = arith.constant 1 : i32
        %add3A_42 = arith.addi %mul3A_40, %add3A_41 : i32
        %mul3A_43 = arith.constant 10000 : i32
        %mul3A_44 = arith.muli %arg1, %mul3A_43 : i32
        %add3A_45 = arith.constant 2 : i32
        %add3A_46 = arith.addi %mul3A_40, %add3A_45 : i32
        %mul3A_47 = arith.constant 80 : i32
        %mul3A_48 = arith.muli %add3A_46, %mul3A_47 : i32
        %add3A_49 = arith.addi %mul3A_44, %mul3A_48 : i32
        %dma_wait3A_50 = arith.constant 0 : i32
        %dma_wait3A_51 = arith.constant 0 : i32
        %dma_wait3A_52 = tpu.memref_slice %arg3[%dma_wait3A_50, %dma_wait3A_51] : memref<10000x128xf32, #tpu.memory_space<hbm>> -> memref<10000x128xf32, #tpu.memory_space<hbm>>
        tpu.wait_indirect_dma semaphore(%arg16 : memref<!tpu.dma_semaphore, #tpu.memory_space<semaphore_mem>>) src(%dma_wait3A_52 : memref<10000x128xf32, #tpu.memory_space<hbm>>) dst(%arg13 : memref<80x128xf32, #tpu.memory_space<vmem>>)
        %dma_start3A_53 = tpu.memref_slice %arg4[%add3A_49] : memref<160000xi32, #tpu.memory_space<hbm>> -> memref<80xi32, #tpu.memory_space<hbm>>
        %dma_start3A_54 = tpu.memref_slice %arg4[%add3A_49] : memref<160000xi32, #tpu.memory_space<hbm>> -> memref<80xi32, #tpu.memory_space<hbm>>
        tpu.enqueue_dma source(%dma_start3A_54 : memref<80xi32, #tpu.memory_space<hbm>>) target(%arg9 : memref<80xi32, #tpu.memory_space<vmem>>) target_semaphore(%arg18 : memref<!tpu.dma_semaphore, #tpu.memory_space<semaphore_mem>>)
        "tpu.region"() ({
          %run_scoped3A = tpu.sem_alloc : memref<!tpu.dma_semaphore, #tpu.memory_space<semaphore_mem>>
          %dma_start3A_80 = arith.constant 0 : i32
          %dma_start3A_81 = arith.constant 0 : i32
          %dma_start3A_82 = tpu.memref_slice %arg15[%dma_start3A_80, %dma_start3A_81] : memref<10240x128xf32, #tpu.memory_space<vmem_shared>> -> memref<10240x128xf32, #tpu.memory_space<vmem_shared>>
          tpu.enqueue_indirect_dma source(%arg13 : memref<80x128xf32, #tpu.memory_space<vmem>>) target(%dma_start3A_82 : memref<10240x128xf32, #tpu.memory_space<vmem_shared>>) offsets(%arg10 : memref<80xi32, #tpu.memory_space<vmem>>) semaphore(%run_scoped3A : memref<!tpu.dma_semaphore, #tpu.memory_space<semaphore_mem>>) {add = true}
          %dma_wait3A_83 = arith.constant 0 : i32
          %dma_wait3A_84 = arith.constant 0 : i32
          %dma_wait3A_85 = tpu.memref_slice %arg15[%dma_wait3A_83, %dma_wait3A_84] : memref<10240x128xf32, #tpu.memory_space<vmem_shared>> -> memref<10240x128xf32, #tpu.memory_space<vmem_shared>>
          tpu.wait_indirect_dma semaphore(%run_scoped3A : memref<!tpu.dma_semaphore, #tpu.memory_space<semaphore_mem>>) src(%arg13 : memref<80x128xf32, #tpu.memory_space<vmem>>) dst(%dma_wait3A_85 : memref<10240x128xf32, #tpu.memory_space<vmem_shared>>)
          tpu.yield
        }) : () -> ()
        %dma_start3A_55 = tpu.memref_slice %arg5[%add3A_49] : memref<160000xi32, #tpu.memory_space<hbm>> -> memref<80xi32, #tpu.memory_space<hbm>>
        %dma_start3A_56 = tpu.memref_slice %arg5[%add3A_49] : memref<160000xi32, #tpu.memory_space<hbm>> -> memref<80xi32, #tpu.memory_space<hbm>>
        tpu.enqueue_dma source(%dma_start3A_56 : memref<80xi32, #tpu.memory_space<hbm>>) target(%arg10 : memref<80xi32, #tpu.memory_space<vmem>>) target_semaphore(%arg18 : memref<!tpu.dma_semaphore, #tpu.memory_space<semaphore_mem>>)
        %dma_wait3A_57 = tpu.memref_slice %arg4[%add3A_49] : memref<160000xi32, #tpu.memory_space<hbm>> -> memref<80xi32, #tpu.memory_space<hbm>>
        %dma_wait3A_58 = tpu.memref_slice %arg4[%add3A_49] : memref<160000xi32, #tpu.memory_space<hbm>> -> memref<80xi32, #tpu.memory_space<hbm>>
        tpu.wait_dma2 semaphore(%arg18 : memref<!tpu.dma_semaphore, #tpu.memory_space<semaphore_mem>>) src(%dma_wait3A_58 : memref<80xi32, #tpu.memory_space<hbm>>) dst(%arg9 : memref<80xi32, #tpu.memory_space<vmem>>)
        %dma_wait3A_59 = tpu.memref_slice %arg5[%add3A_49] : memref<160000xi32, #tpu.memory_space<hbm>> -> memref<80xi32, #tpu.memory_space<hbm>>
        %dma_wait3A_60 = tpu.memref_slice %arg5[%add3A_49] : memref<160000xi32, #tpu.memory_space<hbm>> -> memref<80xi32, #tpu.memory_space<hbm>>
        tpu.wait_dma2 semaphore(%arg18 : memref<!tpu.dma_semaphore, #tpu.memory_space<semaphore_mem>>) src(%dma_wait3A_60 : memref<80xi32, #tpu.memory_space<hbm>>) dst(%arg10 : memref<80xi32, #tpu.memory_space<vmem>>)
        %dma_start3A_61 = arith.constant 0 : i32
        %dma_start3A_62 = arith.constant 0 : i32
        %dma_start3A_63 = tpu.memref_slice %arg3[%dma_start3A_61, %dma_start3A_62] : memref<10000x128xf32, #tpu.memory_space<hbm>> -> memref<10000x128xf32, #tpu.memory_space<hbm>>
        tpu.enqueue_indirect_dma source(%dma_start3A_63 : memref<10000x128xf32, #tpu.memory_space<hbm>>) target(%arg13 : memref<80x128xf32, #tpu.memory_space<vmem>>) offsets(%arg9 : memref<80xi32, #tpu.memory_space<vmem>>) semaphore(%arg16 : memref<!tpu.dma_semaphore, #tpu.memory_space<semaphore_mem>>)
        %dma_wait3A_64 = arith.constant 0 : i32
        %dma_wait3A_65 = arith.constant 0 : i32
        %dma_wait3A_66 = tpu.memref_slice %arg3[%dma_wait3A_64, %dma_wait3A_65] : memref<10000x128xf32, #tpu.memory_space<hbm>> -> memref<10000x128xf32, #tpu.memory_space<hbm>>
        tpu.wait_indirect_dma semaphore(%arg17 : memref<!tpu.dma_semaphore, #tpu.memory_space<semaphore_mem>>) src(%dma_wait3A_66 : memref<10000x128xf32, #tpu.memory_space<hbm>>) dst(%arg14 : memref<80x128xf32, #tpu.memory_space<vmem>>)
        %add3A_67 = arith.constant 2 : i32
        %add3A_68 = arith.addi %add3A_42, %add3A_67 : i32
        %lt3A = arith.constant 125 : i32
        %lt3A_69 = arith.cmpi slt, %add3A_68, %lt3A : i32
        %convert_element_type3A_70 = arith.extui %lt3A_69 : i1 to i32
        %cond3A_71 = arith.constant 0 : i32
        %cond3A_72 = arith.cmpi ne, %convert_element_type3A_70, %cond3A_71 : i32
        scf.if %cond3A_72 {
          %mul3A_80 = arith.constant 10000 : i32
          %mul3A_81 = arith.muli %arg1, %mul3A_80 : i32
          %add3A_82 = arith.constant 2 : i32
          %add3A_83 = arith.addi %add3A_42, %add3A_82 : i32
          %mul3A_84 = arith.constant 80 : i32
          %mul3A_85 = arith.muli %add3A_83, %mul3A_84 : i32
          %add3A_86 = arith.addi %mul3A_81, %mul3A_85 : i32
          %dma_start3A_87 = tpu.memref_slice %arg4[%add3A_86] : memref<160000xi32, #tpu.memory_space<hbm>> -> memref<80xi32, #tpu.memory_space<hbm>>
          %dma_start3A_88 = tpu.memref_slice %arg4[%add3A_86] : memref<160000xi32, #tpu.memory_space<hbm>> -> memref<80xi32, #tpu.memory_space<hbm>>
          tpu.enqueue_dma source(%dma_start3A_88 : memref<80xi32, #tpu.memory_space<hbm>>) target(%arg11 : memref<80xi32, #tpu.memory_space<vmem>>) target_semaphore(%arg19 : memref<!tpu.dma_semaphore, #tpu.memory_space<semaphore_mem>>)
        } else {
        }
        "tpu.region"() ({
          %run_scoped3A = tpu.sem_alloc : memref<!tpu.dma_semaphore, #tpu.memory_space<semaphore_mem>>
          %dma_start3A_80 = arith.constant 0 : i32
          %dma_start3A_81 = arith.constant 0 : i32
          %dma_start3A_82 = tpu.memref_slice %arg15[%dma_start3A_80, %dma_start3A_81] : memref<10240x128xf32, #tpu.memory_space<vmem_shared>> -> memref<10240x128xf32, #tpu.memory_space<vmem_shared>>
          tpu.enqueue_indirect_dma source(%arg14 : memref<80x128xf32, #tpu.memory_space<vmem>>) target(%dma_start3A_82 : memref<10240x128xf32, #tpu.memory_space<vmem_shared>>) offsets(%arg12 : memref<80xi32, #tpu.memory_space<vmem>>) semaphore(%run_scoped3A : memref<!tpu.dma_semaphore, #tpu.memory_space<semaphore_mem>>) {add = true}
          %dma_wait3A_83 = arith.constant 0 : i32
          %dma_wait3A_84 = arith.constant 0 : i32
          %dma_wait3A_85 = tpu.memref_slice %arg15[%dma_wait3A_83, %dma_wait3A_84] : memref<10240x128xf32, #tpu.memory_space<vmem_shared>> -> memref<10240x128xf32, #tpu.memory_space<vmem_shared>>
          tpu.wait_indirect_dma semaphore(%run_scoped3A : memref<!tpu.dma_semaphore, #tpu.memory_space<semaphore_mem>>) src(%arg14 : memref<80x128xf32, #tpu.memory_space<vmem>>) dst(%dma_wait3A_85 : memref<10240x128xf32, #tpu.memory_space<vmem_shared>>)
          tpu.yield
        }) : () -> ()
        %add3A_73 = arith.constant 2 : i32
        %add3A_74 = arith.addi %add3A_42, %add3A_73 : i32
        %lt3A_75 = arith.constant 125 : i32
        %lt3A_76 = arith.cmpi slt, %add3A_74, %lt3A_75 : i32
        %convert_element_type3A_77 = arith.extui %lt3A_76 : i1 to i32
        %cond3A_78 = arith.constant 0 : i32
        %cond3A_79 = arith.cmpi ne, %convert_element_type3A_77, %cond3A_78 : i32
        scf.if %cond3A_79 {
          %mul3A_80 = arith.constant 10000 : i32
          %mul3A_81 = arith.muli %arg1, %mul3A_80 : i32
          %add3A_82 = arith.constant 2 : i32
          %add3A_83 = arith.addi %add3A_42, %add3A_82 : i32
          %mul3A_84 = arith.constant 80 : i32
          %mul3A_85 = arith.muli %add3A_83, %mul3A_84 : i32
          %add3A_86 = arith.addi %mul3A_81, %mul3A_85 : i32
          %dma_start3A_87 = tpu.memref_slice %arg5[%add3A_86] : memref<160000xi32, #tpu.memory_space<hbm>> -> memref<80xi32, #tpu.memory_space<hbm>>
          %dma_start3A_88 = tpu.memref_slice %arg5[%add3A_86] : memref<160000xi32, #tpu.memory_space<hbm>> -> memref<80xi32, #tpu.memory_space<hbm>>
          tpu.enqueue_dma source(%dma_start3A_88 : memref<80xi32, #tpu.memory_space<hbm>>) target(%arg12 : memref<80xi32, #tpu.memory_space<vmem>>) target_semaphore(%arg19 : memref<!tpu.dma_semaphore, #tpu.memory_space<semaphore_mem>>)
          %dma_wait3A_89 = tpu.memref_slice %arg4[%add3A_86] : memref<160000xi32, #tpu.memory_space<hbm>> -> memref<80xi32, #tpu.memory_space<hbm>>
          %dma_wait3A_90 = tpu.memref_slice %arg4[%add3A_86] : memref<160000xi32, #tpu.memory_space<hbm>> -> memref<80xi32, #tpu.memory_space<hbm>>
          tpu.wait_dma2 semaphore(%arg19 : memref<!tpu.dma_semaphore, #tpu.memory_space<semaphore_mem>>) src(%dma_wait3A_90 : memref<80xi32, #tpu.memory_space<hbm>>) dst(%arg11 : memref<80xi32, #tpu.memory_space<vmem>>)
          %dma_wait3A_91 = tpu.memref_slice %arg5[%add3A_86] : memref<160000xi32, #tpu.memory_space<hbm>> -> memref<80xi32, #tpu.memory_space<hbm>>
          %dma_wait3A_92 = tpu.memref_slice %arg5[%add3A_86] : memref<160000xi32, #tpu.memory_space<hbm>> -> memref<80xi32, #tpu.memory_space<hbm>>
          tpu.wait_dma2 semaphore(%arg19 : memref<!tpu.dma_semaphore, #tpu.memory_space<semaphore_mem>>) src(%dma_wait3A_92 : memref<80xi32, #tpu.memory_space<hbm>>) dst(%arg12 : memref<80xi32, #tpu.memory_space<vmem>>)
          %dma_start3A_93 = arith.constant 0 : i32
          %dma_start3A_94 = arith.constant 0 : i32
          %dma_start3A_95 = tpu.memref_slice %arg3[%dma_start3A_93, %dma_start3A_94] : memref<10000x128xf32, #tpu.memory_space<hbm>> -> memref<10000x128xf32, #tpu.memory_space<hbm>>
          tpu.enqueue_indirect_dma source(%dma_start3A_95 : memref<10000x128xf32, #tpu.memory_space<hbm>>) target(%arg14 : memref<80x128xf32, #tpu.memory_space<vmem>>) offsets(%arg11 : memref<80xi32, #tpu.memory_space<vmem>>) semaphore(%arg17 : memref<!tpu.dma_semaphore, #tpu.memory_space<semaphore_mem>>)
        } else {
        }
      }
      %scan3A_35 = arith.constant 62 : i32
      %dma_wait3A = arith.constant 0 : i32
      %dma_wait3A_36 = arith.constant 0 : i32
      %dma_wait3A_37 = tpu.memref_slice %arg3[%dma_wait3A, %dma_wait3A_36] : memref<10000x128xf32, #tpu.memory_space<hbm>> -> memref<10000x128xf32, #tpu.memory_space<hbm>>
      tpu.wait_indirect_dma semaphore(%arg16 : memref<!tpu.dma_semaphore, #tpu.memory_space<semaphore_mem>>) src(%dma_wait3A_37 : memref<10000x128xf32, #tpu.memory_space<hbm>>) dst(%arg13 : memref<80x128xf32, #tpu.memory_space<vmem>>)
      "tpu.region"() ({
        %run_scoped3A = tpu.sem_alloc : memref<!tpu.dma_semaphore, #tpu.memory_space<semaphore_mem>>
        %dma_start3A_38 = arith.constant 0 : i32
        %dma_start3A_39 = arith.constant 0 : i32
        %dma_start3A_40 = tpu.memref_slice %arg15[%dma_start3A_38, %dma_start3A_39] : memref<10240x128xf32, #tpu.memory_space<vmem_shared>> -> memref<10240x128xf32, #tpu.memory_space<vmem_shared>>
        tpu.enqueue_indirect_dma source(%arg13 : memref<80x128xf32, #tpu.memory_space<vmem>>) target(%dma_start3A_40 : memref<10240x128xf32, #tpu.memory_space<vmem_shared>>) offsets(%arg10 : memref<80xi32, #tpu.memory_space<vmem>>) semaphore(%run_scoped3A : memref<!tpu.dma_semaphore, #tpu.memory_space<semaphore_mem>>) {add = true}
        %dma_wait3A_41 = arith.constant 0 : i32
        %dma_wait3A_42 = arith.constant 0 : i32
        %dma_wait3A_43 = tpu.memref_slice %arg15[%dma_wait3A_41, %dma_wait3A_42] : memref<10240x128xf32, #tpu.memory_space<vmem_shared>> -> memref<10240x128xf32, #tpu.memory_space<vmem_shared>>
        tpu.wait_indirect_dma semaphore(%run_scoped3A : memref<!tpu.dma_semaphore, #tpu.memory_space<semaphore_mem>>) src(%arg13 : memref<80x128xf32, #tpu.memory_space<vmem>>) dst(%dma_wait3A_43 : memref<10240x128xf32, #tpu.memory_space<vmem_shared>>)
        tpu.yield
      }) : () -> ()
    } else {
    }
    %barrier3A_8 = arith.constant 0 : index
    tpu.barrier barrier_id(%barrier3A_8)
    %mul3A_9 = arith.constant 640 : i32
    %mul3A_10 = arith.muli %arg1, %mul3A_9 : i32
    %eq3A_11 = arith.constant 0 : i32
    %eq3A_12 = arith.cmpi eq, %arg0, %eq3A_11 : i32
    %convert_element_type3A_13 = arith.extui %eq3A_12 : i1 to i32
    %cond3A_14 = arith.constant 0 : i32
    %cond3A_15 = arith.cmpi ne, %convert_element_type3A_13, %cond3A_14 : i32
    scf.if %cond3A_15 {
      "tpu.region"() ({
        %run_scoped3A = tpu.sem_alloc : memref<!tpu.dma_semaphore, #tpu.memory_space<semaphore_mem>>
        %dma_start3A = arith.constant 0 : i32
        %dma_start3A_21 = tpu.memref_slice %arg7[%mul3A_10, %dma_start3A] : memref<10240x128xf32, #tpu.memory_space<hbm>> -> memref<640x128xf32, #tpu.memory_space<hbm>>
        %dma_start3A_22 = arith.constant 0 : i32
        %dma_start3A_23 = tpu.memref_slice %arg15[%mul3A_10, %dma_start3A_22] : memref<10240x128xf32, #tpu.memory_space<vmem_shared>> -> memref<640x128xf32, #tpu.memory_space<vmem_shared>>
        tpu.enqueue_dma source(%dma_start3A_23 : memref<640x128xf32, #tpu.memory_space<vmem_shared>>) target(%dma_start3A_21 : memref<640x128xf32, #tpu.memory_space<hbm>>) target_semaphore(%run_scoped3A : memref<!tpu.dma_semaphore, #tpu.memory_space<semaphore_mem>>)
        %dma_wait3A = arith.constant 0 : i32
        %dma_wait3A_24 = tpu.memref_slice %arg7[%mul3A_10, %dma_wait3A] : memref<10240x128xf32, #tpu.memory_space<hbm>> -> memref<640x128xf32, #tpu.memory_space<hbm>>
        %dma_wait3A_25 = arith.constant 0 : i32
        %dma_wait3A_26 = tpu.memref_slice %arg15[%mul3A_10, %dma_wait3A_25] : memref<10240x128xf32, #tpu.memory_space<vmem_shared>> -> memref<640x128xf32, #tpu.memory_space<vmem_shared>>
        tpu.wait_dma2 semaphore(%run_scoped3A : memref<!tpu.dma_semaphore, #tpu.memory_space<semaphore_mem>>) src(%dma_wait3A_26 : memref<640x128xf32, #tpu.memory_space<vmem_shared>>) dst(%dma_wait3A_24 : memref<640x128xf32, #tpu.memory_space<hbm>>)
        tpu.yield
      }) : () -> ()
    } else {
    }
    %eq3A_16 = arith.constant 1 : i32
    %eq3A_17 = arith.cmpi eq, %arg0, %eq3A_16 : i32
    %convert_element_type3A_18 = arith.extui %eq3A_17 : i1 to i32
    %cond3A_19 = arith.constant 0 : i32
    %cond3A_20 = arith.cmpi ne, %convert_element_type3A_18, %cond3A_19 : i32
    scf.if %cond3A_20 {
      "tpu.region"() ({
        %run_scoped3A = tpu.sem_alloc : memref<!tpu.dma_semaphore, #tpu.memory_space<semaphore_mem>>
        %dma_start3A = arith.constant 0 : i32
        %dma_start3A_21 = tpu.memref_slice %arg8[%mul3A_10, %dma_start3A] : memref<10240x128xf32, #tpu.memory_space<hbm>> -> memref<640x128xf32, #tpu.memory_space<hbm>>
        %dma_start3A_22 = arith.constant 0 : i32
        %dma_start3A_23 = tpu.memref_slice %arg15[%mul3A_10, %dma_start3A_22] : memref<10240x128xf32, #tpu.memory_space<vmem_shared>> -> memref<640x128xf32, #tpu.memory_space<vmem_shared>>
        tpu.enqueue_dma source(%dma_start3A_23 : memref<640x128xf32, #tpu.memory_space<vmem_shared>>) target(%dma_start3A_21 : memref<640x128xf32, #tpu.memory_space<hbm>>) target_semaphore(%run_scoped3A : memref<!tpu.dma_semaphore, #tpu.memory_space<semaphore_mem>>)
        %dma_wait3A = arith.constant 0 : i32
        %dma_wait3A_24 = tpu.memref_slice %arg8[%mul3A_10, %dma_wait3A] : memref<10240x128xf32, #tpu.memory_space<hbm>> -> memref<640x128xf32, #tpu.memory_space<hbm>>
        %dma_wait3A_25 = arith.constant 0 : i32
        %dma_wait3A_26 = tpu.memref_slice %arg15[%mul3A_10, %dma_wait3A_25] : memref<10240x128xf32, #tpu.memory_space<vmem_shared>> -> memref<640x128xf32, #tpu.memory_space<vmem_shared>>
        tpu.wait_dma2 semaphore(%run_scoped3A : memref<!tpu.dma_semaphore, #tpu.memory_space<semaphore_mem>>) src(%dma_wait3A_26 : memref<640x128xf32, #tpu.memory_space<vmem_shared>>) dst(%dma_wait3A_24 : memref<640x128xf32, #tpu.memory_space<hbm>>)
        tpu.yield
      }) : () -> ()
    } else {
    }
    return
  }
}

#map = affine_map<(d0, d1) -> (0, 0)>
#map1 = affine_map<(d0, d1) -> (0)>
module attributes {stable_mosaic.version = 14 : i64} {
  func.func @segsum(%arg0: i32, %arg1: i32, %arg2: memref<10000x128xf32, #tpu.memory_space<hbm>>, %arg3: memref<10000x128xf32, #tpu.memory_space<hbm>>, %arg4: memref<160000xi32, #tpu.memory_space<hbm>>, %arg5: memref<160000xi32, #tpu.memory_space<hbm>>, %arg6: memref<640x128xf32, #tpu.memory_space<hbm>>, %arg7: memref<10240x128xf32, #tpu.memory_space<hbm>>, %arg8: memref<10240x128xf32, #tpu.memory_space<hbm>>, %arg9: memref<80xi32, #tpu.memory_space<vmem>>, %arg10: memref<80xi32, #tpu.memory_space<vmem>>, %arg11: memref<80xi32, #tpu.memory_space<vmem>>, %arg12: memref<80xi32, #tpu.memory_space<vmem>>, %arg13: memref<80x128xf32, #tpu.memory_space<vmem>>, %arg14: memref<80x128xf32, #tpu.memory_space<vmem>>, %arg15: memref<10240x128xf32, #tpu.memory_space<vmem_shared>>, %arg16: memref<!tpu.dma_semaphore, #tpu.memory_space<semaphore_mem>>, %arg17: memref<!tpu.dma_semaphore, #tpu.memory_space<semaphore_mem>>, %arg18: memref<!tpu.dma_semaphore, #tpu.memory_space<semaphore_mem>>, %arg19: memref<!tpu.dma_semaphore, #tpu.memory_space<semaphore_mem>>) attributes {dimension_semantics = [#tpu.dimension_semantics<core_parallel>, #tpu.dimension_semantics<subcore_parallel>], iteration_bounds = array<i64: 2, 16>, scalar_prefetch = 0 : i64, scratch_operands = 11 : i64, tpu.core_type = #tpu.core_type<sc_vector_subcore>, window_params = [{transform_indices = #map}, {transform_indices = #map}, {transform_indices = #map1}, {transform_indices = #map1}, {transform_indices = #map}, {transform_indices = #map}, {transform_indices = #map}]} {
    %mul3A = arith.constant 640 : i32
    %mul3A_0 = arith.muli %arg1, %mul3A : i32
    "tpu.region"() ({
      %run_scoped3A = tpu.sem_alloc : memref<!tpu.dma_semaphore, #tpu.memory_space<semaphore_mem>>
      %dma_start3A = arith.constant 0 : i32
      %dma_start3A_21 = tpu.memref_slice %arg15[%mul3A_0, %dma_start3A] : memref<10240x128xf32, #tpu.memory_space<vmem_shared>> -> memref<640x128xf32, #tpu.memory_space<vmem_shared>>
      tpu.enqueue_dma source(%arg6 : memref<640x128xf32, #tpu.memory_space<hbm>>) target(%dma_start3A_21 : memref<640x128xf32, #tpu.memory_space<vmem_shared>>) target_semaphore(%run_scoped3A : memref<!tpu.dma_semaphore, #tpu.memory_space<semaphore_mem>>)
      %dma_wait3A = arith.constant 0 : i32
      %dma_wait3A_22 = tpu.memref_slice %arg15[%mul3A_0, %dma_wait3A] : memref<10240x128xf32, #tpu.memory_space<vmem_shared>> -> memref<640x128xf32, #tpu.memory_space<vmem_shared>>
      tpu.wait_dma2 semaphore(%run_scoped3A : memref<!tpu.dma_semaphore, #tpu.memory_space<semaphore_mem>>) src(%arg6 : memref<640x128xf32, #tpu.memory_space<hbm>>) dst(%dma_wait3A_22 : memref<640x128xf32, #tpu.memory_space<vmem_shared>>)
      tpu.yield
    }) : () -> ()
    %barrier3A = arith.constant 0 : index
    tpu.barrier barrier_id(%barrier3A)
    %eq3A = arith.constant 0 : i32
    %eq3A_1 = arith.cmpi eq, %arg0, %eq3A : i32
    %convert_element_type3A = arith.extui %eq3A_1 : i1 to i32
    %cond3A = arith.constant 0 : i32
    %cond3A_2 = arith.cmpi ne, %convert_element_type3A, %cond3A : i32
    scf.if %cond3A_2 {
      %mul3A_21 = arith.constant 10000 : i32
      %mul3A_22 = arith.muli %arg1, %mul3A_21 : i32
      "tpu.region"() ({
        %run_scoped3A = tpu.sem_alloc : memref<!tpu.dma_semaphore, #tpu.memory_space<semaphore_mem>>
        %dma_start3A_38 = tpu.memref_slice %arg4[%mul3A_22] : memref<160000xi32, #tpu.memory_space<hbm>> -> memref<80xi32, #tpu.memory_space<hbm>>
        %dma_start3A_39 = tpu.memref_slice %arg4[%mul3A_22] : memref<160000xi32, #tpu.memory_space<hbm>> -> memref<80xi32, #tpu.memory_space<hbm>>
        tpu.enqueue_dma source(%dma_start3A_39 : memref<80xi32, #tpu.memory_space<hbm>>) target(%arg9 : memref<80xi32, #tpu.memory_space<vmem>>) target_semaphore(%run_scoped3A : memref<!tpu.dma_semaphore, #tpu.memory_space<semaphore_mem>>)
        %dma_wait3A_40 = tpu.memref_slice %arg4[%mul3A_22] : memref<160000xi32, #tpu.memory_space<hbm>> -> memref<80xi32, #tpu.memory_space<hbm>>
        %dma_wait3A_41 = tpu.memref_slice %arg4[%mul3A_22] : memref<160000xi32, #tpu.memory_space<hbm>> -> memref<80xi32, #tpu.memory_space<hbm>>
        tpu.wait_dma2 semaphore(%run_scoped3A : memref<!tpu.dma_semaphore, #tpu.memory_space<semaphore_mem>>) src(%dma_wait3A_41 : memref<80xi32, #tpu.memory_space<hbm>>) dst(%arg9 : memref<80xi32, #tpu.memory_space<vmem>>)
        tpu.yield
      }) : () -> ()
      "tpu.region"() ({
        %run_scoped3A = tpu.sem_alloc : memref<!tpu.dma_semaphore, #tpu.memory_space<semaphore_mem>>
        %dma_start3A_38 = tpu.memref_slice %arg5[%mul3A_22] : memref<160000xi32, #tpu.memory_space<hbm>> -> memref<80xi32, #tpu.memory_space<hbm>>
        %dma_start3A_39 = tpu.memref_slice %arg5[%mul3A_22] : memref<160000xi32, #tpu.memory_space<hbm>> -> memref<80xi32, #tpu.memory_space<hbm>>
        tpu.enqueue_dma source(%dma_start3A_39 : memref<80xi32, #tpu.memory_space<hbm>>) target(%arg10 : memref<80xi32, #tpu.memory_space<vmem>>) target_semaphore(%run_scoped3A : memref<!tpu.dma_semaphore, #tpu.memory_space<semaphore_mem>>)
        %dma_wait3A_40 = tpu.memref_slice %arg5[%mul3A_22] : memref<160000xi32, #tpu.memory_space<hbm>> -> memref<80xi32, #tpu.memory_space<hbm>>
        %dma_wait3A_41 = tpu.memref_slice %arg5[%mul3A_22] : memref<160000xi32, #tpu.memory_space<hbm>> -> memref<80xi32, #tpu.memory_space<hbm>>
        tpu.wait_dma2 semaphore(%run_scoped3A : memref<!tpu.dma_semaphore, #tpu.memory_space<semaphore_mem>>) src(%dma_wait3A_41 : memref<80xi32, #tpu.memory_space<hbm>>) dst(%arg10 : memref<80xi32, #tpu.memory_space<vmem>>)
        tpu.yield
      }) : () -> ()
      %add3A = arith.constant 80 : i32
      %add3A_23 = arith.addi %mul3A_22, %add3A : i32
      "tpu.region"() ({
        %run_scoped3A = tpu.sem_alloc : memref<!tpu.dma_semaphore, #tpu.memory_space<semaphore_mem>>
        %dma_start3A_38 = tpu.memref_slice %arg4[%add3A_23] : memref<160000xi32, #tpu.memory_space<hbm>> -> memref<80xi32, #tpu.memory_space<hbm>>
        %dma_start3A_39 = tpu.memref_slice %arg4[%add3A_23] : memref<160000xi32, #tpu.memory_space<hbm>> -> memref<80xi32, #tpu.memory_space<hbm>>
        tpu.enqueue_dma source(%dma_start3A_39 : memref<80xi32, #tpu.memory_space<hbm>>) target(%arg11 : memref<80xi32, #tpu.memory_space<vmem>>) target_semaphore(%run_scoped3A : memref<!tpu.dma_semaphore, #tpu.memory_space<semaphore_mem>>)
        %dma_wait3A_40 = tpu.memref_slice %arg4[%add3A_23] : memref<160000xi32, #tpu.memory_space<hbm>> -> memref<80xi32, #tpu.memory_space<hbm>>
        %dma_wait3A_41 = tpu.memref_slice %arg4[%add3A_23] : memref<160000xi32, #tpu.memory_space<hbm>> -> memref<80xi32, #tpu.memory_space<hbm>>
        tpu.wait_dma2 semaphore(%run_scoped3A : memref<!tpu.dma_semaphore, #tpu.memory_space<semaphore_mem>>) src(%dma_wait3A_41 : memref<80xi32, #tpu.memory_space<hbm>>) dst(%arg11 : memref<80xi32, #tpu.memory_space<vmem>>)
        tpu.yield
      }) : () -> ()
      %add3A_24 = arith.constant 80 : i32
      %add3A_25 = arith.addi %mul3A_22, %add3A_24 : i32
      "tpu.region"() ({
        %run_scoped3A = tpu.sem_alloc : memref<!tpu.dma_semaphore, #tpu.memory_space<semaphore_mem>>
        %dma_start3A_38 = tpu.memref_slice %arg5[%add3A_25] : memref<160000xi32, #tpu.memory_space<hbm>> -> memref<80xi32, #tpu.memory_space<hbm>>
        %dma_start3A_39 = tpu.memref_slice %arg5[%add3A_25] : memref<160000xi32, #tpu.memory_space<hbm>> -> memref<80xi32, #tpu.memory_space<hbm>>
        tpu.enqueue_dma source(%dma_start3A_39 : memref<80xi32, #tpu.memory_space<hbm>>) target(%arg12 : memref<80xi32, #tpu.memory_space<vmem>>) target_semaphore(%run_scoped3A : memref<!tpu.dma_semaphore, #tpu.memory_space<semaphore_mem>>)
        %dma_wait3A_40 = tpu.memref_slice %arg5[%add3A_25] : memref<160000xi32, #tpu.memory_space<hbm>> -> memref<80xi32, #tpu.memory_space<hbm>>
        %dma_wait3A_41 = tpu.memref_slice %arg5[%add3A_25] : memref<160000xi32, #tpu.memory_space<hbm>> -> memref<80xi32, #tpu.memory_space<hbm>>
        tpu.wait_dma2 semaphore(%run_scoped3A : memref<!tpu.dma_semaphore, #tpu.memory_space<semaphore_mem>>) src(%dma_wait3A_41 : memref<80xi32, #tpu.memory_space<hbm>>) dst(%arg12 : memref<80xi32, #tpu.memory_space<vmem>>)
        tpu.yield
      }) : () -> ()
      %dma_start3A = arith.constant 0 : i32
      %dma_start3A_26 = arith.constant 0 : i32
      %dma_start3A_27 = tpu.memref_slice %arg2[%dma_start3A, %dma_start3A_26] : memref<10000x128xf32, #tpu.memory_space<hbm>> -> memref<10000x128xf32, #tpu.memory_space<hbm>>
      tpu.enqueue_indirect_dma source(%dma_start3A_27 : memref<10000x128xf32, #tpu.memory_space<hbm>>) target(%arg13 : memref<80x128xf32, #tpu.memory_space<vmem>>) offsets(%arg9 : memref<80xi32, #tpu.memory_space<vmem>>) semaphore(%arg16 : memref<!tpu.dma_semaphore, #tpu.memory_space<semaphore_mem>>)
      %dma_start3A_28 = arith.constant 0 : i32
      %dma_start3A_29 = arith.constant 0 : i32
      %dma_start3A_30 = tpu.memref_slice %arg2[%dma_start3A_28, %dma_start3A_29] : memref<10000x128xf32, #tpu.memory_space<hbm>> -> memref<10000x128xf32, #tpu.memory_space<hbm>>
      tpu.enqueue_indirect_dma source(%dma_start3A_30 : memref<10000x128xf32, #tpu.memory_space<hbm>>) target(%arg14 : memref<80x128xf32, #tpu.memory_space<vmem>>) offsets(%arg11 : memref<80xi32, #tpu.memory_space<vmem>>) semaphore(%arg17 : memref<!tpu.dma_semaphore, #tpu.memory_space<semaphore_mem>>)
      %scan3A = arith.constant 0 : i32
      %scan3A_31 = arith.constant 0 : i32
      %scan3A_32 = arith.constant 62 : i32
      %scan3A_33 = arith.addi %scan3A_31, %scan3A_32 : i32
      %scan3A_34 = arith.constant 1 : i32
      scf.for %scan3A_38 = %scan3A_31 to %scan3A_33 step %scan3A_34  : i32 {
        %mul3A_39 = arith.constant 2 : i32
        %mul3A_40 = arith.muli %mul3A_39, %scan3A_38 : i32
        %add3A_41 = arith.constant 1 : i32
        %add3A_42 = arith.addi %mul3A_40, %add3A_41 : i32
        %mul3A_43 = arith.constant 10000 : i32
        %mul3A_44 = arith.muli %arg1, %mul3A_43 : i32
        %add3A_45 = arith.constant 2 : i32
        %add3A_46 = arith.addi %mul3A_40, %add3A_45 : i32
        %mul3A_47 = arith.constant 80 : i32
        %mul3A_48 = arith.muli %add3A_46, %mul3A_47 : i32
        %add3A_49 = arith.addi %mul3A_44, %mul3A_48 : i32
        %dma_wait3A_50 = arith.constant 0 : i32
        %dma_wait3A_51 = arith.constant 0 : i32
        %dma_wait3A_52 = tpu.memref_slice %arg2[%dma_wait3A_50, %dma_wait3A_51] : memref<10000x128xf32, #tpu.memory_space<hbm>> -> memref<10000x128xf32, #tpu.memory_space<hbm>>
        tpu.wait_indirect_dma semaphore(%arg16 : memref<!tpu.dma_semaphore, #tpu.memory_space<semaphore_mem>>) src(%dma_wait3A_52 : memref<10000x128xf32, #tpu.memory_space<hbm>>) dst(%arg13 : memref<80x128xf32, #tpu.memory_space<vmem>>)
        %dma_start3A_53 = tpu.memref_slice %arg4[%add3A_49] : memref<160000xi32, #tpu.memory_space<hbm>> -> memref<80xi32, #tpu.memory_space<hbm>>
        %dma_start3A_54 = tpu.memref_slice %arg4[%add3A_49] : memref<160000xi32, #tpu.memory_space<hbm>> -> memref<80xi32, #tpu.memory_space<hbm>>
        tpu.enqueue_dma source(%dma_start3A_54 : memref<80xi32, #tpu.memory_space<hbm>>) target(%arg9 : memref<80xi32, #tpu.memory_space<vmem>>) target_semaphore(%arg18 : memref<!tpu.dma_semaphore, #tpu.memory_space<semaphore_mem>>)
        "tpu.region"() ({
          %run_scoped3A = tpu.sem_alloc : memref<!tpu.dma_semaphore, #tpu.memory_space<semaphore_mem>>
          %dma_start3A_80 = arith.constant 0 : i32
          %dma_start3A_81 = arith.constant 0 : i32
          %dma_start3A_82 = tpu.memref_slice %arg15[%dma_start3A_80, %dma_start3A_81] : memref<10240x128xf32, #tpu.memory_space<vmem_shared>> -> memref<10240x128xf32, #tpu.memory_space<vmem_shared>>
          tpu.enqueue_indirect_dma source(%arg13 : memref<80x128xf32, #tpu.memory_space<vmem>>) target(%dma_start3A_82 : memref<10240x128xf32, #tpu.memory_space<vmem_shared>>) offsets(%arg10 : memref<80xi32, #tpu.memory_space<vmem>>) semaphore(%run_scoped3A : memref<!tpu.dma_semaphore, #tpu.memory_space<semaphore_mem>>) {add = true}
          %dma_wait3A_83 = arith.constant 0 : i32
          %dma_wait3A_84 = arith.constant 0 : i32
          %dma_wait3A_85 = tpu.memref_slice %arg15[%dma_wait3A_83, %dma_wait3A_84] : memref<10240x128xf32, #tpu.memory_space<vmem_shared>> -> memref<10240x128xf32, #tpu.memory_space<vmem_shared>>
          tpu.wait_indirect_dma semaphore(%run_scoped3A : memref<!tpu.dma_semaphore, #tpu.memory_space<semaphore_mem>>) src(%arg13 : memref<80x128xf32, #tpu.memory_space<vmem>>) dst(%dma_wait3A_85 : memref<10240x128xf32, #tpu.memory_space<vmem_shared>>)
          tpu.yield
        }) : () -> ()
        %dma_start3A_55 = tpu.memref_slice %arg5[%add3A_49] : memref<160000xi32, #tpu.memory_space<hbm>> -> memref<80xi32, #tpu.memory_space<hbm>>
        %dma_start3A_56 = tpu.memref_slice %arg5[%add3A_49] : memref<160000xi32, #tpu.memory_space<hbm>> -> memref<80xi32, #tpu.memory_space<hbm>>
        tpu.enqueue_dma source(%dma_start3A_56 : memref<80xi32, #tpu.memory_space<hbm>>) target(%arg10 : memref<80xi32, #tpu.memory_space<vmem>>) target_semaphore(%arg18 : memref<!tpu.dma_semaphore, #tpu.memory_space<semaphore_mem>>)
        %dma_wait3A_57 = tpu.memref_slice %arg4[%add3A_49] : memref<160000xi32, #tpu.memory_space<hbm>> -> memref<80xi32, #tpu.memory_space<hbm>>
        %dma_wait3A_58 = tpu.memref_slice %arg4[%add3A_49] : memref<160000xi32, #tpu.memory_space<hbm>> -> memref<80xi32, #tpu.memory_space<hbm>>
        tpu.wait_dma2 semaphore(%arg18 : memref<!tpu.dma_semaphore, #tpu.memory_space<semaphore_mem>>) src(%dma_wait3A_58 : memref<80xi32, #tpu.memory_space<hbm>>) dst(%arg9 : memref<80xi32, #tpu.memory_space<vmem>>)
        %dma_wait3A_59 = tpu.memref_slice %arg5[%add3A_49] : memref<160000xi32, #tpu.memory_space<hbm>> -> memref<80xi32, #tpu.memory_space<hbm>>
        %dma_wait3A_60 = tpu.memref_slice %arg5[%add3A_49] : memref<160000xi32, #tpu.memory_space<hbm>> -> memref<80xi32, #tpu.memory_space<hbm>>
        tpu.wait_dma2 semaphore(%arg18 : memref<!tpu.dma_semaphore, #tpu.memory_space<semaphore_mem>>) src(%dma_wait3A_60 : memref<80xi32, #tpu.memory_space<hbm>>) dst(%arg10 : memref<80xi32, #tpu.memory_space<vmem>>)
        %dma_start3A_61 = arith.constant 0 : i32
        %dma_start3A_62 = arith.constant 0 : i32
        %dma_start3A_63 = tpu.memref_slice %arg2[%dma_start3A_61, %dma_start3A_62] : memref<10000x128xf32, #tpu.memory_space<hbm>> -> memref<10000x128xf32, #tpu.memory_space<hbm>>
        tpu.enqueue_indirect_dma source(%dma_start3A_63 : memref<10000x128xf32, #tpu.memory_space<hbm>>) target(%arg13 : memref<80x128xf32, #tpu.memory_space<vmem>>) offsets(%arg9 : memref<80xi32, #tpu.memory_space<vmem>>) semaphore(%arg16 : memref<!tpu.dma_semaphore, #tpu.memory_space<semaphore_mem>>)
        %dma_wait3A_64 = arith.constant 0 : i32
        %dma_wait3A_65 = arith.constant 0 : i32
        %dma_wait3A_66 = tpu.memref_slice %arg2[%dma_wait3A_64, %dma_wait3A_65] : memref<10000x128xf32, #tpu.memory_space<hbm>> -> memref<10000x128xf32, #tpu.memory_space<hbm>>
        tpu.wait_indirect_dma semaphore(%arg17 : memref<!tpu.dma_semaphore, #tpu.memory_space<semaphore_mem>>) src(%dma_wait3A_66 : memref<10000x128xf32, #tpu.memory_space<hbm>>) dst(%arg14 : memref<80x128xf32, #tpu.memory_space<vmem>>)
        %add3A_67 = arith.constant 2 : i32
        %add3A_68 = arith.addi %add3A_42, %add3A_67 : i32
        %lt3A = arith.constant 125 : i32
        %lt3A_69 = arith.cmpi slt, %add3A_68, %lt3A : i32
        %convert_element_type3A_70 = arith.extui %lt3A_69 : i1 to i32
        %cond3A_71 = arith.constant 0 : i32
        %cond3A_72 = arith.cmpi ne, %convert_element_type3A_70, %cond3A_71 : i32
        scf.if %cond3A_72 {
          %mul3A_80 = arith.constant 10000 : i32
          %mul3A_81 = arith.muli %arg1, %mul3A_80 : i32
          %add3A_82 = arith.constant 2 : i32
          %add3A_83 = arith.addi %add3A_42, %add3A_82 : i32
          %mul3A_84 = arith.constant 80 : i32
          %mul3A_85 = arith.muli %add3A_83, %mul3A_84 : i32
          %add3A_86 = arith.addi %mul3A_81, %mul3A_85 : i32
          %dma_start3A_87 = tpu.memref_slice %arg4[%add3A_86] : memref<160000xi32, #tpu.memory_space<hbm>> -> memref<80xi32, #tpu.memory_space<hbm>>
          %dma_start3A_88 = tpu.memref_slice %arg4[%add3A_86] : memref<160000xi32, #tpu.memory_space<hbm>> -> memref<80xi32, #tpu.memory_space<hbm>>
          tpu.enqueue_dma source(%dma_start3A_88 : memref<80xi32, #tpu.memory_space<hbm>>) target(%arg11 : memref<80xi32, #tpu.memory_space<vmem>>) target_semaphore(%arg19 : memref<!tpu.dma_semaphore, #tpu.memory_space<semaphore_mem>>)
        } else {
        }
        "tpu.region"() ({
          %run_scoped3A = tpu.sem_alloc : memref<!tpu.dma_semaphore, #tpu.memory_space<semaphore_mem>>
          %dma_start3A_80 = arith.constant 0 : i32
          %dma_start3A_81 = arith.constant 0 : i32
          %dma_start3A_82 = tpu.memref_slice %arg15[%dma_start3A_80, %dma_start3A_81] : memref<10240x128xf32, #tpu.memory_space<vmem_shared>> -> memref<10240x128xf32, #tpu.memory_space<vmem_shared>>
          tpu.enqueue_indirect_dma source(%arg14 : memref<80x128xf32, #tpu.memory_space<vmem>>) target(%dma_start3A_82 : memref<10240x128xf32, #tpu.memory_space<vmem_shared>>) offsets(%arg12 : memref<80xi32, #tpu.memory_space<vmem>>) semaphore(%run_scoped3A : memref<!tpu.dma_semaphore, #tpu.memory_space<semaphore_mem>>) {add = true}
          %dma_wait3A_83 = arith.constant 0 : i32
          %dma_wait3A_84 = arith.constant 0 : i32
          %dma_wait3A_85 = tpu.memref_slice %arg15[%dma_wait3A_83, %dma_wait3A_84] : memref<10240x128xf32, #tpu.memory_space<vmem_shared>> -> memref<10240x128xf32, #tpu.memory_space<vmem_shared>>
          tpu.wait_indirect_dma semaphore(%run_scoped3A : memref<!tpu.dma_semaphore, #tpu.memory_space<semaphore_mem>>) src(%arg14 : memref<80x128xf32, #tpu.memory_space<vmem>>) dst(%dma_wait3A_85 : memref<10240x128xf32, #tpu.memory_space<vmem_shared>>)
          tpu.yield
        }) : () -> ()
        %add3A_73 = arith.constant 2 : i32
        %add3A_74 = arith.addi %add3A_42, %add3A_73 : i32
        %lt3A_75 = arith.constant 125 : i32
        %lt3A_76 = arith.cmpi slt, %add3A_74, %lt3A_75 : i32
        %convert_element_type3A_77 = arith.extui %lt3A_76 : i1 to i32
        %cond3A_78 = arith.constant 0 : i32
        %cond3A_79 = arith.cmpi ne, %convert_element_type3A_77, %cond3A_78 : i32
        scf.if %cond3A_79 {
          %mul3A_80 = arith.constant 10000 : i32
          %mul3A_81 = arith.muli %arg1, %mul3A_80 : i32
          %add3A_82 = arith.constant 2 : i32
          %add3A_83 = arith.addi %add3A_42, %add3A_82 : i32
          %mul3A_84 = arith.constant 80 : i32
          %mul3A_85 = arith.muli %add3A_83, %mul3A_84 : i32
          %add3A_86 = arith.addi %mul3A_81, %mul3A_85 : i32
          %dma_start3A_87 = tpu.memref_slice %arg5[%add3A_86] : memref<160000xi32, #tpu.memory_space<hbm>> -> memref<80xi32, #tpu.memory_space<hbm>>
          %dma_start3A_88 = tpu.memref_slice %arg5[%add3A_86] : memref<160000xi32, #tpu.memory_space<hbm>> -> memref<80xi32, #tpu.memory_space<hbm>>
          tpu.enqueue_dma source(%dma_start3A_88 : memref<80xi32, #tpu.memory_space<hbm>>) target(%arg12 : memref<80xi32, #tpu.memory_space<vmem>>) target_semaphore(%arg19 : memref<!tpu.dma_semaphore, #tpu.memory_space<semaphore_mem>>)
          %dma_wait3A_89 = tpu.memref_slice %arg4[%add3A_86] : memref<160000xi32, #tpu.memory_space<hbm>> -> memref<80xi32, #tpu.memory_space<hbm>>
          %dma_wait3A_90 = tpu.memref_slice %arg4[%add3A_86] : memref<160000xi32, #tpu.memory_space<hbm>> -> memref<80xi32, #tpu.memory_space<hbm>>
          tpu.wait_dma2 semaphore(%arg19 : memref<!tpu.dma_semaphore, #tpu.memory_space<semaphore_mem>>) src(%dma_wait3A_90 : memref<80xi32, #tpu.memory_space<hbm>>) dst(%arg11 : memref<80xi32, #tpu.memory_space<vmem>>)
          %dma_wait3A_91 = tpu.memref_slice %arg5[%add3A_86] : memref<160000xi32, #tpu.memory_space<hbm>> -> memref<80xi32, #tpu.memory_space<hbm>>
          %dma_wait3A_92 = tpu.memref_slice %arg5[%add3A_86] : memref<160000xi32, #tpu.memory_space<hbm>> -> memref<80xi32, #tpu.memory_space<hbm>>
          tpu.wait_dma2 semaphore(%arg19 : memref<!tpu.dma_semaphore, #tpu.memory_space<semaphore_mem>>) src(%dma_wait3A_92 : memref<80xi32, #tpu.memory_space<hbm>>) dst(%arg12 : memref<80xi32, #tpu.memory_space<vmem>>)
          %dma_start3A_93 = arith.constant 0 : i32
          %dma_start3A_94 = arith.constant 0 : i32
          %dma_start3A_95 = tpu.memref_slice %arg2[%dma_start3A_93, %dma_start3A_94] : memref<10000x128xf32, #tpu.memory_space<hbm>> -> memref<10000x128xf32, #tpu.memory_space<hbm>>
          tpu.enqueue_indirect_dma source(%dma_start3A_95 : memref<10000x128xf32, #tpu.memory_space<hbm>>) target(%arg14 : memref<80x128xf32, #tpu.memory_space<vmem>>) offsets(%arg11 : memref<80xi32, #tpu.memory_space<vmem>>) semaphore(%arg17 : memref<!tpu.dma_semaphore, #tpu.memory_space<semaphore_mem>>)
        } else {
        }
      }
      %scan3A_35 = arith.constant 62 : i32
      %dma_wait3A = arith.constant 0 : i32
      %dma_wait3A_36 = arith.constant 0 : i32
      %dma_wait3A_37 = tpu.memref_slice %arg2[%dma_wait3A, %dma_wait3A_36] : memref<10000x128xf32, #tpu.memory_space<hbm>> -> memref<10000x128xf32, #tpu.memory_space<hbm>>
      tpu.wait_indirect_dma semaphore(%arg16 : memref<!tpu.dma_semaphore, #tpu.memory_space<semaphore_mem>>) src(%dma_wait3A_37 : memref<10000x128xf32, #tpu.memory_space<hbm>>) dst(%arg13 : memref<80x128xf32, #tpu.memory_space<vmem>>)
      "tpu.region"() ({
        %run_scoped3A = tpu.sem_alloc : memref<!tpu.dma_semaphore, #tpu.memory_space<semaphore_mem>>
        %dma_start3A_38 = arith.constant 0 : i32
        %dma_start3A_39 = arith.constant 0 : i32
        %dma_start3A_40 = tpu.memref_slice %arg15[%dma_start3A_38, %dma_start3A_39] : memref<10240x128xf32, #tpu.memory_space<vmem_shared>> -> memref<10240x128xf32, #tpu.memory_space<vmem_shared>>
        tpu.enqueue_indirect_dma source(%arg13 : memref<80x128xf32, #tpu.memory_space<vmem>>) target(%dma_start3A_40 : memref<10240x128xf32, #tpu.memory_space<vmem_shared>>) offsets(%arg10 : memref<80xi32, #tpu.memory_space<vmem>>) semaphore(%run_scoped3A : memref<!tpu.dma_semaphore, #tpu.memory_space<semaphore_mem>>) {add = true}
        %dma_wait3A_41 = arith.constant 0 : i32
        %dma_wait3A_42 = arith.constant 0 : i32
        %dma_wait3A_43 = tpu.memref_slice %arg15[%dma_wait3A_41, %dma_wait3A_42] : memref<10240x128xf32, #tpu.memory_space<vmem_shared>> -> memref<10240x128xf32, #tpu.memory_space<vmem_shared>>
        tpu.wait_indirect_dma semaphore(%run_scoped3A : memref<!tpu.dma_semaphore, #tpu.memory_space<semaphore_mem>>) src(%arg13 : memref<80x128xf32, #tpu.memory_space<vmem>>) dst(%dma_wait3A_43 : memref<10240x128xf32, #tpu.memory_space<vmem_shared>>)
        tpu.yield
      }) : () -> ()
    } else {
    }
    %eq3A_3 = arith.constant 1 : i32
    %eq3A_4 = arith.cmpi eq, %arg0, %eq3A_3 : i32
    %convert_element_type3A_5 = arith.extui %eq3A_4 : i1 to i32
    %cond3A_6 = arith.constant 0 : i32
    %cond3A_7 = arith.cmpi ne, %convert_element_type3A_5, %cond3A_6 : i32
    scf.if %cond3A_7 {
      %mul3A_21 = arith.constant 10000 : i32
      %mul3A_22 = arith.muli %arg1, %mul3A_21 : i32
      "tpu.region"() ({
        %run_scoped3A = tpu.sem_alloc : memref<!tpu.dma_semaphore, #tpu.memory_space<semaphore_mem>>
        %dma_start3A_38 = tpu.memref_slice %arg4[%mul3A_22] : memref<160000xi32, #tpu.memory_space<hbm>> -> memref<80xi32, #tpu.memory_space<hbm>>
        %dma_start3A_39 = tpu.memref_slice %arg4[%mul3A_22] : memref<160000xi32, #tpu.memory_space<hbm>> -> memref<80xi32, #tpu.memory_space<hbm>>
        tpu.enqueue_dma source(%dma_start3A_39 : memref<80xi32, #tpu.memory_space<hbm>>) target(%arg9 : memref<80xi32, #tpu.memory_space<vmem>>) target_semaphore(%run_scoped3A : memref<!tpu.dma_semaphore, #tpu.memory_space<semaphore_mem>>)
        %dma_wait3A_40 = tpu.memref_slice %arg4[%mul3A_22] : memref<160000xi32, #tpu.memory_space<hbm>> -> memref<80xi32, #tpu.memory_space<hbm>>
        %dma_wait3A_41 = tpu.memref_slice %arg4[%mul3A_22] : memref<160000xi32, #tpu.memory_space<hbm>> -> memref<80xi32, #tpu.memory_space<hbm>>
        tpu.wait_dma2 semaphore(%run_scoped3A : memref<!tpu.dma_semaphore, #tpu.memory_space<semaphore_mem>>) src(%dma_wait3A_41 : memref<80xi32, #tpu.memory_space<hbm>>) dst(%arg9 : memref<80xi32, #tpu.memory_space<vmem>>)
        tpu.yield
      }) : () -> ()
      "tpu.region"() ({
        %run_scoped3A = tpu.sem_alloc : memref<!tpu.dma_semaphore, #tpu.memory_space<semaphore_mem>>
        %dma_start3A_38 = tpu.memref_slice %arg5[%mul3A_22] : memref<160000xi32, #tpu.memory_space<hbm>> -> memref<80xi32, #tpu.memory_space<hbm>>
        %dma_start3A_39 = tpu.memref_slice %arg5[%mul3A_22] : memref<160000xi32, #tpu.memory_space<hbm>> -> memref<80xi32, #tpu.memory_space<hbm>>
        tpu.enqueue_dma source(%dma_start3A_39 : memref<80xi32, #tpu.memory_space<hbm>>) target(%arg10 : memref<80xi32, #tpu.memory_space<vmem>>) target_semaphore(%run_scoped3A : memref<!tpu.dma_semaphore, #tpu.memory_space<semaphore_mem>>)
        %dma_wait3A_40 = tpu.memref_slice %arg5[%mul3A_22] : memref<160000xi32, #tpu.memory_space<hbm>> -> memref<80xi32, #tpu.memory_space<hbm>>
        %dma_wait3A_41 = tpu.memref_slice %arg5[%mul3A_22] : memref<160000xi32, #tpu.memory_space<hbm>> -> memref<80xi32, #tpu.memory_space<hbm>>
        tpu.wait_dma2 semaphore(%run_scoped3A : memref<!tpu.dma_semaphore, #tpu.memory_space<semaphore_mem>>) src(%dma_wait3A_41 : memref<80xi32, #tpu.memory_space<hbm>>) dst(%arg10 : memref<80xi32, #tpu.memory_space<vmem>>)
        tpu.yield
      }) : () -> ()
      %add3A = arith.constant 80 : i32
      %add3A_23 = arith.addi %mul3A_22, %add3A : i32
      "tpu.region"() ({
        %run_scoped3A = tpu.sem_alloc : memref<!tpu.dma_semaphore, #tpu.memory_space<semaphore_mem>>
        %dma_start3A_38 = tpu.memref_slice %arg4[%add3A_23] : memref<160000xi32, #tpu.memory_space<hbm>> -> memref<80xi32, #tpu.memory_space<hbm>>
        %dma_start3A_39 = tpu.memref_slice %arg4[%add3A_23] : memref<160000xi32, #tpu.memory_space<hbm>> -> memref<80xi32, #tpu.memory_space<hbm>>
        tpu.enqueue_dma source(%dma_start3A_39 : memref<80xi32, #tpu.memory_space<hbm>>) target(%arg11 : memref<80xi32, #tpu.memory_space<vmem>>) target_semaphore(%run_scoped3A : memref<!tpu.dma_semaphore, #tpu.memory_space<semaphore_mem>>)
        %dma_wait3A_40 = tpu.memref_slice %arg4[%add3A_23] : memref<160000xi32, #tpu.memory_space<hbm>> -> memref<80xi32, #tpu.memory_space<hbm>>
        %dma_wait3A_41 = tpu.memref_slice %arg4[%add3A_23] : memref<160000xi32, #tpu.memory_space<hbm>> -> memref<80xi32, #tpu.memory_space<hbm>>
        tpu.wait_dma2 semaphore(%run_scoped3A : memref<!tpu.dma_semaphore, #tpu.memory_space<semaphore_mem>>) src(%dma_wait3A_41 : memref<80xi32, #tpu.memory_space<hbm>>) dst(%arg11 : memref<80xi32, #tpu.memory_space<vmem>>)
        tpu.yield
      }) : () -> ()
      %add3A_24 = arith.constant 80 : i32
      %add3A_25 = arith.addi %mul3A_22, %add3A_24 : i32
      "tpu.region"() ({
        %run_scoped3A = tpu.sem_alloc : memref<!tpu.dma_semaphore, #tpu.memory_space<semaphore_mem>>
        %dma_start3A_38 = tpu.memref_slice %arg5[%add3A_25] : memref<160000xi32, #tpu.memory_space<hbm>> -> memref<80xi32, #tpu.memory_space<hbm>>
        %dma_start3A_39 = tpu.memref_slice %arg5[%add3A_25] : memref<160000xi32, #tpu.memory_space<hbm>> -> memref<80xi32, #tpu.memory_space<hbm>>
        tpu.enqueue_dma source(%dma_start3A_39 : memref<80xi32, #tpu.memory_space<hbm>>) target(%arg12 : memref<80xi32, #tpu.memory_space<vmem>>) target_semaphore(%run_scoped3A : memref<!tpu.dma_semaphore, #tpu.memory_space<semaphore_mem>>)
        %dma_wait3A_40 = tpu.memref_slice %arg5[%add3A_25] : memref<160000xi32, #tpu.memory_space<hbm>> -> memref<80xi32, #tpu.memory_space<hbm>>
        %dma_wait3A_41 = tpu.memref_slice %arg5[%add3A_25] : memref<160000xi32, #tpu.memory_space<hbm>> -> memref<80xi32, #tpu.memory_space<hbm>>
        tpu.wait_dma2 semaphore(%run_scoped3A : memref<!tpu.dma_semaphore, #tpu.memory_space<semaphore_mem>>) src(%dma_wait3A_41 : memref<80xi32, #tpu.memory_space<hbm>>) dst(%arg12 : memref<80xi32, #tpu.memory_space<vmem>>)
        tpu.yield
      }) : () -> ()
      %dma_start3A = arith.constant 0 : i32
      %dma_start3A_26 = arith.constant 0 : i32
      %dma_start3A_27 = tpu.memref_slice %arg3[%dma_start3A, %dma_start3A_26] : memref<10000x128xf32, #tpu.memory_space<hbm>> -> memref<10000x128xf32, #tpu.memory_space<hbm>>
      tpu.enqueue_indirect_dma source(%dma_start3A_27 : memref<10000x128xf32, #tpu.memory_space<hbm>>) target(%arg13 : memref<80x128xf32, #tpu.memory_space<vmem>>) offsets(%arg9 : memref<80xi32, #tpu.memory_space<vmem>>) semaphore(%arg16 : memref<!tpu.dma_semaphore, #tpu.memory_space<semaphore_mem>>)
      %dma_start3A_28 = arith.constant 0 : i32
      %dma_start3A_29 = arith.constant 0 : i32
      %dma_start3A_30 = tpu.memref_slice %arg3[%dma_start3A_28, %dma_start3A_29] : memref<10000x128xf32, #tpu.memory_space<hbm>> -> memref<10000x128xf32, #tpu.memory_space<hbm>>
      tpu.enqueue_indirect_dma source(%dma_start3A_30 : memref<10000x128xf32, #tpu.memory_space<hbm>>) target(%arg14 : memref<80x128xf32, #tpu.memory_space<vmem>>) offsets(%arg11 : memref<80xi32, #tpu.memory_space<vmem>>) semaphore(%arg17 : memref<!tpu.dma_semaphore, #tpu.memory_space<semaphore_mem>>)
      %scan3A = arith.constant 0 : i32
      %scan3A_31 = arith.constant 0 : i32
      %scan3A_32 = arith.constant 62 : i32
      %scan3A_33 = arith.addi %scan3A_31, %scan3A_32 : i32
      %scan3A_34 = arith.constant 1 : i32
      scf.for %scan3A_38 = %scan3A_31 to %scan3A_33 step %scan3A_34  : i32 {
        %mul3A_39 = arith.constant 2 : i32
        %mul3A_40 = arith.muli %mul3A_39, %scan3A_38 : i32
        %add3A_41 = arith.constant 1 : i32
        %add3A_42 = arith.addi %mul3A_40, %add3A_41 : i32
        %mul3A_43 = arith.constant 10000 : i32
        %mul3A_44 = arith.muli %arg1, %mul3A_43 : i32
        %add3A_45 = arith.constant 2 : i32
        %add3A_46 = arith.addi %mul3A_40, %add3A_45 : i32
        %mul3A_47 = arith.constant 80 : i32
        %mul3A_48 = arith.muli %add3A_46, %mul3A_47 : i32
        %add3A_49 = arith.addi %mul3A_44, %mul3A_48 : i32
        %dma_wait3A_50 = arith.constant 0 : i32
        %dma_wait3A_51 = arith.constant 0 : i32
        %dma_wait3A_52 = tpu.memref_slice %arg3[%dma_wait3A_50, %dma_wait3A_51] : memref<10000x128xf32, #tpu.memory_space<hbm>> -> memref<10000x128xf32, #tpu.memory_space<hbm>>
        tpu.wait_indirect_dma semaphore(%arg16 : memref<!tpu.dma_semaphore, #tpu.memory_space<semaphore_mem>>) src(%dma_wait3A_52 : memref<10000x128xf32, #tpu.memory_space<hbm>>) dst(%arg13 : memref<80x128xf32, #tpu.memory_space<vmem>>)
        %dma_start3A_53 = tpu.memref_slice %arg4[%add3A_49] : memref<160000xi32, #tpu.memory_space<hbm>> -> memref<80xi32, #tpu.memory_space<hbm>>
        %dma_start3A_54 = tpu.memref_slice %arg4[%add3A_49] : memref<160000xi32, #tpu.memory_space<hbm>> -> memref<80xi32, #tpu.memory_space<hbm>>
        tpu.enqueue_dma source(%dma_start3A_54 : memref<80xi32, #tpu.memory_space<hbm>>) target(%arg9 : memref<80xi32, #tpu.memory_space<vmem>>) target_semaphore(%arg18 : memref<!tpu.dma_semaphore, #tpu.memory_space<semaphore_mem>>)
        "tpu.region"() ({
          %run_scoped3A = tpu.sem_alloc : memref<!tpu.dma_semaphore, #tpu.memory_space<semaphore_mem>>
          %dma_start3A_80 = arith.constant 0 : i32
          %dma_start3A_81 = arith.constant 0 : i32
          %dma_start3A_82 = tpu.memref_slice %arg15[%dma_start3A_80, %dma_start3A_81] : memref<10240x128xf32, #tpu.memory_space<vmem_shared>> -> memref<10240x128xf32, #tpu.memory_space<vmem_shared>>
          tpu.enqueue_indirect_dma source(%arg13 : memref<80x128xf32, #tpu.memory_space<vmem>>) target(%dma_start3A_82 : memref<10240x128xf32, #tpu.memory_space<vmem_shared>>) offsets(%arg10 : memref<80xi32, #tpu.memory_space<vmem>>) semaphore(%run_scoped3A : memref<!tpu.dma_semaphore, #tpu.memory_space<semaphore_mem>>) {add = true}
          %dma_wait3A_83 = arith.constant 0 : i32
          %dma_wait3A_84 = arith.constant 0 : i32
          %dma_wait3A_85 = tpu.memref_slice %arg15[%dma_wait3A_83, %dma_wait3A_84] : memref<10240x128xf32, #tpu.memory_space<vmem_shared>> -> memref<10240x128xf32, #tpu.memory_space<vmem_shared>>
          tpu.wait_indirect_dma semaphore(%run_scoped3A : memref<!tpu.dma_semaphore, #tpu.memory_space<semaphore_mem>>) src(%arg13 : memref<80x128xf32, #tpu.memory_space<vmem>>) dst(%dma_wait3A_85 : memref<10240x128xf32, #tpu.memory_space<vmem_shared>>)
          tpu.yield
        }) : () -> ()
        %dma_start3A_55 = tpu.memref_slice %arg5[%add3A_49] : memref<160000xi32, #tpu.memory_space<hbm>> -> memref<80xi32, #tpu.memory_space<hbm>>
        %dma_start3A_56 = tpu.memref_slice %arg5[%add3A_49] : memref<160000xi32, #tpu.memory_space<hbm>> -> memref<80xi32, #tpu.memory_space<hbm>>
        tpu.enqueue_dma source(%dma_start3A_56 : memref<80xi32, #tpu.memory_space<hbm>>) target(%arg10 : memref<80xi32, #tpu.memory_space<vmem>>) target_semaphore(%arg18 : memref<!tpu.dma_semaphore, #tpu.memory_space<semaphore_mem>>)
        %dma_wait3A_57 = tpu.memref_slice %arg4[%add3A_49] : memref<160000xi32, #tpu.memory_space<hbm>> -> memref<80xi32, #tpu.memory_space<hbm>>
        %dma_wait3A_58 = tpu.memref_slice %arg4[%add3A_49] : memref<160000xi32, #tpu.memory_space<hbm>> -> memref<80xi32, #tpu.memory_space<hbm>>
        tpu.wait_dma2 semaphore(%arg18 : memref<!tpu.dma_semaphore, #tpu.memory_space<semaphore_mem>>) src(%dma_wait3A_58 : memref<80xi32, #tpu.memory_space<hbm>>) dst(%arg9 : memref<80xi32, #tpu.memory_space<vmem>>)
        %dma_wait3A_59 = tpu.memref_slice %arg5[%add3A_49] : memref<160000xi32, #tpu.memory_space<hbm>> -> memref<80xi32, #tpu.memory_space<hbm>>
        %dma_wait3A_60 = tpu.memref_slice %arg5[%add3A_49] : memref<160000xi32, #tpu.memory_space<hbm>> -> memref<80xi32, #tpu.memory_space<hbm>>
        tpu.wait_dma2 semaphore(%arg18 : memref<!tpu.dma_semaphore, #tpu.memory_space<semaphore_mem>>) src(%dma_wait3A_60 : memref<80xi32, #tpu.memory_space<hbm>>) dst(%arg10 : memref<80xi32, #tpu.memory_space<vmem>>)
        %dma_start3A_61 = arith.constant 0 : i32
        %dma_start3A_62 = arith.constant 0 : i32
        %dma_start3A_63 = tpu.memref_slice %arg3[%dma_start3A_61, %dma_start3A_62] : memref<10000x128xf32, #tpu.memory_space<hbm>> -> memref<10000x128xf32, #tpu.memory_space<hbm>>
        tpu.enqueue_indirect_dma source(%dma_start3A_63 : memref<10000x128xf32, #tpu.memory_space<hbm>>) target(%arg13 : memref<80x128xf32, #tpu.memory_space<vmem>>) offsets(%arg9 : memref<80xi32, #tpu.memory_space<vmem>>) semaphore(%arg16 : memref<!tpu.dma_semaphore, #tpu.memory_space<semaphore_mem>>)
        %dma_wait3A_64 = arith.constant 0 : i32
        %dma_wait3A_65 = arith.constant 0 : i32
        %dma_wait3A_66 = tpu.memref_slice %arg3[%dma_wait3A_64, %dma_wait3A_65] : memref<10000x128xf32, #tpu.memory_space<hbm>> -> memref<10000x128xf32, #tpu.memory_space<hbm>>
        tpu.wait_indirect_dma semaphore(%arg17 : memref<!tpu.dma_semaphore, #tpu.memory_space<semaphore_mem>>) src(%dma_wait3A_66 : memref<10000x128xf32, #tpu.memory_space<hbm>>) dst(%arg14 : memref<80x128xf32, #tpu.memory_space<vmem>>)
        %add3A_67 = arith.constant 2 : i32
        %add3A_68 = arith.addi %add3A_42, %add3A_67 : i32
        %lt3A = arith.constant 125 : i32
        %lt3A_69 = arith.cmpi slt, %add3A_68, %lt3A : i32
        %convert_element_type3A_70 = arith.extui %lt3A_69 : i1 to i32
        %cond3A_71 = arith.constant 0 : i32
        %cond3A_72 = arith.cmpi ne, %convert_element_type3A_70, %cond3A_71 : i32
        scf.if %cond3A_72 {
          %mul3A_80 = arith.constant 10000 : i32
          %mul3A_81 = arith.muli %arg1, %mul3A_80 : i32
          %add3A_82 = arith.constant 2 : i32
          %add3A_83 = arith.addi %add3A_42, %add3A_82 : i32
          %mul3A_84 = arith.constant 80 : i32
          %mul3A_85 = arith.muli %add3A_83, %mul3A_84 : i32
          %add3A_86 = arith.addi %mul3A_81, %mul3A_85 : i32
          %dma_start3A_87 = tpu.memref_slice %arg4[%add3A_86] : memref<160000xi32, #tpu.memory_space<hbm>> -> memref<80xi32, #tpu.memory_space<hbm>>
          %dma_start3A_88 = tpu.memref_slice %arg4[%add3A_86] : memref<160000xi32, #tpu.memory_space<hbm>> -> memref<80xi32, #tpu.memory_space<hbm>>
          tpu.enqueue_dma source(%dma_start3A_88 : memref<80xi32, #tpu.memory_space<hbm>>) target(%arg11 : memref<80xi32, #tpu.memory_space<vmem>>) target_semaphore(%arg19 : memref<!tpu.dma_semaphore, #tpu.memory_space<semaphore_mem>>)
        } else {
        }
        "tpu.region"() ({
          %run_scoped3A = tpu.sem_alloc : memref<!tpu.dma_semaphore, #tpu.memory_space<semaphore_mem>>
          %dma_start3A_80 = arith.constant 0 : i32
          %dma_start3A_81 = arith.constant 0 : i32
          %dma_start3A_82 = tpu.memref_slice %arg15[%dma_start3A_80, %dma_start3A_81] : memref<10240x128xf32, #tpu.memory_space<vmem_shared>> -> memref<10240x128xf32, #tpu.memory_space<vmem_shared>>
          tpu.enqueue_indirect_dma source(%arg14 : memref<80x128xf32, #tpu.memory_space<vmem>>) target(%dma_start3A_82 : memref<10240x128xf32, #tpu.memory_space<vmem_shared>>) offsets(%arg12 : memref<80xi32, #tpu.memory_space<vmem>>) semaphore(%run_scoped3A : memref<!tpu.dma_semaphore, #tpu.memory_space<semaphore_mem>>) {add = true}
          %dma_wait3A_83 = arith.constant 0 : i32
          %dma_wait3A_84 = arith.constant 0 : i32
          %dma_wait3A_85 = tpu.memref_slice %arg15[%dma_wait3A_83, %dma_wait3A_84] : memref<10240x128xf32, #tpu.memory_space<vmem_shared>> -> memref<10240x128xf32, #tpu.memory_space<vmem_shared>>
          tpu.wait_indirect_dma semaphore(%run_scoped3A : memref<!tpu.dma_semaphore, #tpu.memory_space<semaphore_mem>>) src(%arg14 : memref<80x128xf32, #tpu.memory_space<vmem>>) dst(%dma_wait3A_85 : memref<10240x128xf32, #tpu.memory_space<vmem_shared>>)
          tpu.yield
        }) : () -> ()
        %add3A_73 = arith.constant 2 : i32
        %add3A_74 = arith.addi %add3A_42, %add3A_73 : i32
        %lt3A_75 = arith.constant 125 : i32
        %lt3A_76 = arith.cmpi slt, %add3A_74, %lt3A_75 : i32
        %convert_element_type3A_77 = arith.extui %lt3A_76 : i1 to i32
        %cond3A_78 = arith.constant 0 : i32
        %cond3A_79 = arith.cmpi ne, %convert_element_type3A_77, %cond3A_78 : i32
        scf.if %cond3A_79 {
          %mul3A_80 = arith.constant 10000 : i32
          %mul3A_81 = arith.muli %arg1, %mul3A_80 : i32
          %add3A_82 = arith.constant 2 : i32
          %add3A_83 = arith.addi %add3A_42, %add3A_82 : i32
          %mul3A_84 = arith.constant 80 : i32
          %mul3A_85 = arith.muli %add3A_83, %mul3A_84 : i32
          %add3A_86 = arith.addi %mul3A_81, %mul3A_85 : i32
          %dma_start3A_87 = tpu.memref_slice %arg5[%add3A_86] : memref<160000xi32, #tpu.memory_space<hbm>> -> memref<80xi32, #tpu.memory_space<hbm>>
          %dma_start3A_88 = tpu.memref_slice %arg5[%add3A_86] : memref<160000xi32, #tpu.memory_space<hbm>> -> memref<80xi32, #tpu.memory_space<hbm>>
          tpu.enqueue_dma source(%dma_start3A_88 : memref<80xi32, #tpu.memory_space<hbm>>) target(%arg12 : memref<80xi32, #tpu.memory_space<vmem>>) target_semaphore(%arg19 : memref<!tpu.dma_semaphore, #tpu.memory_space<semaphore_mem>>)
          %dma_wait3A_89 = tpu.memref_slice %arg4[%add3A_86] : memref<160000xi32, #tpu.memory_space<hbm>> -> memref<80xi32, #tpu.memory_space<hbm>>
          %dma_wait3A_90 = tpu.memref_slice %arg4[%add3A_86] : memref<160000xi32, #tpu.memory_space<hbm>> -> memref<80xi32, #tpu.memory_space<hbm>>
          tpu.wait_dma2 semaphore(%arg19 : memref<!tpu.dma_semaphore, #tpu.memory_space<semaphore_mem>>) src(%dma_wait3A_90 : memref<80xi32, #tpu.memory_space<hbm>>) dst(%arg11 : memref<80xi32, #tpu.memory_space<vmem>>)
          %dma_wait3A_91 = tpu.memref_slice %arg5[%add3A_86] : memref<160000xi32, #tpu.memory_space<hbm>> -> memref<80xi32, #tpu.memory_space<hbm>>
          %dma_wait3A_92 = tpu.memref_slice %arg5[%add3A_86] : memref<160000xi32, #tpu.memory_space<hbm>> -> memref<80xi32, #tpu.memory_space<hbm>>
          tpu.wait_dma2 semaphore(%arg19 : memref<!tpu.dma_semaphore, #tpu.memory_space<semaphore_mem>>) src(%dma_wait3A_92 : memref<80xi32, #tpu.memory_space<hbm>>) dst(%arg12 : memref<80xi32, #tpu.memory_space<vmem>>)
          %dma_start3A_93 = arith.constant 0 : i32
          %dma_start3A_94 = arith.constant 0 : i32
          %dma_start3A_95 = tpu.memref_slice %arg3[%dma_start3A_93, %dma_start3A_94] : memref<10000x128xf32, #tpu.memory_space<hbm>> -> memref<10000x128xf32, #tpu.memory_space<hbm>>
          tpu.enqueue_indirect_dma source(%dma_start3A_95 : memref<10000x128xf32, #tpu.memory_space<hbm>>) target(%arg14 : memref<80x128xf32, #tpu.memory_space<vmem>>) offsets(%arg11 : memref<80xi32, #tpu.memory_space<vmem>>) semaphore(%arg17 : memref<!tpu.dma_semaphore, #tpu.memory_space<semaphore_mem>>)
        } else {
        }
      }
      %scan3A_35 = arith.constant 62 : i32
      %dma_wait3A = arith.constant 0 : i32
      %dma_wait3A_36 = arith.constant 0 : i32
      %dma_wait3A_37 = tpu.memref_slice %arg3[%dma_wait3A, %dma_wait3A_36] : memref<10000x128xf32, #tpu.memory_space<hbm>> -> memref<10000x128xf32, #tpu.memory_space<hbm>>
      tpu.wait_indirect_dma semaphore(%arg16 : memref<!tpu.dma_semaphore, #tpu.memory_space<semaphore_mem>>) src(%dma_wait3A_37 : memref<10000x128xf32, #tpu.memory_space<hbm>>) dst(%arg13 : memref<80x128xf32, #tpu.memory_space<vmem>>)
      "tpu.region"() ({
        %run_scoped3A = tpu.sem_alloc : memref<!tpu.dma_semaphore, #tpu.memory_space<semaphore_mem>>
        %dma_start3A_38 = arith.constant 0 : i32
        %dma_start3A_39 = arith.constant 0 : i32
        %dma_start3A_40 = tpu.memref_slice %arg15[%dma_start3A_38, %dma_start3A_39] : memref<10240x128xf32, #tpu.memory_space<vmem_shared>> -> memref<10240x128xf32, #tpu.memory_space<vmem_shared>>
        tpu.enqueue_indirect_dma source(%arg13 : memref<80x128xf32, #tpu.memory_space<vmem>>) target(%dma_start3A_40 : memref<10240x128xf32, #tpu.memory_space<vmem_shared>>) offsets(%arg10 : memref<80xi32, #tpu.memory_space<vmem>>) semaphore(%run_scoped3A : memref<!tpu.dma_semaphore, #tpu.memory_space<semaphore_mem>>) {add = true}
        %dma_wait3A_41 = arith.constant 0 : i32
        %dma_wait3A_42 = arith.constant 0 : i32
        %dma_wait3A_43 = tpu.memref_slice %arg15[%dma_wait3A_41, %dma_wait3A_42] : memref<10240x128xf32, #tpu.memory_space<vmem_shared>> -> memref<10240x128xf32, #tpu.memory_space<vmem_shared>>
        tpu.wait_indirect_dma semaphore(%run_scoped3A : memref<!tpu.dma_semaphore, #tpu.memory_space<semaphore_mem>>) src(%arg13 : memref<80x128xf32, #tpu.memory_space<vmem>>) dst(%dma_wait3A_43 : memref<10240x128xf32, #tpu.memory_space<vmem_shared>>)
        tpu.yield
      }) : () -> ()
    } else {
    }
    %barrier3A_8 = arith.constant 0 : index
    tpu.barrier barrier_id(%barrier3A_8)
    %mul3A_9 = arith.constant 640 : i32
    %mul3A_10 = arith.muli %arg1, %mul3A_9 : i32
    %eq3A_11 = arith.constant 0 : i32
    %eq3A_12 = arith.cmpi eq, %arg0, %eq3A_11 : i32
    %convert_element_type3A_13 = arith.extui %eq3A_12 : i1 to i32
    %cond3A_14 = arith.constant 0 : i32
    %cond3A_15 = arith.cmpi ne, %convert_element_type3A_13, %cond3A_14 : i32
    scf.if %cond3A_15 {
      "tpu.region"() ({
        %run_scoped3A = tpu.sem_alloc : memref<!tpu.dma_semaphore, #tpu.memory_space<semaphore_mem>>
        %dma_start3A = arith.constant 0 : i32
        %dma_start3A_21 = tpu.memref_slice %arg7[%mul3A_10, %dma_start3A] : memref<10240x128xf32, #tpu.memory_space<hbm>> -> memref<640x128xf32, #tpu.memory_space<hbm>>
        %dma_start3A_22 = arith.constant 0 : i32
        %dma_start3A_23 = tpu.memref_slice %arg15[%mul3A_10, %dma_start3A_22] : memref<10240x128xf32, #tpu.memory_space<vmem_shared>> -> memref<640x128xf32, #tpu.memory_space<vmem_shared>>
        tpu.enqueue_dma source(%dma_start3A_23 : memref<640x128xf32, #tpu.memory_space<vmem_shared>>) target(%dma_start3A_21 : memref<640x128xf32, #tpu.memory_space<hbm>>) target_semaphore(%run_scoped3A : memref<!tpu.dma_semaphore, #tpu.memory_space<semaphore_mem>>)
        %dma_wait3A = arith.constant 0 : i32
        %dma_wait3A_24 = tpu.memref_slice %arg7[%mul3A_10, %dma_wait3A] : memref<10240x128xf32, #tpu.memory_space<hbm>> -> memref<640x128xf32, #tpu.memory_space<hbm>>
        %dma_wait3A_25 = arith.constant 0 : i32
        %dma_wait3A_26 = tpu.memref_slice %arg15[%mul3A_10, %dma_wait3A_25] : memref<10240x128xf32, #tpu.memory_space<vmem_shared>> -> memref<640x128xf32, #tpu.memory_space<vmem_shared>>
        tpu.wait_dma2 semaphore(%run_scoped3A : memref<!tpu.dma_semaphore, #tpu.memory_space<semaphore_mem>>) src(%dma_wait3A_26 : memref<640x128xf32, #tpu.memory_space<vmem_shared>>) dst(%dma_wait3A_24 : memref<640x128xf32, #tpu.memory_space<hbm>>)
        tpu.yield
      }) : () -> ()
    } else {
    }
    %eq3A_16 = arith.constant 1 : i32
    %eq3A_17 = arith.cmpi eq, %arg0, %eq3A_16 : i32
    %convert_element_type3A_18 = arith.extui %eq3A_17 : i1 to i32
    %cond3A_19 = arith.constant 0 : i32
    %cond3A_20 = arith.cmpi ne, %convert_element_type3A_18, %cond3A_19 : i32
    scf.if %cond3A_20 {
      "tpu.region"() ({
        %run_scoped3A = tpu.sem_alloc : memref<!tpu.dma_semaphore, #tpu.memory_space<semaphore_mem>>
        %dma_start3A = arith.constant 0 : i32
        %dma_start3A_21 = tpu.memref_slice %arg8[%mul3A_10, %dma_start3A] : memref<10240x128xf32, #tpu.memory_space<hbm>> -> memref<640x128xf32, #tpu.memory_space<hbm>>
        %dma_start3A_22 = arith.constant 0 : i32
        %dma_start3A_23 = tpu.memref_slice %arg15[%mul3A_10, %dma_start3A_22] : memref<10240x128xf32, #tpu.memory_space<vmem_shared>> -> memref<640x128xf32, #tpu.memory_space<vmem_shared>>
        tpu.enqueue_dma source(%dma_start3A_23 : memref<640x128xf32, #tpu.memory_space<vmem_shared>>) target(%dma_start3A_21 : memref<640x128xf32, #tpu.memory_space<hbm>>) target_semaphore(%run_scoped3A : memref<!tpu.dma_semaphore, #tpu.memory_space<semaphore_mem>>)
        %dma_wait3A = arith.constant 0 : i32
        %dma_wait3A_24 = tpu.memref_slice %arg8[%mul3A_10, %dma_wait3A] : memref<10240x128xf32, #tpu.memory_space<hbm>> -> memref<640x128xf32, #tpu.memory_space<hbm>>
        %dma_wait3A_25 = arith.constant 0 : i32
        %dma_wait3A_26 = tpu.memref_slice %arg15[%mul3A_10, %dma_wait3A_25] : memref<10240x128xf32, #tpu.memory_space<vmem_shared>> -> memref<640x128xf32, #tpu.memory_space<vmem_shared>>
        tpu.wait_dma2 semaphore(%run_scoped3A : memref<!tpu.dma_semaphore, #tpu.memory_space<semaphore_mem>>) src(%dma_wait3A_26 : memref<640x128xf32, #tpu.memory_space<vmem_shared>>) dst(%dma_wait3A_24 : memref<640x128xf32, #tpu.memory_space<hbm>>)
        tpu.yield
      }) : () -> ()
    } else {
    }
    return
  }
}

#map = affine_map<(d0, d1) -> (0, 0)>
#map1 = affine_map<(d0, d1) -> (0)>
module attributes {stable_mosaic.version = 14 : i64} {
  func.func @segsum(%arg0: i32, %arg1: i32, %arg2: memref<10000x128xf32, #tpu.memory_space<hbm>>, %arg3: memref<10000x128xf32, #tpu.memory_space<hbm>>, %arg4: memref<160000xi32, #tpu.memory_space<hbm>>, %arg5: memref<160000xi32, #tpu.memory_space<hbm>>, %arg6: memref<640x128xf32, #tpu.memory_space<hbm>>, %arg7: memref<10240x128xf32, #tpu.memory_space<hbm>>, %arg8: memref<10240x128xf32, #tpu.memory_space<hbm>>, %arg9: memref<80xi32, #tpu.memory_space<vmem>>, %arg10: memref<80xi32, #tpu.memory_space<vmem>>, %arg11: memref<80xi32, #tpu.memory_space<vmem>>, %arg12: memref<80xi32, #tpu.memory_space<vmem>>, %arg13: memref<80x128xf32, #tpu.memory_space<vmem>>, %arg14: memref<80x128xf32, #tpu.memory_space<vmem>>, %arg15: memref<10240x128xf32, #tpu.memory_space<vmem_shared>>, %arg16: memref<!tpu.dma_semaphore, #tpu.memory_space<semaphore_mem>>, %arg17: memref<!tpu.dma_semaphore, #tpu.memory_space<semaphore_mem>>, %arg18: memref<!tpu.dma_semaphore, #tpu.memory_space<semaphore_mem>>, %arg19: memref<!tpu.dma_semaphore, #tpu.memory_space<semaphore_mem>>) attributes {dimension_semantics = [#tpu.dimension_semantics<core_parallel>, #tpu.dimension_semantics<subcore_parallel>], iteration_bounds = array<i64: 2, 16>, scalar_prefetch = 0 : i64, scratch_operands = 11 : i64, tpu.core_type = #tpu.core_type<sc_vector_subcore>, window_params = [{transform_indices = #map}, {transform_indices = #map}, {transform_indices = #map1}, {transform_indices = #map1}, {transform_indices = #map}, {transform_indices = #map}, {transform_indices = #map}]} {
    %mul3A = arith.constant 640 : i32
    %mul3A_0 = arith.muli %arg1, %mul3A : i32
    "tpu.region"() ({
      %run_scoped3A = tpu.sem_alloc : memref<!tpu.dma_semaphore, #tpu.memory_space<semaphore_mem>>
      %dma_start3A = arith.constant 0 : i32
      %dma_start3A_21 = tpu.memref_slice %arg15[%mul3A_0, %dma_start3A] : memref<10240x128xf32, #tpu.memory_space<vmem_shared>> -> memref<640x128xf32, #tpu.memory_space<vmem_shared>>
      tpu.enqueue_dma source(%arg6 : memref<640x128xf32, #tpu.memory_space<hbm>>) target(%dma_start3A_21 : memref<640x128xf32, #tpu.memory_space<vmem_shared>>) target_semaphore(%run_scoped3A : memref<!tpu.dma_semaphore, #tpu.memory_space<semaphore_mem>>)
      %dma_wait3A = arith.constant 0 : i32
      %dma_wait3A_22 = tpu.memref_slice %arg15[%mul3A_0, %dma_wait3A] : memref<10240x128xf32, #tpu.memory_space<vmem_shared>> -> memref<640x128xf32, #tpu.memory_space<vmem_shared>>
      tpu.wait_dma2 semaphore(%run_scoped3A : memref<!tpu.dma_semaphore, #tpu.memory_space<semaphore_mem>>) src(%arg6 : memref<640x128xf32, #tpu.memory_space<hbm>>) dst(%dma_wait3A_22 : memref<640x128xf32, #tpu.memory_space<vmem_shared>>)
      tpu.yield
    }) : () -> ()
    %barrier3A = arith.constant 0 : index
    tpu.barrier barrier_id(%barrier3A)
    %eq3A = arith.constant 0 : i32
    %eq3A_1 = arith.cmpi eq, %arg0, %eq3A : i32
    %convert_element_type3A = arith.extui %eq3A_1 : i1 to i32
    %cond3A = arith.constant 0 : i32
    %cond3A_2 = arith.cmpi ne, %convert_element_type3A, %cond3A : i32
    scf.if %cond3A_2 {
      %mul3A_21 = arith.constant 10000 : i32
      %mul3A_22 = arith.muli %arg1, %mul3A_21 : i32
      "tpu.region"() ({
        %run_scoped3A = tpu.sem_alloc : memref<!tpu.dma_semaphore, #tpu.memory_space<semaphore_mem>>
        %dma_start3A_38 = tpu.memref_slice %arg4[%mul3A_22] : memref<160000xi32, #tpu.memory_space<hbm>> -> memref<80xi32, #tpu.memory_space<hbm>>
        %dma_start3A_39 = tpu.memref_slice %arg4[%mul3A_22] : memref<160000xi32, #tpu.memory_space<hbm>> -> memref<80xi32, #tpu.memory_space<hbm>>
        tpu.enqueue_dma source(%dma_start3A_39 : memref<80xi32, #tpu.memory_space<hbm>>) target(%arg9 : memref<80xi32, #tpu.memory_space<vmem>>) target_semaphore(%run_scoped3A : memref<!tpu.dma_semaphore, #tpu.memory_space<semaphore_mem>>)
        %dma_wait3A_40 = tpu.memref_slice %arg4[%mul3A_22] : memref<160000xi32, #tpu.memory_space<hbm>> -> memref<80xi32, #tpu.memory_space<hbm>>
        %dma_wait3A_41 = tpu.memref_slice %arg4[%mul3A_22] : memref<160000xi32, #tpu.memory_space<hbm>> -> memref<80xi32, #tpu.memory_space<hbm>>
        tpu.wait_dma2 semaphore(%run_scoped3A : memref<!tpu.dma_semaphore, #tpu.memory_space<semaphore_mem>>) src(%dma_wait3A_41 : memref<80xi32, #tpu.memory_space<hbm>>) dst(%arg9 : memref<80xi32, #tpu.memory_space<vmem>>)
        tpu.yield
      }) : () -> ()
      "tpu.region"() ({
        %run_scoped3A = tpu.sem_alloc : memref<!tpu.dma_semaphore, #tpu.memory_space<semaphore_mem>>
        %dma_start3A_38 = tpu.memref_slice %arg5[%mul3A_22] : memref<160000xi32, #tpu.memory_space<hbm>> -> memref<80xi32, #tpu.memory_space<hbm>>
        %dma_start3A_39 = tpu.memref_slice %arg5[%mul3A_22] : memref<160000xi32, #tpu.memory_space<hbm>> -> memref<80xi32, #tpu.memory_space<hbm>>
        tpu.enqueue_dma source(%dma_start3A_39 : memref<80xi32, #tpu.memory_space<hbm>>) target(%arg10 : memref<80xi32, #tpu.memory_space<vmem>>) target_semaphore(%run_scoped3A : memref<!tpu.dma_semaphore, #tpu.memory_space<semaphore_mem>>)
        %dma_wait3A_40 = tpu.memref_slice %arg5[%mul3A_22] : memref<160000xi32, #tpu.memory_space<hbm>> -> memref<80xi32, #tpu.memory_space<hbm>>
        %dma_wait3A_41 = tpu.memref_slice %arg5[%mul3A_22] : memref<160000xi32, #tpu.memory_space<hbm>> -> memref<80xi32, #tpu.memory_space<hbm>>
        tpu.wait_dma2 semaphore(%run_scoped3A : memref<!tpu.dma_semaphore, #tpu.memory_space<semaphore_mem>>) src(%dma_wait3A_41 : memref<80xi32, #tpu.memory_space<hbm>>) dst(%arg10 : memref<80xi32, #tpu.memory_space<vmem>>)
        tpu.yield
      }) : () -> ()
      %add3A = arith.constant 80 : i32
      %add3A_23 = arith.addi %mul3A_22, %add3A : i32
      "tpu.region"() ({
        %run_scoped3A = tpu.sem_alloc : memref<!tpu.dma_semaphore, #tpu.memory_space<semaphore_mem>>
        %dma_start3A_38 = tpu.memref_slice %arg4[%add3A_23] : memref<160000xi32, #tpu.memory_space<hbm>> -> memref<80xi32, #tpu.memory_space<hbm>>
        %dma_start3A_39 = tpu.memref_slice %arg4[%add3A_23] : memref<160000xi32, #tpu.memory_space<hbm>> -> memref<80xi32, #tpu.memory_space<hbm>>
        tpu.enqueue_dma source(%dma_start3A_39 : memref<80xi32, #tpu.memory_space<hbm>>) target(%arg11 : memref<80xi32, #tpu.memory_space<vmem>>) target_semaphore(%run_scoped3A : memref<!tpu.dma_semaphore, #tpu.memory_space<semaphore_mem>>)
        %dma_wait3A_40 = tpu.memref_slice %arg4[%add3A_23] : memref<160000xi32, #tpu.memory_space<hbm>> -> memref<80xi32, #tpu.memory_space<hbm>>
        %dma_wait3A_41 = tpu.memref_slice %arg4[%add3A_23] : memref<160000xi32, #tpu.memory_space<hbm>> -> memref<80xi32, #tpu.memory_space<hbm>>
        tpu.wait_dma2 semaphore(%run_scoped3A : memref<!tpu.dma_semaphore, #tpu.memory_space<semaphore_mem>>) src(%dma_wait3A_41 : memref<80xi32, #tpu.memory_space<hbm>>) dst(%arg11 : memref<80xi32, #tpu.memory_space<vmem>>)
        tpu.yield
      }) : () -> ()
      %add3A_24 = arith.constant 80 : i32
      %add3A_25 = arith.addi %mul3A_22, %add3A_24 : i32
      "tpu.region"() ({
        %run_scoped3A = tpu.sem_alloc : memref<!tpu.dma_semaphore, #tpu.memory_space<semaphore_mem>>
        %dma_start3A_38 = tpu.memref_slice %arg5[%add3A_25] : memref<160000xi32, #tpu.memory_space<hbm>> -> memref<80xi32, #tpu.memory_space<hbm>>
        %dma_start3A_39 = tpu.memref_slice %arg5[%add3A_25] : memref<160000xi32, #tpu.memory_space<hbm>> -> memref<80xi32, #tpu.memory_space<hbm>>
        tpu.enqueue_dma source(%dma_start3A_39 : memref<80xi32, #tpu.memory_space<hbm>>) target(%arg12 : memref<80xi32, #tpu.memory_space<vmem>>) target_semaphore(%run_scoped3A : memref<!tpu.dma_semaphore, #tpu.memory_space<semaphore_mem>>)
        %dma_wait3A_40 = tpu.memref_slice %arg5[%add3A_25] : memref<160000xi32, #tpu.memory_space<hbm>> -> memref<80xi32, #tpu.memory_space<hbm>>
        %dma_wait3A_41 = tpu.memref_slice %arg5[%add3A_25] : memref<160000xi32, #tpu.memory_space<hbm>> -> memref<80xi32, #tpu.memory_space<hbm>>
        tpu.wait_dma2 semaphore(%run_scoped3A : memref<!tpu.dma_semaphore, #tpu.memory_space<semaphore_mem>>) src(%dma_wait3A_41 : memref<80xi32, #tpu.memory_space<hbm>>) dst(%arg12 : memref<80xi32, #tpu.memory_space<vmem>>)
        tpu.yield
      }) : () -> ()
      %dma_start3A = arith.constant 0 : i32
      %dma_start3A_26 = arith.constant 0 : i32
      %dma_start3A_27 = tpu.memref_slice %arg2[%dma_start3A, %dma_start3A_26] : memref<10000x128xf32, #tpu.memory_space<hbm>> -> memref<10000x128xf32, #tpu.memory_space<hbm>>
      tpu.enqueue_indirect_dma source(%dma_start3A_27 : memref<10000x128xf32, #tpu.memory_space<hbm>>) target(%arg13 : memref<80x128xf32, #tpu.memory_space<vmem>>) offsets(%arg9 : memref<80xi32, #tpu.memory_space<vmem>>) semaphore(%arg16 : memref<!tpu.dma_semaphore, #tpu.memory_space<semaphore_mem>>)
      %dma_start3A_28 = arith.constant 0 : i32
      %dma_start3A_29 = arith.constant 0 : i32
      %dma_start3A_30 = tpu.memref_slice %arg2[%dma_start3A_28, %dma_start3A_29] : memref<10000x128xf32, #tpu.memory_space<hbm>> -> memref<10000x128xf32, #tpu.memory_space<hbm>>
      tpu.enqueue_indirect_dma source(%dma_start3A_30 : memref<10000x128xf32, #tpu.memory_space<hbm>>) target(%arg14 : memref<80x128xf32, #tpu.memory_space<vmem>>) offsets(%arg11 : memref<80xi32, #tpu.memory_space<vmem>>) semaphore(%arg17 : memref<!tpu.dma_semaphore, #tpu.memory_space<semaphore_mem>>)
      %scan3A = arith.constant 0 : i32
      %scan3A_31 = arith.constant 0 : i32
      %scan3A_32 = arith.constant 62 : i32
      %scan3A_33 = arith.addi %scan3A_31, %scan3A_32 : i32
      %scan3A_34 = arith.constant 1 : i32
      scf.for %scan3A_38 = %scan3A_31 to %scan3A_33 step %scan3A_34  : i32 {
        %mul3A_39 = arith.constant 2 : i32
        %mul3A_40 = arith.muli %mul3A_39, %scan3A_38 : i32
        %add3A_41 = arith.constant 1 : i32
        %add3A_42 = arith.addi %mul3A_40, %add3A_41 : i32
        %mul3A_43 = arith.constant 10000 : i32
        %mul3A_44 = arith.muli %arg1, %mul3A_43 : i32
        %add3A_45 = arith.constant 2 : i32
        %add3A_46 = arith.addi %mul3A_40, %add3A_45 : i32
        %mul3A_47 = arith.constant 80 : i32
        %mul3A_48 = arith.muli %add3A_46, %mul3A_47 : i32
        %add3A_49 = arith.addi %mul3A_44, %mul3A_48 : i32
        %dma_wait3A_50 = arith.constant 0 : i32
        %dma_wait3A_51 = arith.constant 0 : i32
        %dma_wait3A_52 = tpu.memref_slice %arg2[%dma_wait3A_50, %dma_wait3A_51] : memref<10000x128xf32, #tpu.memory_space<hbm>> -> memref<10000x128xf32, #tpu.memory_space<hbm>>
        tpu.wait_indirect_dma semaphore(%arg16 : memref<!tpu.dma_semaphore, #tpu.memory_space<semaphore_mem>>) src(%dma_wait3A_52 : memref<10000x128xf32, #tpu.memory_space<hbm>>) dst(%arg13 : memref<80x128xf32, #tpu.memory_space<vmem>>)
        %dma_start3A_53 = tpu.memref_slice %arg4[%add3A_49] : memref<160000xi32, #tpu.memory_space<hbm>> -> memref<80xi32, #tpu.memory_space<hbm>>
        %dma_start3A_54 = tpu.memref_slice %arg4[%add3A_49] : memref<160000xi32, #tpu.memory_space<hbm>> -> memref<80xi32, #tpu.memory_space<hbm>>
        tpu.enqueue_dma source(%dma_start3A_54 : memref<80xi32, #tpu.memory_space<hbm>>) target(%arg9 : memref<80xi32, #tpu.memory_space<vmem>>) target_semaphore(%arg18 : memref<!tpu.dma_semaphore, #tpu.memory_space<semaphore_mem>>)
        "tpu.region"() ({
          %run_scoped3A = tpu.sem_alloc : memref<!tpu.dma_semaphore, #tpu.memory_space<semaphore_mem>>
          %dma_start3A_80 = arith.constant 0 : i32
          %dma_start3A_81 = arith.constant 0 : i32
          %dma_start3A_82 = tpu.memref_slice %arg15[%dma_start3A_80, %dma_start3A_81] : memref<10240x128xf32, #tpu.memory_space<vmem_shared>> -> memref<10240x128xf32, #tpu.memory_space<vmem_shared>>
          tpu.enqueue_indirect_dma source(%arg13 : memref<80x128xf32, #tpu.memory_space<vmem>>) target(%dma_start3A_82 : memref<10240x128xf32, #tpu.memory_space<vmem_shared>>) offsets(%arg10 : memref<80xi32, #tpu.memory_space<vmem>>) semaphore(%run_scoped3A : memref<!tpu.dma_semaphore, #tpu.memory_space<semaphore_mem>>) {add = true}
          %dma_wait3A_83 = arith.constant 0 : i32
          %dma_wait3A_84 = arith.constant 0 : i32
          %dma_wait3A_85 = tpu.memref_slice %arg15[%dma_wait3A_83, %dma_wait3A_84] : memref<10240x128xf32, #tpu.memory_space<vmem_shared>> -> memref<10240x128xf32, #tpu.memory_space<vmem_shared>>
          tpu.wait_indirect_dma semaphore(%run_scoped3A : memref<!tpu.dma_semaphore, #tpu.memory_space<semaphore_mem>>) src(%arg13 : memref<80x128xf32, #tpu.memory_space<vmem>>) dst(%dma_wait3A_85 : memref<10240x128xf32, #tpu.memory_space<vmem_shared>>)
          tpu.yield
        }) : () -> ()
        %dma_start3A_55 = tpu.memref_slice %arg5[%add3A_49] : memref<160000xi32, #tpu.memory_space<hbm>> -> memref<80xi32, #tpu.memory_space<hbm>>
        %dma_start3A_56 = tpu.memref_slice %arg5[%add3A_49] : memref<160000xi32, #tpu.memory_space<hbm>> -> memref<80xi32, #tpu.memory_space<hbm>>
        tpu.enqueue_dma source(%dma_start3A_56 : memref<80xi32, #tpu.memory_space<hbm>>) target(%arg10 : memref<80xi32, #tpu.memory_space<vmem>>) target_semaphore(%arg18 : memref<!tpu.dma_semaphore, #tpu.memory_space<semaphore_mem>>)
        %dma_wait3A_57 = tpu.memref_slice %arg4[%add3A_49] : memref<160000xi32, #tpu.memory_space<hbm>> -> memref<80xi32, #tpu.memory_space<hbm>>
        %dma_wait3A_58 = tpu.memref_slice %arg4[%add3A_49] : memref<160000xi32, #tpu.memory_space<hbm>> -> memref<80xi32, #tpu.memory_space<hbm>>
        tpu.wait_dma2 semaphore(%arg18 : memref<!tpu.dma_semaphore, #tpu.memory_space<semaphore_mem>>) src(%dma_wait3A_58 : memref<80xi32, #tpu.memory_space<hbm>>) dst(%arg9 : memref<80xi32, #tpu.memory_space<vmem>>)
        %dma_wait3A_59 = tpu.memref_slice %arg5[%add3A_49] : memref<160000xi32, #tpu.memory_space<hbm>> -> memref<80xi32, #tpu.memory_space<hbm>>
        %dma_wait3A_60 = tpu.memref_slice %arg5[%add3A_49] : memref<160000xi32, #tpu.memory_space<hbm>> -> memref<80xi32, #tpu.memory_space<hbm>>
        tpu.wait_dma2 semaphore(%arg18 : memref<!tpu.dma_semaphore, #tpu.memory_space<semaphore_mem>>) src(%dma_wait3A_60 : memref<80xi32, #tpu.memory_space<hbm>>) dst(%arg10 : memref<80xi32, #tpu.memory_space<vmem>>)
        %dma_start3A_61 = arith.constant 0 : i32
        %dma_start3A_62 = arith.constant 0 : i32
        %dma_start3A_63 = tpu.memref_slice %arg2[%dma_start3A_61, %dma_start3A_62] : memref<10000x128xf32, #tpu.memory_space<hbm>> -> memref<10000x128xf32, #tpu.memory_space<hbm>>
        tpu.enqueue_indirect_dma source(%dma_start3A_63 : memref<10000x128xf32, #tpu.memory_space<hbm>>) target(%arg13 : memref<80x128xf32, #tpu.memory_space<vmem>>) offsets(%arg9 : memref<80xi32, #tpu.memory_space<vmem>>) semaphore(%arg16 : memref<!tpu.dma_semaphore, #tpu.memory_space<semaphore_mem>>)
        %dma_wait3A_64 = arith.constant 0 : i32
        %dma_wait3A_65 = arith.constant 0 : i32
        %dma_wait3A_66 = tpu.memref_slice %arg2[%dma_wait3A_64, %dma_wait3A_65] : memref<10000x128xf32, #tpu.memory_space<hbm>> -> memref<10000x128xf32, #tpu.memory_space<hbm>>
        tpu.wait_indirect_dma semaphore(%arg17 : memref<!tpu.dma_semaphore, #tpu.memory_space<semaphore_mem>>) src(%dma_wait3A_66 : memref<10000x128xf32, #tpu.memory_space<hbm>>) dst(%arg14 : memref<80x128xf32, #tpu.memory_space<vmem>>)
        %add3A_67 = arith.constant 2 : i32
        %add3A_68 = arith.addi %add3A_42, %add3A_67 : i32
        %lt3A = arith.constant 125 : i32
        %lt3A_69 = arith.cmpi slt, %add3A_68, %lt3A : i32
        %convert_element_type3A_70 = arith.extui %lt3A_69 : i1 to i32
        %cond3A_71 = arith.constant 0 : i32
        %cond3A_72 = arith.cmpi ne, %convert_element_type3A_70, %cond3A_71 : i32
        scf.if %cond3A_72 {
          %mul3A_80 = arith.constant 10000 : i32
          %mul3A_81 = arith.muli %arg1, %mul3A_80 : i32
          %add3A_82 = arith.constant 2 : i32
          %add3A_83 = arith.addi %add3A_42, %add3A_82 : i32
          %mul3A_84 = arith.constant 80 : i32
          %mul3A_85 = arith.muli %add3A_83, %mul3A_84 : i32
          %add3A_86 = arith.addi %mul3A_81, %mul3A_85 : i32
          %dma_start3A_87 = tpu.memref_slice %arg4[%add3A_86] : memref<160000xi32, #tpu.memory_space<hbm>> -> memref<80xi32, #tpu.memory_space<hbm>>
          %dma_start3A_88 = tpu.memref_slice %arg4[%add3A_86] : memref<160000xi32, #tpu.memory_space<hbm>> -> memref<80xi32, #tpu.memory_space<hbm>>
          tpu.enqueue_dma source(%dma_start3A_88 : memref<80xi32, #tpu.memory_space<hbm>>) target(%arg11 : memref<80xi32, #tpu.memory_space<vmem>>) target_semaphore(%arg19 : memref<!tpu.dma_semaphore, #tpu.memory_space<semaphore_mem>>)
        } else {
        }
        "tpu.region"() ({
          %run_scoped3A = tpu.sem_alloc : memref<!tpu.dma_semaphore, #tpu.memory_space<semaphore_mem>>
          %dma_start3A_80 = arith.constant 0 : i32
          %dma_start3A_81 = arith.constant 0 : i32
          %dma_start3A_82 = tpu.memref_slice %arg15[%dma_start3A_80, %dma_start3A_81] : memref<10240x128xf32, #tpu.memory_space<vmem_shared>> -> memref<10240x128xf32, #tpu.memory_space<vmem_shared>>
          tpu.enqueue_indirect_dma source(%arg14 : memref<80x128xf32, #tpu.memory_space<vmem>>) target(%dma_start3A_82 : memref<10240x128xf32, #tpu.memory_space<vmem_shared>>) offsets(%arg12 : memref<80xi32, #tpu.memory_space<vmem>>) semaphore(%run_scoped3A : memref<!tpu.dma_semaphore, #tpu.memory_space<semaphore_mem>>) {add = true}
          %dma_wait3A_83 = arith.constant 0 : i32
          %dma_wait3A_84 = arith.constant 0 : i32
          %dma_wait3A_85 = tpu.memref_slice %arg15[%dma_wait3A_83, %dma_wait3A_84] : memref<10240x128xf32, #tpu.memory_space<vmem_shared>> -> memref<10240x128xf32, #tpu.memory_space<vmem_shared>>
          tpu.wait_indirect_dma semaphore(%run_scoped3A : memref<!tpu.dma_semaphore, #tpu.memory_space<semaphore_mem>>) src(%arg14 : memref<80x128xf32, #tpu.memory_space<vmem>>) dst(%dma_wait3A_85 : memref<10240x128xf32, #tpu.memory_space<vmem_shared>>)
          tpu.yield
        }) : () -> ()
        %add3A_73 = arith.constant 2 : i32
        %add3A_74 = arith.addi %add3A_42, %add3A_73 : i32
        %lt3A_75 = arith.constant 125 : i32
        %lt3A_76 = arith.cmpi slt, %add3A_74, %lt3A_75 : i32
        %convert_element_type3A_77 = arith.extui %lt3A_76 : i1 to i32
        %cond3A_78 = arith.constant 0 : i32
        %cond3A_79 = arith.cmpi ne, %convert_element_type3A_77, %cond3A_78 : i32
        scf.if %cond3A_79 {
          %mul3A_80 = arith.constant 10000 : i32
          %mul3A_81 = arith.muli %arg1, %mul3A_80 : i32
          %add3A_82 = arith.constant 2 : i32
          %add3A_83 = arith.addi %add3A_42, %add3A_82 : i32
          %mul3A_84 = arith.constant 80 : i32
          %mul3A_85 = arith.muli %add3A_83, %mul3A_84 : i32
          %add3A_86 = arith.addi %mul3A_81, %mul3A_85 : i32
          %dma_start3A_87 = tpu.memref_slice %arg5[%add3A_86] : memref<160000xi32, #tpu.memory_space<hbm>> -> memref<80xi32, #tpu.memory_space<hbm>>
          %dma_start3A_88 = tpu.memref_slice %arg5[%add3A_86] : memref<160000xi32, #tpu.memory_space<hbm>> -> memref<80xi32, #tpu.memory_space<hbm>>
          tpu.enqueue_dma source(%dma_start3A_88 : memref<80xi32, #tpu.memory_space<hbm>>) target(%arg12 : memref<80xi32, #tpu.memory_space<vmem>>) target_semaphore(%arg19 : memref<!tpu.dma_semaphore, #tpu.memory_space<semaphore_mem>>)
          %dma_wait3A_89 = tpu.memref_slice %arg4[%add3A_86] : memref<160000xi32, #tpu.memory_space<hbm>> -> memref<80xi32, #tpu.memory_space<hbm>>
          %dma_wait3A_90 = tpu.memref_slice %arg4[%add3A_86] : memref<160000xi32, #tpu.memory_space<hbm>> -> memref<80xi32, #tpu.memory_space<hbm>>
          tpu.wait_dma2 semaphore(%arg19 : memref<!tpu.dma_semaphore, #tpu.memory_space<semaphore_mem>>) src(%dma_wait3A_90 : memref<80xi32, #tpu.memory_space<hbm>>) dst(%arg11 : memref<80xi32, #tpu.memory_space<vmem>>)
          %dma_wait3A_91 = tpu.memref_slice %arg5[%add3A_86] : memref<160000xi32, #tpu.memory_space<hbm>> -> memref<80xi32, #tpu.memory_space<hbm>>
          %dma_wait3A_92 = tpu.memref_slice %arg5[%add3A_86] : memref<160000xi32, #tpu.memory_space<hbm>> -> memref<80xi32, #tpu.memory_space<hbm>>
          tpu.wait_dma2 semaphore(%arg19 : memref<!tpu.dma_semaphore, #tpu.memory_space<semaphore_mem>>) src(%dma_wait3A_92 : memref<80xi32, #tpu.memory_space<hbm>>) dst(%arg12 : memref<80xi32, #tpu.memory_space<vmem>>)
          %dma_start3A_93 = arith.constant 0 : i32
          %dma_start3A_94 = arith.constant 0 : i32
          %dma_start3A_95 = tpu.memref_slice %arg2[%dma_start3A_93, %dma_start3A_94] : memref<10000x128xf32, #tpu.memory_space<hbm>> -> memref<10000x128xf32, #tpu.memory_space<hbm>>
          tpu.enqueue_indirect_dma source(%dma_start3A_95 : memref<10000x128xf32, #tpu.memory_space<hbm>>) target(%arg14 : memref<80x128xf32, #tpu.memory_space<vmem>>) offsets(%arg11 : memref<80xi32, #tpu.memory_space<vmem>>) semaphore(%arg17 : memref<!tpu.dma_semaphore, #tpu.memory_space<semaphore_mem>>)
        } else {
        }
      }
      %scan3A_35 = arith.constant 62 : i32
      %dma_wait3A = arith.constant 0 : i32
      %dma_wait3A_36 = arith.constant 0 : i32
      %dma_wait3A_37 = tpu.memref_slice %arg2[%dma_wait3A, %dma_wait3A_36] : memref<10000x128xf32, #tpu.memory_space<hbm>> -> memref<10000x128xf32, #tpu.memory_space<hbm>>
      tpu.wait_indirect_dma semaphore(%arg16 : memref<!tpu.dma_semaphore, #tpu.memory_space<semaphore_mem>>) src(%dma_wait3A_37 : memref<10000x128xf32, #tpu.memory_space<hbm>>) dst(%arg13 : memref<80x128xf32, #tpu.memory_space<vmem>>)
      "tpu.region"() ({
        %run_scoped3A = tpu.sem_alloc : memref<!tpu.dma_semaphore, #tpu.memory_space<semaphore_mem>>
        %dma_start3A_38 = arith.constant 0 : i32
        %dma_start3A_39 = arith.constant 0 : i32
        %dma_start3A_40 = tpu.memref_slice %arg15[%dma_start3A_38, %dma_start3A_39] : memref<10240x128xf32, #tpu.memory_space<vmem_shared>> -> memref<10240x128xf32, #tpu.memory_space<vmem_shared>>
        tpu.enqueue_indirect_dma source(%arg13 : memref<80x128xf32, #tpu.memory_space<vmem>>) target(%dma_start3A_40 : memref<10240x128xf32, #tpu.memory_space<vmem_shared>>) offsets(%arg10 : memref<80xi32, #tpu.memory_space<vmem>>) semaphore(%run_scoped3A : memref<!tpu.dma_semaphore, #tpu.memory_space<semaphore_mem>>) {add = true}
        %dma_wait3A_41 = arith.constant 0 : i32
        %dma_wait3A_42 = arith.constant 0 : i32
        %dma_wait3A_43 = tpu.memref_slice %arg15[%dma_wait3A_41, %dma_wait3A_42] : memref<10240x128xf32, #tpu.memory_space<vmem_shared>> -> memref<10240x128xf32, #tpu.memory_space<vmem_shared>>
        tpu.wait_indirect_dma semaphore(%run_scoped3A : memref<!tpu.dma_semaphore, #tpu.memory_space<semaphore_mem>>) src(%arg13 : memref<80x128xf32, #tpu.memory_space<vmem>>) dst(%dma_wait3A_43 : memref<10240x128xf32, #tpu.memory_space<vmem_shared>>)
        tpu.yield
      }) : () -> ()
    } else {
    }
    %eq3A_3 = arith.constant 1 : i32
    %eq3A_4 = arith.cmpi eq, %arg0, %eq3A_3 : i32
    %convert_element_type3A_5 = arith.extui %eq3A_4 : i1 to i32
    %cond3A_6 = arith.constant 0 : i32
    %cond3A_7 = arith.cmpi ne, %convert_element_type3A_5, %cond3A_6 : i32
    scf.if %cond3A_7 {
      %mul3A_21 = arith.constant 10000 : i32
      %mul3A_22 = arith.muli %arg1, %mul3A_21 : i32
      "tpu.region"() ({
        %run_scoped3A = tpu.sem_alloc : memref<!tpu.dma_semaphore, #tpu.memory_space<semaphore_mem>>
        %dma_start3A_38 = tpu.memref_slice %arg4[%mul3A_22] : memref<160000xi32, #tpu.memory_space<hbm>> -> memref<80xi32, #tpu.memory_space<hbm>>
        %dma_start3A_39 = tpu.memref_slice %arg4[%mul3A_22] : memref<160000xi32, #tpu.memory_space<hbm>> -> memref<80xi32, #tpu.memory_space<hbm>>
        tpu.enqueue_dma source(%dma_start3A_39 : memref<80xi32, #tpu.memory_space<hbm>>) target(%arg9 : memref<80xi32, #tpu.memory_space<vmem>>) target_semaphore(%run_scoped3A : memref<!tpu.dma_semaphore, #tpu.memory_space<semaphore_mem>>)
        %dma_wait3A_40 = tpu.memref_slice %arg4[%mul3A_22] : memref<160000xi32, #tpu.memory_space<hbm>> -> memref<80xi32, #tpu.memory_space<hbm>>
        %dma_wait3A_41 = tpu.memref_slice %arg4[%mul3A_22] : memref<160000xi32, #tpu.memory_space<hbm>> -> memref<80xi32, #tpu.memory_space<hbm>>
        tpu.wait_dma2 semaphore(%run_scoped3A : memref<!tpu.dma_semaphore, #tpu.memory_space<semaphore_mem>>) src(%dma_wait3A_41 : memref<80xi32, #tpu.memory_space<hbm>>) dst(%arg9 : memref<80xi32, #tpu.memory_space<vmem>>)
        tpu.yield
      }) : () -> ()
      "tpu.region"() ({
        %run_scoped3A = tpu.sem_alloc : memref<!tpu.dma_semaphore, #tpu.memory_space<semaphore_mem>>
        %dma_start3A_38 = tpu.memref_slice %arg5[%mul3A_22] : memref<160000xi32, #tpu.memory_space<hbm>> -> memref<80xi32, #tpu.memory_space<hbm>>
        %dma_start3A_39 = tpu.memref_slice %arg5[%mul3A_22] : memref<160000xi32, #tpu.memory_space<hbm>> -> memref<80xi32, #tpu.memory_space<hbm>>
        tpu.enqueue_dma source(%dma_start3A_39 : memref<80xi32, #tpu.memory_space<hbm>>) target(%arg10 : memref<80xi32, #tpu.memory_space<vmem>>) target_semaphore(%run_scoped3A : memref<!tpu.dma_semaphore, #tpu.memory_space<semaphore_mem>>)
        %dma_wait3A_40 = tpu.memref_slice %arg5[%mul3A_22] : memref<160000xi32, #tpu.memory_space<hbm>> -> memref<80xi32, #tpu.memory_space<hbm>>
        %dma_wait3A_41 = tpu.memref_slice %arg5[%mul3A_22] : memref<160000xi32, #tpu.memory_space<hbm>> -> memref<80xi32, #tpu.memory_space<hbm>>
        tpu.wait_dma2 semaphore(%run_scoped3A : memref<!tpu.dma_semaphore, #tpu.memory_space<semaphore_mem>>) src(%dma_wait3A_41 : memref<80xi32, #tpu.memory_space<hbm>>) dst(%arg10 : memref<80xi32, #tpu.memory_space<vmem>>)
        tpu.yield
      }) : () -> ()
      %add3A = arith.constant 80 : i32
      %add3A_23 = arith.addi %mul3A_22, %add3A : i32
      "tpu.region"() ({
        %run_scoped3A = tpu.sem_alloc : memref<!tpu.dma_semaphore, #tpu.memory_space<semaphore_mem>>
        %dma_start3A_38 = tpu.memref_slice %arg4[%add3A_23] : memref<160000xi32, #tpu.memory_space<hbm>> -> memref<80xi32, #tpu.memory_space<hbm>>
        %dma_start3A_39 = tpu.memref_slice %arg4[%add3A_23] : memref<160000xi32, #tpu.memory_space<hbm>> -> memref<80xi32, #tpu.memory_space<hbm>>
        tpu.enqueue_dma source(%dma_start3A_39 : memref<80xi32, #tpu.memory_space<hbm>>) target(%arg11 : memref<80xi32, #tpu.memory_space<vmem>>) target_semaphore(%run_scoped3A : memref<!tpu.dma_semaphore, #tpu.memory_space<semaphore_mem>>)
        %dma_wait3A_40 = tpu.memref_slice %arg4[%add3A_23] : memref<160000xi32, #tpu.memory_space<hbm>> -> memref<80xi32, #tpu.memory_space<hbm>>
        %dma_wait3A_41 = tpu.memref_slice %arg4[%add3A_23] : memref<160000xi32, #tpu.memory_space<hbm>> -> memref<80xi32, #tpu.memory_space<hbm>>
        tpu.wait_dma2 semaphore(%run_scoped3A : memref<!tpu.dma_semaphore, #tpu.memory_space<semaphore_mem>>) src(%dma_wait3A_41 : memref<80xi32, #tpu.memory_space<hbm>>) dst(%arg11 : memref<80xi32, #tpu.memory_space<vmem>>)
        tpu.yield
      }) : () -> ()
      %add3A_24 = arith.constant 80 : i32
      %add3A_25 = arith.addi %mul3A_22, %add3A_24 : i32
      "tpu.region"() ({
        %run_scoped3A = tpu.sem_alloc : memref<!tpu.dma_semaphore, #tpu.memory_space<semaphore_mem>>
        %dma_start3A_38 = tpu.memref_slice %arg5[%add3A_25] : memref<160000xi32, #tpu.memory_space<hbm>> -> memref<80xi32, #tpu.memory_space<hbm>>
        %dma_start3A_39 = tpu.memref_slice %arg5[%add3A_25] : memref<160000xi32, #tpu.memory_space<hbm>> -> memref<80xi32, #tpu.memory_space<hbm>>
        tpu.enqueue_dma source(%dma_start3A_39 : memref<80xi32, #tpu.memory_space<hbm>>) target(%arg12 : memref<80xi32, #tpu.memory_space<vmem>>) target_semaphore(%run_scoped3A : memref<!tpu.dma_semaphore, #tpu.memory_space<semaphore_mem>>)
        %dma_wait3A_40 = tpu.memref_slice %arg5[%add3A_25] : memref<160000xi32, #tpu.memory_space<hbm>> -> memref<80xi32, #tpu.memory_space<hbm>>
        %dma_wait3A_41 = tpu.memref_slice %arg5[%add3A_25] : memref<160000xi32, #tpu.memory_space<hbm>> -> memref<80xi32, #tpu.memory_space<hbm>>
        tpu.wait_dma2 semaphore(%run_scoped3A : memref<!tpu.dma_semaphore, #tpu.memory_space<semaphore_mem>>) src(%dma_wait3A_41 : memref<80xi32, #tpu.memory_space<hbm>>) dst(%arg12 : memref<80xi32, #tpu.memory_space<vmem>>)
        tpu.yield
      }) : () -> ()
      %dma_start3A = arith.constant 0 : i32
      %dma_start3A_26 = arith.constant 0 : i32
      %dma_start3A_27 = tpu.memref_slice %arg3[%dma_start3A, %dma_start3A_26] : memref<10000x128xf32, #tpu.memory_space<hbm>> -> memref<10000x128xf32, #tpu.memory_space<hbm>>
      tpu.enqueue_indirect_dma source(%dma_start3A_27 : memref<10000x128xf32, #tpu.memory_space<hbm>>) target(%arg13 : memref<80x128xf32, #tpu.memory_space<vmem>>) offsets(%arg9 : memref<80xi32, #tpu.memory_space<vmem>>) semaphore(%arg16 : memref<!tpu.dma_semaphore, #tpu.memory_space<semaphore_mem>>)
      %dma_start3A_28 = arith.constant 0 : i32
      %dma_start3A_29 = arith.constant 0 : i32
      %dma_start3A_30 = tpu.memref_slice %arg3[%dma_start3A_28, %dma_start3A_29] : memref<10000x128xf32, #tpu.memory_space<hbm>> -> memref<10000x128xf32, #tpu.memory_space<hbm>>
      tpu.enqueue_indirect_dma source(%dma_start3A_30 : memref<10000x128xf32, #tpu.memory_space<hbm>>) target(%arg14 : memref<80x128xf32, #tpu.memory_space<vmem>>) offsets(%arg11 : memref<80xi32, #tpu.memory_space<vmem>>) semaphore(%arg17 : memref<!tpu.dma_semaphore, #tpu.memory_space<semaphore_mem>>)
      %scan3A = arith.constant 0 : i32
      %scan3A_31 = arith.constant 0 : i32
      %scan3A_32 = arith.constant 62 : i32
      %scan3A_33 = arith.addi %scan3A_31, %scan3A_32 : i32
      %scan3A_34 = arith.constant 1 : i32
      scf.for %scan3A_38 = %scan3A_31 to %scan3A_33 step %scan3A_34  : i32 {
        %mul3A_39 = arith.constant 2 : i32
        %mul3A_40 = arith.muli %mul3A_39, %scan3A_38 : i32
        %add3A_41 = arith.constant 1 : i32
        %add3A_42 = arith.addi %mul3A_40, %add3A_41 : i32
        %mul3A_43 = arith.constant 10000 : i32
        %mul3A_44 = arith.muli %arg1, %mul3A_43 : i32
        %add3A_45 = arith.constant 2 : i32
        %add3A_46 = arith.addi %mul3A_40, %add3A_45 : i32
        %mul3A_47 = arith.constant 80 : i32
        %mul3A_48 = arith.muli %add3A_46, %mul3A_47 : i32
        %add3A_49 = arith.addi %mul3A_44, %mul3A_48 : i32
        %dma_wait3A_50 = arith.constant 0 : i32
        %dma_wait3A_51 = arith.constant 0 : i32
        %dma_wait3A_52 = tpu.memref_slice %arg3[%dma_wait3A_50, %dma_wait3A_51] : memref<10000x128xf32, #tpu.memory_space<hbm>> -> memref<10000x128xf32, #tpu.memory_space<hbm>>
        tpu.wait_indirect_dma semaphore(%arg16 : memref<!tpu.dma_semaphore, #tpu.memory_space<semaphore_mem>>) src(%dma_wait3A_52 : memref<10000x128xf32, #tpu.memory_space<hbm>>) dst(%arg13 : memref<80x128xf32, #tpu.memory_space<vmem>>)
        %dma_start3A_53 = tpu.memref_slice %arg4[%add3A_49] : memref<160000xi32, #tpu.memory_space<hbm>> -> memref<80xi32, #tpu.memory_space<hbm>>
        %dma_start3A_54 = tpu.memref_slice %arg4[%add3A_49] : memref<160000xi32, #tpu.memory_space<hbm>> -> memref<80xi32, #tpu.memory_space<hbm>>
        tpu.enqueue_dma source(%dma_start3A_54 : memref<80xi32, #tpu.memory_space<hbm>>) target(%arg9 : memref<80xi32, #tpu.memory_space<vmem>>) target_semaphore(%arg18 : memref<!tpu.dma_semaphore, #tpu.memory_space<semaphore_mem>>)
        "tpu.region"() ({
          %run_scoped3A = tpu.sem_alloc : memref<!tpu.dma_semaphore, #tpu.memory_space<semaphore_mem>>
          %dma_start3A_80 = arith.constant 0 : i32
          %dma_start3A_81 = arith.constant 0 : i32
          %dma_start3A_82 = tpu.memref_slice %arg15[%dma_start3A_80, %dma_start3A_81] : memref<10240x128xf32, #tpu.memory_space<vmem_shared>> -> memref<10240x128xf32, #tpu.memory_space<vmem_shared>>
          tpu.enqueue_indirect_dma source(%arg13 : memref<80x128xf32, #tpu.memory_space<vmem>>) target(%dma_start3A_82 : memref<10240x128xf32, #tpu.memory_space<vmem_shared>>) offsets(%arg10 : memref<80xi32, #tpu.memory_space<vmem>>) semaphore(%run_scoped3A : memref<!tpu.dma_semaphore, #tpu.memory_space<semaphore_mem>>) {add = true}
          %dma_wait3A_83 = arith.constant 0 : i32
          %dma_wait3A_84 = arith.constant 0 : i32
          %dma_wait3A_85 = tpu.memref_slice %arg15[%dma_wait3A_83, %dma_wait3A_84] : memref<10240x128xf32, #tpu.memory_space<vmem_shared>> -> memref<10240x128xf32, #tpu.memory_space<vmem_shared>>
          tpu.wait_indirect_dma semaphore(%run_scoped3A : memref<!tpu.dma_semaphore, #tpu.memory_space<semaphore_mem>>) src(%arg13 : memref<80x128xf32, #tpu.memory_space<vmem>>) dst(%dma_wait3A_85 : memref<10240x128xf32, #tpu.memory_space<vmem_shared>>)
          tpu.yield
        }) : () -> ()
        %dma_start3A_55 = tpu.memref_slice %arg5[%add3A_49] : memref<160000xi32, #tpu.memory_space<hbm>> -> memref<80xi32, #tpu.memory_space<hbm>>
        %dma_start3A_56 = tpu.memref_slice %arg5[%add3A_49] : memref<160000xi32, #tpu.memory_space<hbm>> -> memref<80xi32, #tpu.memory_space<hbm>>
        tpu.enqueue_dma source(%dma_start3A_56 : memref<80xi32, #tpu.memory_space<hbm>>) target(%arg10 : memref<80xi32, #tpu.memory_space<vmem>>) target_semaphore(%arg18 : memref<!tpu.dma_semaphore, #tpu.memory_space<semaphore_mem>>)
        %dma_wait3A_57 = tpu.memref_slice %arg4[%add3A_49] : memref<160000xi32, #tpu.memory_space<hbm>> -> memref<80xi32, #tpu.memory_space<hbm>>
        %dma_wait3A_58 = tpu.memref_slice %arg4[%add3A_49] : memref<160000xi32, #tpu.memory_space<hbm>> -> memref<80xi32, #tpu.memory_space<hbm>>
        tpu.wait_dma2 semaphore(%arg18 : memref<!tpu.dma_semaphore, #tpu.memory_space<semaphore_mem>>) src(%dma_wait3A_58 : memref<80xi32, #tpu.memory_space<hbm>>) dst(%arg9 : memref<80xi32, #tpu.memory_space<vmem>>)
        %dma_wait3A_59 = tpu.memref_slice %arg5[%add3A_49] : memref<160000xi32, #tpu.memory_space<hbm>> -> memref<80xi32, #tpu.memory_space<hbm>>
        %dma_wait3A_60 = tpu.memref_slice %arg5[%add3A_49] : memref<160000xi32, #tpu.memory_space<hbm>> -> memref<80xi32, #tpu.memory_space<hbm>>
        tpu.wait_dma2 semaphore(%arg18 : memref<!tpu.dma_semaphore, #tpu.memory_space<semaphore_mem>>) src(%dma_wait3A_60 : memref<80xi32, #tpu.memory_space<hbm>>) dst(%arg10 : memref<80xi32, #tpu.memory_space<vmem>>)
        %dma_start3A_61 = arith.constant 0 : i32
        %dma_start3A_62 = arith.constant 0 : i32
        %dma_start3A_63 = tpu.memref_slice %arg3[%dma_start3A_61, %dma_start3A_62] : memref<10000x128xf32, #tpu.memory_space<hbm>> -> memref<10000x128xf32, #tpu.memory_space<hbm>>
        tpu.enqueue_indirect_dma source(%dma_start3A_63 : memref<10000x128xf32, #tpu.memory_space<hbm>>) target(%arg13 : memref<80x128xf32, #tpu.memory_space<vmem>>) offsets(%arg9 : memref<80xi32, #tpu.memory_space<vmem>>) semaphore(%arg16 : memref<!tpu.dma_semaphore, #tpu.memory_space<semaphore_mem>>)
        %dma_wait3A_64 = arith.constant 0 : i32
        %dma_wait3A_65 = arith.constant 0 : i32
        %dma_wait3A_66 = tpu.memref_slice %arg3[%dma_wait3A_64, %dma_wait3A_65] : memref<10000x128xf32, #tpu.memory_space<hbm>> -> memref<10000x128xf32, #tpu.memory_space<hbm>>
        tpu.wait_indirect_dma semaphore(%arg17 : memref<!tpu.dma_semaphore, #tpu.memory_space<semaphore_mem>>) src(%dma_wait3A_66 : memref<10000x128xf32, #tpu.memory_space<hbm>>) dst(%arg14 : memref<80x128xf32, #tpu.memory_space<vmem>>)
        %add3A_67 = arith.constant 2 : i32
        %add3A_68 = arith.addi %add3A_42, %add3A_67 : i32
        %lt3A = arith.constant 125 : i32
        %lt3A_69 = arith.cmpi slt, %add3A_68, %lt3A : i32
        %convert_element_type3A_70 = arith.extui %lt3A_69 : i1 to i32
        %cond3A_71 = arith.constant 0 : i32
        %cond3A_72 = arith.cmpi ne, %convert_element_type3A_70, %cond3A_71 : i32
        scf.if %cond3A_72 {
          %mul3A_80 = arith.constant 10000 : i32
          %mul3A_81 = arith.muli %arg1, %mul3A_80 : i32
          %add3A_82 = arith.constant 2 : i32
          %add3A_83 = arith.addi %add3A_42, %add3A_82 : i32
          %mul3A_84 = arith.constant 80 : i32
          %mul3A_85 = arith.muli %add3A_83, %mul3A_84 : i32
          %add3A_86 = arith.addi %mul3A_81, %mul3A_85 : i32
          %dma_start3A_87 = tpu.memref_slice %arg4[%add3A_86] : memref<160000xi32, #tpu.memory_space<hbm>> -> memref<80xi32, #tpu.memory_space<hbm>>
          %dma_start3A_88 = tpu.memref_slice %arg4[%add3A_86] : memref<160000xi32, #tpu.memory_space<hbm>> -> memref<80xi32, #tpu.memory_space<hbm>>
          tpu.enqueue_dma source(%dma_start3A_88 : memref<80xi32, #tpu.memory_space<hbm>>) target(%arg11 : memref<80xi32, #tpu.memory_space<vmem>>) target_semaphore(%arg19 : memref<!tpu.dma_semaphore, #tpu.memory_space<semaphore_mem>>)
        } else {
        }
        "tpu.region"() ({
          %run_scoped3A = tpu.sem_alloc : memref<!tpu.dma_semaphore, #tpu.memory_space<semaphore_mem>>
          %dma_start3A_80 = arith.constant 0 : i32
          %dma_start3A_81 = arith.constant 0 : i32
          %dma_start3A_82 = tpu.memref_slice %arg15[%dma_start3A_80, %dma_start3A_81] : memref<10240x128xf32, #tpu.memory_space<vmem_shared>> -> memref<10240x128xf32, #tpu.memory_space<vmem_shared>>
          tpu.enqueue_indirect_dma source(%arg14 : memref<80x128xf32, #tpu.memory_space<vmem>>) target(%dma_start3A_82 : memref<10240x128xf32, #tpu.memory_space<vmem_shared>>) offsets(%arg12 : memref<80xi32, #tpu.memory_space<vmem>>) semaphore(%run_scoped3A : memref<!tpu.dma_semaphore, #tpu.memory_space<semaphore_mem>>) {add = true}
          %dma_wait3A_83 = arith.constant 0 : i32
          %dma_wait3A_84 = arith.constant 0 : i32
          %dma_wait3A_85 = tpu.memref_slice %arg15[%dma_wait3A_83, %dma_wait3A_84] : memref<10240x128xf32, #tpu.memory_space<vmem_shared>> -> memref<10240x128xf32, #tpu.memory_space<vmem_shared>>
          tpu.wait_indirect_dma semaphore(%run_scoped3A : memref<!tpu.dma_semaphore, #tpu.memory_space<semaphore_mem>>) src(%arg14 : memref<80x128xf32, #tpu.memory_space<vmem>>) dst(%dma_wait3A_85 : memref<10240x128xf32, #tpu.memory_space<vmem_shared>>)
          tpu.yield
        }) : () -> ()
        %add3A_73 = arith.constant 2 : i32
        %add3A_74 = arith.addi %add3A_42, %add3A_73 : i32
        %lt3A_75 = arith.constant 125 : i32
        %lt3A_76 = arith.cmpi slt, %add3A_74, %lt3A_75 : i32
        %convert_element_type3A_77 = arith.extui %lt3A_76 : i1 to i32
        %cond3A_78 = arith.constant 0 : i32
        %cond3A_79 = arith.cmpi ne, %convert_element_type3A_77, %cond3A_78 : i32
        scf.if %cond3A_79 {
          %mul3A_80 = arith.constant 10000 : i32
          %mul3A_81 = arith.muli %arg1, %mul3A_80 : i32
          %add3A_82 = arith.constant 2 : i32
          %add3A_83 = arith.addi %add3A_42, %add3A_82 : i32
          %mul3A_84 = arith.constant 80 : i32
          %mul3A_85 = arith.muli %add3A_83, %mul3A_84 : i32
          %add3A_86 = arith.addi %mul3A_81, %mul3A_85 : i32
          %dma_start3A_87 = tpu.memref_slice %arg5[%add3A_86] : memref<160000xi32, #tpu.memory_space<hbm>> -> memref<80xi32, #tpu.memory_space<hbm>>
          %dma_start3A_88 = tpu.memref_slice %arg5[%add3A_86] : memref<160000xi32, #tpu.memory_space<hbm>> -> memref<80xi32, #tpu.memory_space<hbm>>
          tpu.enqueue_dma source(%dma_start3A_88 : memref<80xi32, #tpu.memory_space<hbm>>) target(%arg12 : memref<80xi32, #tpu.memory_space<vmem>>) target_semaphore(%arg19 : memref<!tpu.dma_semaphore, #tpu.memory_space<semaphore_mem>>)
          %dma_wait3A_89 = tpu.memref_slice %arg4[%add3A_86] : memref<160000xi32, #tpu.memory_space<hbm>> -> memref<80xi32, #tpu.memory_space<hbm>>
          %dma_wait3A_90 = tpu.memref_slice %arg4[%add3A_86] : memref<160000xi32, #tpu.memory_space<hbm>> -> memref<80xi32, #tpu.memory_space<hbm>>
          tpu.wait_dma2 semaphore(%arg19 : memref<!tpu.dma_semaphore, #tpu.memory_space<semaphore_mem>>) src(%dma_wait3A_90 : memref<80xi32, #tpu.memory_space<hbm>>) dst(%arg11 : memref<80xi32, #tpu.memory_space<vmem>>)
          %dma_wait3A_91 = tpu.memref_slice %arg5[%add3A_86] : memref<160000xi32, #tpu.memory_space<hbm>> -> memref<80xi32, #tpu.memory_space<hbm>>
          %dma_wait3A_92 = tpu.memref_slice %arg5[%add3A_86] : memref<160000xi32, #tpu.memory_space<hbm>> -> memref<80xi32, #tpu.memory_space<hbm>>
          tpu.wait_dma2 semaphore(%arg19 : memref<!tpu.dma_semaphore, #tpu.memory_space<semaphore_mem>>) src(%dma_wait3A_92 : memref<80xi32, #tpu.memory_space<hbm>>) dst(%arg12 : memref<80xi32, #tpu.memory_space<vmem>>)
          %dma_start3A_93 = arith.constant 0 : i32
          %dma_start3A_94 = arith.constant 0 : i32
          %dma_start3A_95 = tpu.memref_slice %arg3[%dma_start3A_93, %dma_start3A_94] : memref<10000x128xf32, #tpu.memory_space<hbm>> -> memref<10000x128xf32, #tpu.memory_space<hbm>>
          tpu.enqueue_indirect_dma source(%dma_start3A_95 : memref<10000x128xf32, #tpu.memory_space<hbm>>) target(%arg14 : memref<80x128xf32, #tpu.memory_space<vmem>>) offsets(%arg11 : memref<80xi32, #tpu.memory_space<vmem>>) semaphore(%arg17 : memref<!tpu.dma_semaphore, #tpu.memory_space<semaphore_mem>>)
        } else {
        }
      }
      %scan3A_35 = arith.constant 62 : i32
      %dma_wait3A = arith.constant 0 : i32
      %dma_wait3A_36 = arith.constant 0 : i32
      %dma_wait3A_37 = tpu.memref_slice %arg3[%dma_wait3A, %dma_wait3A_36] : memref<10000x128xf32, #tpu.memory_space<hbm>> -> memref<10000x128xf32, #tpu.memory_space<hbm>>
      tpu.wait_indirect_dma semaphore(%arg16 : memref<!tpu.dma_semaphore, #tpu.memory_space<semaphore_mem>>) src(%dma_wait3A_37 : memref<10000x128xf32, #tpu.memory_space<hbm>>) dst(%arg13 : memref<80x128xf32, #tpu.memory_space<vmem>>)
      "tpu.region"() ({
        %run_scoped3A = tpu.sem_alloc : memref<!tpu.dma_semaphore, #tpu.memory_space<semaphore_mem>>
        %dma_start3A_38 = arith.constant 0 : i32
        %dma_start3A_39 = arith.constant 0 : i32
        %dma_start3A_40 = tpu.memref_slice %arg15[%dma_start3A_38, %dma_start3A_39] : memref<10240x128xf32, #tpu.memory_space<vmem_shared>> -> memref<10240x128xf32, #tpu.memory_space<vmem_shared>>
        tpu.enqueue_indirect_dma source(%arg13 : memref<80x128xf32, #tpu.memory_space<vmem>>) target(%dma_start3A_40 : memref<10240x128xf32, #tpu.memory_space<vmem_shared>>) offsets(%arg10 : memref<80xi32, #tpu.memory_space<vmem>>) semaphore(%run_scoped3A : memref<!tpu.dma_semaphore, #tpu.memory_space<semaphore_mem>>) {add = true}
        %dma_wait3A_41 = arith.constant 0 : i32
        %dma_wait3A_42 = arith.constant 0 : i32
        %dma_wait3A_43 = tpu.memref_slice %arg15[%dma_wait3A_41, %dma_wait3A_42] : memref<10240x128xf32, #tpu.memory_space<vmem_shared>> -> memref<10240x128xf32, #tpu.memory_space<vmem_shared>>
        tpu.wait_indirect_dma semaphore(%run_scoped3A : memref<!tpu.dma_semaphore, #tpu.memory_space<semaphore_mem>>) src(%arg13 : memref<80x128xf32, #tpu.memory_space<vmem>>) dst(%dma_wait3A_43 : memref<10240x128xf32, #tpu.memory_space<vmem_shared>>)
        tpu.yield
      }) : () -> ()
    } else {
    }
    %barrier3A_8 = arith.constant 0 : index
    tpu.barrier barrier_id(%barrier3A_8)
    %mul3A_9 = arith.constant 640 : i32
    %mul3A_10 = arith.muli %arg1, %mul3A_9 : i32
    %eq3A_11 = arith.constant 0 : i32
    %eq3A_12 = arith.cmpi eq, %arg0, %eq3A_11 : i32
    %convert_element_type3A_13 = arith.extui %eq3A_12 : i1 to i32
    %cond3A_14 = arith.constant 0 : i32
    %cond3A_15 = arith.cmpi ne, %convert_element_type3A_13, %cond3A_14 : i32
    scf.if %cond3A_15 {
      "tpu.region"() ({
        %run_scoped3A = tpu.sem_alloc : memref<!tpu.dma_semaphore, #tpu.memory_space<semaphore_mem>>
        %dma_start3A = arith.constant 0 : i32
        %dma_start3A_21 = tpu.memref_slice %arg7[%mul3A_10, %dma_start3A] : memref<10240x128xf32, #tpu.memory_space<hbm>> -> memref<640x128xf32, #tpu.memory_space<hbm>>
        %dma_start3A_22 = arith.constant 0 : i32
        %dma_start3A_23 = tpu.memref_slice %arg15[%mul3A_10, %dma_start3A_22] : memref<10240x128xf32, #tpu.memory_space<vmem_shared>> -> memref<640x128xf32, #tpu.memory_space<vmem_shared>>
        tpu.enqueue_dma source(%dma_start3A_23 : memref<640x128xf32, #tpu.memory_space<vmem_shared>>) target(%dma_start3A_21 : memref<640x128xf32, #tpu.memory_space<hbm>>) target_semaphore(%run_scoped3A : memref<!tpu.dma_semaphore, #tpu.memory_space<semaphore_mem>>)
        %dma_wait3A = arith.constant 0 : i32
        %dma_wait3A_24 = tpu.memref_slice %arg7[%mul3A_10, %dma_wait3A] : memref<10240x128xf32, #tpu.memory_space<hbm>> -> memref<640x128xf32, #tpu.memory_space<hbm>>
        %dma_wait3A_25 = arith.constant 0 : i32
        %dma_wait3A_26 = tpu.memref_slice %arg15[%mul3A_10, %dma_wait3A_25] : memref<10240x128xf32, #tpu.memory_space<vmem_shared>> -> memref<640x128xf32, #tpu.memory_space<vmem_shared>>
        tpu.wait_dma2 semaphore(%run_scoped3A : memref<!tpu.dma_semaphore, #tpu.memory_space<semaphore_mem>>) src(%dma_wait3A_26 : memref<640x128xf32, #tpu.memory_space<vmem_shared>>) dst(%dma_wait3A_24 : memref<640x128xf32, #tpu.memory_space<hbm>>)
        tpu.yield
      }) : () -> ()
    } else {
    }
    %eq3A_16 = arith.constant 1 : i32
    %eq3A_17 = arith.cmpi eq, %arg0, %eq3A_16 : i32
    %convert_element_type3A_18 = arith.extui %eq3A_17 : i1 to i32
    %cond3A_19 = arith.constant 0 : i32
    %cond3A_20 = arith.cmpi ne, %convert_element_type3A_18, %cond3A_19 : i32
    scf.if %cond3A_20 {
      "tpu.region"() ({
        %run_scoped3A = tpu.sem_alloc : memref<!tpu.dma_semaphore, #tpu.memory_space<semaphore_mem>>
        %dma_start3A = arith.constant 0 : i32
        %dma_start3A_21 = tpu.memref_slice %arg8[%mul3A_10, %dma_start3A] : memref<10240x128xf32, #tpu.memory_space<hbm>> -> memref<640x128xf32, #tpu.memory_space<hbm>>
        %dma_start3A_22 = arith.constant 0 : i32
        %dma_start3A_23 = tpu.memref_slice %arg15[%mul3A_10, %dma_start3A_22] : memref<10240x128xf32, #tpu.memory_space<vmem_shared>> -> memref<640x128xf32, #tpu.memory_space<vmem_shared>>
        tpu.enqueue_dma source(%dma_start3A_23 : memref<640x128xf32, #tpu.memory_space<vmem_shared>>) target(%dma_start3A_21 : memref<640x128xf32, #tpu.memory_space<hbm>>) target_semaphore(%run_scoped3A : memref<!tpu.dma_semaphore, #tpu.memory_space<semaphore_mem>>)
        %dma_wait3A = arith.constant 0 : i32
        %dma_wait3A_24 = tpu.memref_slice %arg8[%mul3A_10, %dma_wait3A] : memref<10240x128xf32, #tpu.memory_space<hbm>> -> memref<640x128xf32, #tpu.memory_space<hbm>>
        %dma_wait3A_25 = arith.constant 0 : i32
        %dma_wait3A_26 = tpu.memref_slice %arg15[%mul3A_10, %dma_wait3A_25] : memref<10240x128xf32, #tpu.memory_space<vmem_shared>> -> memref<640x128xf32, #tpu.memory_space<vmem_shared>>
        tpu.wait_dma2 semaphore(%run_scoped3A : memref<!tpu.dma_semaphore, #tpu.memory_space<semaphore_mem>>) src(%dma_wait3A_26 : memref<640x128xf32, #tpu.memory_space<vmem_shared>>) dst(%dma_wait3A_24 : memref<640x128xf32, #tpu.memory_space<hbm>>)
        tpu.yield
      }) : () -> ()
    } else {
    }
    return
  }
}

module attributes {stable_mosaic.version = 14 : i64} {
  func.func @_embed_body(%arg0: i32, %arg1: memref<1000x2xi32, #tpu.memory_space<vmem>>, %arg2: memref<3x256xf32, #tpu.memory_space<vmem>>, %arg3: memref<3x256xf32, #tpu.memory_space<vmem>>, %arg4: memref<1000x128xf32, #tpu.memory_space<vmem>>, %arg5: memref<1000x128xf32, #tpu.memory_space<vmem>>) attributes {dimension_semantics = [#tpu.dimension_semantics<arbitrary>], iteration_bounds = array<i64: 10>, scalar_prefetch = 0 : i64, scratch_operands = 0 : i64, tpu.core_type = #tpu.core_type<tc>, window_params = [{transform_indices = @transform_0, window_bounds = array<i64: 1000, 2>}, {pipeline_mode = #tpu.pipeline_mode<synchronous>, transform_indices = @transform_1, window_bounds = array<i64: 3, 256>}, {pipeline_mode = #tpu.pipeline_mode<synchronous>, transform_indices = @transform_2, window_bounds = array<i64: 3, 256>}, {transform_indices = @transform_3, window_bounds = array<i64: 1000, 128>}, {transform_indices = @transform_4, window_bounds = array<i64: 1000, 128>}]} {
    %get3A = arith.constant 0 : index
    %get3A_0 = arith.constant 0 : index
    %get3A_1 = vector.load %arg1[%get3A, %get3A_0] : memref<1000x2xi32, #tpu.memory_space<vmem>>, vector<1000x2xi32>
    %slice3A = vector.extract_strided_slice %get3A_1 {offsets = [0, 0], sizes = [1000, 1], strides = [1, 1]} : vector<1000x2xi32> to vector<1000x1xi32>
    %slice3A_2 = vector.extract_strided_slice %get3A_1 {offsets = [0, 1], sizes = [1000, 1], strides = [1, 1]} : vector<1000x2xi32> to vector<1000x1xi32>
    %get3A_3 = arith.constant 0 : index
    %get3A_4 = arith.constant 0 : index
    %get3A_5 = vector.load %arg2[%get3A_3, %get3A_4] : memref<3x256xf32, #tpu.memory_space<vmem>>, vector<3x256xf32>
    %get3A_6 = arith.constant 0 : index
    %get3A_7 = arith.constant 0 : index
    %get3A_8 = vector.load %arg3[%get3A_6, %get3A_7] : memref<3x256xf32, #tpu.memory_space<vmem>>, vector<3x256xf32>
    %eq3A = arith.constant 0 : i32
    %eq3A_9 = vector.broadcast %eq3A : i32 to vector<1000x1xi32>
    %eq3A_10 = arith.cmpi eq, %slice3A, %eq3A_9 : vector<1000x1xi32>
    %slice3A_11 = vector.extract_strided_slice %get3A_5 {offsets = [0, 0], sizes = [1, 256], strides = [1, 1]} : vector<3x256xf32> to vector<1x256xf32>
    %eq3A_12 = arith.constant 1 : i32
    %eq3A_13 = vector.broadcast %eq3A_12 : i32 to vector<1000x1xi32>
    %eq3A_14 = arith.cmpi eq, %slice3A, %eq3A_13 : vector<1000x1xi32>
    %slice3A_15 = vector.extract_strided_slice %get3A_5 {offsets = [1, 0], sizes = [1, 256], strides = [1, 1]} : vector<3x256xf32> to vector<1x256xf32>
    %slice3A_16 = vector.extract_strided_slice %get3A_5 {offsets = [2, 0], sizes = [1, 256], strides = [1, 1]} : vector<3x256xf32> to vector<1x256xf32>
    %broadcast_in_dim3A = vector.shape_cast %eq3A_14 : vector<1000x1xi1> to vector<1000x1xi1>
    %broadcast_in_dim3A_17 = vector.broadcast %broadcast_in_dim3A : vector<1000x1xi1> to vector<1000x256xi1>
    %broadcast_in_dim3A_18 = vector.shape_cast %slice3A_15 : vector<1x256xf32> to vector<1x256xf32>
    %broadcast_in_dim3A_19 = vector.broadcast %broadcast_in_dim3A_18 : vector<1x256xf32> to vector<1000x256xf32>
    %broadcast_in_dim3A_20 = vector.shape_cast %slice3A_16 : vector<1x256xf32> to vector<1x256xf32>
    %broadcast_in_dim3A_21 = vector.broadcast %broadcast_in_dim3A_20 : vector<1x256xf32> to vector<1000x256xf32>
    %select_n3A = arith.select %broadcast_in_dim3A_17, %broadcast_in_dim3A_19, %broadcast_in_dim3A_21 : vector<1000x256xi1>, vector<1000x256xf32>
    %broadcast_in_dim3A_22 = vector.shape_cast %eq3A_10 : vector<1000x1xi1> to vector<1000x1xi1>
    %broadcast_in_dim3A_23 = vector.broadcast %broadcast_in_dim3A_22 : vector<1000x1xi1> to vector<1000x256xi1>
    %broadcast_in_dim3A_24 = vector.shape_cast %slice3A_11 : vector<1x256xf32> to vector<1x256xf32>
    %broadcast_in_dim3A_25 = vector.broadcast %broadcast_in_dim3A_24 : vector<1x256xf32> to vector<1000x256xf32>
    %select_n3A_26 = arith.select %broadcast_in_dim3A_23, %broadcast_in_dim3A_25, %select_n3A : vector<1000x256xi1>, vector<1000x256xf32>
    %eq3A_27 = arith.constant 0 : i32
    %eq3A_28 = vector.broadcast %eq3A_27 : i32 to vector<1000x1xi32>
    %eq3A_29 = arith.cmpi eq, %slice3A_2, %eq3A_28 : vector<1000x1xi32>
    %slice3A_30 = vector.extract_strided_slice %get3A_8 {offsets = [0, 0], sizes = [1, 256], strides = [1, 1]} : vector<3x256xf32> to vector<1x256xf32>
    %eq3A_31 = arith.constant 1 : i32
    %eq3A_32 = vector.broadcast %eq3A_31 : i32 to vector<1000x1xi32>
    %eq3A_33 = arith.cmpi eq, %slice3A_2, %eq3A_32 : vector<1000x1xi32>
    %slice3A_34 = vector.extract_strided_slice %get3A_8 {offsets = [1, 0], sizes = [1, 256], strides = [1, 1]} : vector<3x256xf32> to vector<1x256xf32>
    %slice3A_35 = vector.extract_strided_slice %get3A_8 {offsets = [2, 0], sizes = [1, 256], strides = [1, 1]} : vector<3x256xf32> to vector<1x256xf32>
    %broadcast_in_dim3A_36 = vector.shape_cast %eq3A_33 : vector<1000x1xi1> to vector<1000x1xi1>
    %broadcast_in_dim3A_37 = vector.broadcast %broadcast_in_dim3A_36 : vector<1000x1xi1> to vector<1000x256xi1>
    %broadcast_in_dim3A_38 = vector.shape_cast %slice3A_34 : vector<1x256xf32> to vector<1x256xf32>
    %broadcast_in_dim3A_39 = vector.broadcast %broadcast_in_dim3A_38 : vector<1x256xf32> to vector<1000x256xf32>
    %broadcast_in_dim3A_40 = vector.shape_cast %slice3A_35 : vector<1x256xf32> to vector<1x256xf32>
    %broadcast_in_dim3A_41 = vector.broadcast %broadcast_in_dim3A_40 : vector<1x256xf32> to vector<1000x256xf32>
    %select_n3A_42 = arith.select %broadcast_in_dim3A_37, %broadcast_in_dim3A_39, %broadcast_in_dim3A_41 : vector<1000x256xi1>, vector<1000x256xf32>
    %broadcast_in_dim3A_43 = vector.shape_cast %eq3A_29 : vector<1000x1xi1> to vector<1000x1xi1>
    %broadcast_in_dim3A_44 = vector.broadcast %broadcast_in_dim3A_43 : vector<1000x1xi1> to vector<1000x256xi1>
    %broadcast_in_dim3A_45 = vector.shape_cast %slice3A_30 : vector<1x256xf32> to vector<1x256xf32>
    %broadcast_in_dim3A_46 = vector.broadcast %broadcast_in_dim3A_45 : vector<1x256xf32> to vector<1000x256xf32>
    %select_n3A_47 = arith.select %broadcast_in_dim3A_44, %broadcast_in_dim3A_46, %select_n3A_42 : vector<1000x256xi1>, vector<1000x256xf32>
    %add3A = arith.addf %select_n3A_26, %select_n3A_47 : vector<1000x256xf32>
    %slice3A_48 = vector.extract_strided_slice %add3A {offsets = [0, 0], sizes = [1000, 128], strides = [1, 1]} : vector<1000x256xf32> to vector<1000x128xf32>
    %swap3A = arith.constant 0 : index
    %swap3A_49 = arith.constant 0 : index
    %swap3A_50 = vector.load %arg4[%swap3A, %swap3A_49] : memref<1000x128xf32, #tpu.memory_space<vmem>>, vector<1000x128xf32>
    tpu.vector_store %arg4[%swap3A, %swap3A_49], %slice3A_48 {strides = array<i32>} : memref<1000x128xf32, #tpu.memory_space<vmem>>, vector<1000x128xf32>,
    %slice3A_51 = vector.extract_strided_slice %add3A {offsets = [0, 128], sizes = [1000, 128], strides = [1, 1]} : vector<1000x256xf32> to vector<1000x128xf32>
    %swap3A_52 = arith.constant 0 : index
    %swap3A_53 = arith.constant 0 : index
    %swap3A_54 = vector.load %arg5[%swap3A_52, %swap3A_53] : memref<1000x128xf32, #tpu.memory_space<vmem>>, vector<1000x128xf32>
    tpu.vector_store %arg5[%swap3A_52, %swap3A_53], %slice3A_51 {strides = array<i32>} : memref<1000x128xf32, #tpu.memory_space<vmem>>, vector<1000x128xf32>,
    return
  }
  func.func @transform_0(%arg0: i32) -> (i32, i32) {
    %c0_i32 = arith.constant 0 : i32
    %c0_i32_0 = arith.constant 0 : i32
    return %arg0, %c0_i32 : i32, i32
  }
  func.func @transform_1(%arg0: i32) -> (i32, i32) {
    %c0_i32 = arith.constant 0 : i32
    %c0_i32_0 = arith.constant 0 : i32
    %c0_i32_1 = arith.constant 0 : i32
    return %c0_i32, %c0_i32_0 : i32, i32
  }
  func.func @transform_2(%arg0: i32) -> (i32, i32) {
    %c0_i32 = arith.constant 0 : i32
    %c0_i32_0 = arith.constant 0 : i32
    %c0_i32_1 = arith.constant 0 : i32
    return %c0_i32, %c0_i32_0 : i32, i32
  }
  func.func @transform_3(%arg0: i32) -> (i32, i32) {
    %c0_i32 = arith.constant 0 : i32
    %c0_i32_0 = arith.constant 0 : i32
    return %arg0, %c0_i32 : i32, i32
  }
  func.func @transform_4(%arg0: i32) -> (i32, i32) {
    %c0_i32 = arith.constant 0 : i32
    %c0_i32_0 = arith.constant 0 : i32
    return %arg0, %c0_i32 : i32, i32
  }
}

module attributes {stable_mosaic.version = 14 : i64} {
  func.func @body(%arg0: i32, %arg1: i32, %arg2: memref<1000x128xf32, #tpu.memory_space<vmem>>, %arg3: memref<1000x128xf32, #tpu.memory_space<vmem>>, %arg4: memref<1000x128xf32, #tpu.memory_space<vmem>>, %arg5: memref<1000x128xf32, #tpu.memory_space<vmem>>, %arg6: memref<1000x128xf32, #tpu.memory_space<vmem>>, %arg7: memref<1000x128xf32, #tpu.memory_space<vmem>>, %arg8: memref<128x256xf32, #tpu.memory_space<vmem>>, %arg9: memref<256x512xf32, #tpu.memory_space<vmem>>, %arg10: memref<1x512xf32, #tpu.memory_space<vmem>>, %arg11: memref<512x256xf32, #tpu.memory_space<vmem>>, %arg12: memref<1x256xf32, #tpu.memory_space<vmem>>, %arg13: memref<1x256xf32, #tpu.memory_space<vmem>>, %arg14: memref<1x256xf32, #tpu.memory_space<vmem>>, %arg15: memref<1000x128xf32, #tpu.memory_space<vmem>>, %arg16: memref<1000x128xf32, #tpu.memory_space<vmem>>, %arg17: memref<10000x256xf32, #tpu.memory_space<vmem>>, %arg18: memref<1x256xf32, #tpu.memory_space<vmem>>, %arg19: memref<1x256xf32, #tpu.memory_space<vmem>>) attributes {dimension_semantics = [#tpu.dimension_semantics<arbitrary>, #tpu.dimension_semantics<arbitrary>], iteration_bounds = array<i64: 2, 10>, scalar_prefetch = 0 : i64, scratch_operands = 3 : i64, tpu.core_type = #tpu.core_type<tc>, window_params = [{transform_indices = @transform_0, window_bounds = array<i64: 1000, 128>}, {transform_indices = @transform_1, window_bounds = array<i64: 1000, 128>}, {transform_indices = @transform_2, window_bounds = array<i64: 1000, 128>}, {transform_indices = @transform_3, window_bounds = array<i64: 1000, 128>}, {transform_indices = @transform_4, window_bounds = array<i64: 1000, 128>}, {transform_indices = @transform_5, window_bounds = array<i64: 1000, 128>}, {pipeline_mode = #tpu.pipeline_mode<synchronous>, transform_indices = @transform_6, window_bounds = array<i64: 128, 256>}, {pipeline_mode = #tpu.pipeline_mode<synchronous>, transform_indices = @transform_7, window_bounds = array<i64: 256, 512>}, {pipeline_mode = #tpu.pipeline_mode<synchronous>, transform_indices = @transform_8, window_bounds = array<i64: 1, 512>}, {pipeline_mode = #tpu.pipeline_mode<synchronous>, transform_indices = @transform_9, window_bounds = array<i64: 512, 256>}, {pipeline_mode = #tpu.pipeline_mode<synchronous>, transform_indices = @transform_10, window_bounds = array<i64: 1, 256>}, {pipeline_mode = #tpu.pipeline_mode<synchronous>, transform_indices = @transform_11, window_bounds = array<i64: 1, 256>}, {pipeline_mode = #tpu.pipeline_mode<synchronous>, transform_indices = @transform_12, window_bounds = array<i64: 1, 256>}, {transform_indices = @transform_13, window_bounds = array<i64: 1000, 128>}, {transform_indices = @transform_14, window_bounds = array<i64: 1000, 128>}]} {
    %eq3A = arith.constant 0 : i32
    %eq3A_0 = arith.cmpi eq, %arg0, %eq3A : i32
    %convert_element_type3A = arith.extui %eq3A_0 : i1 to i32
    %cond3A = arith.constant 0 : i32
    %cond3A_1 = arith.cmpi ne, %convert_element_type3A, %cond3A : i32
    scf.if %cond3A_1 {
      %get3A = arith.constant 0 : index
      %get3A_7 = arith.constant 0 : index
      %get3A_8 = vector.load %arg6[%get3A, %get3A_7] : memref<1000x128xf32, #tpu.memory_space<vmem>>, vector<1000x128xf32>
      %get3A_9 = arith.constant 0 : index
      %get3A_10 = arith.constant 0 : index
      %get3A_11 = vector.load %arg7[%get3A_9, %get3A_10] : memref<1000x128xf32, #tpu.memory_space<vmem>>, vector<1000x128xf32>
      %add3A = arith.addf %get3A_8, %get3A_11 : vector<1000x128xf32>
      %get3A_12 = arith.constant 0 : index
      %get3A_13 = arith.constant 0 : index
      %get3A_14 = vector.load %arg8[%get3A_12, %get3A_13] : memref<128x256xf32, #tpu.memory_space<vmem>>, vector<128x256xf32>
      %dot_general3A = arith.constant dense<0.000000e+00> : vector<1000x256xf32>
      %dot_general3A_15 = tpu.matmul %add3A, %get3A_14, %dot_general3A {dimension_numbers = #tpu.dot_dimension_numbers<[1], [0], [0], [1], [0, 0, 1, 1], [], []>, precision = #tpu.contract_precision<fp32>, transpose_lhs_hint = false} : vector<1000x128xf32>, vector<128x256xf32>, vector<1000x256xf32> -> vector<1000x256xf32>
      %get3A_16 = arith.constant 0 : index
      %get3A_17 = arith.constant 0 : index
      %get3A_18 = vector.load %arg2[%get3A_16, %get3A_17] : memref<1000x128xf32, #tpu.memory_space<vmem>>, vector<1000x128xf32>
      %get3A_19 = arith.constant 0 : index
      %get3A_20 = arith.constant 0 : index
      %get3A_21 = vector.load %arg4[%get3A_19, %get3A_20] : memref<1000x128xf32, #tpu.memory_space<vmem>>, vector<1000x128xf32>
      %add3A_22 = arith.addf %get3A_18, %get3A_21 : vector<1000x128xf32>
      %slice3A = vector.extract_strided_slice %dot_general3A_15 {offsets = [0, 0], sizes = [1000, 128], strides = [1, 1]} : vector<1000x256xf32> to vector<1000x128xf32>
      %add3A_23 = arith.addf %add3A_22, %slice3A : vector<1000x128xf32>
      %slice3A_24 = vector.extract_strided_slice %get3A_14 {offsets = [12, 0], sizes = [1, 128], strides = [1, 1]} : vector<128x256xf32> to vector<1x128xf32>
      %add3A_25 = vector.broadcast %slice3A_24 : vector<1x128xf32> to vector<1000x128xf32>
      %add3A_26 = arith.addf %add3A_23, %add3A_25 : vector<1000x128xf32>
      %get3A_27 = arith.constant 0 : index
      %get3A_28 = arith.constant 0 : index
      %get3A_29 = vector.load %arg3[%get3A_27, %get3A_28] : memref<1000x128xf32, #tpu.memory_space<vmem>>, vector<1000x128xf32>
      %get3A_30 = arith.constant 0 : index
      %get3A_31 = arith.constant 0 : index
      %get3A_32 = vector.load %arg5[%get3A_30, %get3A_31] : memref<1000x128xf32, #tpu.memory_space<vmem>>, vector<1000x128xf32>
      %add3A_33 = arith.addf %get3A_29, %get3A_32 : vector<1000x128xf32>
      %slice3A_34 = vector.extract_strided_slice %dot_general3A_15 {offsets = [0, 128], sizes = [1000, 128], strides = [1, 1]} : vector<1000x256xf32> to vector<1000x128xf32>
      %add3A_35 = arith.addf %add3A_33, %slice3A_34 : vector<1000x128xf32>
      %slice3A_36 = vector.extract_strided_slice %get3A_14 {offsets = [12, 128], sizes = [1, 128], strides = [1, 1]} : vector<128x256xf32> to vector<1x128xf32>
      %add3A_37 = vector.broadcast %slice3A_36 : vector<1x128xf32> to vector<1000x128xf32>
      %add3A_38 = arith.addf %add3A_35, %add3A_37 : vector<1000x128xf32>
      %concatenate3A = tpu.concatenate %add3A_26, %add3A_38 in 1 : vector<1000x128xf32>, vector<1000x128xf32> -> vector<1000x256xf32>
      %get3A_39 = arith.constant 0 : index
      %get3A_40 = arith.constant 0 : index
      %get3A_41 = vector.load %arg9[%get3A_39, %get3A_40] : memref<256x512xf32, #tpu.memory_space<vmem>>, vector<256x512xf32>
      %dot_general3A_42 = arith.constant dense<0.000000e+00> : vector<1000x512xf32>
      %dot_general3A_43 = tpu.matmul %concatenate3A, %get3A_41, %dot_general3A_42 {dimension_numbers = #tpu.dot_dimension_numbers<[1], [0], [0], [1], [0, 0, 1, 1], [], []>, transpose_lhs_hint = false} : vector<1000x256xf32>, vector<256x512xf32>, vector<1000x512xf32> -> vector<1000x512xf32>
      %get3A_44 = arith.constant 0 : index
      %get3A_45 = arith.constant 0 : index
      %get3A_46 = vector.load %arg10[%get3A_44, %get3A_45] : memref<1x512xf32, #tpu.memory_space<vmem>>, vector<1x512xf32>
      %add3A_47 = vector.broadcast %get3A_46 : vector<1x512xf32> to vector<1000x512xf32>
      %add3A_48 = arith.addf %dot_general3A_43, %add3A_47 : vector<1000x512xf32>
      %max3A = arith.constant 0.000000e+00 : f32
      %max3A_49 = vector.broadcast %max3A : f32 to vector<1000x512xf32>
      %max3A_50 = arith.maximumf %add3A_48, %max3A_49 : vector<1000x512xf32>
      %get3A_51 = arith.constant 0 : index
      %get3A_52 = arith.constant 0 : index
      %get3A_53 = vector.load %arg11[%get3A_51, %get3A_52] : memref<512x256xf32, #tpu.memory_space<vmem>>, vector<512x256xf32>
      %dot_general3A_54 = arith.constant dense<0.000000e+00> : vector<1000x256xf32>
      %dot_general3A_55 = tpu.matmul %max3A_50, %get3A_53, %dot_general3A_54 {dimension_numbers = #tpu.dot_dimension_numbers<[1], [0], [0], [1], [0, 0, 1, 1], [], []>, transpose_lhs_hint = false} : vector<1000x512xf32>, vector<512x256xf32>, vector<1000x256xf32> -> vector<1000x256xf32>
      %get3A_56 = arith.constant 0 : index
      %get3A_57 = arith.constant 0 : index
      %get3A_58 = vector.load %arg12[%get3A_56, %get3A_57] : memref<1x256xf32, #tpu.memory_space<vmem>>, vector<1x256xf32>
      %add3A_59 = vector.broadcast %get3A_58 : vector<1x256xf32> to vector<1000x256xf32>
      %add3A_60 = arith.addf %dot_general3A_55, %add3A_59 : vector<1000x256xf32>
      %mul3A = arith.constant 1000 : i32
      %mul3A_61 = arith.muli %arg1, %mul3A : i32
      %swap3A = arith.index_cast %mul3A_61 : i32 to index
      %swap3A_62 = arith.constant 0 : index
      %swap3A_63 = vector.load %arg17[%swap3A, %swap3A_62] : memref<10000x256xf32, #tpu.memory_space<vmem>>, vector<1000x256xf32>
      tpu.vector_store %arg17[%swap3A, %swap3A_62], %add3A_60 {strides = array<i32>} : memref<10000x256xf32, #tpu.memory_space<vmem>>, vector<1000x256xf32>,
      %eq3A_64 = arith.constant 0 : i32
      %eq3A_65 = arith.cmpi eq, %arg1, %eq3A_64 : i32
      %convert_element_type3A_66 = arith.extui %eq3A_65 : i1 to i32
      %cond3A_67 = arith.constant 0 : i32
      %cond3A_68 = arith.cmpi ne, %convert_element_type3A_66, %cond3A_67 : i32
      scf.if %cond3A_68 {
        %broadcast_in_dim3A_88 = arith.constant 0.000000e+00 : f32
        %broadcast_in_dim3A_89 = vector.broadcast %broadcast_in_dim3A_88 : f32 to vector<1x256xf32>
        %swap3A_90 = arith.constant 0 : index
        %swap3A_91 = arith.constant 0 : index
        %swap3A_92 = vector.load %arg18[%swap3A_90, %swap3A_91] : memref<1x256xf32, #tpu.memory_space<vmem>>, vector<1x256xf32>
        tpu.vector_store %arg18[%swap3A_90, %swap3A_91], %broadcast_in_dim3A_89 {strides = array<i32>} : memref<1x256xf32, #tpu.memory_space<vmem>>, vector<1x256xf32>,
        %broadcast_in_dim3A_93 = arith.constant 0.000000e+00 : f32
        %broadcast_in_dim3A_94 = vector.broadcast %broadcast_in_dim3A_93 : f32 to vector<1x256xf32>
        %swap3A_95 = arith.constant 0 : index
        %swap3A_96 = arith.constant 0 : index
        %swap3A_97 = vector.load %arg19[%swap3A_95, %swap3A_96] : memref<1x256xf32, #tpu.memory_space<vmem>>, vector<1x256xf32>
        tpu.vector_store %arg19[%swap3A_95, %swap3A_96], %broadcast_in_dim3A_94 {strides = array<i32>} : memref<1x256xf32, #tpu.memory_space<vmem>>, vector<1x256xf32>,
      } else {
      }
      %get3A_69 = arith.constant 0 : index
      %get3A_70 = arith.constant 0 : index
      %get3A_71 = vector.load %arg18[%get3A_69, %get3A_70] : memref<1x256xf32, #tpu.memory_space<vmem>>, vector<1x256xf32>
      %reduce_sum3A = arith.constant dense<0.000000e+00> : vector<256xf32>
      %reduce_sum3A_72 = vector.multi_reduction <add>, %add3A_60, %reduce_sum3A [0] : vector<1000x256xf32> to vector<256xf32>
      %broadcast_in_dim3A = vector.shape_cast %reduce_sum3A_72 : vector<256xf32> to vector<1x256xf32>
      %add3A_73 = arith.addf %get3A_71, %broadcast_in_dim3A : vector<1x256xf32>
      %swap3A_74 = arith.constant 0 : index
      %swap3A_75 = arith.constant 0 : index
      %swap3A_76 = vector.load %arg18[%swap3A_74, %swap3A_75] : memref<1x256xf32, #tpu.memory_space<vmem>>, vector<1x256xf32>
      tpu.vector_store %arg18[%swap3A_74, %swap3A_75], %add3A_73 {strides = array<i32>} : memref<1x256xf32, #tpu.memory_space<vmem>>, vector<1x256xf32>,
      %get3A_77 = arith.constant 0 : index
      %get3A_78 = arith.constant 0 : index
      %get3A_79 = vector.load %arg19[%get3A_77, %get3A_78] : memref<1x256xf32, #tpu.memory_space<vmem>>, vector<1x256xf32>
      %mul3A_80 = arith.mulf %add3A_60, %add3A_60 : vector<1000x256xf32>
      %reduce_sum3A_81 = arith.constant dense<0.000000e+00> : vector<256xf32>
      %reduce_sum3A_82 = vector.multi_reduction <add>, %mul3A_80, %reduce_sum3A_81 [0] : vector<1000x256xf32> to vector<256xf32>
      %broadcast_in_dim3A_83 = vector.shape_cast %reduce_sum3A_82 : vector<256xf32> to vector<1x256xf32>
      %add3A_84 = arith.addf %get3A_79, %broadcast_in_dim3A_83 : vector<1x256xf32>
      %swap3A_85 = arith.constant 0 : index
      %swap3A_86 = arith.constant 0 : index
      %swap3A_87 = vector.load %arg19[%swap3A_85, %swap3A_86] : memref<1x256xf32, #tpu.memory_space<vmem>>, vector<1x256xf32>
      tpu.vector_store %arg19[%swap3A_85, %swap3A_86], %add3A_84 {strides = array<i32>} : memref<1x256xf32, #tpu.memory_space<vmem>>, vector<1x256xf32>,
    } else {
    }
    %eq3A_2 = arith.constant 1 : i32
    %eq3A_3 = arith.cmpi eq, %arg0, %eq3A_2 : i32
    %convert_element_type3A_4 = arith.extui %eq3A_3 : i1 to i32
    %cond3A_5 = arith.constant 0 : i32
    %cond3A_6 = arith.cmpi ne, %convert_element_type3A_4, %cond3A_5 : i32
    scf.if %cond3A_6 {
      %get3A = arith.constant 0 : index
      %get3A_7 = arith.constant 0 : index
      %get3A_8 = vector.load %arg18[%get3A, %get3A_7] : memref<1x256xf32, #tpu.memory_space<vmem>>, vector<1x256xf32>
      %mul3A = arith.constant 9.99999974E-5 : f32
      %mul3A_9 = vector.broadcast %mul3A : f32 to vector<1x256xf32>
      %mul3A_10 = arith.mulf %get3A_8, %mul3A_9 : vector<1x256xf32>
      %get3A_11 = arith.constant 0 : index
      %get3A_12 = arith.constant 0 : index
      %get3A_13 = vector.load %arg19[%get3A_11, %get3A_12] : memref<1x256xf32, #tpu.memory_space<vmem>>, vector<1x256xf32>
      %mul3A_14 = arith.constant 9.99999974E-5 : f32
      %mul3A_15 = vector.broadcast %mul3A_14 : f32 to vector<1x256xf32>
      %mul3A_16 = arith.mulf %get3A_13, %mul3A_15 : vector<1x256xf32>
      %mul3A_17 = arith.mulf %mul3A_10, %mul3A_10 : vector<1x256xf32>
      %sub3A = arith.subf %mul3A_16, %mul3A_17 : vector<1x256xf32>
      %add3A = arith.constant 9.99999974E-6 : f32
      %add3A_18 = vector.broadcast %add3A : f32 to vector<1x256xf32>
      %add3A_19 = arith.addf %sub3A, %add3A_18 : vector<1x256xf32>
      %rsqrt3A = math.rsqrt %add3A_19 : vector<1x256xf32>
      %get3A_20 = arith.constant 0 : index
      %get3A_21 = arith.constant 0 : index
      %get3A_22 = vector.load %arg13[%get3A_20, %get3A_21] : memref<1x256xf32, #tpu.memory_space<vmem>>, vector<1x256xf32>
      %mul3A_23 = arith.mulf %rsqrt3A, %get3A_22 : vector<1x256xf32>
      %mul3A_24 = arith.constant 1000 : i32
      %mul3A_25 = arith.muli %arg1, %mul3A_24 : i32
      %get3A_26 = arith.index_cast %mul3A_25 : i32 to index
      %get3A_27 = arith.constant 0 : index
      %get3A_28 = vector.load %arg17[%get3A_26, %get3A_27] : memref<10000x256xf32, #tpu.memory_space<vmem>>, vector<1000x256xf32>
      %sub3A_29 = vector.broadcast %mul3A_10 : vector<1x256xf32> to vector<1000x256xf32>
      %sub3A_30 = arith.subf %get3A_28, %sub3A_29 : vector<1000x256xf32>
      %mul3A_31 = vector.broadcast %mul3A_23 : vector<1x256xf32> to vector<1000x256xf32>
      %mul3A_32 = arith.mulf %sub3A_30, %mul3A_31 : vector<1000x256xf32>
      %get3A_33 = arith.constant 0 : index
      %get3A_34 = arith.constant 0 : index
      %get3A_35 = vector.load %arg14[%get3A_33, %get3A_34] : memref<1x256xf32, #tpu.memory_space<vmem>>, vector<1x256xf32>
      %add3A_36 = vector.broadcast %get3A_35 : vector<1x256xf32> to vector<1000x256xf32>
      %add3A_37 = arith.addf %mul3A_32, %add3A_36 : vector<1000x256xf32>
      %max3A = arith.constant 0.000000e+00 : f32
      %max3A_38 = vector.broadcast %max3A : f32 to vector<1000x256xf32>
      %max3A_39 = arith.maximumf %add3A_37, %max3A_38 : vector<1000x256xf32>
      %slice3A = vector.extract_strided_slice %max3A_39 {offsets = [0, 0], sizes = [1000, 128], strides = [1, 1]} : vector<1000x256xf32> to vector<1000x128xf32>
      %swap3A = arith.constant 0 : index
      %swap3A_40 = arith.constant 0 : index
      %swap3A_41 = vector.load %arg15[%swap3A, %swap3A_40] : memref<1000x128xf32, #tpu.memory_space<vmem>>, vector<1000x128xf32>
      tpu.vector_store %arg15[%swap3A, %swap3A_40], %slice3A {strides = array<i32>} : memref<1000x128xf32, #tpu.memory_space<vmem>>, vector<1000x128xf32>,
      %slice3A_42 = vector.extract_strided_slice %max3A_39 {offsets = [0, 128], sizes = [1000, 128], strides = [1, 1]} : vector<1000x256xf32> to vector<1000x128xf32>
      %swap3A_43 = arith.constant 0 : index
      %swap3A_44 = arith.constant 0 : index
      %swap3A_45 = vector.load %arg16[%swap3A_43, %swap3A_44] : memref<1000x128xf32, #tpu.memory_space<vmem>>, vector<1000x128xf32>
      tpu.vector_store %arg16[%swap3A_43, %swap3A_44], %slice3A_42 {strides = array<i32>} : memref<1000x128xf32, #tpu.memory_space<vmem>>, vector<1000x128xf32>,
    } else {
    }
    return
  }
  func.func @transform_0(%arg0: i32, %arg1: i32) -> (i32, i32) {
    %sub3A = arith.constant 1 : i32
    %sub3A_0 = arith.subi %sub3A, %arg0 : i32
    %mul3A = arith.muli %arg1, %sub3A_0 : i32
    %c0_i32 = arith.constant 0 : i32
    %c0_i32_1 = arith.constant 0 : i32
    return %mul3A, %c0_i32 : i32, i32
  }
  func.func @transform_1(%arg0: i32, %arg1: i32) -> (i32, i32) {
    %sub3A = arith.constant 1 : i32
    %sub3A_0 = arith.subi %sub3A, %arg0 : i32
    %mul3A = arith.muli %arg1, %sub3A_0 : i32
    %c0_i32 = arith.constant 0 : i32
    %c0_i32_1 = arith.constant 0 : i32
    return %mul3A, %c0_i32 : i32, i32
  }
  func.func @transform_2(%arg0: i32, %arg1: i32) -> (i32, i32) {
    %sub3A = arith.constant 1 : i32
    %sub3A_0 = arith.subi %sub3A, %arg0 : i32
    %mul3A = arith.muli %arg1, %sub3A_0 : i32
    %c0_i32 = arith.constant 0 : i32
    %c0_i32_1 = arith.constant 0 : i32
    return %mul3A, %c0_i32 : i32, i32
  }
  func.func @transform_3(%arg0: i32, %arg1: i32) -> (i32, i32) {
    %sub3A = arith.constant 1 : i32
    %sub3A_0 = arith.subi %sub3A, %arg0 : i32
    %mul3A = arith.muli %arg1, %sub3A_0 : i32
    %c0_i32 = arith.constant 0 : i32
    %c0_i32_1 = arith.constant 0 : i32
    return %mul3A, %c0_i32 : i32, i32
  }
  func.func @transform_4(%arg0: i32, %arg1: i32) -> (i32, i32) {
    %sub3A = arith.constant 1 : i32
    %sub3A_0 = arith.subi %sub3A, %arg0 : i32
    %mul3A = arith.muli %arg1, %sub3A_0 : i32
    %c0_i32 = arith.constant 0 : i32
    %c0_i32_1 = arith.constant 0 : i32
    return %mul3A, %c0_i32 : i32, i32
  }
  func.func @transform_5(%arg0: i32, %arg1: i32) -> (i32, i32) {
    %sub3A = arith.constant 1 : i32
    %sub3A_0 = arith.subi %sub3A, %arg0 : i32
    %mul3A = arith.muli %arg1, %sub3A_0 : i32
    %c0_i32 = arith.constant 0 : i32
    %c0_i32_1 = arith.constant 0 : i32
    return %mul3A, %c0_i32 : i32, i32
  }
  func.func @transform_6(%arg0: i32, %arg1: i32) -> (i32, i32) {
    %c0_i32 = arith.constant 0 : i32
    %c0_i32_0 = arith.constant 0 : i32
    %c0_i32_1 = arith.constant 0 : i32
    return %c0_i32, %c0_i32_0 : i32, i32
  }
  func.func @transform_7(%arg0: i32, %arg1: i32) -> (i32, i32) {
    %c0_i32 = arith.constant 0 : i32
    %c0_i32_0 = arith.constant 0 : i32
    %c0_i32_1 = arith.constant 0 : i32
    return %c0_i32, %c0_i32_0 : i32, i32
  }
  func.func @transform_8(%arg0: i32, %arg1: i32) -> (i32, i32) {
    %c0_i32 = arith.constant 0 : i32
    %c0_i32_0 = arith.constant 0 : i32
    %c0_i32_1 = arith.constant 0 : i32
    return %c0_i32, %c0_i32_0 : i32, i32
  }
  func.func @transform_9(%arg0: i32, %arg1: i32) -> (i32, i32) {
    %c0_i32 = arith.constant 0 : i32
    %c0_i32_0 = arith.constant 0 : i32
    %c0_i32_1 = arith.constant 0 : i32
    return %c0_i32, %c0_i32_0 : i32, i32
  }
  func.func @transform_10(%arg0: i32, %arg1: i32) -> (i32, i32) {
    %c0_i32 = arith.constant 0 : i32
    %c0_i32_0 = arith.constant 0 : i32
    %c0_i32_1 = arith.constant 0 : i32
    return %c0_i32, %c0_i32_0 : i32, i32
  }
  func.func @transform_11(%arg0: i32, %arg1: i32) -> (i32, i32) {
    %c0_i32 = arith.constant 0 : i32
    %c0_i32_0 = arith.constant 0 : i32
    %c0_i32_1 = arith.constant 0 : i32
    return %c0_i32, %c0_i32_0 : i32, i32
  }
  func.func @transform_12(%arg0: i32, %arg1: i32) -> (i32, i32) {
    %c0_i32 = arith.constant 0 : i32
    %c0_i32_0 = arith.constant 0 : i32
    %c0_i32_1 = arith.constant 0 : i32
    return %c0_i32, %c0_i32_0 : i32, i32
  }
  func.func @transform_13(%arg0: i32, %arg1: i32) -> (i32, i32) {
    %c0_i32 = arith.constant 0 : i32
    %c0_i32_0 = arith.constant 0 : i32
    return %arg1, %c0_i32 : i32, i32
  }
  func.func @transform_14(%arg0: i32, %arg1: i32) -> (i32, i32) {
    %c0_i32 = arith.constant 0 : i32
    %c0_i32_0 = arith.constant 0 : i32
    return %arg1, %c0_i32 : i32, i32
  }
}

module attributes {stable_mosaic.version = 14 : i64} {
  func.func @body(%arg0: i32, %arg1: i32, %arg2: memref<1000x128xf32, #tpu.memory_space<vmem>>, %arg3: memref<1000x128xf32, #tpu.memory_space<vmem>>, %arg4: memref<1000x128xf32, #tpu.memory_space<vmem>>, %arg5: memref<1000x128xf32, #tpu.memory_space<vmem>>, %arg6: memref<1000x128xf32, #tpu.memory_space<vmem>>, %arg7: memref<1000x128xf32, #tpu.memory_space<vmem>>, %arg8: memref<128x256xf32, #tpu.memory_space<vmem>>, %arg9: memref<256x512xf32, #tpu.memory_space<vmem>>, %arg10: memref<1x512xf32, #tpu.memory_space<vmem>>, %arg11: memref<512x256xf32, #tpu.memory_space<vmem>>, %arg12: memref<1x256xf32, #tpu.memory_space<vmem>>, %arg13: memref<1x256xf32, #tpu.memory_space<vmem>>, %arg14: memref<1x256xf32, #tpu.memory_space<vmem>>, %arg15: memref<1000x256xf32, #tpu.memory_space<vmem>>, %arg16: memref<10000x256xf32, #tpu.memory_space<vmem>>, %arg17: memref<1x256xf32, #tpu.memory_space<vmem>>, %arg18: memref<1x256xf32, #tpu.memory_space<vmem>>) attributes {dimension_semantics = [#tpu.dimension_semantics<arbitrary>, #tpu.dimension_semantics<arbitrary>], iteration_bounds = array<i64: 2, 10>, scalar_prefetch = 0 : i64, scratch_operands = 3 : i64, tpu.core_type = #tpu.core_type<tc>, window_params = [{transform_indices = @transform_0, window_bounds = array<i64: 1000, 128>}, {transform_indices = @transform_1, window_bounds = array<i64: 1000, 128>}, {transform_indices = @transform_2, window_bounds = array<i64: 1000, 128>}, {transform_indices = @transform_3, window_bounds = array<i64: 1000, 128>}, {transform_indices = @transform_4, window_bounds = array<i64: 1000, 128>}, {transform_indices = @transform_5, window_bounds = array<i64: 1000, 128>}, {pipeline_mode = #tpu.pipeline_mode<synchronous>, transform_indices = @transform_6, window_bounds = array<i64: 128, 256>}, {pipeline_mode = #tpu.pipeline_mode<synchronous>, transform_indices = @transform_7, window_bounds = array<i64: 256, 512>}, {pipeline_mode = #tpu.pipeline_mode<synchronous>, transform_indices = @transform_8, window_bounds = array<i64: 1, 512>}, {pipeline_mode = #tpu.pipeline_mode<synchronous>, transform_indices = @transform_9, window_bounds = array<i64: 512, 256>}, {pipeline_mode = #tpu.pipeline_mode<synchronous>, transform_indices = @transform_10, window_bounds = array<i64: 1, 256>}, {pipeline_mode = #tpu.pipeline_mode<synchronous>, transform_indices = @transform_11, window_bounds = array<i64: 1, 256>}, {pipeline_mode = #tpu.pipeline_mode<synchronous>, transform_indices = @transform_12, window_bounds = array<i64: 1, 256>}, {transform_indices = @transform_13, window_bounds = array<i64: 1000, 256>}]} {
    %eq3A = arith.constant 0 : i32
    %eq3A_0 = arith.cmpi eq, %arg0, %eq3A : i32
    %convert_element_type3A = arith.extui %eq3A_0 : i1 to i32
    %cond3A = arith.constant 0 : i32
    %cond3A_1 = arith.cmpi ne, %convert_element_type3A, %cond3A : i32
    scf.if %cond3A_1 {
      %get3A = arith.constant 0 : index
      %get3A_7 = arith.constant 0 : index
      %get3A_8 = vector.load %arg6[%get3A, %get3A_7] : memref<1000x128xf32, #tpu.memory_space<vmem>>, vector<1000x128xf32>
      %get3A_9 = arith.constant 0 : index
      %get3A_10 = arith.constant 0 : index
      %get3A_11 = vector.load %arg7[%get3A_9, %get3A_10] : memref<1000x128xf32, #tpu.memory_space<vmem>>, vector<1000x128xf32>
      %add3A = arith.addf %get3A_8, %get3A_11 : vector<1000x128xf32>
      %get3A_12 = arith.constant 0 : index
      %get3A_13 = arith.constant 0 : index
      %get3A_14 = vector.load %arg8[%get3A_12, %get3A_13] : memref<128x256xf32, #tpu.memory_space<vmem>>, vector<128x256xf32>
      %dot_general3A = arith.constant dense<0.000000e+00> : vector<1000x256xf32>
      %dot_general3A_15 = tpu.matmul %add3A, %get3A_14, %dot_general3A {dimension_numbers = #tpu.dot_dimension_numbers<[1], [0], [0], [1], [0, 0, 1, 1], [], []>, precision = #tpu.contract_precision<fp32>, transpose_lhs_hint = false} : vector<1000x128xf32>, vector<128x256xf32>, vector<1000x256xf32> -> vector<1000x256xf32>
      %get3A_16 = arith.constant 0 : index
      %get3A_17 = arith.constant 0 : index
      %get3A_18 = vector.load %arg2[%get3A_16, %get3A_17] : memref<1000x128xf32, #tpu.memory_space<vmem>>, vector<1000x128xf32>
      %get3A_19 = arith.constant 0 : index
      %get3A_20 = arith.constant 0 : index
      %get3A_21 = vector.load %arg4[%get3A_19, %get3A_20] : memref<1000x128xf32, #tpu.memory_space<vmem>>, vector<1000x128xf32>
      %add3A_22 = arith.addf %get3A_18, %get3A_21 : vector<1000x128xf32>
      %slice3A = vector.extract_strided_slice %dot_general3A_15 {offsets = [0, 0], sizes = [1000, 128], strides = [1, 1]} : vector<1000x256xf32> to vector<1000x128xf32>
      %add3A_23 = arith.addf %add3A_22, %slice3A : vector<1000x128xf32>
      %slice3A_24 = vector.extract_strided_slice %get3A_14 {offsets = [12, 0], sizes = [1, 128], strides = [1, 1]} : vector<128x256xf32> to vector<1x128xf32>
      %add3A_25 = vector.broadcast %slice3A_24 : vector<1x128xf32> to vector<1000x128xf32>
      %add3A_26 = arith.addf %add3A_23, %add3A_25 : vector<1000x128xf32>
      %get3A_27 = arith.constant 0 : index
      %get3A_28 = arith.constant 0 : index
      %get3A_29 = vector.load %arg3[%get3A_27, %get3A_28] : memref<1000x128xf32, #tpu.memory_space<vmem>>, vector<1000x128xf32>
      %get3A_30 = arith.constant 0 : index
      %get3A_31 = arith.constant 0 : index
      %get3A_32 = vector.load %arg5[%get3A_30, %get3A_31] : memref<1000x128xf32, #tpu.memory_space<vmem>>, vector<1000x128xf32>
      %add3A_33 = arith.addf %get3A_29, %get3A_32 : vector<1000x128xf32>
      %slice3A_34 = vector.extract_strided_slice %dot_general3A_15 {offsets = [0, 128], sizes = [1000, 128], strides = [1, 1]} : vector<1000x256xf32> to vector<1000x128xf32>
      %add3A_35 = arith.addf %add3A_33, %slice3A_34 : vector<1000x128xf32>
      %slice3A_36 = vector.extract_strided_slice %get3A_14 {offsets = [12, 128], sizes = [1, 128], strides = [1, 1]} : vector<128x256xf32> to vector<1x128xf32>
      %add3A_37 = vector.broadcast %slice3A_36 : vector<1x128xf32> to vector<1000x128xf32>
      %add3A_38 = arith.addf %add3A_35, %add3A_37 : vector<1000x128xf32>
      %concatenate3A = tpu.concatenate %add3A_26, %add3A_38 in 1 : vector<1000x128xf32>, vector<1000x128xf32> -> vector<1000x256xf32>
      %get3A_39 = arith.constant 0 : index
      %get3A_40 = arith.constant 0 : index
      %get3A_41 = vector.load %arg9[%get3A_39, %get3A_40] : memref<256x512xf32, #tpu.memory_space<vmem>>, vector<256x512xf32>
      %dot_general3A_42 = arith.constant dense<0.000000e+00> : vector<1000x512xf32>
      %dot_general3A_43 = tpu.matmul %concatenate3A, %get3A_41, %dot_general3A_42 {dimension_numbers = #tpu.dot_dimension_numbers<[1], [0], [0], [1], [0, 0, 1, 1], [], []>, transpose_lhs_hint = false} : vector<1000x256xf32>, vector<256x512xf32>, vector<1000x512xf32> -> vector<1000x512xf32>
      %get3A_44 = arith.constant 0 : index
      %get3A_45 = arith.constant 0 : index
      %get3A_46 = vector.load %arg10[%get3A_44, %get3A_45] : memref<1x512xf32, #tpu.memory_space<vmem>>, vector<1x512xf32>
      %add3A_47 = vector.broadcast %get3A_46 : vector<1x512xf32> to vector<1000x512xf32>
      %add3A_48 = arith.addf %dot_general3A_43, %add3A_47 : vector<1000x512xf32>
      %max3A = arith.constant 0.000000e+00 : f32
      %max3A_49 = vector.broadcast %max3A : f32 to vector<1000x512xf32>
      %max3A_50 = arith.maximumf %add3A_48, %max3A_49 : vector<1000x512xf32>
      %get3A_51 = arith.constant 0 : index
      %get3A_52 = arith.constant 0 : index
      %get3A_53 = vector.load %arg11[%get3A_51, %get3A_52] : memref<512x256xf32, #tpu.memory_space<vmem>>, vector<512x256xf32>
      %dot_general3A_54 = arith.constant dense<0.000000e+00> : vector<1000x256xf32>
      %dot_general3A_55 = tpu.matmul %max3A_50, %get3A_53, %dot_general3A_54 {dimension_numbers = #tpu.dot_dimension_numbers<[1], [0], [0], [1], [0, 0, 1, 1], [], []>, transpose_lhs_hint = false} : vector<1000x512xf32>, vector<512x256xf32>, vector<1000x256xf32> -> vector<1000x256xf32>
      %get3A_56 = arith.constant 0 : index
      %get3A_57 = arith.constant 0 : index
      %get3A_58 = vector.load %arg12[%get3A_56, %get3A_57] : memref<1x256xf32, #tpu.memory_space<vmem>>, vector<1x256xf32>
      %add3A_59 = vector.broadcast %get3A_58 : vector<1x256xf32> to vector<1000x256xf32>
      %add3A_60 = arith.addf %dot_general3A_55, %add3A_59 : vector<1000x256xf32>
      %mul3A = arith.constant 1000 : i32
      %mul3A_61 = arith.muli %arg1, %mul3A : i32
      %swap3A = arith.index_cast %mul3A_61 : i32 to index
      %swap3A_62 = arith.constant 0 : index
      %swap3A_63 = vector.load %arg16[%swap3A, %swap3A_62] : memref<10000x256xf32, #tpu.memory_space<vmem>>, vector<1000x256xf32>
      tpu.vector_store %arg16[%swap3A, %swap3A_62], %add3A_60 {strides = array<i32>} : memref<10000x256xf32, #tpu.memory_space<vmem>>, vector<1000x256xf32>,
      %eq3A_64 = arith.constant 0 : i32
      %eq3A_65 = arith.cmpi eq, %arg1, %eq3A_64 : i32
      %convert_element_type3A_66 = arith.extui %eq3A_65 : i1 to i32
      %cond3A_67 = arith.constant 0 : i32
      %cond3A_68 = arith.cmpi ne, %convert_element_type3A_66, %cond3A_67 : i32
      scf.if %cond3A_68 {
        %broadcast_in_dim3A_88 = arith.constant 0.000000e+00 : f32
        %broadcast_in_dim3A_89 = vector.broadcast %broadcast_in_dim3A_88 : f32 to vector<1x256xf32>
        %swap3A_90 = arith.constant 0 : index
        %swap3A_91 = arith.constant 0 : index
        %swap3A_92 = vector.load %arg17[%swap3A_90, %swap3A_91] : memref<1x256xf32, #tpu.memory_space<vmem>>, vector<1x256xf32>
        tpu.vector_store %arg17[%swap3A_90, %swap3A_91], %broadcast_in_dim3A_89 {strides = array<i32>} : memref<1x256xf32, #tpu.memory_space<vmem>>, vector<1x256xf32>,
        %broadcast_in_dim3A_93 = arith.constant 0.000000e+00 : f32
        %broadcast_in_dim3A_94 = vector.broadcast %broadcast_in_dim3A_93 : f32 to vector<1x256xf32>
        %swap3A_95 = arith.constant 0 : index
        %swap3A_96 = arith.constant 0 : index
        %swap3A_97 = vector.load %arg18[%swap3A_95, %swap3A_96] : memref<1x256xf32, #tpu.memory_space<vmem>>, vector<1x256xf32>
        tpu.vector_store %arg18[%swap3A_95, %swap3A_96], %broadcast_in_dim3A_94 {strides = array<i32>} : memref<1x256xf32, #tpu.memory_space<vmem>>, vector<1x256xf32>,
      } else {
      }
      %get3A_69 = arith.constant 0 : index
      %get3A_70 = arith.constant 0 : index
      %get3A_71 = vector.load %arg17[%get3A_69, %get3A_70] : memref<1x256xf32, #tpu.memory_space<vmem>>, vector<1x256xf32>
      %reduce_sum3A = arith.constant dense<0.000000e+00> : vector<256xf32>
      %reduce_sum3A_72 = vector.multi_reduction <add>, %add3A_60, %reduce_sum3A [0] : vector<1000x256xf32> to vector<256xf32>
      %broadcast_in_dim3A = vector.shape_cast %reduce_sum3A_72 : vector<256xf32> to vector<1x256xf32>
      %add3A_73 = arith.addf %get3A_71, %broadcast_in_dim3A : vector<1x256xf32>
      %swap3A_74 = arith.constant 0 : index
      %swap3A_75 = arith.constant 0 : index
      %swap3A_76 = vector.load %arg17[%swap3A_74, %swap3A_75] : memref<1x256xf32, #tpu.memory_space<vmem>>, vector<1x256xf32>
      tpu.vector_store %arg17[%swap3A_74, %swap3A_75], %add3A_73 {strides = array<i32>} : memref<1x256xf32, #tpu.memory_space<vmem>>, vector<1x256xf32>,
      %get3A_77 = arith.constant 0 : index
      %get3A_78 = arith.constant 0 : index
      %get3A_79 = vector.load %arg18[%get3A_77, %get3A_78] : memref<1x256xf32, #tpu.memory_space<vmem>>, vector<1x256xf32>
      %mul3A_80 = arith.mulf %add3A_60, %add3A_60 : vector<1000x256xf32>
      %reduce_sum3A_81 = arith.constant dense<0.000000e+00> : vector<256xf32>
      %reduce_sum3A_82 = vector.multi_reduction <add>, %mul3A_80, %reduce_sum3A_81 [0] : vector<1000x256xf32> to vector<256xf32>
      %broadcast_in_dim3A_83 = vector.shape_cast %reduce_sum3A_82 : vector<256xf32> to vector<1x256xf32>
      %add3A_84 = arith.addf %get3A_79, %broadcast_in_dim3A_83 : vector<1x256xf32>
      %swap3A_85 = arith.constant 0 : index
      %swap3A_86 = arith.constant 0 : index
      %swap3A_87 = vector.load %arg18[%swap3A_85, %swap3A_86] : memref<1x256xf32, #tpu.memory_space<vmem>>, vector<1x256xf32>
      tpu.vector_store %arg18[%swap3A_85, %swap3A_86], %add3A_84 {strides = array<i32>} : memref<1x256xf32, #tpu.memory_space<vmem>>, vector<1x256xf32>,
    } else {
    }
    %eq3A_2 = arith.constant 1 : i32
    %eq3A_3 = arith.cmpi eq, %arg0, %eq3A_2 : i32
    %convert_element_type3A_4 = arith.extui %eq3A_3 : i1 to i32
    %cond3A_5 = arith.constant 0 : i32
    %cond3A_6 = arith.cmpi ne, %convert_element_type3A_4, %cond3A_5 : i32
    scf.if %cond3A_6 {
      %get3A = arith.constant 0 : index
      %get3A_7 = arith.constant 0 : index
      %get3A_8 = vector.load %arg17[%get3A, %get3A_7] : memref<1x256xf32, #tpu.memory_space<vmem>>, vector<1x256xf32>
      %mul3A = arith.constant 9.99999974E-5 : f32
      %mul3A_9 = vector.broadcast %mul3A : f32 to vector<1x256xf32>
      %mul3A_10 = arith.mulf %get3A_8, %mul3A_9 : vector<1x256xf32>
      %get3A_11 = arith.constant 0 : index
      %get3A_12 = arith.constant 0 : index
      %get3A_13 = vector.load %arg18[%get3A_11, %get3A_12] : memref<1x256xf32, #tpu.memory_space<vmem>>, vector<1x256xf32>
      %mul3A_14 = arith.constant 9.99999974E-5 : f32
      %mul3A_15 = vector.broadcast %mul3A_14 : f32 to vector<1x256xf32>
      %mul3A_16 = arith.mulf %get3A_13, %mul3A_15 : vector<1x256xf32>
      %mul3A_17 = arith.mulf %mul3A_10, %mul3A_10 : vector<1x256xf32>
      %sub3A = arith.subf %mul3A_16, %mul3A_17 : vector<1x256xf32>
      %add3A = arith.constant 9.99999974E-6 : f32
      %add3A_18 = vector.broadcast %add3A : f32 to vector<1x256xf32>
      %add3A_19 = arith.addf %sub3A, %add3A_18 : vector<1x256xf32>
      %rsqrt3A = math.rsqrt %add3A_19 : vector<1x256xf32>
      %get3A_20 = arith.constant 0 : index
      %get3A_21 = arith.constant 0 : index
      %get3A_22 = vector.load %arg13[%get3A_20, %get3A_21] : memref<1x256xf32, #tpu.memory_space<vmem>>, vector<1x256xf32>
      %mul3A_23 = arith.mulf %rsqrt3A, %get3A_22 : vector<1x256xf32>
      %mul3A_24 = arith.constant 1000 : i32
      %mul3A_25 = arith.muli %arg1, %mul3A_24 : i32
      %get3A_26 = arith.index_cast %mul3A_25 : i32 to index
      %get3A_27 = arith.constant 0 : index
      %get3A_28 = vector.load %arg16[%get3A_26, %get3A_27] : memref<10000x256xf32, #tpu.memory_space<vmem>>, vector<1000x256xf32>
      %sub3A_29 = vector.broadcast %mul3A_10 : vector<1x256xf32> to vector<1000x256xf32>
      %sub3A_30 = arith.subf %get3A_28, %sub3A_29 : vector<1000x256xf32>
      %mul3A_31 = vector.broadcast %mul3A_23 : vector<1x256xf32> to vector<1000x256xf32>
      %mul3A_32 = arith.mulf %sub3A_30, %mul3A_31 : vector<1000x256xf32>
      %get3A_33 = arith.constant 0 : index
      %get3A_34 = arith.constant 0 : index
      %get3A_35 = vector.load %arg14[%get3A_33, %get3A_34] : memref<1x256xf32, #tpu.memory_space<vmem>>, vector<1x256xf32>
      %add3A_36 = vector.broadcast %get3A_35 : vector<1x256xf32> to vector<1000x256xf32>
      %add3A_37 = arith.addf %mul3A_32, %add3A_36 : vector<1000x256xf32>
      %swap3A = arith.constant 0 : index
      %swap3A_38 = arith.constant 0 : index
      %swap3A_39 = vector.load %arg15[%swap3A, %swap3A_38] : memref<1000x256xf32, #tpu.memory_space<vmem>>, vector<1000x256xf32>
      tpu.vector_store %arg15[%swap3A, %swap3A_38], %add3A_37 {strides = array<i32>} : memref<1000x256xf32, #tpu.memory_space<vmem>>, vector<1000x256xf32>,
    } else {
    }
    return
  }
  func.func @transform_0(%arg0: i32, %arg1: i32) -> (i32, i32) {
    %sub3A = arith.constant 1 : i32
    %sub3A_0 = arith.subi %sub3A, %arg0 : i32
    %mul3A = arith.muli %arg1, %sub3A_0 : i32
    %c0_i32 = arith.constant 0 : i32
    %c0_i32_1 = arith.constant 0 : i32
    return %mul3A, %c0_i32 : i32, i32
  }
  func.func @transform_1(%arg0: i32, %arg1: i32) -> (i32, i32) {
    %sub3A = arith.constant 1 : i32
    %sub3A_0 = arith.subi %sub3A, %arg0 : i32
    %mul3A = arith.muli %arg1, %sub3A_0 : i32
    %c0_i32 = arith.constant 0 : i32
    %c0_i32_1 = arith.constant 0 : i32
    return %mul3A, %c0_i32 : i32, i32
  }
  func.func @transform_2(%arg0: i32, %arg1: i32) -> (i32, i32) {
    %sub3A = arith.constant 1 : i32
    %sub3A_0 = arith.subi %sub3A, %arg0 : i32
    %mul3A = arith.muli %arg1, %sub3A_0 : i32
    %c0_i32 = arith.constant 0 : i32
    %c0_i32_1 = arith.constant 0 : i32
    return %mul3A, %c0_i32 : i32, i32
  }
  func.func @transform_3(%arg0: i32, %arg1: i32) -> (i32, i32) {
    %sub3A = arith.constant 1 : i32
    %sub3A_0 = arith.subi %sub3A, %arg0 : i32
    %mul3A = arith.muli %arg1, %sub3A_0 : i32
    %c0_i32 = arith.constant 0 : i32
    %c0_i32_1 = arith.constant 0 : i32
    return %mul3A, %c0_i32 : i32, i32
  }
  func.func @transform_4(%arg0: i32, %arg1: i32) -> (i32, i32) {
    %sub3A = arith.constant 1 : i32
    %sub3A_0 = arith.subi %sub3A, %arg0 : i32
    %mul3A = arith.muli %arg1, %sub3A_0 : i32
    %c0_i32 = arith.constant 0 : i32
    %c0_i32_1 = arith.constant 0 : i32
    return %mul3A, %c0_i32 : i32, i32
  }
  func.func @transform_5(%arg0: i32, %arg1: i32) -> (i32, i32) {
    %sub3A = arith.constant 1 : i32
    %sub3A_0 = arith.subi %sub3A, %arg0 : i32
    %mul3A = arith.muli %arg1, %sub3A_0 : i32
    %c0_i32 = arith.constant 0 : i32
    %c0_i32_1 = arith.constant 0 : i32
    return %mul3A, %c0_i32 : i32, i32
  }
  func.func @transform_6(%arg0: i32, %arg1: i32) -> (i32, i32) {
    %c0_i32 = arith.constant 0 : i32
    %c0_i32_0 = arith.constant 0 : i32
    %c0_i32_1 = arith.constant 0 : i32
    return %c0_i32, %c0_i32_0 : i32, i32
  }
  func.func @transform_7(%arg0: i32, %arg1: i32) -> (i32, i32) {
    %c0_i32 = arith.constant 0 : i32
    %c0_i32_0 = arith.constant 0 : i32
    %c0_i32_1 = arith.constant 0 : i32
    return %c0_i32, %c0_i32_0 : i32, i32
  }
  func.func @transform_8(%arg0: i32, %arg1: i32) -> (i32, i32) {
    %c0_i32 = arith.constant 0 : i32
    %c0_i32_0 = arith.constant 0 : i32
    %c0_i32_1 = arith.constant 0 : i32
    return %c0_i32, %c0_i32_0 : i32, i32
  }
  func.func @transform_9(%arg0: i32, %arg1: i32) -> (i32, i32) {
    %c0_i32 = arith.constant 0 : i32
    %c0_i32_0 = arith.constant 0 : i32
    %c0_i32_1 = arith.constant 0 : i32
    return %c0_i32, %c0_i32_0 : i32, i32
  }
  func.func @transform_10(%arg0: i32, %arg1: i32) -> (i32, i32) {
    %c0_i32 = arith.constant 0 : i32
    %c0_i32_0 = arith.constant 0 : i32
    %c0_i32_1 = arith.constant 0 : i32
    return %c0_i32, %c0_i32_0 : i32, i32
  }
  func.func @transform_11(%arg0: i32, %arg1: i32) -> (i32, i32) {
    %c0_i32 = arith.constant 0 : i32
    %c0_i32_0 = arith.constant 0 : i32
    %c0_i32_1 = arith.constant 0 : i32
    return %c0_i32, %c0_i32_0 : i32, i32
  }
  func.func @transform_12(%arg0: i32, %arg1: i32) -> (i32, i32) {
    %c0_i32 = arith.constant 0 : i32
    %c0_i32_0 = arith.constant 0 : i32
    %c0_i32_1 = arith.constant 0 : i32
    return %c0_i32, %c0_i32_0 : i32, i32
  }
  func.func @transform_13(%arg0: i32, %arg1: i32) -> (i32, i32) {
    %c0_i32 = arith.constant 0 : i32
    %c0_i32_0 = arith.constant 0 : i32
    return %arg1, %c0_i32 : i32, i32
  }
}

</mosaic_0001>

<sc_bundles>
// kernel: kernel.10.cloned.1.call-start
scs
__scs_entry_jumppad:
0x0: {  	(pc) =	sbr.rel $0x88, $3  }
0x1: {  	(tag) =	ssettag $0x0;
	lr =	simm.s32 $0x1  }
0x2: {  	[smem:$0x3F94] =	sst lr;
	_ =	strace $0xD0000000  }
0x3: {  	_ = 	snop  }
0x4: {  	_ = 	snop  }
0x5: {  	_ = 	snop  }
0x6: {  	_ = 	snop  }
0x7: {  	_ = 	snop  }
__scs_overlays_trampoline_lowered:
0x8: {  	[smem:$0x3FA3] =	sst s0  }
0x9: {  	[smem:$0x3FA4] =	sst s1  }
0xa: {  	[smem:$0x3FA5] =	sst s2  }
0xb: {  	[smem:$0x3FA6] =	sst s3  }
0xc: {  	[smem:$0x3FA7] =	sst s4  }
0xd: {  	[smem:$0x3FA8] =	sst s5  }
0xe: {  	[smem:$0x3FA9] =	sst s6  }
0xf: {  	[smem:$0x3FAA] =	sst s7  }
0x10: {  	[smem:$0x3FAB] =	sst s8  }
0x11: {  	[smem:$0x3FAC] =	sst s9;
	s0 =	simm.s32 @!p0 $0x0  }
0x12: {  	s1 =	sld [smem:$0x3F92];
	s0 =	simm.s32 @p0 $0x1  }
0x13: {  	[smem:$0x3FAD] =	sst s0;
	s0 =	simm.s32 @!p1 $0x0  }
0x14: {  	s2 =	sld [smem:$0x3F91];
	s0 =	simm.s32 @p1 $0x1  }
0x15: {  	[smem:$0x3FAE] =	sst s0;
	s0 =	simm.s32 @!p2 $0x0  }
0x16: {  	s3 =	sld [smem:$0x3FDB];
	s0 =	simm.s32 @p2 $0x1  }
0x17: {  	s4 =	simm.s32 $0x1BF5;
	[smem:$0x3FB0] =	sst s0  }
0x18: {  	s0 =	sld [smem:$0x3F93];
	_ =	swait.ge [sflag:s4], $0x0  }
0x19: {  	s7 =	sld [smem:$0x3F94]  }
0x1a: {  	s8 =	sadd.s32 $0xFFFFE003, lr  }
0x1b: {  	s9 =	sadd.s32 $0xFFFFFEF7, lr;
	s5 =	simm.s32 $0xFFFFFFFF;
	p2 =	slt.u32 s8, $0xFFFFF086  }
0x1c: {  	p1 =	slt.u32 s9, $0xF7A;
	s5 =	simm.s32 @!p2 $0x0  }
0x1d: {  	s5 =	simm.s32 @p1 $0x1;
	p0 =	seq.s32 s7, s2  }
0x1e: {  	s7 =	smul.u32 @!p0 $0xF7A, s2;
	p2 =	seq.s32 @!p0 s5, $0x0  }
0x1f: {  	s9 =	smul.u32 $0xF7A, s1;
	s8 =	simm.s32 @!p0 $0x1BF5;
	p2 =	por !p2, p0  }
0x20: {  	[sflag:s8] =	ssyncset.s32 @!p0 $0xFFFFF086;
	s6 =	sadd.s32 @!p0 s3, s7;
	s7 =	simm.s32 @!p0 $0x108  }
0x21: {  	s3 =	sadd.s32 s3, s9;
	s6 =	sadd.s32 @!p0 $0x88, s6;
	s7 =	simm.s32 @p2 $0x1082  }
0x22: {  	[simem:s7], [sflag:s8] =	dma.local @!p0 [hbm:s6], $0xF7A  }
0x23: {  	s9 =	sor.u32 $0xD0000000, s2;
	s6 =	simm.s32 $0x108;
	_ =	swait.ge @!p0 [sflag:s8], $0x0  }
0x24: {  	s3 =	sadd.s32 $0x88, s3;
	s6 =	simm.s32 @!p1 $0x1082;
	[sflag:s4] =	ssyncset.s32 $0xFFFFF086  }
0x25: {  	[simem:s6], [sflag:s4] =	dma.local [hbm:s3], $0xF7A  }
0x26: {  	[smem:$0x3F94] =	sst s1;
	(tag) =	ssettag s2;
	_ =	strace s9  }
0x27: {  	s1 =	sld [smem:$0x3FA4]  }
0x28: {  	s2 =	sld [smem:$0x3FA5]  }
0x29: {  	s4 =	sld [smem:$0x3FA7]  }
0x2a: {  	p0 =	seq.s32 s5, $0x0;
	s5 =	sld [smem:$0x3FA8]  }
0x2b: {  	s6 =	sld [smem:$0x3FA9]  }
0x2c: {  	s7 =	sld [smem:$0x3FAA]  }
0x2d: {  	s3 =	simm.s32 $0x108;
	s8 =	sld [smem:$0x3FAB]  }
0x2e: {  	s3 =	simm.s32 @!p0 $0x1082;
	s9 =	sld [smem:$0x3FAC]  }
0x2f: {  	lr =	sadd.s32 s0, s3;
	s0 =	sld [smem:$0x3FA3]  }
0x30: {  	s3 =	sld [smem:$0x3FA6]  }
0x31: {  	[smem:$0x3FAF] =	sst s10  }
0x32: {  	s10 =	sld [smem:$0x3FAD];
	_ =	sdelay $0x3  }
0x33: {  	p0 =	seq.s32 s10, $0x1;
	s10 =	sld [smem:$0x3FAF];
	_ =	sdelay $0x3  }
0x34: {  	[smem:$0x3FAF] =	sst s10  }
0x35: {  	s10 =	sld [smem:$0x3FAE];
	_ =	sdelay $0x3  }
0x36: {  	p1 =	seq.s32 s10, $0x1;
	s10 =	sld [smem:$0x3FAF];
	_ =	sdelay $0x3  }
0x37: {  	[smem:$0x3FAF] =	sst s10  }
0x38: {  	s10 =	sld [smem:$0x3FB0]  }
0x39: {  	_ = 	snop;
	(pc) =	sbr.ind lr, $3  }
0x3a: {  	_ = 	snop  }
0x3b: {  	_ = 	snop  }
0x3c: {  	p2 =	seq.s32 s10, $0x1;
	s10 =	sld [smem:$0x3FAF]  }
0x3d: {  	_ =	shalt  }
0x3e: {  	_ =	shalt  }
0x3f: {  	_ =	shalt  }
0x40: {  	_ =	shalt  }
0x41: {  	_ =	shalt  }
0x42: {  	_ =	shalt  }
0x43: {  	_ =	shalt  }
0x44: {  	_ =	shalt  }
0x45: {  	_ =	shalt  }
0x46: {  	_ =	shalt  }
0x47: {  	_ =	shalt  }
0x48: {  	_ =	shalt  }
0x49: {  	_ =	shalt  }
0x4a: {  	_ =	shalt  }
0x4b: {  	_ =	shalt  }
0x4c: {  	_ =	shalt  }
0x4d: {  	_ =	shalt  }
0x4e: {  	_ =	shalt  }
0x4f: {  	_ =	shalt  }
0x50: {  	_ =	shalt  }
0x51: {  	_ =	shalt  }
0x52: {  	_ =	shalt  }
0x53: {  	_ =	shalt  }
0x54: {  	_ =	shalt  }
0x55: {  	_ =	shalt  }
0x56: {  	_ =	shalt  }
0x57: {  	_ =	shalt  }
0x58: {  	_ =	shalt  }
0x59: {  	_ =	shalt  }
0x5a: {  	_ =	shalt  }
0x5b: {  	_ =	shalt  }
0x5c: {  	_ =	shalt  }
0x5d: {  	_ =	shalt  }
0x5e: {  	_ =	shalt  }
0x5f: {  	_ =	shalt  }
0x60: {  	_ =	shalt  }
0x61: {  	_ =	shalt  }
0x62: {  	_ =	shalt  }
0x63: {  	_ =	shalt  }
0x64: {  	_ =	shalt  }
0x65: {  	_ =	shalt  }
0x66: {  	_ =	shalt  }
0x67: {  	_ =	shalt  }
0x68: {  	_ =	shalt  }
0x69: {  	_ =	shalt  }
0x6a: {  	_ =	shalt  }
0x6b: {  	_ =	shalt  }
0x6c: {  	_ =	shalt  }
0x6d: {  	_ =	shalt  }
0x6e: {  	_ =	shalt  }
0x6f: {  	_ =	shalt  }
0x70: {  	_ =	shalt  }
0x71: {  	_ =	shalt  }
0x72: {  	_ =	shalt  }
0x73: {  	_ =	shalt  }
0x74: {  	_ =	shalt  }
0x75: {  	_ =	shalt  }
0x76: {  	_ =	shalt  }
0x77: {  	_ =	shalt  }
0x78: {  	_ =	shalt  }
0x79: {  	_ =	shalt  }
0x7a: {  	_ =	shalt  }
0x7b: {  	_ =	shalt  }
0x7c: {  	_ =	shalt  }
0x7d: {  	_ =	shalt  }
0x7e: {  	_ =	shalt  }
0x7f: {  	_ =	shalt  }
0x80: {  	_ =	shalt  }
0x81: {  	_ =	shalt  }
0x82: {  	_ =	shalt  }
0x83: {  	_ =	shalt  }
0x84: {  	_ =	shalt  }
0x85: {  	_ =	shalt  }
0x86: {  	_ =	shalt  }
0x87: {  	_ =	shalt  }
.Lfunc_end0:
.L_simem_size_0:
called_computation_lowered:
.L_overlay_start_0:
0x88: {  	s2 =	sld [smem:$0x3FD9]  }
0x89: {  	s3 =	sld [smem:$0x3FFE];
	_ =	sdelay $0x1  }
0x8a: {  	s1 =	srdreg.scid  }
0x8b: {  	s0 =	sand.u32 $0x1, s1  }
0x8c: {  	s16 =	sshll.u32 s0, $0xA;
	s2 =	sadd.s32 s3, s2  }
0x8d: {  	s2 =	sadd.s32 s2, s16  }
0x8e: {  	[smem:$0x3FBB] =	sst s2  }
0x8f: {  	_ = 	snop  }
0x90: {  	(tm) =	ssettm $0x1  }
0x91: {  	s17 =	sld [smem:$0x3FFB];
	_ =	sdelay $0x3  }
0x92: {  	_ =	strace s17  }
0x93: {  	s2 =	sld [smem:$0x3FFC];
	_ =	sdelay $0x3  }
0x94: {  	_ =	strace s2  }
0x95: {  	s2 =	sld [smem:$0x3FFD];
	_ =	sdelay $0x3  }
0x96: {  	_ =	strace s2  }
0x97: {  	_ =	strace $0x8FFFFFFF  }
0x98: {  	s18 =	sld [smem:$0x3FDB];
	_ =	sdelay $0x1  }
0x99: {  	s19 =	simm.s32 $_scs_section_size  }
0x9a: {  	s4 =	simm.s32 $_size__tile_overlayer_lowered;
	s5 =	simm.s32 $_tile_overlayer_lowered  }
0x9b: {  	s22 =	simm.s32 $0x1BFF;
	s21 =	sshll.u32 s5, $0x1;
	s2 =	sadd.s32 s19, s18  }
0x9c: {  	s6 =	simm.s32 $0x0;
	s20 =	sshll.u32 s4, $0x1;
	s4 =	sadd.s32 s21, s2  }
0x9d: {  	[timem:s6], [sflag:s22] =	dma.local [hbm:s4], s20  }
0x9e: {  	_ =	swait.ge [sflag:s22], s20  }
0x9f: {  	s3 =	ssub.s32 $0x0, s20;
	[sflag:s22] =	ssyncset.done $0x0  }
0xa0: {  	[sflag:s22] =	ssyncadd.s32 s3;
	_ =	sdelay $0x1  }
0xa1: {  	s23 =	simm.s32 $0x1B8B  }
0xa2: {  	_ =	swait.ge [sflag:s23], $0x1  }
0xa3: {  	[sflag:s23] =	ssyncset.done $0x0  }
0xa4: {  	s25 =	simm.s32 $0x1B8E;
	s24 =	sld [smem:$0x3FFE];
	[sflag:s23] =	ssyncadd.s32 $0xFFFFFFFF  }
0xa5: {  	s26 =	simm.s32 $execute0_lowered;
	[smem:$0x3FD2] =	sst s25  }
0xa6: {  	s4 =	sshll.u32 s26, $0x1;
	_ =	strace $0x80000046;
	[dreg:$0x1] =	wrdreg $0xFFFFFFFF  }
0xa7: {  	s28 =	simm.s32 $_size_execute0_lowered;
	s2 =	sadd.s32 s2, s4;
	[dreg:$0x0] =	wrdreg $0x0  }
0xa8: {  	s4 =	sshll.u32 s28, $0x1;
	[dreg:$0x2] =	wrdreg s2  }
0xa9: {  	[dreg:$0x3] =	wrdreg s4  }
0xaa: {  	[dreg:$0x4] =	wrdreg $0xC0  }
0xab: {  	_ =	task [dreg:s6], $0x5FFFF  }
0xac: {  	[dreg:$0x1] =	wrdreg $0xFFFFFFFF  }
0xad: {  	[dreg:$0x0] =	wrdreg $0x60  }
0xae: {  	[dreg:$0x2] =	wrdreg s24  }
0xaf: {  	[dreg:$0x3] =	wrdreg $0x53800  }
0xb0: {  	[dreg:$0x4] =	wrdreg $0x9  }
0xb1: {  	_ =	task.clear_ibuf [dreg:s6], $0x5FFFF;
	_ =	strace $0x90000046  }
0xb2: {  	s29 =	simm.s32 $0x9;
	_ =	strace $0x80000048  }
0xb3: {  	_ =	swait.ge [sflag:s29], $0x1  }
0xb4: {  	[sflag:s29] =	ssyncadd.s32 $0xFFFFFFFF  }
0xb5: {  	_ =	strace $0x90000048  }
0xb6: {  	_ =	sfence  }
0xb7: {  	s30 =	sld [smem:$0x0];
	_ =	sdelay $0x2  }
0xb8: {  	s31 =	sshll.u32 s1, $0xD;
	s1 =	sshrl.u32 s1, $0x2  }
0xb9: {  	s3 =	sand.u32 $0x4000, s31;
	s1 =	sadd.s32 s1, s30  }
0xba: {  	s0 =	sor.u32 s3, s0;
	s1 =	sshll.u32 s1, $0x11  }
0xbb: {  	s0 =	sor.u32 s1, s0  }
0xbc: {  	s0 =	sadd.s32 $0x8F2B, s0  }
0xbd: {  	[sflag:s0] =	ssyncadd.remote.s32 $0x1  }
0xbe: {  	_ =	sfence.sel $0xFFFF  }
0xbf: {  	[dreg:$0x0] =	wrdreg $0xFFFFFFFF;
	(pc) =	sbr.abs _section_cstart, $3  }
0xc0: {  	[dreg:$0x1] =	wrdreg $0xFFFFFFFF  }
0xc1: {  	_ =	task.clear_ibuf [dreg:s6], $0x2FFFF;
	_ =	strace $0x9FFFFFFF  }
0xc2: {  	(tm) =	ssettm $0x7FFFFFFF  }
0xc3: {  	_ =	shalt  }
tec
execute0_lowered:
.L_overlay_start_1:
0x0: {  	(tag) =	ssettag $0x1  }
0x1: {  	s0 =	rddreg [dreg:$0x0]  }
0x2: {  	s1 =	rddreg [dreg:$0x1];
	s2 =	simm.s32 $0x0  }
0x3: {  	s4 =	srdreg.scid;
	s13 =	stileid.u32;
	s28 =	simm.s32 $0x380  }
0x4: {  	s29 =	simm.s32 $0x100;
	s30 =	simm.s32 $0x180;
	s31 =	simm.s32 $0x280  }
0x5: {  	[smem:$0x7FF] =	sst s2;
	s3 =	sadd.s32 $0x1B600, s0;
	s5 =	sadd.s32 $0x16600, s0  }
0x6: {  	s6 =	sadd.s32 $0x20600, s0;
	s7 =	sadd.s32 $0x6C00, s0;
	s8 =	sadd.s32 $0x6A00, s0  }
0x7: {  	s4 =	sand.u32 $0x1, s4;
	s25 =	smul.u32 $0x2780, s13;
	s9 =	sadd.s32 $0x25600, s0  }
0x8: {  	s10 =	sshll.u32 s13, $0x1;
	s12 =	smul.u32 $0x4F000, s13;
	s17 =	sshll.u32 s13, $0x6  }
0x9: {  	s20 =	smul.u32 $0x2800, s13;
	_ =	strace $0x80000047;
	[dreg:$0x3] =	wrdreg s8  }
0xa: {  	[dreg:$0x4] =	wrdreg s9;
	s26 =	smul.u32 $0x27800, s4;
	s11 =	ssub.s32 $0x2, s4  }
0xb: {  	s10 =	sor.u32 s4, s10;
	s4 =	smul.u32 $0x1400, s4;
	s14 =	sshrl.u32 s11, $0x1  }
0xc: {  	s10 =	smul.u32 $0x1400, s10;
	s16 =	sshrl.u32 s12, $0x2;
	s8 =	sadd.s32 s25, s26  }
0xd: {  	s15 =	ssub.s32 s11, s14;
	s9 =	sadd.s32 s16, s1;
	s26 =	sadd.s32 s4, s20  }
0xe: {  	s11 =	simm.s32 $0x0;
	s0 =	sadd.s32 s8, s0;
	s18 =	sshrl.u32 s10, $0x3  }
0xf: {  	s10 =	sor.u32 $0x1C05, s17;
	s4 =	sor.u32 $0xA0, s26;
	s8 =	simm.s32 $0x2  }
0x10: {  	s19 =	sadd.s32 s3, s18;
	s21 =	sadd.s32 s5, s18;
	s22 =	sor.u32 $0xA, s18  }
0x11: {  	s12 =	sadd.s32 s6, s18;
	s17 =	sadd.s32 $0x27E00, s0;
	s18 =	smax.u32 s15, $0x1  }
0x12: {  	s0 =	sor.u32 $0xF0, s26;
	s14 =	sshrl.u32 s4, $0x3;
	[dreg:$0x5] =	wrdreg s19  }
0x13: {  	s26 =	simm.s32 $0x200;
	s4 =	simm.s32 $0x1;
	[dreg:$0x6] =	wrdreg s21  }
0x14: {  	[dreg:$0x7] =	wrdreg s12;
	s23 =	sadd.s32 s3, s22;
	s24 =	sadd.s32 s5, s22  }
0x15: {  	s25 =	sadd.s32 s6, s22;
	s15 =	sshrl.u32 s0, $0x3;
	[dreg:$0x8] =	wrdreg s23  }
0x16: {  	s21 =	sshrl.u32 s9, $0x3;
	s22 =	simm.s32 $0x5;
	[dreg:$0x9] =	wrdreg s24  }
0x17: {  	s0 =	simm.s32 $0x2B80;
	s9 =	simm.s32 $0x4;
	[dreg:$0xa] =	wrdreg s25  }
0x18: {  	s24 =	simm.s32 $0x80;
	s25 =	simm.s32 $0x50;
	s23 =	simm.s32 $0x3  }
.LBB2_1:
0x19: {  	s12 =	rddreg [dreg:$0x4]  }
0x1a: {  	[spmem:s21], [sflag:s10] =	dma.local [hbm:s12], $0x2780  }
0x1b: {  	_ =	swait.ge [sflag:s22], $0x2780  }
0x1c: {  	[sflag:s22] =	ssyncset.done $0x0  }
0x1d: {  	s13 =	simm.s32 $0x300;
	s20 =	rddreg [dreg:$0x3];
	[sflag:s22] =	ssyncadd.s32 $0xFFFFD880  }
0x1e: {  	[tilespmem:s13], [sflag:$0x5] =	stream.linear.gather [hbm4b:s20+s2], $0x80, $0x38;
	[tilespmem:$0x18F80] =	vst v63  }
0x1f: {  	_ =	swait.ge [sflag:s22], $0x80  }
0x20: {  	[sflag:s22] =	ssyncset.done $0x0  }
0x21: {  	[sflag:s22] =	ssyncadd.s32 $0xFFFFFF80  }
0x22: {  	[bflag:$0x0] =	sbarrier.arrive $0xFFFF  }
0x23: {  	s16 =	rddreg [dreg:$0x5]  }
0x24: {  	[tilespmem:s2], [sflag:$0x5] =	stream.linear.gather [hbm4b:s16+s2], $0x50, $0x38;
	[tilespmem:$0x18F80] =	vst v63  }
0x25: {  	_ =	swait.ge [sflag:s22], $0x50  }
0x26: {  	[sflag:s22] =	ssyncset.done $0x0  }
0x27: {  	s19 =	rddreg [dreg:$0x6];
	[sflag:s22] =	ssyncadd.s32 $0xFFFFFFB0  }
0x28: {  	[tilespmem:s24], [sflag:$0x5] =	stream.linear.gather [hbm4b:s19+s2], $0x50, $0x38;
	[tilespmem:$0x18F80] =	vst v63  }
0x29: {  	_ =	swait.ge [sflag:s22], $0x50  }
0x2a: {  	[sflag:s22] =	ssyncset.done $0x0  }
0x2b: {  	[sflag:s22] =	ssyncadd.s32 $0xFFFFFFB0  }
0x2c: {  	v0 =	vld [tilespmem:$0x0]  }
0x2d: {  	v1 =	vld [tilespmem:$0x80]  }
0x2e: {  	v2 =	vld [tilespmem:$0x300]  }
0x2f: {  	v3 =	vld [tilespmem:$0x10]  }
0x30: {  	v4 =	vld [tilespmem:$0x90]  }
0x31: {  	v5 =	vld [tilespmem:$0x310]  }
0x32: {  	v6 =	vld [tilespmem:$0x20]  }
0x33: {  	v7 =	vld [tilespmem:$0xA0]  }
0x34: {  	v8 =	vld [tilespmem:$0x320]  }
0x35: {  	v9 =	vld [tilespmem:$0x30]  }
0x36: {  	v10 =	vld [tilespmem:$0xB0]  }
0x37: {  	v11 =	vld [tilespmem:$0x40]  }
0x38: {  	v12 =	vld [tilespmem:$0x330];
	v0 =	vmul.u32 $0x3, v0  }
0x39: {  	v13 =	vld [tilespmem:$0xC0];
	v3 =	vmul.u32 $0x3, v3  }
0x3a: {  	v0 =	vadd.s32 v1, v0;
	v1 =	vmul.u32 $0x3, v6;
	v6 =	vld [tilespmem:$0x340]  }
0x3b: {  	v0 =	vadd.s32 v2, v0;
	v2 =	vadd.s32 v4, v3;
	v3 =	vmul.u32 $0x3, v9  }
0x3c: {  	[tilespmem:$0x200] =	vst v0;
	v0 =	vadd.s32 v5, v2;
	v1 =	vadd.s32 v7, v1;
	v2 =	vmul.u32 $0x3, v11  }
0x3d: {  	[tilespmem:$0x210] =	vst v0;
	v0 =	vadd.s32 v8, v1;
	v1 =	vadd.s32 v10, v3  }
0x3e: {  	[tilespmem:$0x220] =	vst v0;
	v0 =	vadd.s32 v12, v1;
	v1 =	vadd.s32 v13, v2  }
0x3f: {  	[tilespmem:$0x230] =	vst v0;
	v0 =	vadd.s32 v6, v1  }
0x40: {  	s20 =	rddreg [dreg:$0x7];
	[tilespmem:$0x240] =	vst v0  }
0x41: {  	[tilespmem:s2], [sflag:$0x5] =	stream.linear.gather [hbm4b:s20+s2], $0x50, $0x38;
	[tilespmem:$0x18F80] =	vst v63  }
0x42: {  	_ =	swait.ge [sflag:s22], $0x50  }
0x43: {  	[sflag:s22] =	ssyncset.done $0x0  }
0x44: {  	[sflag:s22] =	ssyncadd.s32 $0xFFFFFFB0  }
0x45: {  	[tilespmem:s28], [sflag:$0x1] =	stream.indirect.gather [hbm4b:s7+s25], $0x80, s26, s25, $0xb8;
	[tilespmem:$0x18F80] =	vst v63  }
0x46: {  	s13 =	rddreg [dreg:$0x8]  }
0x47: {  	[tilespmem:s29], [sflag:$0x5] =	stream.linear.gather [hbm4b:s13+s2], $0x50, $0x38;
	[tilespmem:$0x18F80] =	vst v63  }
0x48: {  	_ =	swait.ge [sflag:s22], $0x50  }
0x49: {  	[sflag:s22] =	ssyncset.done $0x0  }
0x4a: {  	s16 =	rddreg [dreg:$0x9];
	[sflag:s22] =	ssyncadd.s32 $0xFFFFFFB0  }
0x4b: {  	[tilespmem:s30], [sflag:$0x5] =	stream.linear.gather [hbm4b:s16+s2], $0x50, $0x38;
	[tilespmem:$0x18F80] =	vst v63  }
0x4c: {  	_ =	swait.ge [sflag:s22], $0x50  }
0x4d: {  	[sflag:s22] =	ssyncset.done $0x0  }
0x4e: {  	[sflag:s22] =	ssyncadd.s32 $0xFFFFFFB0  }
0x4f: {  	v0 =	vld [tilespmem:$0x100]  }
0x50: {  	v1 =	vld [tilespmem:$0x180]  }
0x51: {  	v2 =	vld [tilespmem:$0x300]  }
0x52: {  	v3 =	vld [tilespmem:$0x110]  }
0x53: {  	v4 =	vld [tilespmem:$0x190]  }
0x54: {  	v5 =	vld [tilespmem:$0x310]  }
0x55: {  	v6 =	vld [tilespmem:$0x120]  }
0x56: {  	v7 =	vld [tilespmem:$0x1A0]  }
0x57: {  	v52 =	vld [tilespmem:$0x320]  }
0x58: {  	v53 =	vld [tilespmem:$0x130]  }
0x59: {  	v54 =	vld [tilespmem:$0x1B0]  }
0x5a: {  	v55 =	vld [tilespmem:$0x140]  }
0x5b: {  	v56 =	vld [tilespmem:$0x330];
	v0 =	vmul.u32 $0x3, v0  }
0x5c: {  	v57 =	vld [tilespmem:$0x1C0];
	v3 =	vmul.u32 $0x3, v3  }
0x5d: {  	v0 =	vadd.s32 v1, v0;
	v1 =	vmul.u32 $0x3, v6;
	v6 =	vld [tilespmem:$0x340]  }
0x5e: {  	v0 =	vadd.s32 v2, v0;
	v2 =	vadd.s32 v4, v3;
	v3 =	vmul.u32 $0x3, v53  }
0x5f: {  	[tilespmem:$0x280] =	vst v0;
	v0 =	vadd.s32 v5, v2;
	v1 =	vadd.s32 v7, v1;
	v2 =	vmul.u32 $0x3, v55  }
0x60: {  	[tilespmem:$0x290] =	vst v0;
	v0 =	vadd.s32 v52, v1;
	v1 =	vadd.s32 v54, v3  }
0x61: {  	[tilespmem:$0x2A0] =	vst v0;
	v0 =	vadd.s32 v56, v1;
	v1 =	vadd.s32 v57, v2  }
0x62: {  	[tilespmem:$0x2B0] =	vst v0;
	v0 =	vadd.s32 v6, v1  }
0x63: {  	s19 =	rddreg [dreg:$0xa];
	[tilespmem:$0x2C0] =	vst v0  }
0x64: {  	[tilespmem:s29], [sflag:$0x5] =	stream.linear.gather [hbm4b:s19+s2], $0x50, $0x38;
	[tilespmem:$0x18F80] =	vst v63  }
0x65: {  	_ =	swait.ge [sflag:s22], $0x50  }
0x66: {  	[sflag:s22] =	ssyncset.done $0x0  }
0x67: {  	[sflag:s22] =	ssyncadd.s32 $0xFFFFFFB0  }
0x68: {  	[tilespmem:s0], [sflag:$0x2] =	stream.indirect.gather [hbm4b:s7+s25], $0x80, s31, s25, $0xb8;
	[tilespmem:$0x18F80] =	vst v63  }
0x69: {  	_ =	swait.ge [sflag:s4], $0x2800  }
0x6a: {  	[sflag:s4] =	ssyncset.done $0x0  }
0x6b: {  	[sflag:s4] =	ssyncadd.s32 $0xFFFFD800  }
0x6c: {  	[spmem:s1] =	stream.indirect.scatter.add.f32 [tilespmem:s28], [sflag:$0x5], $0x80, s2, s25, $0xb8;
	[tilespmem:$0x18F80] =	vst v63  }
0x6d: {  	_ =	swait.ge [sflag:s22], $0x2800  }
0x6e: {  	[sflag:s22] =	ssyncset.done $0x0  }
0x6f: {  	s20 =	sadd.s32 s14, s3;
	[sflag:s22] =	ssyncadd.s32 $0xFFFFD800  }
0x70: {  	[tilespmem:s2], [sflag:$0x3] =	stream.linear.gather [hbm4b:s20+s2], $0x50, $0x38;
	[tilespmem:$0x18F80] =	vst v63  }
0x71: {  	s13 =	sadd.s32 s14, s5  }
0x72: {  	[tilespmem:s24], [sflag:$0x3] =	stream.linear.gather [hbm4b:s13+s2], $0x50, $0x38;
	[tilespmem:$0x18F80] =	vst v63  }
0x73: {  	_ =	swait.ge [sflag:s23], $0x50  }
0x74: {  	[sflag:s23] =	ssyncset.done $0x0  }
0x75: {  	[sflag:s23] =	ssyncadd.s32 $0xFFFFFFB0  }
0x76: {  	_ =	swait.ge [sflag:s23], $0x50  }
0x77: {  	[sflag:s23] =	ssyncset.done $0x0  }
0x78: {  	[sflag:s23] =	ssyncadd.s32 $0xFFFFFFB0  }
0x79: {  	v0 =	vld [tilespmem:$0x80]  }
0x7a: {  	v1 =	vld [tilespmem:$0x330]  }
0x7b: {  	v2 =	vld [tilespmem:$0x340]  }
0x7c: {  	v3 =	vld [tilespmem:$0xB0]  }
0x7d: {  	v4 =	vld [tilespmem:$0x310]  }
0x7e: {  	v5 =	vld [tilespmem:$0x90]  }
0x7f: {  	v6 =	vld [tilespmem:$0xC0]  }
0x80: {  	v7 =	vld [tilespmem:$0x40]  }
0x81: {  	v58 =	vld [tilespmem:$0x10]  }
0x82: {  	v59 =	vld [tilespmem:$0x30]  }
0x83: {  	v60 =	vld [tilespmem:$0x0]  }
0x84: {  	v61 =	vld [tilespmem:$0x20]  }
0x85: {  	v62 =	vld [tilespmem:$0xA0];
	v7 =	vmul.u32 $0x3, v7  }
0x86: {  	v63 =	vld [tilespmem:$0x300];
	v8 =	vmul.u32 $0x3, v58  }
0x87: {  	v14 =	vld [tilespmem:$0x320];
	v9 =	vmul.u32 $0x3, v59;
	v6 =	vadd.s32 v6, v7  }
0x88: {  	v7 =	vmul.u32 $0x3, v60;
	v5 =	vadd.s32 v5, v8;
	v2 =	vadd.s32 v2, v6  }
0x89: {  	v3 =	vadd.s32 v3, v9;
	v4 =	vadd.s32 v4, v5;
	v5 =	vmul.u32 $0x3, v61;
	[tilespmem:$0x240] =	vst v2  }
0x8a: {  	v1 =	vadd.s32 v1, v3;
	v0 =	vadd.s32 v0, v7;
	[tilespmem:$0x210] =	vst v4  }
0x8b: {  	[tilespmem:$0x230] =	vst v1;
	v0 =	vadd.s32 v63, v0;
	v2 =	vadd.s32 v62, v5  }
0x8c: {  	[tilespmem:$0x200] =	vst v0;
	v0 =	vadd.s32 v14, v2  }
0x8d: {  	s16 =	sadd.s32 s14, s6;
	[tilespmem:$0x220] =	vst v0  }
0x8e: {  	[tilespmem:s2], [sflag:$0x3] =	stream.linear.gather [hbm4b:s16+s2], $0x50, $0x38;
	[tilespmem:$0x18F80] =	vst v63  }
0x8f: {  	_ =	swait.ge [sflag:s23], $0x50  }
0x90: {  	[sflag:s23] =	ssyncset.done $0x0  }
0x91: {  	[sflag:s23] =	ssyncadd.s32 $0xFFFFFFB0  }
0x92: {  	[tilespmem:s28], [sflag:$0x1] =	stream.indirect.gather [hbm4b:s7+s25], $0x80, s26, s25, $0xb8;
	[tilespmem:$0x18F80] =	vst v63  }
0x93: {  	_ =	swait.ge [sflag:s8], $0x2800  }
0x94: {  	[sflag:s8] =	ssyncset.done $0x0  }
0x95: {  	[sflag:s8] =	ssyncadd.s32 $0xFFFFD800  }
0x96: {  	[spmem:s1] =	stream.indirect.scatter.add.f32 [tilespmem:s0], [sflag:$0x5], $0x80, s29, s25, $0xb8;
	[tilespmem:$0x18F80] =	vst v63  }
0x97: {  	_ =	swait.ge [sflag:s22], $0x2800  }
0x98: {  	[sflag:s22] =	ssyncset.done $0x0  }
0x99: {  	s19 =	sadd.s32 s15, s3;
	[sflag:s22] =	ssyncadd.s32 $0xFFFFD800  }
0x9a: {  	[tilespmem:s29], [sflag:$0x4] =	stream.linear.gather [hbm4b:s19+s2], $0x50, $0x38;
	[tilespmem:$0x18F80] =	vst v63  }
0x9b: {  	s20 =	sadd.s32 s15, s5  }
0x9c: {  	[tilespmem:s30], [sflag:$0x4] =	stream.linear.gather [hbm4b:s20+s2], $0x50, $0x38;
	[tilespmem:$0x18F80] =	vst v63  }
0x9d: {  	_ =	swait.ge [sflag:s9], $0x50  }
0x9e: {  	[sflag:s9] =	ssyncset.done $0x0  }
0x9f: {  	[sflag:s9] =	ssyncadd.s32 $0xFFFFFFB0  }
0xa0: {  	_ =	swait.ge [sflag:s9], $0x50  }
0xa1: {  	[sflag:s9] =	ssyncset.done $0x0  }
0xa2: {  	[sflag:s9] =	ssyncadd.s32 $0xFFFFFFB0  }
0xa3: {  	v0 =	vld [tilespmem:$0x300]  }
0xa4: {  	v2 =	vld [tilespmem:$0x340]  }
0xa5: {  	v1 =	vld [tilespmem:$0x1B0]  }
0xa6: {  	v4 =	vld [tilespmem:$0x1C0]  }
0xa7: {  	s12 =	smov.u32 s15;
	v5 =	vld [tilespmem:$0x140]  }
0xa8: {  	s13 =	simm.s32 $0x1E;
	s19 =	smov.u32 s14;
	s20 =	smov.u32 s15;
	v3 =	vld [tilespmem:$0x1A0]  }
.LBB2_2:
0xa9: {  	p0 =	sne.s32 s13, $0x1;
	v6 =	vld [tilespmem:$0x320];
	s19 =	sadd.s32 $0x14, s19;
	s12 =	sadd.s32 $0x14, s12  }
0xaa: {  	s13 =	sadd.s32 $0xFFFFFFFF, s13;
	v7 =	vld [tilespmem:$0x120]  }
0xab: {  	v8 =	vld [tilespmem:$0x100]  }
0xac: {  	v9 =	vld [tilespmem:$0x130];
	v5 =	vmul.u32 $0x3, v5  }
0xad: {  	v10 =	vld [tilespmem:$0x180]  }
0xae: {  	v11 =	vld [tilespmem:$0x110];
	v4 =	vadd.s32 v4, v5  }
0xaf: {  	v5 =	vmul.u32 $0x3, v7;
	v7 =	vld [tilespmem:$0x330];
	v2 =	vadd.s32 v2, v4  }
0xb0: {  	v4 =	vmul.u32 $0x3, v8;
	v8 =	vld [tilespmem:$0x190];
	[tilespmem:$0x2C0] =	vst v2  }
0xb1: {  	v2 =	vld [tilespmem:$0x310];
	v3 =	vadd.s32 v3, v5;
	v5 =	vmul.u32 $0x3, v9  }
0xb2: {  	v4 =	vadd.s32 v10, v4;
	v3 =	vadd.s32 v6, v3  }
0xb3: {  	v0 =	vadd.s32 v0, v4;
	v4 =	vmul.u32 $0x3, v11;
	[tilespmem:$0x2A0] =	vst v3;
	v1 =	vadd.s32 v1, v5  }
0xb4: {  	[tilespmem:$0x280] =	vst v0;
	v0 =	vadd.s32 v7, v1  }
0xb5: {  	v1 =	vadd.s32 v8, v4;
	[tilespmem:$0x2B0] =	vst v0  }
0xb6: {  	v0 =	vadd.s32 v2, v1  }
0xb7: {  	s16 =	sadd.s32 s20, s6;
	s20 =	smov.u32 s12;
	[tilespmem:$0x290] =	vst v0  }
0xb8: {  	[tilespmem:s29], [sflag:$0x4] =	stream.linear.gather [hbm4b:s16+s2], $0x50, $0x38;
	[tilespmem:$0x18F80] =	vst v63  }
0xb9: {  	_ =	swait.ge [sflag:s9], $0x50  }
0xba: {  	[sflag:s9] =	ssyncset.done $0x0  }
0xbb: {  	[sflag:s9] =	ssyncadd.s32 $0xFFFFFFB0  }
0xbc: {  	[tilespmem:s0], [sflag:$0x2] =	stream.indirect.gather [hbm4b:s7+s25], $0x80, s31, s25, $0xb8;
	[tilespmem:$0x18F80] =	vst v63  }
0xbd: {  	_ =	swait.ge [sflag:s4], $0x2800  }
0xbe: {  	[sflag:s4] =	ssyncset.done $0x0  }
0xbf: {  	[sflag:s4] =	ssyncadd.s32 $0xFFFFD800  }
0xc0: {  	[spmem:s1] =	stream.indirect.scatter.add.f32 [tilespmem:s28], [sflag:$0x5], $0x80, s2, s25, $0xb8;
	[tilespmem:$0x18F80] =	vst v63  }
0xc1: {  	_ =	swait.ge [sflag:s22], $0x2800  }
0xc2: {  	[sflag:s22] =	ssyncset.done $0x0  }
0xc3: {  	s16 =	sadd.s32 s19, s3;
	[sflag:s22] =	ssyncadd.s32 $0xFFFFD800  }
0xc4: {  	[tilespmem:s2], [sflag:$0x3] =	stream.linear.gather [hbm4b:s16+s2], $0x50, $0x38;
	[tilespmem:$0x18F80] =	vst v63  }
0xc5: {  	s16 =	sadd.s32 s19, s5  }
0xc6: {  	[tilespmem:s24], [sflag:$0x3] =	stream.linear.gather [hbm4b:s16+s2], $0x50, $0x38;
	[tilespmem:$0x18F80] =	vst v63  }
0xc7: {  	_ =	swait.ge [sflag:s23], $0x50  }
0xc8: {  	[sflag:s23] =	ssyncset.done $0x0  }
0xc9: {  	[sflag:s23] =	ssyncadd.s32 $0xFFFFFFB0  }
0xca: {  	_ =	swait.ge [sflag:s23], $0x50  }
0xcb: {  	[sflag:s23] =	ssyncset.done $0x0  }
0xcc: {  	[sflag:s23] =	ssyncadd.s32 $0xFFFFFFB0  }
0xcd: {  	v0 =	vld [tilespmem:$0x80]  }
0xce: {  	v1 =	vld [tilespmem:$0x330]  }
0xcf: {  	v2 =	vld [tilespmem:$0x340]  }
0xd0: {  	v3 =	vld [tilespmem:$0xB0]  }
0xd1: {  	v4 =	vld [tilespmem:$0x310]  }
0xd2: {  	v5 =	vld [tilespmem:$0x90]  }
0xd3: {  	v6 =	vld [tilespmem:$0xC0]  }
0xd4: {  	v7 =	vld [tilespmem:$0x40]  }
0xd5: {  	v8 =	vld [tilespmem:$0x10]  }
0xd6: {  	v9 =	vld [tilespmem:$0x30]  }
0xd7: {  	v10 =	vld [tilespmem:$0x0]  }
0xd8: {  	v11 =	vld [tilespmem:$0x20]  }
0xd9: {  	v12 =	vld [tilespmem:$0xA0];
	v7 =	vmul.u32 $0x3, v7  }
0xda: {  	v13 =	vld [tilespmem:$0x300];
	v8 =	vmul.u32 $0x3, v8  }
0xdb: {  	v14 =	vld [tilespmem:$0x320];
	v9 =	vmul.u32 $0x3, v9;
	v6 =	vadd.s32 v6, v7  }
0xdc: {  	v7 =	vmul.u32 $0x3, v10;
	v5 =	vadd.s32 v5, v8;
	v2 =	vadd.s32 v2, v6  }
0xdd: {  	v4 =	vadd.s32 v4, v5;
	v5 =	vmul.u32 $0x3, v11;
	v3 =	vadd.s32 v3, v9;
	[tilespmem:$0x240] =	vst v2  }
0xde: {  	v0 =	vadd.s32 v0, v7;
	[tilespmem:$0x210] =	vst v4;
	v1 =	vadd.s32 v1, v3  }
0xdf: {  	v0 =	vadd.s32 v13, v0;
	v2 =	vadd.s32 v12, v5;
	[tilespmem:$0x230] =	vst v1  }
0xe0: {  	[tilespmem:$0x200] =	vst v0;
	v0 =	vadd.s32 v14, v2  }
0xe1: {  	s16 =	sadd.s32 s19, s6;
	[tilespmem:$0x220] =	vst v0  }
0xe2: {  	[tilespmem:s2], [sflag:$0x3] =	stream.linear.gather [hbm4b:s16+s2], $0x50, $0x38;
	[tilespmem:$0x18F80] =	vst v63  }
0xe3: {  	_ =	swait.ge [sflag:s23], $0x50  }
0xe4: {  	[sflag:s23] =	ssyncset.done $0x0  }
0xe5: {  	[sflag:s23] =	ssyncadd.s32 $0xFFFFFFB0  }
0xe6: {  	[tilespmem:s28], [sflag:$0x1] =	stream.indirect.gather [hbm4b:s7+s25], $0x80, s26, s25, $0xb8;
	[tilespmem:$0x18F80] =	vst v63  }
0xe7: {  	_ =	swait.ge [sflag:s8], $0x2800  }
0xe8: {  	[sflag:s8] =	ssyncset.done $0x0  }
0xe9: {  	[sflag:s8] =	ssyncadd.s32 $0xFFFFD800  }
0xea: {  	[spmem:s1] =	stream.indirect.scatter.add.f32 [tilespmem:s0], [sflag:$0x5], $0x80, s29, s25, $0xb8;
	[tilespmem:$0x18F80] =	vst v63  }
0xeb: {  	_ =	swait.ge [sflag:s22], $0x2800  }
0xec: {  	[sflag:s22] =	ssyncset.done $0x0  }
0xed: {  	s16 =	sadd.s32 s12, s3;
	[sflag:s22] =	ssyncadd.s32 $0xFFFFD800  }
0xee: {  	[tilespmem:s29], [sflag:$0x4] =	stream.linear.gather [hbm4b:s16+s2], $0x50, $0x38;
	[tilespmem:$0x18F80] =	vst v63  }
0xef: {  	s16 =	sadd.s32 s12, s5  }
0xf0: {  	[tilespmem:s30], [sflag:$0x4] =	stream.linear.gather [hbm4b:s16+s2], $0x50, $0x38;
	[tilespmem:$0x18F80] =	vst v63  }
0xf1: {  	_ =	swait.ge [sflag:s9], $0x50  }
0xf2: {  	[sflag:s9] =	ssyncset.done $0x0  }
0xf3: {  	[sflag:s9] =	ssyncadd.s32 $0xFFFFFFB0  }
0xf4: {  	_ =	swait.ge [sflag:s9], $0x50  }
0xf5: {  	[sflag:s9] =	ssyncset.done $0x0  }
0xf6: {  	[sflag:s9] =	ssyncadd.s32 $0xFFFFFFB0  }
0xf7: {  	v0 =	vld [tilespmem:$0x300]  }
.Ltmp0:
0xf8: {  	v2 =	vld [tilespmem:$0x340];
	(pc) =	sbr.rel @p0 .LBB2_2-.Ltmp0, $4  }
0xf9: {  	v1 =	vld [tilespmem:$0x1B0]  }
0xfa: {  	v4 =	vld [tilespmem:$0x1C0]  }
0xfb: {  	v5 =	vld [tilespmem:$0x140]  }
0xfc: {  	v3 =	vld [tilespmem:$0x1A0]  }
0xfd: {  	v6 =	vld [tilespmem:$0x320]  }
0xfe: {  	v7 =	vld [tilespmem:$0x120]  }
0xff: {  	v8 =	vld [tilespmem:$0x100]  }
0x100: {  	v9 =	vld [tilespmem:$0x130]  }
0x101: {  	v10 =	vld [tilespmem:$0x180]  }
0x102: {  	v11 =	vld [tilespmem:$0x110]  }
0x103: {  	v12 =	vld [tilespmem:$0x330];
	v5 =	vmul.u32 $0x3, v5  }
0x104: {  	v13 =	vld [tilespmem:$0x190];
	v7 =	vmul.u32 $0x3, v7  }
0x105: {  	v57 =	vld [tilespmem:$0x310];
	v4 =	vadd.s32 v4, v5;
	v56 =	vmul.u32 $0x3, v8  }
0x106: {  	v58 =	vmul.u32 $0x3, v9;
	v2 =	vadd.s32 v2, v4;
	v3 =	vadd.s32 v3, v7  }
0x107: {  	v60 =	vmul.u32 $0x3, v11;
	[tilespmem:$0x2C0] =	vst v2;
	v59 =	vadd.s32 v10, v56;
	v3 =	vadd.s32 v6, v3  }
0x108: {  	v1 =	vadd.s32 v1, v58;
	v0 =	vadd.s32 v0, v59;
	[tilespmem:$0x2A0] =	vst v3  }
0x109: {  	v62 =	vadd.s32 v13, v60;
	v61 =	vadd.s32 v12, v1;
	[tilespmem:$0x280] =	vst v0  }
0x10a: {  	v63 =	vadd.s32 v57, v62;
	[tilespmem:$0x2B0] =	vst v61  }
0x10b: {  	s12 =	sadd.s32 s20, s6;
	[tilespmem:$0x290] =	vst v63  }
0x10c: {  	[tilespmem:s29], [sflag:$0x4] =	stream.linear.gather [hbm4b:s12+s2], $0x50, $0x38;
	[tilespmem:$0x18F80] =	vst v63  }
0x10d: {  	_ =	swait.ge [sflag:s9], $0x50  }
0x10e: {  	[sflag:s9] =	ssyncset.done $0x0  }
0x10f: {  	[sflag:s9] =	ssyncadd.s32 $0xFFFFFFB0  }
0x110: {  	[tilespmem:s0], [sflag:$0x2] =	stream.indirect.gather [hbm4b:s7+s25], $0x80, s31, s25, $0xb8;
	[tilespmem:$0x18F80] =	vst v63  }
0x111: {  	_ =	swait.ge [sflag:s4], $0x2800  }
0x112: {  	[sflag:s4] =	ssyncset.done $0x0  }
0x113: {  	[sflag:s4] =	ssyncadd.s32 $0xFFFFD800  }
0x114: {  	[spmem:s1] =	stream.indirect.scatter.add.f32 [tilespmem:s28], [sflag:$0x5], $0x80, s2, s25, $0xb8;
	[tilespmem:$0x18F80] =	vst v63  }
0x115: {  	_ =	swait.ge [sflag:s22], $0x2800  }
0x116: {  	[sflag:s22] =	ssyncset.done $0x0  }
0x117: {  	[sflag:s22] =	ssyncadd.s32 $0xFFFFD800  }
0x118: {  	_ =	swait.ge [sflag:s8], $0x2800  }
0x119: {  	[sflag:s8] =	ssyncset.done $0x0  }
0x11a: {  	[sflag:s8] =	ssyncadd.s32 $0xFFFFD800  }
0x11b: {  	[spmem:s1] =	stream.indirect.scatter.add.f32 [tilespmem:s0], [sflag:$0x5], $0x80, s29, s25, $0xb8;
	[tilespmem:$0x18F80] =	vst v63  }
0x11c: {  	_ =	swait.ge [sflag:s22], $0x2800  }
0x11d: {  	s11 =	sadd.s32 $0x1, s11;
	[sflag:s22] =	ssyncset.done $0x0  }
0x11e: {  	p0 =	sne.s32 s11, s18;
	[sflag:s22] =	ssyncadd.s32 $0xFFFFD800  }
.Ltmp1:
0x11f: {  	[bflag:$0x0] =	sbarrier.arrive $0xFFFF;
	(pc) =	sbr.rel @p0 .LBB2_1-.Ltmp1, $4  }
0x120: {  	[hbm:s17], [sflag:s10] =	dma.local [spmem:s21], $0x2780  }
0x121: {  	_ =	swait.ge [sflag:s22], $0x2780  }
0x122: {  	[sflag:s22] =	ssyncset.done $0x0  }
0x123: {  	[sflag:s22] =	ssyncadd.s32 $0xFFFFD880  }
0x124: {  	_ =	sfence.sel $0x180000  }
0x125: {  	[bflag:$0x0] =	sbarrier.arrive $0xFFFF  }
0x126: {  	_ =	strace $0x90000047  }
0x127: {  	s0 =	stileid.u32;
	[bflag:$0x2] =	sbarrier.arrive $0xFFFF  }
0x128: {  	p0 =	sne.s32 s0, $0x0;
	s0 =	rddreg [dreg:$0x2]  }
0x129: {  	s0 =	sadd.s32 @!p0 $0x100000, s0  }
0x12a: {  	[sflag:s0] =	ssyncadd.tile.s32 @!p0 $0x1;
	_ =	shalt  }
.Lfunc_end2:
_tile_overlayer_lowered:
.L_overlay_start_2:
0x12b: {  	(tag) =	ssettag $0x2  }
0x12c: {  	s0 =	rddreg [dreg:$0x0];
	s2 =	stileid.u32  }
0x12d: {  	s1 =	rddreg [dreg:$0x1];
	p0 =	sne.s32 s2, $0x0  }
0x12e: {  	s3 =	rddreg [dreg:$0x2];
	[bflag:$0x3] =	sbarrier.arrive $0xFFFF;
	s2 =	simm.s32 @!p0 $0x1C05  }
0x12f: {  	[timem:s3], [sflag:s2] =	dma.local @!p0 [hbm:s0], s1  }
0x130: {  	s0 =	simm.s32 @!p0 $0x5  }
0x131: {  	_ =	swait.ge @!p0 [sflag:s0], s1  }
0x132: {  	s1 =	ssub.s32 @!p0 $0x0, s1;
	[sflag:s0] =	ssyncset.done @!p0 $0x0  }
0x133: {  	[sflag:s0] =	ssyncadd.s32 @!p0 s1  }
0x134: {  	[bflag:$0x3] =	sbarrier.arrive $0xFFFF  }
0x135: {  	_ =	shalt  }

// kernel: kernel.13.cloned.1.call-start
scs
__scs_entry_jumppad:
0x0: {  	(pc) =	sbr.rel $0x88, $3  }
0x1: {  	(tag) =	ssettag $0x0;
	lr =	simm.s32 $0x1  }
0x2: {  	[smem:$0x3F94] =	sst lr;
	_ =	strace $0xD0000000  }
0x3: {  	_ = 	snop  }
0x4: {  	_ = 	snop  }
0x5: {  	_ = 	snop  }
0x6: {  	_ = 	snop  }
0x7: {  	_ = 	snop  }
__scs_overlays_trampoline_lowered:
0x8: {  	[smem:$0x3FA3] =	sst s0  }
0x9: {  	[smem:$0x3FA4] =	sst s1  }
0xa: {  	[smem:$0x3FA5] =	sst s2  }
0xb: {  	[smem:$0x3FA6] =	sst s3  }
0xc: {  	[smem:$0x3FA7] =	sst s4  }
0xd: {  	[smem:$0x3FA8] =	sst s5  }
0xe: {  	[smem:$0x3FA9] =	sst s6  }
0xf: {  	[smem:$0x3FAA] =	sst s7  }
0x10: {  	[smem:$0x3FAB] =	sst s8  }
0x11: {  	[smem:$0x3FAC] =	sst s9;
	s0 =	simm.s32 @!p0 $0x0  }
0x12: {  	s1 =	sld [smem:$0x3F92];
	s0 =	simm.s32 @p0 $0x1  }
0x13: {  	[smem:$0x3FAD] =	sst s0;
	s0 =	simm.s32 @!p1 $0x0  }
0x14: {  	s2 =	sld [smem:$0x3F91];
	s0 =	simm.s32 @p1 $0x1  }
0x15: {  	[smem:$0x3FAE] =	sst s0;
	s0 =	simm.s32 @!p2 $0x0  }
0x16: {  	s3 =	sld [smem:$0x3FDB];
	s0 =	simm.s32 @p2 $0x1  }
0x17: {  	s4 =	simm.s32 $0x1BF5;
	[smem:$0x3FB0] =	sst s0  }
0x18: {  	s0 =	sld [smem:$0x3F93];
	_ =	swait.ge [sflag:s4], $0x0  }
0x19: {  	s7 =	sld [smem:$0x3F94]  }
0x1a: {  	s8 =	sadd.s32 $0xFFFFE003, lr  }
0x1b: {  	s9 =	sadd.s32 $0xFFFFFEF7, lr;
	s5 =	simm.s32 $0xFFFFFFFF;
	p2 =	slt.u32 s8, $0xFFFFF086  }
0x1c: {  	p1 =	slt.u32 s9, $0xF7A;
	s5 =	simm.s32 @!p2 $0x0  }
0x1d: {  	s5 =	simm.s32 @p1 $0x1;
	p0 =	seq.s32 s7, s2  }
0x1e: {  	s7 =	smul.u32 @!p0 $0xF7A, s2;
	p2 =	seq.s32 @!p0 s5, $0x0  }
0x1f: {  	s9 =	smul.u32 $0xF7A, s1;
	s8 =	simm.s32 @!p0 $0x1BF5;
	p2 =	por !p2, p0  }
0x20: {  	[sflag:s8] =	ssyncset.s32 @!p0 $0xFFFFF086;
	s6 =	sadd.s32 @!p0 s3, s7;
	s7 =	simm.s32 @!p0 $0x108  }
0x21: {  	s3 =	sadd.s32 s3, s9;
	s6 =	sadd.s32 @!p0 $0x88, s6;
	s7 =	simm.s32 @p2 $0x1082  }
0x22: {  	[simem:s7], [sflag:s8] =	dma.local @!p0 [hbm:s6], $0xF7A  }
0x23: {  	s9 =	sor.u32 $0xD0000000, s2;
	s6 =	simm.s32 $0x108;
	_ =	swait.ge @!p0 [sflag:s8], $0x0  }
0x24: {  	s3 =	sadd.s32 $0x88, s3;
	s6 =	simm.s32 @!p1 $0x1082;
	[sflag:s4] =	ssyncset.s32 $0xFFFFF086  }
0x25: {  	[simem:s6], [sflag:s4] =	dma.local [hbm:s3], $0xF7A  }
0x26: {  	[smem:$0x3F94] =	sst s1;
	(tag) =	ssettag s2;
	_ =	strace s9  }
0x27: {  	s1 =	sld [smem:$0x3FA4]  }
0x28: {  	s2 =	sld [smem:$0x3FA5]  }
0x29: {  	s4 =	sld [smem:$0x3FA7]  }
0x2a: {  	p0 =	seq.s32 s5, $0x0;
	s5 =	sld [smem:$0x3FA8]  }
0x2b: {  	s6 =	sld [smem:$0x3FA9]  }
0x2c: {  	s7 =	sld [smem:$0x3FAA]  }
0x2d: {  	s3 =	simm.s32 $0x108;
	s8 =	sld [smem:$0x3FAB]  }
0x2e: {  	s3 =	simm.s32 @!p0 $0x1082;
	s9 =	sld [smem:$0x3FAC]  }
0x2f: {  	lr =	sadd.s32 s0, s3;
	s0 =	sld [smem:$0x3FA3]  }
0x30: {  	s3 =	sld [smem:$0x3FA6]  }
0x31: {  	[smem:$0x3FAF] =	sst s10  }
0x32: {  	s10 =	sld [smem:$0x3FAD];
	_ =	sdelay $0x3  }
0x33: {  	p0 =	seq.s32 s10, $0x1;
	s10 =	sld [smem:$0x3FAF];
	_ =	sdelay $0x3  }
0x34: {  	[smem:$0x3FAF] =	sst s10  }
0x35: {  	s10 =	sld [smem:$0x3FAE];
	_ =	sdelay $0x3  }
0x36: {  	p1 =	seq.s32 s10, $0x1;
	s10 =	sld [smem:$0x3FAF];
	_ =	sdelay $0x3  }
0x37: {  	[smem:$0x3FAF] =	sst s10  }
0x38: {  	s10 =	sld [smem:$0x3FB0]  }
0x39: {  	_ = 	snop;
	(pc) =	sbr.ind lr, $3  }
0x3a: {  	_ = 	snop  }
0x3b: {  	_ = 	snop  }
0x3c: {  	p2 =	seq.s32 s10, $0x1;
	s10 =	sld [smem:$0x3FAF]  }
0x3d: {  	_ =	shalt  }
0x3e: {  	_ =	shalt  }
0x3f: {  	_ =	shalt  }
0x40: {  	_ =	shalt  }
0x41: {  	_ =	shalt  }
0x42: {  	_ =	shalt  }
0x43: {  	_ =	shalt  }
0x44: {  	_ =	shalt  }
0x45: {  	_ =	shalt  }
0x46: {  	_ =	shalt  }
0x47: {  	_ =	shalt  }
0x48: {  	_ =	shalt  }
0x49: {  	_ =	shalt  }
0x4a: {  	_ =	shalt  }
0x4b: {  	_ =	shalt  }
0x4c: {  	_ =	shalt  }
0x4d: {  	_ =	shalt  }
0x4e: {  	_ =	shalt  }
0x4f: {  	_ =	shalt  }
0x50: {  	_ =	shalt  }
0x51: {  	_ =	shalt  }
0x52: {  	_ =	shalt  }
0x53: {  	_ =	shalt  }
0x54: {  	_ =	shalt  }
0x55: {  	_ =	shalt  }
0x56: {  	_ =	shalt  }
0x57: {  	_ =	shalt  }
0x58: {  	_ =	shalt  }
0x59: {  	_ =	shalt  }
0x5a: {  	_ =	shalt  }
0x5b: {  	_ =	shalt  }
0x5c: {  	_ =	shalt  }
0x5d: {  	_ =	shalt  }
0x5e: {  	_ =	shalt  }
0x5f: {  	_ =	shalt  }
0x60: {  	_ =	shalt  }
0x61: {  	_ =	shalt  }
0x62: {  	_ =	shalt  }
0x63: {  	_ =	shalt  }
0x64: {  	_ =	shalt  }
0x65: {  	_ =	shalt  }
0x66: {  	_ =	shalt  }
0x67: {  	_ =	shalt  }
0x68: {  	_ =	shalt  }
0x69: {  	_ =	shalt  }
0x6a: {  	_ =	shalt  }
0x6b: {  	_ =	shalt  }
0x6c: {  	_ =	shalt  }
0x6d: {  	_ =	shalt  }
0x6e: {  	_ =	shalt  }
0x6f: {  	_ =	shalt  }
0x70: {  	_ =	shalt  }
0x71: {  	_ =	shalt  }
0x72: {  	_ =	shalt  }
0x73: {  	_ =	shalt  }
0x74: {  	_ =	shalt  }
0x75: {  	_ =	shalt  }
0x76: {  	_ =	shalt  }
0x77: {  	_ =	shalt  }
0x78: {  	_ =	shalt  }
0x79: {  	_ =	shalt  }
0x7a: {  	_ =	shalt  }
0x7b: {  	_ =	shalt  }
0x7c: {  	_ =	shalt  }
0x7d: {  	_ =	shalt  }
0x7e: {  	_ =	shalt  }
0x7f: {  	_ =	shalt  }
0x80: {  	_ =	shalt  }
0x81: {  	_ =	shalt  }
0x82: {  	_ =	shalt  }
0x83: {  	_ =	shalt  }
0x84: {  	_ =	shalt  }
0x85: {  	_ =	shalt  }
0x86: {  	_ =	shalt  }
0x87: {  	_ =	shalt  }
.Lfunc_end0:
.L_simem_size_0:
called_computation.1_lowered:
.L_overlay_start_0:
0x88: {  	s2 =	sld [smem:$0x3FD9]  }
0x89: {  	s3 =	sld [smem:$0x3FFE];
	_ =	sdelay $0x1  }
0x8a: {  	s1 =	srdreg.scid  }
0x8b: {  	s0 =	sand.u32 $0x1, s1  }
0x8c: {  	s17 =	sshll.u32 s0, $0xA;
	s2 =	sadd.s32 s3, s2  }
0x8d: {  	s2 =	sadd.s32 s2, s17  }
0x8e: {  	[smem:$0x3FBB] =	sst s2  }
0x8f: {  	_ = 	snop  }
0x90: {  	s18 =	sld [smem:$0x3FD0];
	(tm) =	ssettm $0x1  }
0x91: {  	s19 =	sld [smem:$0x3FFB];
	_ =	sdelay $0x3  }
0x92: {  	_ =	strace s19  }
0x93: {  	s2 =	sld [smem:$0x3FFC];
	_ =	sdelay $0x3  }
0x94: {  	_ =	strace s2  }
0x95: {  	s2 =	sld [smem:$0x3FFD];
	_ =	sdelay $0x3  }
0x96: {  	_ =	strace s2  }
0x97: {  	_ =	strace $0x8FFFFFFF  }
0x98: {  	s20 =	sld [smem:$0x3FDB];
	_ =	sdelay $0x1  }
0x99: {  	s4 =	simm.s32 $_scs_section_size  }
0x9a: {  	s5 =	simm.s32 $_size__tile_overlayer_lowered;
	s6 =	simm.s32 $_tile_overlayer_lowered  }
0x9b: {  	s7 =	simm.s32 $0x1BFF;
	s21 =	sshll.u32 s6, $0x1;
	s4 =	sadd.s32 s4, s20  }
0x9c: {  	s22 =	simm.s32 $0x0;
	s5 =	sshll.u32 s5, $0x1;
	s6 =	sadd.s32 s21, s4  }
0x9d: {  	[timem:s22], [sflag:s7] =	dma.local [hbm:s6], s5  }
0x9e: {  	_ =	swait.ge [sflag:s7], s5  }
0x9f: {  	s5 =	ssub.s32 $0x0, s5;
	[sflag:s7] =	ssyncset.done $0x0  }
0xa0: {  	[sflag:s7] =	ssyncadd.s32 s5;
	_ =	sdelay $0x1  }
0xa1: {  	s23 =	simm.s32 $0x1B8B  }
0xa2: {  	_ =	swait.ge [sflag:s23], $0x1  }
0xa3: {  	[sflag:s23] =	ssyncset.done $0x0  }
0xa4: {  	[sflag:s23] =	ssyncadd.s32 $0xFFFFFFFF  }
0xa5: {  	s5 =	sld [smem:$0x0]  }
0xa6: {  	s6 =	sand.u32 $0xFFFFFFFE, s1  }
0xa7: {  	p0 =	sne.s32 s1, s6  }
0xa8: {  	s6 =	sshll.u32 @p0 s6, $0xE  }
0xa9: {  	s6 =	sadd.s32 @p0 $0x11B8D, s6;
	s7 =	sshll.u32 @p0 s5, $0x11  }
0xaa: {  	s6 =	sor.u32 @p0 s7, s6  }
0xab: {  	[sflag:s6] =	ssyncadd.remote.s32 @p0 $0x1;
	_ =	sdelay $0x1  }
0xac: {  	s6 =	simm.s32 @p0 $0x1B8D  }
0xad: {  	_ =	swait.eq @p0 [sflag:s6], $0x1  }
0xae: {  	[sflag:s6] =	ssyncadd.s32 @p0 $0xFFFFFFFF  }
0xaf: {  	s7 =	sshll.u32 @!p0 s1, $0xE  }
0xb0: {  	s7 =	sor.u32 @!p0 $0x4000, s7;
	s6 =	simm.s32 @!p0 $0x1B8D  }
0xb1: {  	s5 =	sshll.u32 @!p0 s5, $0x11;
	s7 =	sadd.s32 @!p0 $0x11B8D, s7;
	_ =	swait.eq @!p0 [sflag:s6], $0x1  }
0xb2: {  	s5 =	sor.u32 @!p0 s5, s7;
	[sflag:s6] =	ssyncadd.s32 @!p0 $0xFFFFFFFF  }
0xb3: {  	s25 =	simm.s32 $0x1B8E;
	s24 =	sld [smem:$0x3FFE];
	[sflag:s5] =	ssyncadd.remote.s32 @!p0 $0x1  }
0xb4: {  	s26 =	simm.s32 $execute0_lowered;
	[smem:$0x3FD2] =	sst s25  }
0xb5: {  	s6 =	sshll.u32 s26, $0x1;
	_ =	strace $0x80000049;
	[dreg:$0x1] =	wrdreg $0xFFFFFFFF  }
0xb6: {  	s28 =	simm.s32 $_size_execute0_lowered;
	s4 =	sadd.s32 s4, s6;
	[dreg:$0x0] =	wrdreg $0x0  }
0xb7: {  	s6 =	sshll.u32 s28, $0x1;
	[dreg:$0x2] =	wrdreg s4  }
0xb8: {  	[dreg:$0x3] =	wrdreg s6  }
0xb9: {  	[dreg:$0x4] =	wrdreg $0xC0  }
0xba: {  	_ =	task [dreg:s22], $0x5FFFF  }
0xbb: {  	[dreg:$0x1] =	wrdreg $0xFFFFFFFF  }
0xbc: {  	[dreg:$0x0] =	wrdreg $0x60  }
0xbd: {  	[dreg:$0x2] =	wrdreg s24  }
0xbe: {  	[dreg:$0x3] =	wrdreg s18  }
0xbf: {  	[dreg:$0x4] =	wrdreg $0x52000  }
0xc0: {  	[dreg:$0x5] =	wrdreg $0xA  }
0xc1: {  	_ =	task.clear_ibuf [dreg:s22], $0x6FFFF;
	_ =	strace $0x90000049  }
0xc2: {  	s29 =	simm.s32 $0xA;
	_ =	strace $0x8000004B  }
0xc3: {  	_ =	swait.ge [sflag:s29], $0x1  }
0xc4: {  	[sflag:s29] =	ssyncadd.s32 $0xFFFFFFFF  }
0xc5: {  	_ =	strace $0x9000004B  }
0xc6: {  	_ =	sfence  }
0xc7: {  	s30 =	sld [smem:$0x0];
	_ =	sdelay $0x2  }
0xc8: {  	s31 =	sshll.u32 s1, $0xD;
	s1 =	sshrl.u32 s1, $0x2  }
0xc9: {  	s4 =	sand.u32 $0x4000, s31;
	s1 =	sadd.s32 s1, s30  }
0xca: {  	s0 =	sor.u32 s4, s0;
	s1 =	sshll.u32 s1, $0x11  }
0xcb: {  	s0 =	sor.u32 s1, s0  }
0xcc: {  	s0 =	sadd.s32 $0x8F2B, s0  }
0xcd: {  	[sflag:s0] =	ssyncadd.remote.s32 $0x1  }
0xce: {  	_ =	sfence.sel $0xFFFF  }
0xcf: {  	[dreg:$0x0] =	wrdreg $0xFFFFFFFF;
	(pc) =	sbr.abs _section_cstart, $3  }
0xd0: {  	[dreg:$0x1] =	wrdreg $0xFFFFFFFF  }
0xd1: {  	_ =	task.clear_ibuf [dreg:s22], $0x2FFFF;
	_ =	strace $0x9FFFFFFF  }
0xd2: {  	(tm) =	ssettm $0x7FFFFFFF  }
0xd3: {  	_ =	shalt  }
tec
execute0_lowered:
.L_overlay_start_1:
0x0: {  	(tag) =	ssettag $0x1  }
0x1: {  	s0 =	rddreg [dreg:$0x0]  }
0x2: {  	s2 =	rddreg [dreg:$0x2];
	s3 =	simm.s32 $0x0;
	s5 =	srdreg.scid  }
0x3: {  	s7 =	stileid.u32;
	s28 =	simm.s32 $0x2A00;
	s29 =	simm.s32 $0x1  }
0x4: {  	s30 =	simm.s32 $0x3;
	s31 =	simm.s32 $0x2;
	[smem:$0x7FF] =	sst s3  }
0x5: {  	s4 =	sadd.s32 $0x76E00, s0;
	s6 =	sadd.s32 $0x9E000, s0;
	s10 =	smul.u32 $0x50000, s7  }
0x6: {  	s1 =	sadd.s32 $0xC600, s0;
	s8 =	sadd.s32 $0x11600, s0;
	s11 =	smul.u32 $0x2710, s7  }
0x7: {  	s5 =	sand.u32 $0x1, s5;
	s9 =	sadd.s32 $0xC5200, s0;
	s19 =	smul.u32 $0x4E2, s7  }
0x8: {  	s0 =	sadd.s32 $0xC7A00, s0;
	s24 =	sshll.u32 s7, $0x6;
	s14 =	smul.u32 $0x2800, s7  }
0x9: {  	_ =	strace $0x8000004A;
	[dreg:$0x4] =	wrdreg s9;
	s21 =	ssub.s32 $0x2, s5  }
0xa: {  	[dreg:$0x5] =	wrdreg s0;
	s9 =	sor.u32 $0x1C05, s24;
	p0 =	sne.s32 s5, $0x0  }
0xb: {  	s24 =	simm.s32 $0x180;
	s5 =	simm.s32 $0x0;
	s22 =	sshrl.u32 s21, $0x1  }
0xc: {  	s23 =	sshrl.u32 s10, $0x2;
	s16 =	sshrl.u32 s11, $0x3;
	s18 =	sadd.s32 s19, s8  }
0xd: {  	s19 =	sadd.s32 s19, s1;
	s0 =	ssub.s32 s21, s22;
	s20 =	sadd.s32 s23, s2  }
0xe: {  	s25 =	sadd.s32 s1, s16;
	s11 =	sadd.s32 s8, s16;
	s13 =	sadd.s32 $0xA, s16  }
.Ltmp0:
0xf: {  	s26 =	sadd.s32 $0x4D8, s16;
	s21 =	simm.s32 $0x5;
	(pc) =	sbr.rel .LBB2_1-.Ltmp0, $4  }
0x10: {  	s22 =	simm.s32 $0x80;
	s23 =	simm.s32 $0x100;
	[dreg:$0x6] =	wrdreg s25  }
0x11: {  	s12 =	sadd.s32 s1, s13;
	s13 =	sadd.s32 s8, s13;
	s15 =	smax.u32 s0, $0x1  }
0x12: {  	s16 =	sadd.s32 s8, s26;
	s17 =	sadd.s32 s1, s26;
	s20 =	sshrl.u32 s20, $0x3  }
0x13: {  	s25 =	simm.s32 $0x50;
	s26 =	simm.s32 $0x200;
	s0 =	simm.s32 $0x4  }
.LBB2_7:
0x14: {  	[tilespmem:s28], [sflag:$0x2] =	stream.indirect.gather [hbm4b:s6+s25], $0x80, s23, s25, $0xb8;
	[tilespmem:$0x19200] =	vst v63  }
0x15: {  	s8 =	smov.u32 s6;
	s1 =	rddreg [dreg:$0x5]  }
.LBB2_8:
0x16: {  	_ =	swait.ge [sflag:s29], $0x2800  }
0x17: {  	[sflag:s29] =	ssyncset.done $0x0  }
0x18: {  	[sflag:s29] =	ssyncadd.s32 $0xFFFFD800  }
0x19: {  	[tilespmem:s3], [sflag:$0x3] =	stream.linear.gather [hbm4b:s17+s3], $0x50, $0x38;
	[tilespmem:$0x19200] =	vst v63  }
0x1a: {  	_ = 	snop  }
0x1b: {  	[spmem:s2] =	stream.indirect.scatter.add.f32 [tilespmem:s26], [sflag:$0x5], $0x80, s22, s25, $0xb8;
	[tilespmem:$0x19200] =	vst v63  }
0x1c: {  	_ =	swait.ge [sflag:s21], $0x2800  }
0x1d: {  	[sflag:s21] =	ssyncset.done $0x0  }
0x1e: {  	[sflag:s21] =	ssyncadd.s32 $0xFFFFD800  }
0x1f: {  	[tilespmem:s22], [sflag:$0x3] =	stream.linear.gather [hbm4b:s16+s3], $0x50, $0x38;
	[tilespmem:$0x19200] =	vst v63  }
0x20: {  	_ =	swait.ge [sflag:s30], $0x50  }
0x21: {  	[sflag:s30] =	ssyncset.done $0x0  }
0x22: {  	[sflag:s30] =	ssyncadd.s32 $0xFFFFFFB0  }
0x23: {  	_ =	swait.ge [sflag:s30], $0x50  }
0x24: {  	[sflag:s30] =	ssyncset.done $0x0  }
0x25: {  	[sflag:s30] =	ssyncadd.s32 $0xFFFFFFB0  }
0x26: {  	[tilespmem:s26], [sflag:$0x1] =	stream.indirect.gather [hbm4b:s8+s25], $0x80, s3, s25, $0xb8;
	[tilespmem:$0x19200] =	vst v63  }
0x27: {  	_ =	swait.ge [sflag:s31], $0x2800  }
0x28: {  	[sflag:s31] =	ssyncset.done $0x0  }
0x29: {  	[sflag:s31] =	ssyncadd.s32 $0xFFFFD800  }
0x2a: {  	[spmem:s2] =	stream.indirect.scatter.add.f32 [tilespmem:s28], [sflag:$0x5], $0x80, s24, s25, $0xb8;
	[tilespmem:$0x19200] =	vst v63  }
0x2b: {  	_ =	swait.ge [sflag:s21], $0x2800  }
0x2c: {  	[sflag:s21] =	ssyncset.done $0x0  }
0x2d: {  	[sflag:s21] =	ssyncadd.s32 $0xFFFFD800  }
0x2e: {  	_ =	swait.ge [sflag:s29], $0x2800  }
0x2f: {  	[sflag:s29] =	ssyncset.done $0x0  }
0x30: {  	[sflag:s29] =	ssyncadd.s32 $0xFFFFD800  }
0x31: {  	[spmem:s2] =	stream.indirect.scatter.add.f32 [tilespmem:s26], [sflag:$0x5], $0x80, s22, s25, $0xb8;
	[tilespmem:$0x19200] =	vst v63  }
0x32: {  	_ =	swait.ge [sflag:s21], $0x2800  }
0x33: {  	s5 =	sadd.s32 $0x1, s5;
	[sflag:s21] =	ssyncset.done $0x0  }
0x34: {  	p1 =	sne.s32 s5, s15;
	[sflag:s21] =	ssyncadd.s32 $0xFFFFD800  }
.Ltmp1:
0x35: {  	s1 =	sadd.s32 s1, s14;
	[bflag:$0x0] =	sbarrier.arrive $0xFFFF;
	(pc) =	sbr.rel @!p1 .LBB2_9-.Ltmp1, $4  }
0x36: {  	[hbm:s1], [sflag:s9] =	dma.local [spmem:s20], $0x2800  }
0x37: {  	_ =	swait.ge [sflag:s21], $0x2800  }
0x38: {  	[sflag:s21] =	ssyncset.done $0x0  }
0x39: {  	[sflag:s21] =	ssyncadd.s32 $0xFFFFD800  }
.LBB2_1:
0x3a: {  	s1 =	rddreg [dreg:$0x4]  }
0x3b: {  	[spmem:s20], [sflag:s9] =	dma.local [hbm:s1], $0x2800  }
0x3c: {  	_ =	swait.ge [sflag:s21], $0x2800  }
0x3d: {  	[sflag:s21] =	ssyncset.done $0x0  }
0x3e: {  	[sflag:s21] =	ssyncadd.s32 $0xFFFFD800  }
0x3f: {  	[bflag:$0x0] =	sbarrier.arrive $0xFFFF  }
0x40: {  	s10 =	rddreg [dreg:$0x6]  }
0x41: {  	[tilespmem:s3], [sflag:$0x5] =	stream.linear.gather [hbm4b:s10+s3], $0x50, $0x38;
	[tilespmem:$0x19200] =	vst v63  }
0x42: {  	_ =	swait.ge [sflag:s21], $0x50  }
0x43: {  	[sflag:s21] =	ssyncset.done $0x0  }
0x44: {  	[sflag:s21] =	ssyncadd.s32 $0xFFFFFFB0  }
0x45: {  	[tilespmem:s22], [sflag:$0x5] =	stream.linear.gather [hbm4b:s11+s3], $0x50, $0x38;
	[tilespmem:$0x19200] =	vst v63  }
0x46: {  	_ =	swait.ge [sflag:s21], $0x50  }
0x47: {  	[sflag:s21] =	ssyncset.done $0x0  }
0x48: {  	[sflag:s21] =	ssyncadd.s32 $0xFFFFFFB0  }
0x49: {  	[tilespmem:s23], [sflag:$0x5] =	stream.linear.gather [hbm4b:s12+s3], $0x50, $0x38;
	[tilespmem:$0x19200] =	vst v63  }
0x4a: {  	_ =	swait.ge [sflag:s21], $0x50  }
0x4b: {  	[sflag:s21] =	ssyncset.done $0x0  }
.Ltmp2:
0x4c: {  	[sflag:s21] =	ssyncadd.s32 $0xFFFFFFB0;
	(pc) =	sbr.rel @p0 .LBB2_5-.Ltmp2, $4  }
0x4d: {  	[tilespmem:s24], [sflag:$0x5] =	stream.linear.gather [hbm4b:s13+s3], $0x50, $0x38;
	[tilespmem:$0x19200] =	vst v63  }
0x4e: {  	_ =	swait.ge [sflag:s21], $0x50  }
0x4f: {  	[sflag:s21] =	ssyncset.done $0x0  }
0x50: {  	[sflag:s21] =	ssyncadd.s32 $0xFFFFFFB0  }
0x51: {  	[tilespmem:s26], [sflag:$0x1] =	stream.indirect.gather [hbm4b:s4+s25], $0x80, s3, s25, $0xb8;
	[tilespmem:$0x19200] =	vst v63  }
0x52: {  	_ = 	snop  }
0x53: {  	[tilespmem:s28], [sflag:$0x2] =	stream.indirect.gather [hbm4b:s4+s25], $0x80, s23, s25, $0xb8;
	[tilespmem:$0x19200] =	vst v63  }
0x54: {  	_ =	swait.ge [sflag:s29], $0x2800  }
0x55: {  	s1 =	sadd.s32 $0xFFFFFB3C, s19;
	[sflag:s29] =	ssyncset.done $0x0  }
0x56: {  	s8 =	sadd.s32 $0x4D8, s1;
	[sflag:s29] =	ssyncadd.s32 $0xFFFFD800  }
0x57: {  	[tilespmem:s3], [sflag:$0x3] =	stream.linear.gather [hbm4b:s8+s3], $0x50, $0x38;
	[tilespmem:$0x19200] =	vst v63  }
0x58: {  	_ = 	snop  }
0x59: {  	[spmem:s2] =	stream.indirect.scatter.add.f32 [tilespmem:s26], [sflag:$0x5], $0x80, s22, s25, $0xb8;
	[tilespmem:$0x19200] =	vst v63  }
0x5a: {  	_ =	swait.ge [sflag:s21], $0x2800  }
0x5b: {  	s10 =	sadd.s32 $0xFFFFFB3C, s18;
	[sflag:s21] =	ssyncset.done $0x0  }
0x5c: {  	s7 =	sadd.s32 $0x4D8, s10;
	[sflag:s21] =	ssyncadd.s32 $0xFFFFD800  }
0x5d: {  	[tilespmem:s22], [sflag:$0x3] =	stream.linear.gather [hbm4b:s7+s3], $0x50, $0x38;
	[tilespmem:$0x19200] =	vst v63  }
0x5e: {  	_ =	swait.ge [sflag:s30], $0x50  }
0x5f: {  	[sflag:s30] =	ssyncset.done $0x0  }
0x60: {  	[sflag:s30] =	ssyncadd.s32 $0xFFFFFFB0  }
0x61: {  	_ =	swait.ge [sflag:s30], $0x50  }
0x62: {  	[sflag:s30] =	ssyncset.done $0x0  }
0x63: {  	[sflag:s30] =	ssyncadd.s32 $0xFFFFFFB0  }
0x64: {  	[tilespmem:s26], [sflag:$0x1] =	stream.indirect.gather [hbm4b:s4+s25], $0x80, s3, s25, $0xb8;
	[tilespmem:$0x19200] =	vst v63  }
0x65: {  	_ =	swait.ge [sflag:s31], $0x2800  }
0x66: {  	[sflag:s31] =	ssyncset.done $0x0  }
0x67: {  	s1 =	sadd.s32 $0x4E2, s1;
	[sflag:s31] =	ssyncadd.s32 $0xFFFFD800  }
0x68: {  	[tilespmem:s23], [sflag:$0x4] =	stream.linear.gather [hbm4b:s1+s3], $0x50, $0x38;
	[tilespmem:$0x19200] =	vst v63  }
0x69: {  	_ = 	snop  }
0x6a: {  	[spmem:s2] =	stream.indirect.scatter.add.f32 [tilespmem:s28], [sflag:$0x5], $0x80, s24, s25, $0xb8;
	[tilespmem:$0x19200] =	vst v63  }
0x6b: {  	_ =	swait.ge [sflag:s21], $0x2800  }
0x6c: {  	[sflag:s21] =	ssyncset.done $0x0  }
0x6d: {  	s10 =	sadd.s32 $0x4E2, s10;
	[sflag:s21] =	ssyncadd.s32 $0xFFFFD800  }
0x6e: {  	[tilespmem:s24], [sflag:$0x4] =	stream.linear.gather [hbm4b:s10+s3], $0x50, $0x38;
	[tilespmem:$0x19200] =	vst v63  }
0x6f: {  	_ =	swait.ge [sflag:s0], $0x50  }
0x70: {  	[sflag:s0] =	ssyncset.done $0x0  }
0x71: {  	[sflag:s0] =	ssyncadd.s32 $0xFFFFFFB0  }
0x72: {  	_ =	swait.ge [sflag:s0], $0x50  }
0x73: {  	[sflag:s0] =	ssyncset.done $0x0  }
0x74: {  	s1 =	simm.s32 $0xFFFFFB50;
	[sflag:s0] =	ssyncadd.s32 $0xFFFFFFB0  }
.LBB2_3:
0x75: {  	[tilespmem:s28], [sflag:$0x2] =	stream.indirect.gather [hbm4b:s4+s25], $0x80, s23, s25, $0xb8;
	[tilespmem:$0x19200] =	vst v63  }
0x76: {  	s7 =	smov.u32 s1  }
0x77: {  	p1 =	seq.s32 s1, $0xFFFFFFEC;
	s1 =	sadd.s32 $0x14, s1;
	_ =	swait.ge [sflag:s29], $0x2800  }
0x78: {  	s8 =	sadd.s32 s7, s19;
	[sflag:s29] =	ssyncset.done $0x0  }
0x79: {  	s10 =	sadd.s32 $0x4D8, s8;
	[sflag:s29] =	ssyncadd.s32 $0xFFFFD800  }
0x7a: {  	[tilespmem:s3], [sflag:$0x3] =	stream.linear.gather [hbm4b:s10+s3], $0x50, $0x38;
	[tilespmem:$0x19200] =	vst v63  }
0x7b: {  	_ = 	snop  }
0x7c: {  	[spmem:s2] =	stream.indirect.scatter.add.f32 [tilespmem:s26], [sflag:$0x5], $0x80, s22, s25, $0xb8;
	[tilespmem:$0x19200] =	vst v63  }
0x7d: {  	_ =	swait.ge [sflag:s21], $0x2800  }
0x7e: {  	s7 =	sadd.s32 s7, s18;
	[sflag:s21] =	ssyncset.done $0x0  }
0x7f: {  	s10 =	sadd.s32 $0x4D8, s7;
	[sflag:s21] =	ssyncadd.s32 $0xFFFFD800  }
0x80: {  	[tilespmem:s22], [sflag:$0x3] =	stream.linear.gather [hbm4b:s10+s3], $0x50, $0x38;
	[tilespmem:$0x19200] =	vst v63  }
0x81: {  	_ =	swait.ge [sflag:s30], $0x50  }
0x82: {  	[sflag:s30] =	ssyncset.done $0x0  }
0x83: {  	[sflag:s30] =	ssyncadd.s32 $0xFFFFFFB0  }
0x84: {  	_ =	swait.ge [sflag:s30], $0x50  }
0x85: {  	[sflag:s30] =	ssyncset.done $0x0  }
0x86: {  	[sflag:s30] =	ssyncadd.s32 $0xFFFFFFB0  }
0x87: {  	[tilespmem:s26], [sflag:$0x1] =	stream.indirect.gather [hbm4b:s4+s25], $0x80, s3, s25, $0xb8;
	[tilespmem:$0x19200] =	vst v63  }
0x88: {  	_ =	swait.ge [sflag:s31], $0x2800  }
0x89: {  	[sflag:s31] =	ssyncset.done $0x0  }
0x8a: {  	s8 =	sadd.s32 $0x4E2, s8;
	[sflag:s31] =	ssyncadd.s32 $0xFFFFD800  }
0x8b: {  	[tilespmem:s23], [sflag:$0x4] =	stream.linear.gather [hbm4b:s8+s3], $0x50, $0x38;
	[tilespmem:$0x19200] =	vst v63  }
0x8c: {  	_ = 	snop  }
0x8d: {  	[spmem:s2] =	stream.indirect.scatter.add.f32 [tilespmem:s28], [sflag:$0x5], $0x80, s24, s25, $0xb8;
	[tilespmem:$0x19200] =	vst v63  }
0x8e: {  	_ =	swait.ge [sflag:s21], $0x2800  }
0x8f: {  	[sflag:s21] =	ssyncset.done $0x0  }
0x90: {  	s7 =	sadd.s32 $0x4E2, s7;
	[sflag:s21] =	ssyncadd.s32 $0xFFFFD800  }
0x91: {  	[tilespmem:s24], [sflag:$0x4] =	stream.linear.gather [hbm4b:s7+s3], $0x50, $0x38;
	[tilespmem:$0x19200] =	vst v63  }
0x92: {  	_ =	swait.ge [sflag:s0], $0x50  }
.Ltmp3:
0x93: {  	[sflag:s0] =	ssyncset.done $0x0;
	(pc) =	sbr.rel @!p1 .LBB2_3-.Ltmp3, $4  }
0x94: {  	[sflag:s0] =	ssyncadd.s32 $0xFFFFFFB0  }
0x95: {  	_ =	swait.ge [sflag:s0], $0x50  }
0x96: {  	[sflag:s0] =	ssyncset.done $0x0  }
0x97: {  	[sflag:s0] =	ssyncadd.s32 $0xFFFFFFB0  }
.Ltmp4:
0x98: {  	(pc) =	sbr.rel .LBB2_8-.Ltmp4, $3  }
0x99: {  	_ =	sdelay $0x1  }
0x9a: {  	[tilespmem:s28], [sflag:$0x2] =	stream.indirect.gather [hbm4b:s4+s25], $0x80, s23, s25, $0xb8;
	[tilespmem:$0x19200] =	vst v63  }
0x9b: {  	s8 =	smov.u32 s4;
	s1 =	rddreg [dreg:$0x1]  }
.LBB2_5:
0x9c: {  	[tilespmem:s26], [sflag:$0x1] =	stream.indirect.gather [hbm4b:s6+s25], $0x80, s3, s25, $0xb8;
	[tilespmem:$0x19200] =	vst v63  }
0x9d: {  	_ = 	snop  }
0x9e: {  	[tilespmem:s28], [sflag:$0x2] =	stream.indirect.gather [hbm4b:s6+s25], $0x80, s23, s25, $0xb8;
	[tilespmem:$0x19200] =	vst v63  }
0x9f: {  	_ =	swait.ge [sflag:s29], $0x2800  }
0xa0: {  	s1 =	sadd.s32 $0xFFFFFB3C, s19;
	[sflag:s29] =	ssyncset.done $0x0  }
0xa1: {  	s7 =	sadd.s32 $0x4D8, s1;
	[sflag:s29] =	ssyncadd.s32 $0xFFFFD800  }
0xa2: {  	[tilespmem:s3], [sflag:$0x3] =	stream.linear.gather [hbm4b:s7+s3], $0x50, $0x38;
	[tilespmem:$0x19200] =	vst v63  }
0xa3: {  	_ = 	snop  }
0xa4: {  	[spmem:s2] =	stream.indirect.scatter.add.f32 [tilespmem:s26], [sflag:$0x5], $0x80, s22, s25, $0xb8;
	[tilespmem:$0x19200] =	vst v63  }
0xa5: {  	_ =	swait.ge [sflag:s21], $0x2800  }
0xa6: {  	s10 =	sadd.s32 $0xFFFFFB3C, s18;
	[sflag:s21] =	ssyncset.done $0x0  }
0xa7: {  	s8 =	sadd.s32 $0x4D8, s10;
	[sflag:s21] =	ssyncadd.s32 $0xFFFFD800  }
0xa8: {  	[tilespmem:s22], [sflag:$0x3] =	stream.linear.gather [hbm4b:s8+s3], $0x50, $0x38;
	[tilespmem:$0x19200] =	vst v63  }
0xa9: {  	_ =	swait.ge [sflag:s30], $0x50  }
0xaa: {  	[sflag:s30] =	ssyncset.done $0x0  }
0xab: {  	[sflag:s30] =	ssyncadd.s32 $0xFFFFFFB0  }
0xac: {  	_ =	swait.ge [sflag:s30], $0x50  }
0xad: {  	[sflag:s30] =	ssyncset.done $0x0  }
0xae: {  	[sflag:s30] =	ssyncadd.s32 $0xFFFFFFB0  }
0xaf: {  	[tilespmem:s26], [sflag:$0x1] =	stream.indirect.gather [hbm4b:s6+s25], $0x80, s3, s25, $0xb8;
	[tilespmem:$0x19200] =	vst v63  }
0xb0: {  	_ =	swait.ge [sflag:s31], $0x2800  }
0xb1: {  	[sflag:s31] =	ssyncset.done $0x0  }
0xb2: {  	s1 =	sadd.s32 $0x4E2, s1;
	[sflag:s31] =	ssyncadd.s32 $0xFFFFD800  }
0xb3: {  	[tilespmem:s23], [sflag:$0x4] =	stream.linear.gather [hbm4b:s1+s3], $0x50, $0x38;
	[tilespmem:$0x19200] =	vst v63  }
0xb4: {  	_ = 	snop  }
0xb5: {  	[spmem:s2] =	stream.indirect.scatter.add.f32 [tilespmem:s28], [sflag:$0x5], $0x80, s24, s25, $0xb8;
	[tilespmem:$0x19200] =	vst v63  }
0xb6: {  	_ =	swait.ge [sflag:s21], $0x2800  }
0xb7: {  	[sflag:s21] =	ssyncset.done $0x0  }
0xb8: {  	s10 =	sadd.s32 $0x4E2, s10;
	[sflag:s21] =	ssyncadd.s32 $0xFFFFD800  }
0xb9: {  	[tilespmem:s24], [sflag:$0x4] =	stream.linear.gather [hbm4b:s10+s3], $0x50, $0x38;
	[tilespmem:$0x19200] =	vst v63  }
0xba: {  	_ =	swait.ge [sflag:s0], $0x50  }
0xbb: {  	[sflag:s0] =	ssyncset.done $0x0  }
0xbc: {  	[sflag:s0] =	ssyncadd.s32 $0xFFFFFFB0  }
0xbd: {  	_ =	swait.ge [sflag:s0], $0x50  }
0xbe: {  	[sflag:s0] =	ssyncset.done $0x0  }
0xbf: {  	s1 =	simm.s32 $0xFFFFFB50;
	[sflag:s0] =	ssyncadd.s32 $0xFFFFFFB0  }
.LBB2_6:
0xc0: {  	[tilespmem:s28], [sflag:$0x2] =	stream.indirect.gather [hbm4b:s6+s25], $0x80, s23, s25, $0xb8;
	[tilespmem:$0x19200] =	vst v63  }
0xc1: {  	s7 =	smov.u32 s1  }
0xc2: {  	p1 =	sne.s32 s1, $0xFFFFFFEC;
	s1 =	sadd.s32 $0x14, s1;
	_ =	swait.ge [sflag:s29], $0x2800  }
0xc3: {  	s8 =	sadd.s32 s7, s19;
	[sflag:s29] =	ssyncset.done $0x0  }
0xc4: {  	s10 =	sadd.s32 $0x4D8, s8;
	[sflag:s29] =	ssyncadd.s32 $0xFFFFD800  }
0xc5: {  	[tilespmem:s3], [sflag:$0x3] =	stream.linear.gather [hbm4b:s10+s3], $0x50, $0x38;
	[tilespmem:$0x19200] =	vst v63  }
0xc6: {  	_ = 	snop  }
0xc7: {  	[spmem:s2] =	stream.indirect.scatter.add.f32 [tilespmem:s26], [sflag:$0x5], $0x80, s22, s25, $0xb8;
	[tilespmem:$0x19200] =	vst v63  }
0xc8: {  	_ =	swait.ge [sflag:s21], $0x2800  }
0xc9: {  	s7 =	sadd.s32 s7, s18;
	[sflag:s21] =	ssyncset.done $0x0  }
0xca: {  	s10 =	sadd.s32 $0x4D8, s7;
	[sflag:s21] =	ssyncadd.s32 $0xFFFFD800  }
0xcb: {  	[tilespmem:s22], [sflag:$0x3] =	stream.linear.gather [hbm4b:s10+s3], $0x50, $0x38;
	[tilespmem:$0x19200] =	vst v63  }
0xcc: {  	_ =	swait.ge [sflag:s30], $0x50  }
0xcd: {  	[sflag:s30] =	ssyncset.done $0x0  }
0xce: {  	[sflag:s30] =	ssyncadd.s32 $0xFFFFFFB0  }
0xcf: {  	_ =	swait.ge [sflag:s30], $0x50  }
0xd0: {  	[sflag:s30] =	ssyncset.done $0x0  }
0xd1: {  	[sflag:s30] =	ssyncadd.s32 $0xFFFFFFB0  }
0xd2: {  	[tilespmem:s26], [sflag:$0x1] =	stream.indirect.gather [hbm4b:s6+s25], $0x80, s3, s25, $0xb8;
	[tilespmem:$0x19200] =	vst v63  }
0xd3: {  	_ =	swait.ge [sflag:s31], $0x2800  }
0xd4: {  	[sflag:s31] =	ssyncset.done $0x0  }
0xd5: {  	s8 =	sadd.s32 $0x4E2, s8;
	[sflag:s31] =	ssyncadd.s32 $0xFFFFD800  }
0xd6: {  	[tilespmem:s23], [sflag:$0x4] =	stream.linear.gather [hbm4b:s8+s3], $0x50, $0x38;
	[tilespmem:$0x19200] =	vst v63  }
0xd7: {  	_ = 	snop  }
0xd8: {  	[spmem:s2] =	stream.indirect.scatter.add.f32 [tilespmem:s28], [sflag:$0x5], $0x80, s24, s25, $0xb8;
	[tilespmem:$0x19200] =	vst v63  }
0xd9: {  	_ =	swait.ge [sflag:s21], $0x2800  }
0xda: {  	[sflag:s21] =	ssyncset.done $0x0  }
0xdb: {  	s7 =	sadd.s32 $0x4E2, s7;
	[sflag:s21] =	ssyncadd.s32 $0xFFFFD800  }
0xdc: {  	[tilespmem:s24], [sflag:$0x4] =	stream.linear.gather [hbm4b:s7+s3], $0x50, $0x38;
	[tilespmem:$0x19200] =	vst v63  }
0xdd: {  	_ =	swait.ge [sflag:s0], $0x50  }
.Ltmp5:
0xde: {  	[sflag:s0] =	ssyncset.done $0x0;
	(pc) =	sbr.rel @p1 .LBB2_6-.Ltmp5, $4  }
0xdf: {  	[sflag:s0] =	ssyncadd.s32 $0xFFFFFFB0  }
0xe0: {  	_ =	swait.ge [sflag:s0], $0x50  }
0xe1: {  	[sflag:s0] =	ssyncset.done $0x0  }
0xe2: {  	[sflag:s0] =	ssyncadd.s32 $0xFFFFFFB0  }
.Ltmp6:
0xe3: {  	_ = 	snop;
	(pc) =	sbr.rel .LBB2_7-.Ltmp6, $1  }
0xe4: {  	_ =	sdelay $0x3  }
.LBB2_9:
0xe5: {  	_ =	sfence.sel $0x180000  }
0xe6: {  	[bflag:$0x0] =	sbarrier.arrive $0xFFFF  }
0xe7: {  	_ =	strace $0x9000004A  }
0xe8: {  	s0 =	stileid.u32;
	[bflag:$0x2] =	sbarrier.arrive $0xFFFF  }
0xe9: {  	p0 =	sne.s32 s0, $0x0;
	s0 =	rddreg [dreg:$0x3]  }
0xea: {  	s0 =	sadd.s32 @!p0 $0x100000, s0  }
0xeb: {  	[sflag:s0] =	ssyncadd.tile.s32 @!p0 $0x1;
	_ =	shalt  }
.Lfunc_end2:
_tile_overlayer_lowered:
.L_overlay_start_2:
0xec: {  	(tag) =	ssettag $0x2  }
0xed: {  	s0 =	rddreg [dreg:$0x0];
	s2 =	stileid.u32  }
0xee: {  	s1 =	rddreg [dreg:$0x1];
	p0 =	sne.s32 s2, $0x0  }
0xef: {  	s3 =	rddreg [dreg:$0x2];
	[bflag:$0x3] =	sbarrier.arrive $0xFFFF;
	s2 =	simm.s32 @!p0 $0x1C05  }
0xf0: {  	[timem:s3], [sflag:s2] =	dma.local @!p0 [hbm:s0], s1  }
0xf1: {  	s0 =	simm.s32 @!p0 $0x5  }
0xf2: {  	_ =	swait.ge @!p0 [sflag:s0], s1  }
0xf3: {  	s1 =	ssub.s32 @!p0 $0x0, s1;
	[sflag:s0] =	ssyncset.done @!p0 $0x0  }
0xf4: {  	[sflag:s0] =	ssyncadd.s32 @!p0 s1  }
0xf5: {  	[bflag:$0x3] =	sbarrier.arrive $0xFFFF  }
0xf6: {  	_ =	shalt  }

// kernel: kernel.16.cloned.1.call-start
scs
__scs_entry_jumppad:
0x0: {  	(pc) =	sbr.rel $0x88, $3  }
0x1: {  	(tag) =	ssettag $0x0;
	lr =	simm.s32 $0x1  }
0x2: {  	[smem:$0x3F94] =	sst lr;
	_ =	strace $0xD0000000  }
0x3: {  	_ = 	snop  }
0x4: {  	_ = 	snop  }
0x5: {  	_ = 	snop  }
0x6: {  	_ = 	snop  }
0x7: {  	_ = 	snop  }
__scs_overlays_trampoline_lowered:
0x8: {  	[smem:$0x3FA3] =	sst s0  }
0x9: {  	[smem:$0x3FA4] =	sst s1  }
0xa: {  	[smem:$0x3FA5] =	sst s2  }
0xb: {  	[smem:$0x3FA6] =	sst s3  }
0xc: {  	[smem:$0x3FA7] =	sst s4  }
0xd: {  	[smem:$0x3FA8] =	sst s5  }
0xe: {  	[smem:$0x3FA9] =	sst s6  }
0xf: {  	[smem:$0x3FAA] =	sst s7  }
0x10: {  	[smem:$0x3FAB] =	sst s8  }
0x11: {  	[smem:$0x3FAC] =	sst s9;
	s0 =	simm.s32 @!p0 $0x0  }
0x12: {  	s1 =	sld [smem:$0x3F92];
	s0 =	simm.s32 @p0 $0x1  }
0x13: {  	[smem:$0x3FAD] =	sst s0;
	s0 =	simm.s32 @!p1 $0x0  }
0x14: {  	s2 =	sld [smem:$0x3F91];
	s0 =	simm.s32 @p1 $0x1  }
0x15: {  	[smem:$0x3FAE] =	sst s0;
	s0 =	simm.s32 @!p2 $0x0  }
0x16: {  	s3 =	sld [smem:$0x3FDB];
	s0 =	simm.s32 @p2 $0x1  }
0x17: {  	s4 =	simm.s32 $0x1BF5;
	[smem:$0x3FB0] =	sst s0  }
0x18: {  	s0 =	sld [smem:$0x3F93];
	_ =	swait.ge [sflag:s4], $0x0  }
0x19: {  	s7 =	sld [smem:$0x3F94]  }
0x1a: {  	s8 =	sadd.s32 $0xFFFFE003, lr  }
0x1b: {  	s9 =	sadd.s32 $0xFFFFFEF7, lr;
	s5 =	simm.s32 $0xFFFFFFFF;
	p2 =	slt.u32 s8, $0xFFFFF086  }
0x1c: {  	p1 =	slt.u32 s9, $0xF7A;
	s5 =	simm.s32 @!p2 $0x0  }
0x1d: {  	s5 =	simm.s32 @p1 $0x1;
	p0 =	seq.s32 s7, s2  }
0x1e: {  	s7 =	smul.u32 @!p0 $0xF7A, s2;
	p2 =	seq.s32 @!p0 s5, $0x0  }
0x1f: {  	s9 =	smul.u32 $0xF7A, s1;
	s8 =	simm.s32 @!p0 $0x1BF5;
	p2 =	por !p2, p0  }
0x20: {  	[sflag:s8] =	ssyncset.s32 @!p0 $0xFFFFF086;
	s6 =	sadd.s32 @!p0 s3, s7;
	s7 =	simm.s32 @!p0 $0x108  }
0x21: {  	s3 =	sadd.s32 s3, s9;
	s6 =	sadd.s32 @!p0 $0x88, s6;
	s7 =	simm.s32 @p2 $0x1082  }
0x22: {  	[simem:s7], [sflag:s8] =	dma.local @!p0 [hbm:s6], $0xF7A  }
0x23: {  	s9 =	sor.u32 $0xD0000000, s2;
	s6 =	simm.s32 $0x108;
	_ =	swait.ge @!p0 [sflag:s8], $0x0  }
0x24: {  	s3 =	sadd.s32 $0x88, s3;
	s6 =	simm.s32 @!p1 $0x1082;
	[sflag:s4] =	ssyncset.s32 $0xFFFFF086  }
0x25: {  	[simem:s6], [sflag:s4] =	dma.local [hbm:s3], $0xF7A  }
0x26: {  	[smem:$0x3F94] =	sst s1;
	(tag) =	ssettag s2;
	_ =	strace s9  }
0x27: {  	s1 =	sld [smem:$0x3FA4]  }
0x28: {  	s2 =	sld [smem:$0x3FA5]  }
0x29: {  	s4 =	sld [smem:$0x3FA7]  }
0x2a: {  	p0 =	seq.s32 s5, $0x0;
	s5 =	sld [smem:$0x3FA8]  }
0x2b: {  	s6 =	sld [smem:$0x3FA9]  }
0x2c: {  	s7 =	sld [smem:$0x3FAA]  }
0x2d: {  	s3 =	simm.s32 $0x108;
	s8 =	sld [smem:$0x3FAB]  }
0x2e: {  	s3 =	simm.s32 @!p0 $0x1082;
	s9 =	sld [smem:$0x3FAC]  }
0x2f: {  	lr =	sadd.s32 s0, s3;
	s0 =	sld [smem:$0x3FA3]  }
0x30: {  	s3 =	sld [smem:$0x3FA6]  }
0x31: {  	[smem:$0x3FAF] =	sst s10  }
0x32: {  	s10 =	sld [smem:$0x3FAD];
	_ =	sdelay $0x3  }
0x33: {  	p0 =	seq.s32 s10, $0x1;
	s10 =	sld [smem:$0x3FAF];
	_ =	sdelay $0x3  }
0x34: {  	[smem:$0x3FAF] =	sst s10  }
0x35: {  	s10 =	sld [smem:$0x3FAE];
	_ =	sdelay $0x3  }
0x36: {  	p1 =	seq.s32 s10, $0x1;
	s10 =	sld [smem:$0x3FAF];
	_ =	sdelay $0x3  }
0x37: {  	[smem:$0x3FAF] =	sst s10  }
0x38: {  	s10 =	sld [smem:$0x3FB0]  }
0x39: {  	_ = 	snop;
	(pc) =	sbr.ind lr, $3  }
0x3a: {  	_ = 	snop  }
0x3b: {  	_ = 	snop  }
0x3c: {  	p2 =	seq.s32 s10, $0x1;
	s10 =	sld [smem:$0x3FAF]  }
0x3d: {  	_ =	shalt  }
0x3e: {  	_ =	shalt  }
0x3f: {  	_ =	shalt  }
0x40: {  	_ =	shalt  }
0x41: {  	_ =	shalt  }
0x42: {  	_ =	shalt  }
0x43: {  	_ =	shalt  }
0x44: {  	_ =	shalt  }
0x45: {  	_ =	shalt  }
0x46: {  	_ =	shalt  }
0x47: {  	_ =	shalt  }
0x48: {  	_ =	shalt  }
0x49: {  	_ =	shalt  }
0x4a: {  	_ =	shalt  }
0x4b: {  	_ =	shalt  }
0x4c: {  	_ =	shalt  }
0x4d: {  	_ =	shalt  }
0x4e: {  	_ =	shalt  }
0x4f: {  	_ =	shalt  }
0x50: {  	_ =	shalt  }
0x51: {  	_ =	shalt  }
0x52: {  	_ =	shalt  }
0x53: {  	_ =	shalt  }
0x54: {  	_ =	shalt  }
0x55: {  	_ =	shalt  }
0x56: {  	_ =	shalt  }
0x57: {  	_ =	shalt  }
0x58: {  	_ =	shalt  }
0x59: {  	_ =	shalt  }
0x5a: {  	_ =	shalt  }
0x5b: {  	_ =	shalt  }
0x5c: {  	_ =	shalt  }
0x5d: {  	_ =	shalt  }
0x5e: {  	_ =	shalt  }
0x5f: {  	_ =	shalt  }
0x60: {  	_ =	shalt  }
0x61: {  	_ =	shalt  }
0x62: {  	_ =	shalt  }
0x63: {  	_ =	shalt  }
0x64: {  	_ =	shalt  }
0x65: {  	_ =	shalt  }
0x66: {  	_ =	shalt  }
0x67: {  	_ =	shalt  }
0x68: {  	_ =	shalt  }
0x69: {  	_ =	shalt  }
0x6a: {  	_ =	shalt  }
0x6b: {  	_ =	shalt  }
0x6c: {  	_ =	shalt  }
0x6d: {  	_ =	shalt  }
0x6e: {  	_ =	shalt  }
0x6f: {  	_ =	shalt  }
0x70: {  	_ =	shalt  }
0x71: {  	_ =	shalt  }
0x72: {  	_ =	shalt  }
0x73: {  	_ =	shalt  }
0x74: {  	_ =	shalt  }
0x75: {  	_ =	shalt  }
0x76: {  	_ =	shalt  }
0x77: {  	_ =	shalt  }
0x78: {  	_ =	shalt  }
0x79: {  	_ =	shalt  }
0x7a: {  	_ =	shalt  }
0x7b: {  	_ =	shalt  }
0x7c: {  	_ =	shalt  }
0x7d: {  	_ =	shalt  }
0x7e: {  	_ =	shalt  }
0x7f: {  	_ =	shalt  }
0x80: {  	_ =	shalt  }
0x81: {  	_ =	shalt  }
0x82: {  	_ =	shalt  }
0x83: {  	_ =	shalt  }
0x84: {  	_ =	shalt  }
0x85: {  	_ =	shalt  }
0x86: {  	_ =	shalt  }
0x87: {  	_ =	shalt  }
.Lfunc_end0:
.L_simem_size_0:
called_computation.2_lowered:
.L_overlay_start_0:
0x88: {  	s2 =	sld [smem:$0x3FD9]  }
0x89: {  	s3 =	sld [smem:$0x3FFE];
	_ =	sdelay $0x1  }
0x8a: {  	s1 =	srdreg.scid  }
0x8b: {  	s0 =	sand.u32 $0x1, s1  }
0x8c: {  	s17 =	sshll.u32 s0, $0xA;
	s2 =	sadd.s32 s3, s2  }
0x8d: {  	s2 =	sadd.s32 s2, s17  }
0x8e: {  	[smem:$0x3FBB] =	sst s2  }
0x8f: {  	_ = 	snop  }
0x90: {  	s2 =	sld [smem:$0x3FD0];
	(tm) =	ssettm $0x1  }
0x91: {  	s18 =	sld [smem:$0x3FFB];
	_ =	sdelay $0x3  }
0x92: {  	_ =	strace s18  }
0x93: {  	s3 =	sld [smem:$0x3FFC];
	_ =	sdelay $0x3  }
0x94: {  	_ =	strace s3  }
0x95: {  	s3 =	sld [smem:$0x3FFD];
	_ =	sdelay $0x3  }
0x96: {  	_ =	strace s3  }
0x97: {  	_ =	strace $0x8FFFFFFF  }
0x98: {  	s19 =	sld [smem:$0x3FDB];
	_ =	sdelay $0x1  }
0x99: {  	s4 =	simm.s32 $_scs_section_size  }
0x9a: {  	s5 =	simm.s32 $_size__tile_overlayer_lowered;
	s6 =	simm.s32 $_tile_overlayer_lowered  }
0x9b: {  	s22 =	simm.s32 $0x1BFF;
	s21 =	sshll.u32 s6, $0x1;
	s3 =	sadd.s32 s4, s19  }
0x9c: {  	s7 =	simm.s32 $0x0;
	s20 =	sshll.u32 s5, $0x1;
	s5 =	sadd.s32 s21, s3  }
0x9d: {  	[timem:s7], [sflag:s22] =	dma.local [hbm:s5], s20  }
0x9e: {  	_ =	swait.ge [sflag:s22], s20  }
0x9f: {  	s4 =	ssub.s32 $0x0, s20;
	[sflag:s22] =	ssyncset.done $0x0  }
0xa0: {  	[sflag:s22] =	ssyncadd.s32 s4;
	_ =	sdelay $0x1  }
0xa1: {  	s23 =	simm.s32 $0x1B8B  }
0xa2: {  	_ =	swait.ge [sflag:s23], $0x1  }
0xa3: {  	[sflag:s23] =	ssyncset.done $0x0  }
0xa4: {  	s25 =	simm.s32 $0x1B8E;
	s24 =	sld [smem:$0x3FFE];
	[sflag:s23] =	ssyncadd.s32 $0xFFFFFFFF  }
0xa5: {  	s26 =	simm.s32 $execute0_lowered;
	[smem:$0x3FD2] =	sst s25  }
0xa6: {  	s5 =	sshll.u32 s26, $0x1;
	_ =	strace $0x8000004C;
	[dreg:$0x1] =	wrdreg $0xFFFFFFFF  }
0xa7: {  	s28 =	simm.s32 $_size_execute0_lowered;
	s3 =	sadd.s32 s3, s5;
	[dreg:$0x0] =	wrdreg $0x0  }
0xa8: {  	s5 =	sshll.u32 s28, $0x1;
	[dreg:$0x2] =	wrdreg s3  }
0xa9: {  	[dreg:$0x3] =	wrdreg s5  }
0xaa: {  	[dreg:$0x4] =	wrdreg $0xC0  }
0xab: {  	_ =	task [dreg:s7], $0x5FFFF  }
0xac: {  	[dreg:$0x1] =	wrdreg $0xFFFFFFFF  }
0xad: {  	[dreg:$0x0] =	wrdreg $0x60  }
0xae: {  	[dreg:$0x2] =	wrdreg s24  }
0xaf: {  	[dreg:$0x3] =	wrdreg s2  }
0xb0: {  	[dreg:$0x4] =	wrdreg $0x52000  }
0xb1: {  	[dreg:$0x5] =	wrdreg $0x9  }
0xb2: {  	_ =	task.clear_ibuf [dreg:s7], $0x6FFFF;
	_ =	strace $0x9000004C  }
0xb3: {  	s29 =	simm.s32 $0x9;
	_ =	strace $0x8000004E  }
0xb4: {  	_ =	swait.ge [sflag:s29], $0x1  }
0xb5: {  	[sflag:s29] =	ssyncadd.s32 $0xFFFFFFFF  }
0xb6: {  	_ =	strace $0x9000004E  }
0xb7: {  	_ =	sfence  }
0xb8: {  	s30 =	sld [smem:$0x0];
	_ =	sdelay $0x2  }
0xb9: {  	s31 =	sshll.u32 s1, $0xD;
	s1 =	sshrl.u32 s1, $0x2  }
0xba: {  	s3 =	sand.u32 $0x4000, s31;
	s1 =	sadd.s32 s1, s30  }
0xbb: {  	s0 =	sor.u32 s3, s0;
	s1 =	sshll.u32 s1, $0x11  }
0xbc: {  	s0 =	sor.u32 s1, s0  }
0xbd: {  	s0 =	sadd.s32 $0x8F2B, s0  }
0xbe: {  	[sflag:s0] =	ssyncadd.remote.s32 $0x1  }
0xbf: {  	_ =	sfence.sel $0xFFFF  }
0xc0: {  	[dreg:$0x0] =	wrdreg $0xFFFFFFFF;
	(pc) =	sbr.abs _section_cstart, $3  }
0xc1: {  	[dreg:$0x1] =	wrdreg $0xFFFFFFFF  }
0xc2: {  	_ =	task.clear_ibuf [dreg:s7], $0x2FFFF;
	_ =	strace $0x9FFFFFFF  }
0xc3: {  	(tm) =	ssettm $0x7FFFFFFF  }
tec
execute0_lowered:
.L_overlay_start_1:
0x0: {  	(tag) =	ssettag $0x1  }
0x1: {  	s0 =	rddreg [dreg:$0x0]  }
0x2: {  	s2 =	rddreg [dreg:$0x2];
	s3 =	simm.s32 $0x0;
	s5 =	srdreg.scid  }
0x3: {  	s7 =	stileid.u32;
	s28 =	simm.s32 $0x2A00;
	s29 =	simm.s32 $0x1  }
0x4: {  	s30 =	simm.s32 $0x3;
	s31 =	simm.s32 $0x2;
	[smem:$0x7FF] =	sst s3  }
0x5: {  	s4 =	sadd.s32 $0xC7A00, s0;
	s6 =	sadd.s32 $0x16600, s0;
	s10 =	smul.u32 $0x50000, s7  }
0x6: {  	s1 =	sadd.s32 $0xC600, s0;
	s8 =	sadd.s32 $0x11600, s0;
	s11 =	smul.u32 $0x2710, s7  }
0x7: {  	s5 =	sand.u32 $0x1, s5;
	s9 =	sadd.s32 $0xC5200, s0;
	s19 =	smul.u32 $0x4E2, s7  }
0x8: {  	s0 =	sadd.s32 $0x3D800, s0;
	s24 =	sshll.u32 s7, $0x6;
	s14 =	smul.u32 $0x2800, s7  }
0x9: {  	_ =	strace $0x8000004D;
	[dreg:$0x4] =	wrdreg s9;
	s21 =	ssub.s32 $0x2, s5  }
0xa: {  	[dreg:$0x5] =	wrdreg s0;
	s9 =	sor.u32 $0x1C05, s24;
	p0 =	sne.s32 s5, $0x0  }
0xb: {  	s24 =	simm.s32 $0x180;
	s5 =	simm.s32 $0x0;
	s22 =	sshrl.u32 s21, $0x1  }
0xc: {  	s23 =	sshrl.u32 s10, $0x2;
	s16 =	sshrl.u32 s11, $0x3;
	s18 =	sadd.s32 s19, s8  }
0xd: {  	s19 =	sadd.s32 s19, s1;
	s0 =	ssub.s32 s21, s22;
	s20 =	sadd.s32 s23, s2  }
0xe: {  	s25 =	sadd.s32 s1, s16;
	s11 =	sadd.s32 s8, s16;
	s13 =	sadd.s32 $0xA, s16  }
.Ltmp0:
0xf: {  	s26 =	sadd.s32 $0x4D8, s16;
	s21 =	simm.s32 $0x5;
	(pc) =	sbr.rel .LBB2_1-.Ltmp0, $4  }
0x10: {  	s22 =	simm.s32 $0x80;
	s23 =	simm.s32 $0x100;
	[dreg:$0x6] =	wrdreg s25  }
0x11: {  	s12 =	sadd.s32 s1, s13;
	s13 =	sadd.s32 s8, s13;
	s15 =	smax.u32 s0, $0x1  }
0x12: {  	s16 =	sadd.s32 s8, s26;
	s17 =	sadd.s32 s1, s26;
	s20 =	sshrl.u32 s20, $0x3  }
0x13: {  	s25 =	simm.s32 $0x50;
	s26 =	simm.s32 $0x200;
	s0 =	simm.s32 $0x4  }
.LBB2_7:
0x14: {  	[tilespmem:s28], [sflag:$0x2] =	stream.indirect.gather [hbm4b:s6+s25], $0x80, s23, s25, $0xb8;
	[tilespmem:$0x19200] =	vst v63  }
0x15: {  	s8 =	smov.u32 s6;
	s1 =	rddreg [dreg:$0x5]  }
.LBB2_8:
0x16: {  	_ =	swait.ge [sflag:s29], $0x2800  }
0x17: {  	[sflag:s29] =	ssyncset.done $0x0  }
0x18: {  	[sflag:s29] =	ssyncadd.s32 $0xFFFFD800  }
0x19: {  	[tilespmem:s3], [sflag:$0x3] =	stream.linear.gather [hbm4b:s17+s3], $0x50, $0x38;
	[tilespmem:$0x19200] =	vst v63  }
0x1a: {  	_ = 	snop  }
0x1b: {  	[spmem:s2] =	stream.indirect.scatter.add.f32 [tilespmem:s26], [sflag:$0x5], $0x80, s22, s25, $0xb8;
	[tilespmem:$0x19200] =	vst v63  }
0x1c: {  	_ =	swait.ge [sflag:s21], $0x2800  }
0x1d: {  	[sflag:s21] =	ssyncset.done $0x0  }
0x1e: {  	[sflag:s21] =	ssyncadd.s32 $0xFFFFD800  }
0x1f: {  	[tilespmem:s22], [sflag:$0x3] =	stream.linear.gather [hbm4b:s16+s3], $0x50, $0x38;
	[tilespmem:$0x19200] =	vst v63  }
0x20: {  	_ =	swait.ge [sflag:s30], $0x50  }
0x21: {  	[sflag:s30] =	ssyncset.done $0x0  }
0x22: {  	[sflag:s30] =	ssyncadd.s32 $0xFFFFFFB0  }
0x23: {  	_ =	swait.ge [sflag:s30], $0x50  }
0x24: {  	[sflag:s30] =	ssyncset.done $0x0  }
0x25: {  	[sflag:s30] =	ssyncadd.s32 $0xFFFFFFB0  }
0x26: {  	[tilespmem:s26], [sflag:$0x1] =	stream.indirect.gather [hbm4b:s8+s25], $0x80, s3, s25, $0xb8;
	[tilespmem:$0x19200] =	vst v63  }
0x27: {  	_ =	swait.ge [sflag:s31], $0x2800  }
0x28: {  	[sflag:s31] =	ssyncset.done $0x0  }
0x29: {  	[sflag:s31] =	ssyncadd.s32 $0xFFFFD800  }
0x2a: {  	[spmem:s2] =	stream.indirect.scatter.add.f32 [tilespmem:s28], [sflag:$0x5], $0x80, s24, s25, $0xb8;
	[tilespmem:$0x19200] =	vst v63  }
0x2b: {  	_ =	swait.ge [sflag:s21], $0x2800  }
0x2c: {  	[sflag:s21] =	ssyncset.done $0x0  }
0x2d: {  	[sflag:s21] =	ssyncadd.s32 $0xFFFFD800  }
0x2e: {  	_ =	swait.ge [sflag:s29], $0x2800  }
0x2f: {  	[sflag:s29] =	ssyncset.done $0x0  }
0x30: {  	[sflag:s29] =	ssyncadd.s32 $0xFFFFD800  }
0x31: {  	[spmem:s2] =	stream.indirect.scatter.add.f32 [tilespmem:s26], [sflag:$0x5], $0x80, s22, s25, $0xb8;
	[tilespmem:$0x19200] =	vst v63  }
0x32: {  	_ =	swait.ge [sflag:s21], $0x2800  }
0x33: {  	s5 =	sadd.s32 $0x1, s5;
	[sflag:s21] =	ssyncset.done $0x0  }
0x34: {  	p1 =	sne.s32 s5, s15;
	[sflag:s21] =	ssyncadd.s32 $0xFFFFD800  }
.Ltmp1:
0x35: {  	s1 =	sadd.s32 s1, s14;
	[bflag:$0x0] =	sbarrier.arrive $0xFFFF;
	(pc) =	sbr.rel @!p1 .LBB2_9-.Ltmp1, $4  }
0x36: {  	[hbm:s1], [sflag:s9] =	dma.local [spmem:s20], $0x2800  }
0x37: {  	_ =	swait.ge [sflag:s21], $0x2800  }
0x38: {  	[sflag:s21] =	ssyncset.done $0x0  }
0x39: {  	[sflag:s21] =	ssyncadd.s32 $0xFFFFD800  }
.LBB2_1:
0x3a: {  	s1 =	rddreg [dreg:$0x4]  }
0x3b: {  	[spmem:s20], [sflag:s9] =	dma.local [hbm:s1], $0x2800  }
0x3c: {  	_ =	swait.ge [sflag:s21], $0x2800  }
0x3d: {  	[sflag:s21] =	ssyncset.done $0x0  }
0x3e: {  	[sflag:s21] =	ssyncadd.s32 $0xFFFFD800  }
0x3f: {  	[bflag:$0x0] =	sbarrier.arrive $0xFFFF  }
0x40: {  	s10 =	rddreg [dreg:$0x6]  }
0x41: {  	[tilespmem:s3], [sflag:$0x5] =	stream.linear.gather [hbm4b:s10+s3], $0x50, $0x38;
	[tilespmem:$0x19200] =	vst v63  }
0x42: {  	_ =	swait.ge [sflag:s21], $0x50  }
0x43: {  	[sflag:s21] =	ssyncset.done $0x0  }
0x44: {  	[sflag:s21] =	ssyncadd.s32 $0xFFFFFFB0  }
0x45: {  	[tilespmem:s22], [sflag:$0x5] =	stream.linear.gather [hbm4b:s11+s3], $0x50, $0x38;
	[tilespmem:$0x19200] =	vst v63  }
0x46: {  	_ =	swait.ge [sflag:s21], $0x50  }
0x47: {  	[sflag:s21] =	ssyncset.done $0x0  }
0x48: {  	[sflag:s21] =	ssyncadd.s32 $0xFFFFFFB0  }
0x49: {  	[tilespmem:s23], [sflag:$0x5] =	stream.linear.gather [hbm4b:s12+s3], $0x50, $0x38;
	[tilespmem:$0x19200] =	vst v63  }
0x4a: {  	_ =	swait.ge [sflag:s21], $0x50  }
0x4b: {  	[sflag:s21] =	ssyncset.done $0x0  }
.Ltmp2:
0x4c: {  	[sflag:s21] =	ssyncadd.s32 $0xFFFFFFB0;
	(pc) =	sbr.rel @p0 .LBB2_5-.Ltmp2, $4  }
0x4d: {  	[tilespmem:s24], [sflag:$0x5] =	stream.linear.gather [hbm4b:s13+s3], $0x50, $0x38;
	[tilespmem:$0x19200] =	vst v63  }
0x4e: {  	_ =	swait.ge [sflag:s21], $0x50  }
0x4f: {  	[sflag:s21] =	ssyncset.done $0x0  }
0x50: {  	[sflag:s21] =	ssyncadd.s32 $0xFFFFFFB0  }
0x51: {  	[tilespmem:s26], [sflag:$0x1] =	stream.indirect.gather [hbm4b:s4+s25], $0x80, s3, s25, $0xb8;
	[tilespmem:$0x19200] =	vst v63  }
0x52: {  	_ = 	snop  }
0x53: {  	[tilespmem:s28], [sflag:$0x2] =	stream.indirect.gather [hbm4b:s4+s25], $0x80, s23, s25, $0xb8;
	[tilespmem:$0x19200] =	vst v63  }
0x54: {  	_ =	swait.ge [sflag:s29], $0x2800  }
0x55: {  	s1 =	sadd.s32 $0xFFFFFB3C, s19;
	[sflag:s29] =	ssyncset.done $0x0  }
0x56: {  	s8 =	sadd.s32 $0x4D8, s1;
	[sflag:s29] =	ssyncadd.s32 $0xFFFFD800  }
0x57: {  	[tilespmem:s3], [sflag:$0x3] =	stream.linear.gather [hbm4b:s8+s3], $0x50, $0x38;
	[tilespmem:$0x19200] =	vst v63  }
0x58: {  	_ = 	snop  }
0x59: {  	[spmem:s2] =	stream.indirect.scatter.add.f32 [tilespmem:s26], [sflag:$0x5], $0x80, s22, s25, $0xb8;
	[tilespmem:$0x19200] =	vst v63  }
0x5a: {  	_ =	swait.ge [sflag:s21], $0x2800  }
0x5b: {  	s10 =	sadd.s32 $0xFFFFFB3C, s18;
	[sflag:s21] =	ssyncset.done $0x0  }
0x5c: {  	s7 =	sadd.s32 $0x4D8, s10;
	[sflag:s21] =	ssyncadd.s32 $0xFFFFD800  }
0x5d: {  	[tilespmem:s22], [sflag:$0x3] =	stream.linear.gather [hbm4b:s7+s3], $0x50, $0x38;
	[tilespmem:$0x19200] =	vst v63  }
0x5e: {  	_ =	swait.ge [sflag:s30], $0x50  }
0x5f: {  	[sflag:s30] =	ssyncset.done $0x0  }
0x60: {  	[sflag:s30] =	ssyncadd.s32 $0xFFFFFFB0  }
0x61: {  	_ =	swait.ge [sflag:s30], $0x50  }
0x62: {  	[sflag:s30] =	ssyncset.done $0x0  }
0x63: {  	[sflag:s30] =	ssyncadd.s32 $0xFFFFFFB0  }
0x64: {  	[tilespmem:s26], [sflag:$0x1] =	stream.indirect.gather [hbm4b:s4+s25], $0x80, s3, s25, $0xb8;
	[tilespmem:$0x19200] =	vst v63  }
0x65: {  	_ =	swait.ge [sflag:s31], $0x2800  }
0x66: {  	[sflag:s31] =	ssyncset.done $0x0  }
0x67: {  	s1 =	sadd.s32 $0x4E2, s1;
	[sflag:s31] =	ssyncadd.s32 $0xFFFFD800  }
0x68: {  	[tilespmem:s23], [sflag:$0x4] =	stream.linear.gather [hbm4b:s1+s3], $0x50, $0x38;
	[tilespmem:$0x19200] =	vst v63  }
0x69: {  	_ = 	snop  }
0x6a: {  	[spmem:s2] =	stream.indirect.scatter.add.f32 [tilespmem:s28], [sflag:$0x5], $0x80, s24, s25, $0xb8;
	[tilespmem:$0x19200] =	vst v63  }
0x6b: {  	_ =	swait.ge [sflag:s21], $0x2800  }
0x6c: {  	[sflag:s21] =	ssyncset.done $0x0  }
0x6d: {  	s10 =	sadd.s32 $0x4E2, s10;
	[sflag:s21] =	ssyncadd.s32 $0xFFFFD800  }
0x6e: {  	[tilespmem:s24], [sflag:$0x4] =	stream.linear.gather [hbm4b:s10+s3], $0x50, $0x38;
	[tilespmem:$0x19200] =	vst v63  }
0x6f: {  	_ =	swait.ge [sflag:s0], $0x50  }
0x70: {  	[sflag:s0] =	ssyncset.done $0x0  }
0x71: {  	[sflag:s0] =	ssyncadd.s32 $0xFFFFFFB0  }
0x72: {  	_ =	swait.ge [sflag:s0], $0x50  }
0x73: {  	[sflag:s0] =	ssyncset.done $0x0  }
0x74: {  	s1 =	simm.s32 $0xFFFFFB50;
	[sflag:s0] =	ssyncadd.s32 $0xFFFFFFB0  }
.LBB2_3:
0x75: {  	[tilespmem:s28], [sflag:$0x2] =	stream.indirect.gather [hbm4b:s4+s25], $0x80, s23, s25, $0xb8;
	[tilespmem:$0x19200] =	vst v63  }
0x76: {  	s7 =	smov.u32 s1  }
0x77: {  	p1 =	seq.s32 s1, $0xFFFFFFEC;
	s1 =	sadd.s32 $0x14, s1;
	_ =	swait.ge [sflag:s29], $0x2800  }
0x78: {  	s8 =	sadd.s32 s7, s19;
	[sflag:s29] =	ssyncset.done $0x0  }
0x79: {  	s10 =	sadd.s32 $0x4D8, s8;
	[sflag:s29] =	ssyncadd.s32 $0xFFFFD800  }
0x7a: {  	[tilespmem:s3], [sflag:$0x3] =	stream.linear.gather [hbm4b:s10+s3], $0x50, $0x38;
	[tilespmem:$0x19200] =	vst v63  }
0x7b: {  	_ = 	snop  }
0x7c: {  	[spmem:s2] =	stream.indirect.scatter.add.f32 [tilespmem:s26], [sflag:$0x5], $0x80, s22, s25, $0xb8;
	[tilespmem:$0x19200] =	vst v63  }
0x7d: {  	_ =	swait.ge [sflag:s21], $0x2800  }
0x7e: {  	s7 =	sadd.s32 s7, s18;
	[sflag:s21] =	ssyncset.done $0x0  }
0x7f: {  	s10 =	sadd.s32 $0x4D8, s7;
	[sflag:s21] =	ssyncadd.s32 $0xFFFFD800  }
0x80: {  	[tilespmem:s22], [sflag:$0x3] =	stream.linear.gather [hbm4b:s10+s3], $0x50, $0x38;
	[tilespmem:$0x19200] =	vst v63  }
0x81: {  	_ =	swait.ge [sflag:s30], $0x50  }
0x82: {  	[sflag:s30] =	ssyncset.done $0x0  }
0x83: {  	[sflag:s30] =	ssyncadd.s32 $0xFFFFFFB0  }
0x84: {  	_ =	swait.ge [sflag:s30], $0x50  }
0x85: {  	[sflag:s30] =	ssyncset.done $0x0  }
0x86: {  	[sflag:s30] =	ssyncadd.s32 $0xFFFFFFB0  }
0x87: {  	[tilespmem:s26], [sflag:$0x1] =	stream.indirect.gather [hbm4b:s4+s25], $0x80, s3, s25, $0xb8;
	[tilespmem:$0x19200] =	vst v63  }
0x88: {  	_ =	swait.ge [sflag:s31], $0x2800  }
0x89: {  	[sflag:s31] =	ssyncset.done $0x0  }
0x8a: {  	s8 =	sadd.s32 $0x4E2, s8;
	[sflag:s31] =	ssyncadd.s32 $0xFFFFD800  }
0x8b: {  	[tilespmem:s23], [sflag:$0x4] =	stream.linear.gather [hbm4b:s8+s3], $0x50, $0x38;
	[tilespmem:$0x19200] =	vst v63  }
0x8c: {  	_ = 	snop  }
0x8d: {  	[spmem:s2] =	stream.indirect.scatter.add.f32 [tilespmem:s28], [sflag:$0x5], $0x80, s24, s25, $0xb8;
	[tilespmem:$0x19200] =	vst v63  }
0x8e: {  	_ =	swait.ge [sflag:s21], $0x2800  }
0x8f: {  	[sflag:s21] =	ssyncset.done $0x0  }
0x90: {  	s7 =	sadd.s32 $0x4E2, s7;
	[sflag:s21] =	ssyncadd.s32 $0xFFFFD800  }
0x91: {  	[tilespmem:s24], [sflag:$0x4] =	stream.linear.gather [hbm4b:s7+s3], $0x50, $0x38;
	[tilespmem:$0x19200] =	vst v63  }
0x92: {  	_ =	swait.ge [sflag:s0], $0x50  }
.Ltmp3:
0x93: {  	[sflag:s0] =	ssyncset.done $0x0;
	(pc) =	sbr.rel @!p1 .LBB2_3-.Ltmp3, $4  }
0x94: {  	[sflag:s0] =	ssyncadd.s32 $0xFFFFFFB0  }
0x95: {  	_ =	swait.ge [sflag:s0], $0x50  }
0x96: {  	[sflag:s0] =	ssyncset.done $0x0  }
0x97: {  	[sflag:s0] =	ssyncadd.s32 $0xFFFFFFB0  }
.Ltmp4:
0x98: {  	(pc) =	sbr.rel .LBB2_8-.Ltmp4, $3  }
0x99: {  	_ =	sdelay $0x1  }
0x9a: {  	[tilespmem:s28], [sflag:$0x2] =	stream.indirect.gather [hbm4b:s4+s25], $0x80, s23, s25, $0xb8;
	[tilespmem:$0x19200] =	vst v63  }
0x9b: {  	s8 =	smov.u32 s4;
	s1 =	rddreg [dreg:$0x1]  }
.LBB2_5:
0x9c: {  	[tilespmem:s26], [sflag:$0x1] =	stream.indirect.gather [hbm4b:s6+s25], $0x80, s3, s25, $0xb8;
	[tilespmem:$0x19200] =	vst v63  }
0x9d: {  	_ = 	snop  }
0x9e: {  	[tilespmem:s28], [sflag:$0x2] =	stream.indirect.gather [hbm4b:s6+s25], $0x80, s23, s25, $0xb8;
	[tilespmem:$0x19200] =	vst v63  }
0x9f: {  	_ =	swait.ge [sflag:s29], $0x2800  }
0xa0: {  	s1 =	sadd.s32 $0xFFFFFB3C, s19;
	[sflag:s29] =	ssyncset.done $0x0  }
0xa1: {  	s7 =	sadd.s32 $0x4D8, s1;
	[sflag:s29] =	ssyncadd.s32 $0xFFFFD800  }
0xa2: {  	[tilespmem:s3], [sflag:$0x3] =	stream.linear.gather [hbm4b:s7+s3], $0x50, $0x38;
	[tilespmem:$0x19200] =	vst v63  }
0xa3: {  	_ = 	snop  }
0xa4: {  	[spmem:s2] =	stream.indirect.scatter.add.f32 [tilespmem:s26], [sflag:$0x5], $0x80, s22, s25, $0xb8;
	[tilespmem:$0x19200] =	vst v63  }
0xa5: {  	_ =	swait.ge [sflag:s21], $0x2800  }
0xa6: {  	s10 =	sadd.s32 $0xFFFFFB3C, s18;
	[sflag:s21] =	ssyncset.done $0x0  }
0xa7: {  	s8 =	sadd.s32 $0x4D8, s10;
	[sflag:s21] =	ssyncadd.s32 $0xFFFFD800  }
0xa8: {  	[tilespmem:s22], [sflag:$0x3] =	stream.linear.gather [hbm4b:s8+s3], $0x50, $0x38;
	[tilespmem:$0x19200] =	vst v63  }
0xa9: {  	_ =	swait.ge [sflag:s30], $0x50  }
0xaa: {  	[sflag:s30] =	ssyncset.done $0x0  }
0xab: {  	[sflag:s30] =	ssyncadd.s32 $0xFFFFFFB0  }
0xac: {  	_ =	swait.ge [sflag:s30], $0x50  }
0xad: {  	[sflag:s30] =	ssyncset.done $0x0  }
0xae: {  	[sflag:s30] =	ssyncadd.s32 $0xFFFFFFB0  }
0xaf: {  	[tilespmem:s26], [sflag:$0x1] =	stream.indirect.gather [hbm4b:s6+s25], $0x80, s3, s25, $0xb8;
	[tilespmem:$0x19200] =	vst v63  }
0xb0: {  	_ =	swait.ge [sflag:s31], $0x2800  }
0xb1: {  	[sflag:s31] =	ssyncset.done $0x0  }
0xb2: {  	s1 =	sadd.s32 $0x4E2, s1;
	[sflag:s31] =	ssyncadd.s32 $0xFFFFD800  }
0xb3: {  	[tilespmem:s23], [sflag:$0x4] =	stream.linear.gather [hbm4b:s1+s3], $0x50, $0x38;
	[tilespmem:$0x19200] =	vst v63  }
0xb4: {  	_ = 	snop  }
0xb5: {  	[spmem:s2] =	stream.indirect.scatter.add.f32 [tilespmem:s28], [sflag:$0x5], $0x80, s24, s25, $0xb8;
	[tilespmem:$0x19200] =	vst v63  }
0xb6: {  	_ =	swait.ge [sflag:s21], $0x2800  }
0xb7: {  	[sflag:s21] =	ssyncset.done $0x0  }
0xb8: {  	s10 =	sadd.s32 $0x4E2, s10;
	[sflag:s21] =	ssyncadd.s32 $0xFFFFD800  }
0xb9: {  	[tilespmem:s24], [sflag:$0x4] =	stream.linear.gather [hbm4b:s10+s3], $0x50, $0x38;
	[tilespmem:$0x19200] =	vst v63  }
0xba: {  	_ =	swait.ge [sflag:s0], $0x50  }
0xbb: {  	[sflag:s0] =	ssyncset.done $0x0  }
0xbc: {  	[sflag:s0] =	ssyncadd.s32 $0xFFFFFFB0  }
0xbd: {  	_ =	swait.ge [sflag:s0], $0x50  }
0xbe: {  	[sflag:s0] =	ssyncset.done $0x0  }
0xbf: {  	s1 =	simm.s32 $0xFFFFFB50;
	[sflag:s0] =	ssyncadd.s32 $0xFFFFFFB0  }
.LBB2_6:
0xc0: {  	[tilespmem:s28], [sflag:$0x2] =	stream.indirect.gather [hbm4b:s6+s25], $0x80, s23, s25, $0xb8;
	[tilespmem:$0x19200] =	vst v63  }
0xc1: {  	s7 =	smov.u32 s1  }
0xc2: {  	p1 =	sne.s32 s1, $0xFFFFFFEC;
	s1 =	sadd.s32 $0x14, s1;
	_ =	swait.ge [sflag:s29], $0x2800  }
0xc3: {  	s8 =	sadd.s32 s7, s19;
	[sflag:s29] =	ssyncset.done $0x0  }
0xc4: {  	s10 =	sadd.s32 $0x4D8, s8;
	[sflag:s29] =	ssyncadd.s32 $0xFFFFD800  }
0xc5: {  	[tilespmem:s3], [sflag:$0x3] =	stream.linear.gather [hbm4b:s10+s3], $0x50, $0x38;
	[tilespmem:$0x19200] =	vst v63  }
0xc6: {  	_ = 	snop  }
0xc7: {  	[spmem:s2] =	stream.indirect.scatter.add.f32 [tilespmem:s26], [sflag:$0x5], $0x80, s22, s25, $0xb8;
	[tilespmem:$0x19200] =	vst v63  }
0xc8: {  	_ =	swait.ge [sflag:s21], $0x2800  }
0xc9: {  	s7 =	sadd.s32 s7, s18;
	[sflag:s21] =	ssyncset.done $0x0  }
0xca: {  	s10 =	sadd.s32 $0x4D8, s7;
	[sflag:s21] =	ssyncadd.s32 $0xFFFFD800  }
0xcb: {  	[tilespmem:s22], [sflag:$0x3] =	stream.linear.gather [hbm4b:s10+s3], $0x50, $0x38;
	[tilespmem:$0x19200] =	vst v63  }
0xcc: {  	_ =	swait.ge [sflag:s30], $0x50  }
0xcd: {  	[sflag:s30] =	ssyncset.done $0x0  }
0xce: {  	[sflag:s30] =	ssyncadd.s32 $0xFFFFFFB0  }
0xcf: {  	_ =	swait.ge [sflag:s30], $0x50  }
0xd0: {  	[sflag:s30] =	ssyncset.done $0x0  }
0xd1: {  	[sflag:s30] =	ssyncadd.s32 $0xFFFFFFB0  }
0xd2: {  	[tilespmem:s26], [sflag:$0x1] =	stream.indirect.gather [hbm4b:s6+s25], $0x80, s3, s25, $0xb8;
	[tilespmem:$0x19200] =	vst v63  }
0xd3: {  	_ =	swait.ge [sflag:s31], $0x2800  }
0xd4: {  	[sflag:s31] =	ssyncset.done $0x0  }
0xd5: {  	s8 =	sadd.s32 $0x4E2, s8;
	[sflag:s31] =	ssyncadd.s32 $0xFFFFD800  }
0xd6: {  	[tilespmem:s23], [sflag:$0x4] =	stream.linear.gather [hbm4b:s8+s3], $0x50, $0x38;
	[tilespmem:$0x19200] =	vst v63  }
0xd7: {  	_ = 	snop  }
0xd8: {  	[spmem:s2] =	stream.indirect.scatter.add.f32 [tilespmem:s28], [sflag:$0x5], $0x80, s24, s25, $0xb8;
	[tilespmem:$0x19200] =	vst v63  }
0xd9: {  	_ =	swait.ge [sflag:s21], $0x2800  }
0xda: {  	[sflag:s21] =	ssyncset.done $0x0  }
0xdb: {  	s7 =	sadd.s32 $0x4E2, s7;
	[sflag:s21] =	ssyncadd.s32 $0xFFFFD800  }
0xdc: {  	[tilespmem:s24], [sflag:$0x4] =	stream.linear.gather [hbm4b:s7+s3], $0x50, $0x38;
	[tilespmem:$0x19200] =	vst v63  }
0xdd: {  	_ =	swait.ge [sflag:s0], $0x50  }
.Ltmp5:
0xde: {  	[sflag:s0] =	ssyncset.done $0x0;
	(pc) =	sbr.rel @p1 .LBB2_6-.Ltmp5, $4  }
0xdf: {  	[sflag:s0] =	ssyncadd.s32 $0xFFFFFFB0  }
0xe0: {  	_ =	swait.ge [sflag:s0], $0x50  }
0xe1: {  	[sflag:s0] =	ssyncset.done $0x0  }
0xe2: {  	[sflag:s0] =	ssyncadd.s32 $0xFFFFFFB0  }
.Ltmp6:
0xe3: {  	_ = 	snop;
	(pc) =	sbr.rel .LBB2_7-.Ltmp6, $1  }
0xe4: {  	_ =	sdelay $0x3  }
.LBB2_9:
0xe5: {  	_ =	sfence.sel $0x180000  }
0xe6: {  	[bflag:$0x0] =	sbarrier.arrive $0xFFFF  }
0xe7: {  	_ =	strace $0x9000004D  }
0xe8: {  	s0 =	stileid.u32;
	[bflag:$0x2] =	sbarrier.arrive $0xFFFF  }
0xe9: {  	p0 =	sne.s32 s0, $0x0;
	s0 =	rddreg [dreg:$0x3]  }
0xea: {  	s0 =	sadd.s32 @!p0 $0x100000, s0  }
0xeb: {  	[sflag:s0] =	ssyncadd.tile.s32 @!p0 $0x1;
	_ =	shalt  }
.Lfunc_end2:
_tile_overlayer_lowered:
.L_overlay_start_2:
0xec: {  	(tag) =	ssettag $0x2  }
0xed: {  	s0 =	rddreg [dreg:$0x0];
	s2 =	stileid.u32  }
0xee: {  	s1 =	rddreg [dreg:$0x1];
	p0 =	sne.s32 s2, $0x0  }
0xef: {  	s3 =	rddreg [dreg:$0x2];
	[bflag:$0x3] =	sbarrier.arrive $0xFFFF;
	s2 =	simm.s32 @!p0 $0x1C05  }
0xf0: {  	[timem:s3], [sflag:s2] =	dma.local @!p0 [hbm:s0], s1  }
0xf1: {  	s0 =	simm.s32 @!p0 $0x5  }
0xf2: {  	_ =	swait.ge @!p0 [sflag:s0], s1  }
0xf3: {  	s1 =	ssub.s32 @!p0 $0x0, s1;
	[sflag:s0] =	ssyncset.done @!p0 $0x0  }
0xf4: {  	[sflag:s0] =	ssyncadd.s32 @!p0 s1  }
0xf5: {  	[bflag:$0x3] =	sbarrier.arrive $0xFFFF  }
0xf6: {  	_ =	shalt  }

// kernel: kernel.19.cloned.1.call-start
scs
__scs_entry_jumppad:
0x0: {  	(pc) =	sbr.rel $0x88, $3  }
0x1: {  	(tag) =	ssettag $0x0;
	lr =	simm.s32 $0x1  }
0x2: {  	[smem:$0x3F94] =	sst lr;
	_ =	strace $0xD0000000  }
0x3: {  	_ = 	snop  }
0x4: {  	_ = 	snop  }
0x5: {  	_ = 	snop  }
0x6: {  	_ = 	snop  }
0x7: {  	_ = 	snop  }
__scs_overlays_trampoline_lowered:
0x8: {  	[smem:$0x3FA3] =	sst s0  }
0x9: {  	[smem:$0x3FA4] =	sst s1  }
0xa: {  	[smem:$0x3FA5] =	sst s2  }
0xb: {  	[smem:$0x3FA6] =	sst s3  }
0xc: {  	[smem:$0x3FA7] =	sst s4  }
0xd: {  	[smem:$0x3FA8] =	sst s5  }
0xe: {  	[smem:$0x3FA9] =	sst s6  }
0xf: {  	[smem:$0x3FAA] =	sst s7  }
0x10: {  	[smem:$0x3FAB] =	sst s8  }
0x11: {  	[smem:$0x3FAC] =	sst s9;
	s0 =	simm.s32 @!p0 $0x0  }
0x12: {  	s1 =	sld [smem:$0x3F92];
	s0 =	simm.s32 @p0 $0x1  }
0x13: {  	[smem:$0x3FAD] =	sst s0;
	s0 =	simm.s32 @!p1 $0x0  }
0x14: {  	s2 =	sld [smem:$0x3F91];
	s0 =	simm.s32 @p1 $0x1  }
0x15: {  	[smem:$0x3FAE] =	sst s0;
	s0 =	simm.s32 @!p2 $0x0  }
0x16: {  	s3 =	sld [smem:$0x3FDB];
	s0 =	simm.s32 @p2 $0x1  }
0x17: {  	s4 =	simm.s32 $0x1BF5;
	[smem:$0x3FB0] =	sst s0  }
0x18: {  	s0 =	sld [smem:$0x3F93];
	_ =	swait.ge [sflag:s4], $0x0  }
0x19: {  	s7 =	sld [smem:$0x3F94]  }
0x1a: {  	s8 =	sadd.s32 $0xFFFFE003, lr  }
0x1b: {  	s9 =	sadd.s32 $0xFFFFFEF7, lr;
	s5 =	simm.s32 $0xFFFFFFFF;
	p2 =	slt.u32 s8, $0xFFFFF086  }
0x1c: {  	p1 =	slt.u32 s9, $0xF7A;
	s5 =	simm.s32 @!p2 $0x0  }
0x1d: {  	s5 =	simm.s32 @p1 $0x1;
	p0 =	seq.s32 s7, s2  }
0x1e: {  	s7 =	smul.u32 @!p0 $0xF7A, s2;
	p2 =	seq.s32 @!p0 s5, $0x0  }
0x1f: {  	s9 =	smul.u32 $0xF7A, s1;
	s8 =	simm.s32 @!p0 $0x1BF5;
	p2 =	por !p2, p0  }
0x20: {  	[sflag:s8] =	ssyncset.s32 @!p0 $0xFFFFF086;
	s6 =	sadd.s32 @!p0 s3, s7;
	s7 =	simm.s32 @!p0 $0x108  }
0x21: {  	s3 =	sadd.s32 s3, s9;
	s6 =	sadd.s32 @!p0 $0x88, s6;
	s7 =	simm.s32 @p2 $0x1082  }
0x22: {  	[simem:s7], [sflag:s8] =	dma.local @!p0 [hbm:s6], $0xF7A  }
0x23: {  	s9 =	sor.u32 $0xD0000000, s2;
	s6 =	simm.s32 $0x108;
	_ =	swait.ge @!p0 [sflag:s8], $0x0  }
0x24: {  	s3 =	sadd.s32 $0x88, s3;
	s6 =	simm.s32 @!p1 $0x1082;
	[sflag:s4] =	ssyncset.s32 $0xFFFFF086  }
0x25: {  	[simem:s6], [sflag:s4] =	dma.local [hbm:s3], $0xF7A  }
0x26: {  	[smem:$0x3F94] =	sst s1;
	(tag) =	ssettag s2;
	_ =	strace s9  }
0x27: {  	s1 =	sld [smem:$0x3FA4]  }
0x28: {  	s2 =	sld [smem:$0x3FA5]  }
0x29: {  	s4 =	sld [smem:$0x3FA7]  }
0x2a: {  	p0 =	seq.s32 s5, $0x0;
	s5 =	sld [smem:$0x3FA8]  }
0x2b: {  	s6 =	sld [smem:$0x3FA9]  }
0x2c: {  	s7 =	sld [smem:$0x3FAA]  }
0x2d: {  	s3 =	simm.s32 $0x108;
	s8 =	sld [smem:$0x3FAB]  }
0x2e: {  	s3 =	simm.s32 @!p0 $0x1082;
	s9 =	sld [smem:$0x3FAC]  }
0x2f: {  	lr =	sadd.s32 s0, s3;
	s0 =	sld [smem:$0x3FA3]  }
0x30: {  	s3 =	sld [smem:$0x3FA6]  }
0x31: {  	[smem:$0x3FAF] =	sst s10  }
0x32: {  	s10 =	sld [smem:$0x3FAD];
	_ =	sdelay $0x3  }
0x33: {  	p0 =	seq.s32 s10, $0x1;
	s10 =	sld [smem:$0x3FAF];
	_ =	sdelay $0x3  }
0x34: {  	[smem:$0x3FAF] =	sst s10  }
0x35: {  	s10 =	sld [smem:$0x3FAE];
	_ =	sdelay $0x3  }
0x36: {  	p1 =	seq.s32 s10, $0x1;
	s10 =	sld [smem:$0x3FAF];
	_ =	sdelay $0x3  }
0x37: {  	[smem:$0x3FAF] =	sst s10  }
0x38: {  	s10 =	sld [smem:$0x3FB0]  }
0x39: {  	_ = 	snop;
	(pc) =	sbr.ind lr, $3  }
0x3a: {  	_ = 	snop  }
0x3b: {  	_ = 	snop  }
0x3c: {  	p2 =	seq.s32 s10, $0x1;
	s10 =	sld [smem:$0x3FAF]  }
0x3d: {  	_ =	shalt  }
0x3e: {  	_ =	shalt  }
0x3f: {  	_ =	shalt  }
0x40: {  	_ =	shalt  }
0x41: {  	_ =	shalt  }
0x42: {  	_ =	shalt  }
0x43: {  	_ =	shalt  }
0x44: {  	_ =	shalt  }
0x45: {  	_ =	shalt  }
0x46: {  	_ =	shalt  }
0x47: {  	_ =	shalt  }
0x48: {  	_ =	shalt  }
0x49: {  	_ =	shalt  }
0x4a: {  	_ =	shalt  }
0x4b: {  	_ =	shalt  }
0x4c: {  	_ =	shalt  }
0x4d: {  	_ =	shalt  }
0x4e: {  	_ =	shalt  }
0x4f: {  	_ =	shalt  }
0x50: {  	_ =	shalt  }
0x51: {  	_ =	shalt  }
0x52: {  	_ =	shalt  }
0x53: {  	_ =	shalt  }
0x54: {  	_ =	shalt  }
0x55: {  	_ =	shalt  }
0x56: {  	_ =	shalt  }
0x57: {  	_ =	shalt  }
0x58: {  	_ =	shalt  }
0x59: {  	_ =	shalt  }
0x5a: {  	_ =	shalt  }
0x5b: {  	_ =	shalt  }
0x5c: {  	_ =	shalt  }
0x5d: {  	_ =	shalt  }
0x5e: {  	_ =	shalt  }
0x5f: {  	_ =	shalt  }
0x60: {  	_ =	shalt  }
0x61: {  	_ =	shalt  }
0x62: {  	_ =	shalt  }
0x63: {  	_ =	shalt  }
0x64: {  	_ =	shalt  }
0x65: {  	_ =	shalt  }
0x66: {  	_ =	shalt  }
0x67: {  	_ =	shalt  }
0x68: {  	_ =	shalt  }
0x69: {  	_ =	shalt  }
0x6a: {  	_ =	shalt  }
0x6b: {  	_ =	shalt  }
0x6c: {  	_ =	shalt  }
0x6d: {  	_ =	shalt  }
0x6e: {  	_ =	shalt  }
0x6f: {  	_ =	shalt  }
0x70: {  	_ =	shalt  }
0x71: {  	_ =	shalt  }
0x72: {  	_ =	shalt  }
0x73: {  	_ =	shalt  }
0x74: {  	_ =	shalt  }
0x75: {  	_ =	shalt  }
0x76: {  	_ =	shalt  }
0x77: {  	_ =	shalt  }
0x78: {  	_ =	shalt  }
0x79: {  	_ =	shalt  }
0x7a: {  	_ =	shalt  }
0x7b: {  	_ =	shalt  }
0x7c: {  	_ =	shalt  }
0x7d: {  	_ =	shalt  }
0x7e: {  	_ =	shalt  }
0x7f: {  	_ =	shalt  }
0x80: {  	_ =	shalt  }
0x81: {  	_ =	shalt  }
0x82: {  	_ =	shalt  }
0x83: {  	_ =	shalt  }
0x84: {  	_ =	shalt  }
0x85: {  	_ =	shalt  }
0x86: {  	_ =	shalt  }
0x87: {  	_ =	shalt  }
.Lfunc_end0:
.L_simem_size_0:
called_computation.3_lowered:
.L_overlay_start_0:
0x88: {  	s2 =	sld [smem:$0x3FD9]  }
0x89: {  	s3 =	sld [smem:$0x3FFE];
	_ =	sdelay $0x1  }
0x8a: {  	s1 =	srdreg.scid  }
0x8b: {  	s0 =	sand.u32 $0x1, s1  }
0x8c: {  	s17 =	sshll.u32 s0, $0xA;
	s2 =	sadd.s32 s3, s2  }
0x8d: {  	s2 =	sadd.s32 s2, s17  }
0x8e: {  	[smem:$0x3FBB] =	sst s2  }
0x8f: {  	_ = 	snop  }
0x90: {  	s2 =	sld [smem:$0x3FD0];
	(tm) =	ssettm $0x1  }
0x91: {  	s18 =	sld [smem:$0x3FFB];
	_ =	sdelay $0x3  }
0x92: {  	_ =	strace s18  }
0x93: {  	s3 =	sld [smem:$0x3FFC];
	_ =	sdelay $0x3  }
0x94: {  	_ =	strace s3  }
0x95: {  	s3 =	sld [smem:$0x3FFD];
	_ =	sdelay $0x3  }
0x96: {  	_ =	strace s3  }
0x97: {  	_ =	strace $0x8FFFFFFF  }
0x98: {  	s19 =	sld [smem:$0x3FDB];
	_ =	sdelay $0x1  }
0x99: {  	s4 =	simm.s32 $_scs_section_size  }
0x9a: {  	s5 =	simm.s32 $_size__tile_overlayer_lowered;
	s6 =	simm.s32 $_tile_overlayer_lowered  }
0x9b: {  	s22 =	simm.s32 $0x1BFF;
	s21 =	sshll.u32 s6, $0x1;
	s3 =	sadd.s32 s4, s19  }
0x9c: {  	s7 =	simm.s32 $0x0;
	s20 =	sshll.u32 s5, $0x1;
	s5 =	sadd.s32 s21, s3  }
0x9d: {  	[timem:s7], [sflag:s22] =	dma.local [hbm:s5], s20  }
0x9e: {  	_ =	swait.ge [sflag:s22], s20  }
0x9f: {  	s4 =	ssub.s32 $0x0, s20;
	[sflag:s22] =	ssyncset.done $0x0  }
0xa0: {  	[sflag:s22] =	ssyncadd.s32 s4;
	_ =	sdelay $0x1  }
0xa1: {  	s23 =	simm.s32 $0x1B8B  }
0xa2: {  	_ =	swait.ge [sflag:s23], $0x1  }
0xa3: {  	[sflag:s23] =	ssyncset.done $0x0  }
0xa4: {  	s25 =	simm.s32 $0x1B8E;
	s24 =	sld [smem:$0x3FFE];
	[sflag:s23] =	ssyncadd.s32 $0xFFFFFFFF  }
0xa5: {  	s26 =	simm.s32 $execute0_lowered;
	[smem:$0x3FD2] =	sst s25  }
0xa6: {  	s5 =	sshll.u32 s26, $0x1;
	_ =	strace $0x8000004F;
	[dreg:$0x1] =	wrdreg $0xFFFFFFFF  }
0xa7: {  	s28 =	simm.s32 $_size_execute0_lowered;
	s3 =	sadd.s32 s3, s5;
	[dreg:$0x0] =	wrdreg $0x0  }
0xa8: {  	s5 =	sshll.u32 s28, $0x1;
	[dreg:$0x2] =	wrdreg s3  }
0xa9: {  	[dreg:$0x3] =	wrdreg s5  }
0xaa: {  	[dreg:$0x4] =	wrdreg $0xC0  }
0xab: {  	_ =	task [dreg:s7], $0x5FFFF  }
0xac: {  	[dreg:$0x1] =	wrdreg $0xFFFFFFFF  }
0xad: {  	[dreg:$0x0] =	wrdreg $0x60  }
0xae: {  	[dreg:$0x2] =	wrdreg s2  }
0xaf: {  	[dreg:$0x3] =	wrdreg s24  }
0xb0: {  	[dreg:$0x4] =	wrdreg $0x52000  }
0xb1: {  	[dreg:$0x5] =	wrdreg $0x9  }
0xb2: {  	_ =	task.clear_ibuf [dreg:s7], $0x6FFFF;
	_ =	strace $0x9000004F  }
0xb3: {  	s29 =	simm.s32 $0x9;
	_ =	strace $0x80000051  }
0xb4: {  	_ =	swait.ge [sflag:s29], $0x1  }
0xb5: {  	[sflag:s29] =	ssyncadd.s32 $0xFFFFFFFF  }
0xb6: {  	_ =	strace $0x90000051  }
0xb7: {  	_ =	sfence  }
0xb8: {  	s30 =	sld [smem:$0x0];
	_ =	sdelay $0x2  }
0xb9: {  	s31 =	sshll.u32 s1, $0xD;
	s1 =	sshrl.u32 s1, $0x2  }
0xba: {  	s3 =	sand.u32 $0x4000, s31;
	s1 =	sadd.s32 s1, s30  }
0xbb: {  	s0 =	sor.u32 s3, s0;
	s1 =	sshll.u32 s1, $0x11  }
0xbc: {  	s0 =	sor.u32 s1, s0  }
0xbd: {  	s0 =	sadd.s32 $0x8F2B, s0  }
0xbe: {  	[sflag:s0] =	ssyncadd.remote.s32 $0x1  }
0xbf: {  	_ =	sfence.sel $0xFFFF  }
0xc0: {  	[dreg:$0x0] =	wrdreg $0xFFFFFFFF;
	(pc) =	sbr.abs _section_cstart, $3  }
0xc1: {  	[dreg:$0x1] =	wrdreg $0xFFFFFFFF  }
0xc2: {  	_ =	task.clear_ibuf [dreg:s7], $0x2FFFF;
	_ =	strace $0x9FFFFFFF  }
0xc3: {  	(tm) =	ssettm $0x7FFFFFFF  }
tec
execute0_lowered:
.L_overlay_start_1:
0x0: {  	(tag) =	ssettag $0x1  }
0x1: {  	s1 =	rddreg [dreg:$0x0]  }
0x2: {  	s0 =	rddreg [dreg:$0x1]  }
0x3: {  	s2 =	rddreg [dreg:$0x2]  }
0x4: {  	s3 =	simm.s32 $0x0;
	s8 =	srdreg.scid;
	s18 =	stileid.u32  }
0x5: {  	s28 =	simm.s32 $0x2A00;
	s29 =	simm.s32 $0x1;
	s30 =	simm.s32 $0x3  }
0x6: {  	s31 =	simm.s32 $0x2;
	[smem:$0x7FF] =	sst s3;
	s4 =	sadd.s32 $0xC7A00, s0  }
0x7: {  	s5 =	sadd.s32 $0xC600, s0;
	s7 =	sadd.s32 $0x11600, s0;
	s6 =	sadd.s32 $0xC5200, s0  }
0x8: {  	s8 =	sand.u32 $0x1, s8;
	s9 =	sadd.s32 $0x16600, s0;
	s10 =	smul.u32 $0x50000, s18  }
0x9: {  	s0 =	sadd.s32 $0x3E600, s0;
	s11 =	smul.u32 $0x2710, s18;
	s24 =	sshll.u32 s18, $0x6  }
0xa: {  	s19 =	smul.u32 $0x4E2, s18;
	_ =	strace $0x80000050;
	[dreg:$0x4] =	wrdreg s6  }
0xb: {  	s14 =	smul.u32 $0x2800, s18;
	[dreg:$0x5] =	wrdreg s9;
	s21 =	ssub.s32 $0x2, s8  }
0xc: {  	[dreg:$0x6] =	wrdreg s0;
	s9 =	sor.u32 $0x1C05, s24;
	p0 =	sne.s32 s8, $0x0  }
0xd: {  	s24 =	simm.s32 $0x180;
	s22 =	sshrl.u32 s21, $0x1;
	s23 =	sshrl.u32 s10, $0x2  }
0xe: {  	s16 =	sshrl.u32 s11, $0x3;
	s18 =	sadd.s32 s19, s7;
	s19 =	sadd.s32 s19, s5  }
0xf: {  	s0 =	ssub.s32 s21, s22;
	s20 =	sadd.s32 s23, s2;
	s25 =	sadd.s32 s5, s16  }
0x10: {  	s11 =	sadd.s32 s7, s16;
	s13 =	sadd.s32 $0xA, s16;
	s26 =	sadd.s32 $0x4D8, s16  }
.Ltmp0:
0x11: {  	s21 =	simm.s32 $0x5;
	s22 =	simm.s32 $0x80;
	(pc) =	sbr.rel .LBB2_1-.Ltmp0, $4  }
0x12: {  	s23 =	simm.s32 $0x100;
	[dreg:$0x7] =	wrdreg s25;
	s12 =	sadd.s32 s5, s13  }
0x13: {  	s13 =	sadd.s32 s7, s13;
	s15 =	smax.u32 s0, $0x1;
	s16 =	sadd.s32 s7, s26  }
0x14: {  	s17 =	sadd.s32 s5, s26;
	s20 =	sshrl.u32 s20, $0x3;
	s25 =	simm.s32 $0x50  }
0x15: {  	s26 =	simm.s32 $0x200;
	s0 =	simm.s32 $0x4;
	s5 =	simm.s32 $0x0  }
.LBB2_7:
0x16: {  	[tilespmem:s28], [sflag:$0x2] =	stream.indirect.gather [hbm4b:s4+s25], $0x80, s23, s25, $0xb8;
	[tilespmem:$0x19200] =	vst v63  }
0x17: {  	s8 =	smov.u32 s4;
	s7 =	rddreg [dreg:$0x6]  }
.LBB2_8:
0x18: {  	_ =	swait.ge [sflag:s29], $0x2800  }
0x19: {  	[sflag:s29] =	ssyncset.done $0x0  }
0x1a: {  	[sflag:s29] =	ssyncadd.s32 $0xFFFFD800  }
0x1b: {  	[tilespmem:s3], [sflag:$0x3] =	stream.linear.gather [hbm4b:s17+s3], $0x50, $0x38;
	[tilespmem:$0x19200] =	vst v63  }
0x1c: {  	_ = 	snop  }
0x1d: {  	[spmem:s2] =	stream.indirect.scatter.add.f32 [tilespmem:s26], [sflag:$0x5], $0x80, s22, s25, $0xb8;
	[tilespmem:$0x19200] =	vst v63  }
0x1e: {  	_ =	swait.ge [sflag:s21], $0x2800  }
0x1f: {  	[sflag:s21] =	ssyncset.done $0x0  }
0x20: {  	[sflag:s21] =	ssyncadd.s32 $0xFFFFD800  }
0x21: {  	[tilespmem:s22], [sflag:$0x3] =	stream.linear.gather [hbm4b:s16+s3], $0x50, $0x38;
	[tilespmem:$0x19200] =	vst v63  }
0x22: {  	_ =	swait.ge [sflag:s30], $0x50  }
0x23: {  	[sflag:s30] =	ssyncset.done $0x0  }
0x24: {  	[sflag:s30] =	ssyncadd.s32 $0xFFFFFFB0  }
0x25: {  	_ =	swait.ge [sflag:s30], $0x50  }
0x26: {  	[sflag:s30] =	ssyncset.done $0x0  }
0x27: {  	[sflag:s30] =	ssyncadd.s32 $0xFFFFFFB0  }
0x28: {  	[tilespmem:s26], [sflag:$0x1] =	stream.indirect.gather [hbm4b:s8+s25], $0x80, s3, s25, $0xb8;
	[tilespmem:$0x19200] =	vst v63  }
0x29: {  	_ =	swait.ge [sflag:s31], $0x2800  }
0x2a: {  	[sflag:s31] =	ssyncset.done $0x0  }
0x2b: {  	[sflag:s31] =	ssyncadd.s32 $0xFFFFD800  }
0x2c: {  	[spmem:s2] =	stream.indirect.scatter.add.f32 [tilespmem:s28], [sflag:$0x5], $0x80, s24, s25, $0xb8;
	[tilespmem:$0x19200] =	vst v63  }
0x2d: {  	_ =	swait.ge [sflag:s21], $0x2800  }
0x2e: {  	[sflag:s21] =	ssyncset.done $0x0  }
0x2f: {  	[sflag:s21] =	ssyncadd.s32 $0xFFFFD800  }
0x30: {  	_ =	swait.ge [sflag:s29], $0x2800  }
0x31: {  	[sflag:s29] =	ssyncset.done $0x0  }
0x32: {  	[sflag:s29] =	ssyncadd.s32 $0xFFFFD800  }
0x33: {  	[spmem:s2] =	stream.indirect.scatter.add.f32 [tilespmem:s26], [sflag:$0x5], $0x80, s22, s25, $0xb8;
	[tilespmem:$0x19200] =	vst v63  }
0x34: {  	_ =	swait.ge [sflag:s21], $0x2800  }
0x35: {  	s5 =	sadd.s32 $0x1, s5;
	[sflag:s21] =	ssyncset.done $0x0  }
0x36: {  	p1 =	sne.s32 s5, s15;
	[sflag:s21] =	ssyncadd.s32 $0xFFFFD800  }
.Ltmp1:
0x37: {  	s6 =	sadd.s32 s7, s14;
	[bflag:$0x0] =	sbarrier.arrive $0xFFFF;
	(pc) =	sbr.rel @!p1 .LBB2_9-.Ltmp1, $4  }
0x38: {  	[hbm:s6], [sflag:s9] =	dma.local [spmem:s20], $0x2800  }
0x39: {  	_ =	swait.ge [sflag:s21], $0x2800  }
0x3a: {  	[sflag:s21] =	ssyncset.done $0x0  }
0x3b: {  	[sflag:s21] =	ssyncadd.s32 $0xFFFFD800  }
.LBB2_1:
0x3c: {  	s6 =	rddreg [dreg:$0x4]  }
0x3d: {  	[spmem:s20], [sflag:s9] =	dma.local [hbm:s6], $0x2800  }
0x3e: {  	_ =	swait.ge [sflag:s21], $0x2800  }
0x3f: {  	[sflag:s21] =	ssyncset.done $0x0  }
0x40: {  	[sflag:s21] =	ssyncadd.s32 $0xFFFFD800  }
0x41: {  	[bflag:$0x0] =	sbarrier.arrive $0xFFFF  }
0x42: {  	s10 =	rddreg [dreg:$0x7]  }
0x43: {  	[tilespmem:s3], [sflag:$0x5] =	stream.linear.gather [hbm4b:s10+s3], $0x50, $0x38;
	[tilespmem:$0x19200] =	vst v63  }
0x44: {  	_ =	swait.ge [sflag:s21], $0x50  }
0x45: {  	[sflag:s21] =	ssyncset.done $0x0  }
0x46: {  	[sflag:s21] =	ssyncadd.s32 $0xFFFFFFB0  }
0x47: {  	[tilespmem:s22], [sflag:$0x5] =	stream.linear.gather [hbm4b:s11+s3], $0x50, $0x38;
	[tilespmem:$0x19200] =	vst v63  }
0x48: {  	_ =	swait.ge [sflag:s21], $0x50  }
0x49: {  	[sflag:s21] =	ssyncset.done $0x0  }
0x4a: {  	[sflag:s21] =	ssyncadd.s32 $0xFFFFFFB0  }
0x4b: {  	[tilespmem:s23], [sflag:$0x5] =	stream.linear.gather [hbm4b:s12+s3], $0x50, $0x38;
	[tilespmem:$0x19200] =	vst v63  }
0x4c: {  	_ =	swait.ge [sflag:s21], $0x50  }
0x4d: {  	[sflag:s21] =	ssyncset.done $0x0  }
.Ltmp2:
0x4e: {  	[sflag:s21] =	ssyncadd.s32 $0xFFFFFFB0;
	(pc) =	sbr.rel @p0 .LBB2_5-.Ltmp2, $4  }
0x4f: {  	[tilespmem:s24], [sflag:$0x5] =	stream.linear.gather [hbm4b:s13+s3], $0x50, $0x38;
	[tilespmem:$0x19200] =	vst v63  }
0x50: {  	_ =	swait.ge [sflag:s21], $0x50  }
0x51: {  	[sflag:s21] =	ssyncset.done $0x0  }
0x52: {  	[sflag:s21] =	ssyncadd.s32 $0xFFFFFFB0  }
0x53: {  	[tilespmem:s26], [sflag:$0x1] =	stream.indirect.gather [hbm4b:s1+s25], $0x80, s3, s25, $0xb8;
	[tilespmem:$0x19200] =	vst v63  }
0x54: {  	_ = 	snop  }
0x55: {  	[tilespmem:s28], [sflag:$0x2] =	stream.indirect.gather [hbm4b:s1+s25], $0x80, s23, s25, $0xb8;
	[tilespmem:$0x19200] =	vst v63  }
0x56: {  	_ =	swait.ge [sflag:s29], $0x2800  }
0x57: {  	s7 =	sadd.s32 $0xFFFFFB3C, s19;
	[sflag:s29] =	ssyncset.done $0x0  }
0x58: {  	s8 =	sadd.s32 $0x4D8, s7;
	[sflag:s29] =	ssyncadd.s32 $0xFFFFD800  }
0x59: {  	[tilespmem:s3], [sflag:$0x3] =	stream.linear.gather [hbm4b:s8+s3], $0x50, $0x38;
	[tilespmem:$0x19200] =	vst v63  }
0x5a: {  	_ = 	snop  }
0x5b: {  	[spmem:s2] =	stream.indirect.scatter.add.f32 [tilespmem:s26], [sflag:$0x5], $0x80, s22, s25, $0xb8;
	[tilespmem:$0x19200] =	vst v63  }
0x5c: {  	_ =	swait.ge [sflag:s21], $0x2800  }
0x5d: {  	s10 =	sadd.s32 $0xFFFFFB3C, s18;
	[sflag:s21] =	ssyncset.done $0x0  }
0x5e: {  	s6 =	sadd.s32 $0x4D8, s10;
	[sflag:s21] =	ssyncadd.s32 $0xFFFFD800  }
0x5f: {  	[tilespmem:s22], [sflag:$0x3] =	stream.linear.gather [hbm4b:s6+s3], $0x50, $0x38;
	[tilespmem:$0x19200] =	vst v63  }
0x60: {  	_ =	swait.ge [sflag:s30], $0x50  }
0x61: {  	[sflag:s30] =	ssyncset.done $0x0  }
0x62: {  	[sflag:s30] =	ssyncadd.s32 $0xFFFFFFB0  }
0x63: {  	_ =	swait.ge [sflag:s30], $0x50  }
0x64: {  	[sflag:s30] =	ssyncset.done $0x0  }
0x65: {  	[sflag:s30] =	ssyncadd.s32 $0xFFFFFFB0  }
0x66: {  	[tilespmem:s26], [sflag:$0x1] =	stream.indirect.gather [hbm4b:s1+s25], $0x80, s3, s25, $0xb8;
	[tilespmem:$0x19200] =	vst v63  }
0x67: {  	_ =	swait.ge [sflag:s31], $0x2800  }
0x68: {  	[sflag:s31] =	ssyncset.done $0x0  }
0x69: {  	s7 =	sadd.s32 $0x4E2, s7;
	[sflag:s31] =	ssyncadd.s32 $0xFFFFD800  }
0x6a: {  	[tilespmem:s23], [sflag:$0x4] =	stream.linear.gather [hbm4b:s7+s3], $0x50, $0x38;
	[tilespmem:$0x19200] =	vst v63  }
0x6b: {  	_ = 	snop  }
0x6c: {  	[spmem:s2] =	stream.indirect.scatter.add.f32 [tilespmem:s28], [sflag:$0x5], $0x80, s24, s25, $0xb8;
	[tilespmem:$0x19200] =	vst v63  }
0x6d: {  	_ =	swait.ge [sflag:s21], $0x2800  }
0x6e: {  	[sflag:s21] =	ssyncset.done $0x0  }
0x6f: {  	s10 =	sadd.s32 $0x4E2, s10;
	[sflag:s21] =	ssyncadd.s32 $0xFFFFD800  }
0x70: {  	[tilespmem:s24], [sflag:$0x4] =	stream.linear.gather [hbm4b:s10+s3], $0x50, $0x38;
	[tilespmem:$0x19200] =	vst v63  }
0x71: {  	_ =	swait.ge [sflag:s0], $0x50  }
0x72: {  	[sflag:s0] =	ssyncset.done $0x0  }
0x73: {  	[sflag:s0] =	ssyncadd.s32 $0xFFFFFFB0  }
0x74: {  	_ =	swait.ge [sflag:s0], $0x50  }
0x75: {  	[sflag:s0] =	ssyncset.done $0x0  }
0x76: {  	s7 =	simm.s32 $0xFFFFFB50;
	[sflag:s0] =	ssyncadd.s32 $0xFFFFFFB0  }
.LBB2_3:
0x77: {  	[tilespmem:s28], [sflag:$0x2] =	stream.indirect.gather [hbm4b:s1+s25], $0x80, s23, s25, $0xb8;
	[tilespmem:$0x19200] =	vst v63  }
0x78: {  	s6 =	smov.u32 s7  }
0x79: {  	p1 =	seq.s32 s7, $0xFFFFFFEC;
	s7 =	sadd.s32 $0x14, s7;
	_ =	swait.ge [sflag:s29], $0x2800  }
0x7a: {  	s8 =	sadd.s32 s6, s19;
	[sflag:s29] =	ssyncset.done $0x0  }
0x7b: {  	s10 =	sadd.s32 $0x4D8, s8;
	[sflag:s29] =	ssyncadd.s32 $0xFFFFD800  }
0x7c: {  	[tilespmem:s3], [sflag:$0x3] =	stream.linear.gather [hbm4b:s10+s3], $0x50, $0x38;
	[tilespmem:$0x19200] =	vst v63  }
0x7d: {  	_ = 	snop  }
0x7e: {  	[spmem:s2] =	stream.indirect.scatter.add.f32 [tilespmem:s26], [sflag:$0x5], $0x80, s22, s25, $0xb8;
	[tilespmem:$0x19200] =	vst v63  }
0x7f: {  	_ =	swait.ge [sflag:s21], $0x2800  }
0x80: {  	s6 =	sadd.s32 s6, s18;
	[sflag:s21] =	ssyncset.done $0x0  }
0x81: {  	s10 =	sadd.s32 $0x4D8, s6;
	[sflag:s21] =	ssyncadd.s32 $0xFFFFD800  }
0x82: {  	[tilespmem:s22], [sflag:$0x3] =	stream.linear.gather [hbm4b:s10+s3], $0x50, $0x38;
	[tilespmem:$0x19200] =	vst v63  }
0x83: {  	_ =	swait.ge [sflag:s30], $0x50  }
0x84: {  	[sflag:s30] =	ssyncset.done $0x0  }
0x85: {  	[sflag:s30] =	ssyncadd.s32 $0xFFFFFFB0  }
0x86: {  	_ =	swait.ge [sflag:s30], $0x50  }
0x87: {  	[sflag:s30] =	ssyncset.done $0x0  }
0x88: {  	[sflag:s30] =	ssyncadd.s32 $0xFFFFFFB0  }
0x89: {  	[tilespmem:s26], [sflag:$0x1] =	stream.indirect.gather [hbm4b:s1+s25], $0x80, s3, s25, $0xb8;
	[tilespmem:$0x19200] =	vst v63  }
0x8a: {  	_ =	swait.ge [sflag:s31], $0x2800  }
0x8b: {  	[sflag:s31] =	ssyncset.done $0x0  }
0x8c: {  	s8 =	sadd.s32 $0x4E2, s8;
	[sflag:s31] =	ssyncadd.s32 $0xFFFFD800  }
0x8d: {  	[tilespmem:s23], [sflag:$0x4] =	stream.linear.gather [hbm4b:s8+s3], $0x50, $0x38;
	[tilespmem:$0x19200] =	vst v63  }
0x8e: {  	_ = 	snop  }
0x8f: {  	[spmem:s2] =	stream.indirect.scatter.add.f32 [tilespmem:s28], [sflag:$0x5], $0x80, s24, s25, $0xb8;
	[tilespmem:$0x19200] =	vst v63  }
0x90: {  	_ =	swait.ge [sflag:s21], $0x2800  }
0x91: {  	[sflag:s21] =	ssyncset.done $0x0  }
0x92: {  	s6 =	sadd.s32 $0x4E2, s6;
	[sflag:s21] =	ssyncadd.s32 $0xFFFFD800  }
0x93: {  	[tilespmem:s24], [sflag:$0x4] =	stream.linear.gather [hbm4b:s6+s3], $0x50, $0x38;
	[tilespmem:$0x19200] =	vst v63  }
0x94: {  	_ =	swait.ge [sflag:s0], $0x50  }
.Ltmp3:
0x95: {  	[sflag:s0] =	ssyncset.done $0x0;
	(pc) =	sbr.rel @!p1 .LBB2_3-.Ltmp3, $4  }
0x96: {  	[sflag:s0] =	ssyncadd.s32 $0xFFFFFFB0  }
0x97: {  	_ =	swait.ge [sflag:s0], $0x50  }
0x98: {  	[sflag:s0] =	ssyncset.done $0x0  }
0x99: {  	[sflag:s0] =	ssyncadd.s32 $0xFFFFFFB0  }
.Ltmp4:
0x9a: {  	(pc) =	sbr.rel .LBB2_8-.Ltmp4, $3  }
0x9b: {  	_ =	sdelay $0x1  }
0x9c: {  	[tilespmem:s28], [sflag:$0x2] =	stream.indirect.gather [hbm4b:s1+s25], $0x80, s23, s25, $0xb8;
	[tilespmem:$0x19200] =	vst v63  }
0x9d: {  	s8 =	smov.u32 s1;
	s7 =	rddreg [dreg:$0x5]  }
.LBB2_5:
0x9e: {  	[tilespmem:s26], [sflag:$0x1] =	stream.indirect.gather [hbm4b:s4+s25], $0x80, s3, s25, $0xb8;
	[tilespmem:$0x19200] =	vst v63  }
0x9f: {  	_ = 	snop  }
0xa0: {  	[tilespmem:s28], [sflag:$0x2] =	stream.indirect.gather [hbm4b:s4+s25], $0x80, s23, s25, $0xb8;
	[tilespmem:$0x19200] =	vst v63  }
0xa1: {  	_ =	swait.ge [sflag:s29], $0x2800  }
0xa2: {  	s6 =	sadd.s32 $0xFFFFFB3C, s19;
	[sflag:s29] =	ssyncset.done $0x0  }
0xa3: {  	s7 =	sadd.s32 $0x4D8, s6;
	[sflag:s29] =	ssyncadd.s32 $0xFFFFD800  }
0xa4: {  	[tilespmem:s3], [sflag:$0x3] =	stream.linear.gather [hbm4b:s7+s3], $0x50, $0x38;
	[tilespmem:$0x19200] =	vst v63  }
0xa5: {  	_ = 	snop  }
0xa6: {  	[spmem:s2] =	stream.indirect.scatter.add.f32 [tilespmem:s26], [sflag:$0x5], $0x80, s22, s25, $0xb8;
	[tilespmem:$0x19200] =	vst v63  }
0xa7: {  	_ =	swait.ge [sflag:s21], $0x2800  }
0xa8: {  	s10 =	sadd.s32 $0xFFFFFB3C, s18;
	[sflag:s21] =	ssyncset.done $0x0  }
0xa9: {  	s8 =	sadd.s32 $0x4D8, s10;
	[sflag:s21] =	ssyncadd.s32 $0xFFFFD800  }
0xaa: {  	[tilespmem:s22], [sflag:$0x3] =	stream.linear.gather [hbm4b:s8+s3], $0x50, $0x38;
	[tilespmem:$0x19200] =	vst v63  }
0xab: {  	_ =	swait.ge [sflag:s30], $0x50  }
0xac: {  	[sflag:s30] =	ssyncset.done $0x0  }
0xad: {  	[sflag:s30] =	ssyncadd.s32 $0xFFFFFFB0  }
0xae: {  	_ =	swait.ge [sflag:s30], $0x50  }
0xaf: {  	[sflag:s30] =	ssyncset.done $0x0  }
0xb0: {  	[sflag:s30] =	ssyncadd.s32 $0xFFFFFFB0  }
0xb1: {  	[tilespmem:s26], [sflag:$0x1] =	stream.indirect.gather [hbm4b:s4+s25], $0x80, s3, s25, $0xb8;
	[tilespmem:$0x19200] =	vst v63  }
0xb2: {  	_ =	swait.ge [sflag:s31], $0x2800  }
0xb3: {  	[sflag:s31] =	ssyncset.done $0x0  }
0xb4: {  	s6 =	sadd.s32 $0x4E2, s6;
	[sflag:s31] =	ssyncadd.s32 $0xFFFFD800  }
0xb5: {  	[tilespmem:s23], [sflag:$0x4] =	stream.linear.gather [hbm4b:s6+s3], $0x50, $0x38;
	[tilespmem:$0x19200] =	vst v63  }
0xb6: {  	_ = 	snop  }
0xb7: {  	[spmem:s2] =	stream.indirect.scatter.add.f32 [tilespmem:s28], [sflag:$0x5], $0x80, s24, s25, $0xb8;
	[tilespmem:$0x19200] =	vst v63  }
0xb8: {  	_ =	swait.ge [sflag:s21], $0x2800  }
0xb9: {  	[sflag:s21] =	ssyncset.done $0x0  }
0xba: {  	s10 =	sadd.s32 $0x4E2, s10;
	[sflag:s21] =	ssyncadd.s32 $0xFFFFD800  }
0xbb: {  	[tilespmem:s24], [sflag:$0x4] =	stream.linear.gather [hbm4b:s10+s3], $0x50, $0x38;
	[tilespmem:$0x19200] =	vst v63  }
0xbc: {  	_ =	swait.ge [sflag:s0], $0x50  }
0xbd: {  	[sflag:s0] =	ssyncset.done $0x0  }
0xbe: {  	[sflag:s0] =	ssyncadd.s32 $0xFFFFFFB0  }
0xbf: {  	_ =	swait.ge [sflag:s0], $0x50  }
0xc0: {  	[sflag:s0] =	ssyncset.done $0x0  }
0xc1: {  	s7 =	simm.s32 $0xFFFFFB50;
	[sflag:s0] =	ssyncadd.s32 $0xFFFFFFB0  }
.LBB2_6:
0xc2: {  	[tilespmem:s28], [sflag:$0x2] =	stream.indirect.gather [hbm4b:s4+s25], $0x80, s23, s25, $0xb8;
	[tilespmem:$0x19200] =	vst v63  }
0xc3: {  	s6 =	smov.u32 s7  }
0xc4: {  	p1 =	sne.s32 s7, $0xFFFFFFEC;
	s7 =	sadd.s32 $0x14, s7;
	_ =	swait.ge [sflag:s29], $0x2800  }
0xc5: {  	s8 =	sadd.s32 s6, s19;
	[sflag:s29] =	ssyncset.done $0x0  }
0xc6: {  	s10 =	sadd.s32 $0x4D8, s8;
	[sflag:s29] =	ssyncadd.s32 $0xFFFFD800  }
0xc7: {  	[tilespmem:s3], [sflag:$0x3] =	stream.linear.gather [hbm4b:s10+s3], $0x50, $0x38;
	[tilespmem:$0x19200] =	vst v63  }
0xc8: {  	_ = 	snop  }
0xc9: {  	[spmem:s2] =	stream.indirect.scatter.add.f32 [tilespmem:s26], [sflag:$0x5], $0x80, s22, s25, $0xb8;
	[tilespmem:$0x19200] =	vst v63  }
0xca: {  	_ =	swait.ge [sflag:s21], $0x2800  }
0xcb: {  	s6 =	sadd.s32 s6, s18;
	[sflag:s21] =	ssyncset.done $0x0  }
0xcc: {  	s10 =	sadd.s32 $0x4D8, s6;
	[sflag:s21] =	ssyncadd.s32 $0xFFFFD800  }
0xcd: {  	[tilespmem:s22], [sflag:$0x3] =	stream.linear.gather [hbm4b:s10+s3], $0x50, $0x38;
	[tilespmem:$0x19200] =	vst v63  }
0xce: {  	_ =	swait.ge [sflag:s30], $0x50  }
0xcf: {  	[sflag:s30] =	ssyncset.done $0x0  }
0xd0: {  	[sflag:s30] =	ssyncadd.s32 $0xFFFFFFB0  }
0xd1: {  	_ =	swait.ge [sflag:s30], $0x50  }
0xd2: {  	[sflag:s30] =	ssyncset.done $0x0  }
0xd3: {  	[sflag:s30] =	ssyncadd.s32 $0xFFFFFFB0  }
0xd4: {  	[tilespmem:s26], [sflag:$0x1] =	stream.indirect.gather [hbm4b:s4+s25], $0x80, s3, s25, $0xb8;
	[tilespmem:$0x19200] =	vst v63  }
0xd5: {  	_ =	swait.ge [sflag:s31], $0x2800  }
0xd6: {  	[sflag:s31] =	ssyncset.done $0x0  }
0xd7: {  	s8 =	sadd.s32 $0x4E2, s8;
	[sflag:s31] =	ssyncadd.s32 $0xFFFFD800  }
0xd8: {  	[tilespmem:s23], [sflag:$0x4] =	stream.linear.gather [hbm4b:s8+s3], $0x50, $0x38;
	[tilespmem:$0x19200] =	vst v63  }
0xd9: {  	_ = 	snop  }
0xda: {  	[spmem:s2] =	stream.indirect.scatter.add.f32 [tilespmem:s28], [sflag:$0x5], $0x80, s24, s25, $0xb8;
	[tilespmem:$0x19200] =	vst v63  }
0xdb: {  	_ =	swait.ge [sflag:s21], $0x2800  }
0xdc: {  	[sflag:s21] =	ssyncset.done $0x0  }
0xdd: {  	s6 =	sadd.s32 $0x4E2, s6;
	[sflag:s21] =	ssyncadd.s32 $0xFFFFD800  }
0xde: {  	[tilespmem:s24], [sflag:$0x4] =	stream.linear.gather [hbm4b:s6+s3], $0x50, $0x38;
	[tilespmem:$0x19200] =	vst v63  }
0xdf: {  	_ =	swait.ge [sflag:s0], $0x50  }
.Ltmp5:
0xe0: {  	[sflag:s0] =	ssyncset.done $0x0;
	(pc) =	sbr.rel @p1 .LBB2_6-.Ltmp5, $4  }
0xe1: {  	[sflag:s0] =	ssyncadd.s32 $0xFFFFFFB0  }
0xe2: {  	_ =	swait.ge [sflag:s0], $0x50  }
0xe3: {  	[sflag:s0] =	ssyncset.done $0x0  }
0xe4: {  	[sflag:s0] =	ssyncadd.s32 $0xFFFFFFB0  }
.Ltmp6:
0xe5: {  	_ = 	snop;
	(pc) =	sbr.rel .LBB2_7-.Ltmp6, $1  }
0xe6: {  	_ =	sdelay $0x3  }
.LBB2_9:
0xe7: {  	_ =	sfence.sel $0x180000  }
0xe8: {  	[bflag:$0x0] =	sbarrier.arrive $0xFFFF  }
0xe9: {  	_ =	strace $0x90000050  }
0xea: {  	s0 =	stileid.u32;
	[bflag:$0x2] =	sbarrier.arrive $0xFFFF  }
0xeb: {  	p0 =	sne.s32 s0, $0x0;
	s0 =	rddreg [dreg:$0x3]  }
0xec: {  	s0 =	sadd.s32 @!p0 $0x100000, s0  }
0xed: {  	[sflag:s0] =	ssyncadd.tile.s32 @!p0 $0x1;
	_ =	shalt  }
.Lfunc_end2:
_tile_overlayer_lowered:
.L_overlay_start_2:
0xee: {  	(tag) =	ssettag $0x2  }
0xef: {  	s0 =	rddreg [dreg:$0x0];
	s2 =	stileid.u32  }
0xf0: {  	s1 =	rddreg [dreg:$0x1];
	p0 =	sne.s32 s2, $0x0  }
0xf1: {  	s3 =	rddreg [dreg:$0x2];
	[bflag:$0x3] =	sbarrier.arrive $0xFFFF;
	s2 =	simm.s32 @!p0 $0x1C05  }
0xf2: {  	[timem:s3], [sflag:s2] =	dma.local @!p0 [hbm:s0], s1  }
0xf3: {  	s0 =	simm.s32 @!p0 $0x5  }
0xf4: {  	_ =	swait.ge @!p0 [sflag:s0], s1  }
0xf5: {  	s1 =	ssub.s32 @!p0 $0x0, s1;
	[sflag:s0] =	ssyncset.done @!p0 $0x0  }
0xf6: {  	[sflag:s0] =	ssyncadd.s32 @!p0 s1  }
0xf7: {  	[bflag:$0x3] =	sbarrier.arrive $0xFFFF  }
0xf8: {  	_ =	shalt  }

</sc_bundles>
